<compile_context>
chip_gen: v7x
topology: tpu7x:2x2x1
jax: 0.10.2.dev20260603
libtpu: 0.0.44.dev20260713+nightly
codegen_flags: <defaults>
</compile_context>

<pallas_src>
import functools
import jax
import jax.numpy as jnp
from jax import lax
from jax.experimental import pallas as pl
from jax.experimental.pallas import tpu as pltpu
from jax.experimental.pallas import tpu_sc as plsc


_BN = 400


def _rel_tables_body(x_ref, w_ref, o_ref):
    o_ref[0] = jax.lax.dot_general(
        x_ref[...], w_ref[0], (((1,), (0,)), ((), ())),
        precision=jax.lax.Precision.HIGHEST,
        preferred_element_type=jnp.float32)


def _rel_tables(x, W):
    n, din = x.shape
    r, _, dout = W.shape
    nb = n // _BN
    return pl.pallas_call(
        _rel_tables_body,
        grid=(r, nb),
        in_specs=[
            pl.BlockSpec((_BN, din), lambda ri, i: (i, 0)),
            pl.BlockSpec((1, din, dout), lambda ri, i: (ri, 0, 0)),
        ],
        out_specs=pl.BlockSpec((1, _BN, dout), lambda ri, i: (ri, i, 0)),
        out_shape=jax.ShapeDtypeStruct((r, n, dout), jnp.float32),
    )(x, W)


def _root_body(x_ref, w_ref, b_ref, o_ref):
    o_ref[...] = jax.lax.dot_general(
        x_ref[...], w_ref[...], (((1,), (0,)), ((), ())),
        precision=jax.lax.Precision.HIGHEST,
        preferred_element_type=jnp.float32) + b_ref[...]


def _root_transform(x, root, b):
    n, din = x.shape
    dout = root.shape[1]
    nb = n // _BN
    return pl.pallas_call(
        _root_body,
        grid=(nb,),
        in_specs=[
            pl.BlockSpec((_BN, din), lambda i: (i, 0)),
            pl.BlockSpec((din, dout), lambda i: (0, 0)),
            pl.BlockSpec((dout,), lambda i: (0,)),
        ],
        out_specs=pl.BlockSpec((_BN, dout), lambda i: (i, 0)),
        out_shape=jax.ShapeDtypeStruct((n, dout), jnp.float32),
    )(x, root, b)


def _norm_body(d_ref, o_ref, *, r):
    deg = d_ref[0] + d_ref[1]
    cols = []
    for ri in range(r):
        col = deg[:, 16 * ri:16 * ri + 1]
        cols.append(jnp.broadcast_to(
            1.0 / jnp.maximum(col, 1.0), (deg.shape[0], 128)))
    blk = jnp.concatenate(cols, axis=1)
    o_ref[...] = blk.reshape(-1, 128)


def _norm128_from_deg(deg2, n, r):
    nb = n // _BN
    return pl.pallas_call(
        functools.partial(_norm_body, r=r),
        grid=(nb,),
        in_specs=[pl.BlockSpec((2, _BN, 128), lambda i: (0, i, 0))],
        out_specs=pl.BlockSpec((_BN * r, 128), lambda i: (i, 0)),
        out_shape=jax.ShapeDtypeStruct((n * r, 128), jnp.float32),
    )(deg2)


def _combine_body(p_ref, xr_ref, o_ref, *, relu):
    v = p_ref[0] + p_ref[1] + xr_ref[...]
    if relu:
        v = jnp.maximum(v, 0.0)
    o_ref[...] = v


def _combine(p, xr, relu):
    n, d = xr.shape
    nb = n // _BN
    return pl.pallas_call(
        functools.partial(_combine_body, relu=relu),
        grid=(nb,),
        in_specs=[
            pl.BlockSpec((2, _BN, d), lambda i: (0, i, 0)),
            pl.BlockSpec((_BN, d), lambda i: (i, 0)),
        ],
        out_specs=pl.BlockSpec((_BN, d), lambda i: (i, 0)),
        out_shape=jax.ShapeDtypeStruct((n, d), jnp.float32),
    )(p, xr)



_K = 80
_ZB = 40

_MESH = dict(core_axis_name="c", subcore_axis_name="s")


def _onehot_body(o_ref, *, r):
    grp = jax.lax.broadcasted_iota(jnp.int32, o_ref.shape, 1) // 16
    row = jax.lax.broadcasted_iota(jnp.int32, o_ref.shape, 0) % r
    o_ref[...] = jnp.where(grp == row, 1.0, 0.0)


def _onehot_table(r, copies):
    return pl.pallas_call(
        functools.partial(_onehot_body, r=r),
        out_shape=jax.ShapeDtypeStruct((copies * r, 128), jnp.float32),
    )()


def _sc_deg(edge_type, dst, oh_tbl, n, r):
    e = edge_type.shape[0]
    nc, ns = 2, 16
    ep = e // (nc * ns)
    nch = ep // _K
    zt = 10
    rows_t = n // zt
    mesh = plsc.VectorSubcoreMesh(**_MESH)

    @functools.partial(
        pl.kernel,
        out_type=jax.ShapeDtypeStruct((nc, n, 128), jnp.float32),
        mesh=mesh,
        scratch_types=[
            pltpu.VMEM_SHARED((n, 128), jnp.float32),
            [[pltpu.VMEM((_K,), jnp.int32) for _ in range(2)]
             for _ in range(2)],
            [pltpu.VMEM((_K, 128), jnp.float32) for _ in range(2)],
            pltpu.VMEM((_ZB, 128), jnp.float32),
            pltpu.SemaphoreType.DMA,
            [pltpu.SemaphoreType.DMA for _ in range(2)],
            [pltpu.SemaphoreType.DMA for _ in range(2)],
        ],
    )
    def deg_kernel(et_hbm, dst_hbm, oh_hbm, out_hbm, acc_sh, idx, val,
                   stage_v, semi, semg, sems):
        cid = lax.axis_index("c")
        sid = lax.axis_index("s")
        zero16 = jnp.zeros((16,), jnp.float32)

        def zrow(j, _):
            for b_ in range(8):
                stage_v[j, pl.ds(b_ * 16, 16)] = zero16
            return ()

        lax.fori_loop(0, _ZB, zrow, ())
        row0 = sid * rows_t

        @pl.when(sid < zt)
        def _zero():
            def zbody(i, _):
                pltpu.sync_copy(stage_v, acc_sh.at[pl.ds(row0 + i * _ZB, _ZB)])
                return ()

            lax.fori_loop(0, rows_t // _ZB, zbody, ())

        plsc.subcore_barrier()

        base = cid * (e // nc) + sid * ep

        wid = sid * nc + cid

        def load_idx(off, p):
            tv, dv = idx[p]
            return [pltpu.async_copy(et_hbm.at[pl.ds(off, _K)], tv, semi),
                    pltpu.async_copy(dst_hbm.at[pl.ds(off, _K)], dv, semi)]

        def privatize(p):
            tv = idx[p][0]
            for g in range(_K // 16):
                sl = pl.ds(g * 16, 16)
                tv[sl] = tv[sl] + wid * r

        def pair(i, _):
            off0 = base + (2 * i) * _K
            la = load_idx(off0, 0)
            lb = load_idx(off0 + _K, 1)
            for c in la:
                c.wait()
            privatize(0)
            ga = pltpu.async_copy(oh_hbm.at[idx[0][0]], val[0], semg[0])
            for c in lb:
                c.wait()
            privatize(1)
            gb = pltpu.async_copy(oh_hbm.at[idx[1][0]], val[1], semg[1])
            ga.wait()
            sa = pltpu.async_copy(val[0], acc_sh.at[idx[0][1]], sems[0],
                                  add=True)
            gb.wait()
            sb = pltpu.async_copy(val[1], acc_sh.at[idx[1][1]], sems[1],
                                  add=True)
            sa.wait()
            sb.wait()
            return ()

        lax.fori_loop(0, nch // 2, pair, ())
        if nch % 2:
            off0 = base + (nch - 1) * _K
            for c in load_idx(off0, 0):
                c.wait()
            privatize(0)
            pltpu.async_copy(oh_hbm.at[idx[0][0]], val[0], semg[0]).wait()
            pltpu.async_copy(val[0], acc_sh.at[idx[0][1]], sems[0],
                             add=True).wait()
        plsc.subcore_barrier()

        @pl.when(sid < zt)
        def _dump():
            def dump(i, _):
                rr = row0 + i * _ZB
                pltpu.sync_copy(acc_sh.at[pl.ds(rr, _ZB)], stage_v)
                pltpu.sync_copy(stage_v, out_hbm.at[cid, pl.ds(rr, _ZB)])
                return ()

            lax.fori_loop(0, rows_t // _ZB, dump, ())

    return deg_kernel(edge_type, dst, oh_tbl)


def _sc_agg(table, norm, edge_type, src, dst, n):
    rn, d = table.shape
    e = edge_type.shape[0]
    nc, ns = 2, 16
    ep = e // (nc * ns)
    nch = ep // _K
    zt = 10
    rows_t = n // zt
    mesh = plsc.VectorSubcoreMesh(**_MESH)

    @functools.partial(
        pl.kernel,
        out_type=jax.ShapeDtypeStruct((nc, n, d), jnp.float32),
        mesh=mesh,
        scratch_types=[
            pltpu.VMEM_SHARED((n, d), jnp.float32),
            [[pltpu.VMEM((_K,), jnp.int32) for _ in range(4)]
             for _ in range(2)],
            [pltpu.VMEM((_K, d), jnp.float32) for _ in range(2)],
            [pltpu.VMEM((_K, 128), jnp.float32) for _ in range(2)],
            pltpu.VMEM((_ZB, d), jnp.float32),
            pltpu.SemaphoreType.DMA,
            [pltpu.SemaphoreType.DMA for _ in range(2)],
            [pltpu.SemaphoreType.DMA for _ in range(2)],
        ],
    )
    def agg_kernel(t_hbm, nrm_hbm, et_hbm, src_hbm, dst_hbm, out_hbm,
                   acc_sh, idx, rows, coef, stage_v, semi, semg, sems):
        cid = lax.axis_index("c")
        sid = lax.axis_index("s")
        zero16 = jnp.zeros((16,), jnp.float32)

        def zrow(j, _):
            for b_ in range(d // 16):
                stage_v[j, pl.ds(b_ * 16, 16)] = zero16
            return ()

        lax.fori_loop(0, _ZB, zrow, ())
        row0 = sid * rows_t

        @pl.when(sid < zt)
        def _zero():
            def zbody(i, _):
                pltpu.sync_copy(stage_v, acc_sh.at[pl.ds(row0 + i * _ZB, _ZB)])
                return ()

            lax.fori_loop(0, rows_t // _ZB, zbody, ())

        plsc.subcore_barrier()

        base = cid * (e // nc) + sid * ep

        def load_idx(off, p):
            tv, sv, dv, _ = idx[p]
            return [pltpu.async_copy(et_hbm.at[pl.ds(off, _K)], tv, semi),
                    pltpu.async_copy(src_hbm.at[pl.ds(off, _K)], sv, semi),
                    pltpu.async_copy(dst_hbm.at[pl.ds(off, _K)], dv, semi)]

        def keys(p):
            tv, sv, dv, kdv = idx[p]
            for g in range(_K // 16):
                sl = pl.ds(g * 16, 16)
                t16 = tv[sl]
                sv[sl] = t16 * n + sv[sl]
                kdv[sl] = dv[sl] * 8 + t16

        def gathers(p):
            _, sv, _, kdv = idx[p]
            return [pltpu.async_copy(t_hbm.at[sv], rows[p], semg[p]),
                    pltpu.async_copy(nrm_hbm.at[kdv], coef[p], semg[p])]

        def scale(p):
            def srow(j, _):
                for b_ in range(d // 16):
                    sl2 = pl.ds(b_ * 16, 16)
                    rows[p][j, sl2] = rows[p][j, sl2] * coef[p][j, sl2]
                return ()

            lax.fori_loop(0, _K, srow, ())

        def scatter(p):
            return pltpu.async_copy(rows[p], acc_sh.at[idx[p][2]], sems[p],
                                    add=True)

        def pair(i, _):
            off0 = base + (2 * i) * _K
            la = load_idx(off0, 0)
            lb = load_idx(off0 + _K, 1)
            for c in la:
                c.wait()
            keys(0)
            ga = gathers(0)
            for c in lb:
                c.wait()
            keys(1)
            gb = gathers(1)
            for c in ga:
                c.wait()
            scale(0)
            sa = scatter(0)
            for c in gb:
                c.wait()
            scale(1)
            sb = scatter(1)
            sa.wait()
            sb.wait()
            return ()

        lax.fori_loop(0, nch // 2, pair, ())
        if nch % 2:
            off0 = base + (nch - 1) * _K
            for c in load_idx(off0, 0):
                c.wait()
            keys(0)
            for c in gathers(0):
                c.wait()
            scale(0)
            scatter(0).wait()
        plsc.subcore_barrier()

        @pl.when(sid < zt)
        def _dump():
            def dump(i, _):
                rr = row0 + i * _ZB
                pltpu.sync_copy(acc_sh.at[pl.ds(rr, _ZB)], stage_v)
                pltpu.sync_copy(stage_v, out_hbm.at[cid, pl.ds(rr, _ZB)])
                return ()

            lax.fori_loop(0, rows_t // _ZB, dump, ())

    return agg_kernel(table, norm, edge_type, src, dst)




def kernel(x, edge_index, edge_type, W1, root1, b1, W2, root2, b2):
    n, din = x.shape
    r = W1.shape[0]
    src = edge_index[0]
    dst = edge_index[1]

    oh_tbl = _onehot_table(r, 32)
    deg2 = _sc_deg(edge_type, dst, oh_tbl, n, r)
    norm = _norm128_from_deg(deg2, n, r)

    t1 = _rel_tables(x, W1).reshape(r * n, -1)
    xr1 = _root_transform(x, root1, b1)
    p1 = _sc_agg(t1, norm, edge_type, src, dst, n)
    h = _combine(p1, xr1, relu=True)

    t2 = _rel_tables(h, W2).reshape(r * n, -1)
    xr2 = _root_transform(h, root2, b2)
    p2 = _sc_agg(t2, norm, edge_type, src, dst, n)
    return _combine(p2, xr2, relu=False)

# --- scband reference (transcript-rebuilt; emitter-appended) ---
"""Pipeline reference for scband-rgcnnet-87600152969645 (READ-ONLY COPY).

The authoritative reference and input builder live on the scoring server;
editing this copy changes nothing except your own understanding.
"""

import jax, jax.numpy as jnp
import numpy as np

N = 10000
E = 320000
D_IN = 128
D_H = 128
D_OUT = 128
R = 8


def setup_inputs(seed: int = 0) -> dict:
    key = jax.random.key(seed)
    ks = jax.random.split(key, 9)
    x = jax.random.normal(ks[0], (N, D_IN), dtype=jnp.float32)
    edge_index = jax.random.randint(ks[1], (2, E), 0, N, dtype=jnp.int32)
    edge_type = jax.random.randint(ks[2], (E,), 0, R, dtype=jnp.int32)
    s1 = 1.0 / np.sqrt(D_IN)
    s2 = 1.0 / np.sqrt(D_H)
    W1 = jax.random.normal(ks[3], (R, D_IN, D_H), dtype=jnp.float32) * s1
    root1 = jax.random.normal(ks[4], (D_IN, D_H), dtype=jnp.float32) * s1
    b1 = jnp.zeros((D_H,), dtype=jnp.float32)
    W2 = jax.random.normal(ks[5], (R, D_H, D_OUT), dtype=jnp.float32) * s2
    root2 = jax.random.normal(ks[6], (D_H, D_OUT), dtype=jnp.float32) * s2
    b2 = jnp.zeros((D_OUT,), dtype=jnp.float32)
    return {"x": x, "edge_index": edge_index, "edge_type": edge_type,
            "W1": W1, "root1": root1, "b1": b1,
            "W2": W2, "root2": root2, "b2": b2}


def _rgcn_conv(x, edge_index, edge_type, W, root, bias):
    # PyG-style RGCNConv: per-relation mean aggregation + root transform + bias
    src = edge_index[0]
    dst = edge_index[1]
    n = x.shape[0]
    # transform node features by every relation weight, then gather per edge
    h = jnp.einsum('ni,rio->rno', x, W)              # (R, N, out)
    msg = h[edge_type, src]                          # (E, out)
    # per-(relation, dst) in-degree for mean normalization
    deg = jnp.zeros((W.shape[0], n), dtype=jnp.float32).at[edge_type, dst].add(1.0)
    norm = 1.0 / jnp.clip(deg, 1.0, None)
    coeff = norm[edge_type, dst]                     # (E,)
    agg = jnp.zeros((n, W.shape[2]), dtype=jnp.float32).at[dst].add(msg * coeff[:, None])
    return agg + x @ root + bias


def reference(x, edge_index, edge_type, W1, root1, b1, W2, root2, b2):
    h = _rgcn_conv(x, edge_index, edge_type, W1, root1, b1)
    h = jax.nn.relu(h)
    # dropout is identity in eval mode
    out = _rgcn_conv(h, edge_index, edge_type, W2, root2, b2)
    return out

if __name__ == "__main__":
    import jax
    _d = setup_inputs()
    print(jax.jit(kernel)(*tuple(_d.values())))

</pallas_src>

<mosaic_0001>
#map = affine_map<(d0, d1) -> (0, 0)>
#map1 = affine_map<(d0, d1) -> (0)>
#map2 = affine_map<(d0, d1) -> (0, 0, 0)>
module attributes {stable_mosaic.version = 14 : i64} {
  func.func @agg_kernel(%arg0: i32, %arg1: i32, %arg2: memref<80000x128xf32, #tpu.memory_space<hbm>>, %arg3: memref<80000x128xf32, #tpu.memory_space<hbm>>, %arg4: memref<320000xi32, #tpu.memory_space<hbm>>, %arg5: memref<320000xi32, #tpu.memory_space<hbm>>, %arg6: memref<320000xi32, #tpu.memory_space<hbm>>, %arg7: memref<2x10000x128xf32, #tpu.memory_space<hbm>>, %arg8: memref<10000x128xf32, #tpu.memory_space<vmem_shared>>, %arg9: memref<80xi32, #tpu.memory_space<vmem>>, %arg10: memref<80xi32, #tpu.memory_space<vmem>>, %arg11: memref<80xi32, #tpu.memory_space<vmem>>, %arg12: memref<80xi32, #tpu.memory_space<vmem>>, %arg13: memref<80xi32, #tpu.memory_space<vmem>>, %arg14: memref<80xi32, #tpu.memory_space<vmem>>, %arg15: memref<80xi32, #tpu.memory_space<vmem>>, %arg16: memref<80xi32, #tpu.memory_space<vmem>>, %arg17: memref<80x128xf32, #tpu.memory_space<vmem>>, %arg18: memref<80x128xf32, #tpu.memory_space<vmem>>, %arg19: memref<80x128xf32, #tpu.memory_space<vmem>>, %arg20: memref<80x128xf32, #tpu.memory_space<vmem>>, %arg21: memref<40x128xf32, #tpu.memory_space<vmem>>, %arg22: memref<!tpu.dma_semaphore, #tpu.memory_space<semaphore_mem>>, %arg23: memref<!tpu.dma_semaphore, #tpu.memory_space<semaphore_mem>>, %arg24: memref<!tpu.dma_semaphore, #tpu.memory_space<semaphore_mem>>, %arg25: memref<!tpu.dma_semaphore, #tpu.memory_space<semaphore_mem>>, %arg26: memref<!tpu.dma_semaphore, #tpu.memory_space<semaphore_mem>>) attributes {dimension_semantics = [#tpu.dimension_semantics<core_parallel>, #tpu.dimension_semantics<subcore_parallel>], iteration_bounds = array<i64: 2, 16>, scalar_prefetch = 0 : i64, scratch_operands = 19 : i64, tpu.core_type = #tpu.core_type<sc_vector_subcore>, window_params = [{transform_indices = #map}, {transform_indices = #map}, {transform_indices = #map1}, {transform_indices = #map1}, {transform_indices = #map1}, {transform_indices = #map2}]} {
    %broadcast_in_dim3A = arith.constant 0.000000e+00 : f32
    %broadcast_in_dim3A_0 = vector.broadcast %broadcast_in_dim3A : f32 to vector<16xf32>
    %scan3A = arith.constant 0 : i32
    %scan3A_1 = arith.constant 40 : i32
    %scan3A_2 = arith.addi %scan3A, %scan3A_1 : i32
    %scan3A_3 = arith.constant 1 : i32
    scf.for %scan3A_181 = %scan3A to %scan3A_2 step %scan3A_3  : i32 {
      %swap3A_182 = arith.index_cast %scan3A_181 : i32 to index
      %swap3A_183 = arith.constant 0 : index
      %swap3A_184 = tpu.vector_load %arg21[%swap3A_182, %swap3A_183] {strides = array<i32>} : memref<40x128xf32, #tpu.memory_space<vmem>>, vector<1x16xf32>,
      %swap3A_185 = vector.shape_cast %swap3A_184 : vector<1x16xf32> to vector<16xf32>
      %swap3A_186 = vector.shape_cast %broadcast_in_dim3A_0 : vector<16xf32> to vector<1x16xf32>
      tpu.vector_store %arg21[%swap3A_182, %swap3A_183], %swap3A_186 {strides = array<i32>} : memref<40x128xf32, #tpu.memory_space<vmem>>, vector<1x16xf32>,
      %swap3A_187 = arith.index_cast %scan3A_181 : i32 to index
      %swap3A_188 = arith.constant 16 : index
      %swap3A_189 = tpu.vector_load %arg21[%swap3A_187, %swap3A_188] {strides = array<i32>} : memref<40x128xf32, #tpu.memory_space<vmem>>, vector<1x16xf32>,
      %swap3A_190 = vector.shape_cast %swap3A_189 : vector<1x16xf32> to vector<16xf32>
      %swap3A_191 = vector.shape_cast %broadcast_in_dim3A_0 : vector<16xf32> to vector<1x16xf32>
      tpu.vector_store %arg21[%swap3A_187, %swap3A_188], %swap3A_191 {strides = array<i32>} : memref<40x128xf32, #tpu.memory_space<vmem>>, vector<1x16xf32>,
      %swap3A_192 = arith.index_cast %scan3A_181 : i32 to index
      %swap3A_193 = arith.constant 32 : index
      %swap3A_194 = tpu.vector_load %arg21[%swap3A_192, %swap3A_193] {strides = array<i32>} : memref<40x128xf32, #tpu.memory_space<vmem>>, vector<1x16xf32>,
      %swap3A_195 = vector.shape_cast %swap3A_194 : vector<1x16xf32> to vector<16xf32>
      %swap3A_196 = vector.shape_cast %broadcast_in_dim3A_0 : vector<16xf32> to vector<1x16xf32>
      tpu.vector_store %arg21[%swap3A_192, %swap3A_193], %swap3A_196 {strides = array<i32>} : memref<40x128xf32, #tpu.memory_space<vmem>>, vector<1x16xf32>,
      %swap3A_197 = arith.index_cast %scan3A_181 : i32 to index
      %swap3A_198 = arith.constant 48 : index
      %swap3A_199 = tpu.vector_load %arg21[%swap3A_197, %swap3A_198] {strides = array<i32>} : memref<40x128xf32, #tpu.memory_space<vmem>>, vector<1x16xf32>,
      %swap3A_200 = vector.shape_cast %swap3A_199 : vector<1x16xf32> to vector<16xf32>
      %swap3A_201 = vector.shape_cast %broadcast_in_dim3A_0 : vector<16xf32> to vector<1x16xf32>
      tpu.vector_store %arg21[%swap3A_197, %swap3A_198], %swap3A_201 {strides = array<i32>} : memref<40x128xf32, #tpu.memory_space<vmem>>, vector<1x16xf32>,
      %swap3A_202 = arith.index_cast %scan3A_181 : i32 to index
      %swap3A_203 = arith.constant 64 : index
      %swap3A_204 = tpu.vector_load %arg21[%swap3A_202, %swap3A_203] {strides = array<i32>} : memref<40x128xf32, #tpu.memory_space<vmem>>, vector<1x16xf32>,
      %swap3A_205 = vector.shape_cast %swap3A_204 : vector<1x16xf32> to vector<16xf32>
      %swap3A_206 = vector.shape_cast %broadcast_in_dim3A_0 : vector<16xf32> to vector<1x16xf32>
      tpu.vector_store %arg21[%swap3A_202, %swap3A_203], %swap3A_206 {strides = array<i32>} : memref<40x128xf32, #tpu.memory_space<vmem>>, vector<1x16xf32>,
      %swap3A_207 = arith.index_cast %scan3A_181 : i32 to index
      %swap3A_208 = arith.constant 80 : index
      %swap3A_209 = tpu.vector_load %arg21[%swap3A_207, %swap3A_208] {strides = array<i32>} : memref<40x128xf32, #tpu.memory_space<vmem>>, vector<1x16xf32>,
      %swap3A_210 = vector.shape_cast %swap3A_209 : vector<1x16xf32> to vector<16xf32>
      %swap3A_211 = vector.shape_cast %broadcast_in_dim3A_0 : vector<16xf32> to vector<1x16xf32>
      tpu.vector_store %arg21[%swap3A_207, %swap3A_208], %swap3A_211 {strides = array<i32>} : memref<40x128xf32, #tpu.memory_space<vmem>>, vector<1x16xf32>,
      %swap3A_212 = arith.index_cast %scan3A_181 : i32 to index
      %swap3A_213 = arith.constant 96 : index
      %swap3A_214 = tpu.vector_load %arg21[%swap3A_212, %swap3A_213] {strides = array<i32>} : memref<40x128xf32, #tpu.memory_space<vmem>>, vector<1x16xf32>,
      %swap3A_215 = vector.shape_cast %swap3A_214 : vector<1x16xf32> to vector<16xf32>
      %swap3A_216 = vector.shape_cast %broadcast_in_dim3A_0 : vector<16xf32> to vector<1x16xf32>
      tpu.vector_store %arg21[%swap3A_212, %swap3A_213], %swap3A_216 {strides = array<i32>} : memref<40x128xf32, #tpu.memory_space<vmem>>, vector<1x16xf32>,
      %swap3A_217 = arith.index_cast %scan3A_181 : i32 to index
      %swap3A_218 = arith.constant 112 : index
      %swap3A_219 = tpu.vector_load %arg21[%swap3A_217, %swap3A_218] {strides = array<i32>} : memref<40x128xf32, #tpu.memory_space<vmem>>, vector<1x16xf32>,
      %swap3A_220 = vector.shape_cast %swap3A_219 : vector<1x16xf32> to vector<16xf32>
      %swap3A_221 = vector.shape_cast %broadcast_in_dim3A_0 : vector<16xf32> to vector<1x16xf32>
      tpu.vector_store %arg21[%swap3A_217, %swap3A_218], %swap3A_221 {strides = array<i32>} : memref<40x128xf32, #tpu.memory_space<vmem>>, vector<1x16xf32>,
    }
    %scan3A_4 = arith.constant 40 : i32
    %mul3A = arith.constant 1000 : i32
    %mul3A_5 = arith.muli %arg1, %mul3A : i32
    %lt3A = arith.constant 10 : i32
    %lt3A_6 = arith.cmpi slt, %arg1, %lt3A : i32
    %convert_element_type3A = arith.extui %lt3A_6 : i1 to i32
    %cond3A = arith.constant 0 : i32
    %cond3A_7 = arith.cmpi ne, %convert_element_type3A, %cond3A : i32
    scf.if %cond3A_7 {
      %scan3A_181 = arith.constant 0 : i32
      %scan3A_182 = arith.constant 25 : i32
      %scan3A_183 = arith.addi %scan3A_181, %scan3A_182 : i32
      %scan3A_184 = arith.constant 1 : i32
      scf.for %scan3A_186 = %scan3A_181 to %scan3A_183 step %scan3A_184  : i32 {
        %mul3A_187 = arith.constant 40 : i32
        %mul3A_188 = arith.muli %scan3A_186, %mul3A_187 : i32
        %add3A_189 = arith.addi %mul3A_5, %mul3A_188 : i32
        "tpu.region"() ({
          %run_scoped3A = tpu.sem_alloc : memref<!tpu.dma_semaphore, #tpu.memory_space<semaphore_mem>>
          %dma_start3A_190 = arith.constant 0 : i32
          %dma_start3A_191 = tpu.memref_slice %arg8[%add3A_189, %dma_start3A_190] : memref<10000x128xf32, #tpu.memory_space<vmem_shared>> -> memref<40x128xf32, #tpu.memory_space<vmem_shared>>
          %dma_start3A_192 = arith.constant 0 : i32
          %dma_start3A_193 = tpu.memref_slice %arg8[%add3A_189, %dma_start3A_192] : memref<10000x128xf32, #tpu.memory_space<vmem_shared>> -> memref<40x128xf32, #tpu.memory_space<vmem_shared>>
          tpu.enqueue_dma source(%arg21 : memref<40x128xf32, #tpu.memory_space<vmem>>) target(%dma_start3A_193 : memref<40x128xf32, #tpu.memory_space<vmem_shared>>) target_semaphore(%run_scoped3A : memref<!tpu.dma_semaphore, #tpu.memory_space<semaphore_mem>>)
          %dma_wait3A_194 = arith.constant 0 : i32
          %dma_wait3A_195 = tpu.memref_slice %arg8[%add3A_189, %dma_wait3A_194] : memref<10000x128xf32, #tpu.memory_space<vmem_shared>> -> memref<40x128xf32, #tpu.memory_space<vmem_shared>>
          %dma_wait3A_196 = arith.constant 0 : i32
          %dma_wait3A_197 = tpu.memref_slice %arg8[%add3A_189, %dma_wait3A_196] : memref<10000x128xf32, #tpu.memory_space<vmem_shared>> -> memref<40x128xf32, #tpu.memory_space<vmem_shared>>
          tpu.wait_dma2 semaphore(%run_scoped3A : memref<!tpu.dma_semaphore, #tpu.memory_space<semaphore_mem>>) src(%arg21 : memref<40x128xf32, #tpu.memory_space<vmem>>) dst(%dma_wait3A_197 : memref<40x128xf32, #tpu.memory_space<vmem_shared>>)
          tpu.yield
        }) : () -> ()
      }
      %scan3A_185 = arith.constant 25 : i32
    } else {
    }
    %barrier3A = arith.constant 0 : index
    tpu.barrier barrier_id(%barrier3A)
    %mul3A_8 = arith.constant 160000 : i32
    %mul3A_9 = arith.muli %arg0, %mul3A_8 : i32
    %mul3A_10 = arith.constant 10000 : i32
    %mul3A_11 = arith.muli %arg1, %mul3A_10 : i32
    %add3A = arith.addi %mul3A_9, %mul3A_11 : i32
    %scan3A_12 = arith.constant 0 : i32
    %scan3A_13 = arith.constant 62 : i32
    %scan3A_14 = arith.addi %scan3A_12, %scan3A_13 : i32
    %scan3A_15 = arith.constant 1 : i32
    scf.for %scan3A_181 = %scan3A_12 to %scan3A_14 step %scan3A_15  : i32 {
      %mul3A_182 = arith.constant 2 : i32
      %mul3A_183 = arith.muli %mul3A_182, %scan3A_181 : i32
      %mul3A_184 = arith.constant 80 : i32
      %mul3A_185 = arith.muli %mul3A_183, %mul3A_184 : i32
      %add3A_186 = arith.addi %add3A, %mul3A_185 : i32
      %dma_start3A_187 = tpu.memref_slice %arg4[%add3A_186] : memref<320000xi32, #tpu.memory_space<hbm>> -> memref<80xi32, #tpu.memory_space<hbm>>
      %dma_start3A_188 = tpu.memref_slice %arg4[%add3A_186] : memref<320000xi32, #tpu.memory_space<hbm>> -> memref<80xi32, #tpu.memory_space<hbm>>
      tpu.enqueue_dma source(%dma_start3A_188 : memref<80xi32, #tpu.memory_space<hbm>>) target(%arg9 : memref<80xi32, #tpu.memory_space<vmem>>) target_semaphore(%arg22 : memref<!tpu.dma_semaphore, #tpu.memory_space<semaphore_mem>>)
      %dma_start3A_189 = tpu.memref_slice %arg5[%add3A_186] : memref<320000xi32, #tpu.memory_space<hbm>> -> memref<80xi32, #tpu.memory_space<hbm>>
      %dma_start3A_190 = tpu.memref_slice %arg5[%add3A_186] : memref<320000xi32, #tpu.memory_space<hbm>> -> memref<80xi32, #tpu.memory_space<hbm>>
      tpu.enqueue_dma source(%dma_start3A_190 : memref<80xi32, #tpu.memory_space<hbm>>) target(%arg10 : memref<80xi32, #tpu.memory_space<vmem>>) target_semaphore(%arg22 : memref<!tpu.dma_semaphore, #tpu.memory_space<semaphore_mem>>)
      %dma_start3A_191 = tpu.memref_slice %arg6[%add3A_186] : memref<320000xi32, #tpu.memory_space<hbm>> -> memref<80xi32, #tpu.memory_space<hbm>>
      %dma_start3A_192 = tpu.memref_slice %arg6[%add3A_186] : memref<320000xi32, #tpu.memory_space<hbm>> -> memref<80xi32, #tpu.memory_space<hbm>>
      tpu.enqueue_dma source(%dma_start3A_192 : memref<80xi32, #tpu.memory_space<hbm>>) target(%arg11 : memref<80xi32, #tpu.memory_space<vmem>>) target_semaphore(%arg22 : memref<!tpu.dma_semaphore, #tpu.memory_space<semaphore_mem>>)
      %add3A_193 = arith.constant 80 : i32
      %add3A_194 = arith.addi %add3A_186, %add3A_193 : i32
      %dma_start3A_195 = tpu.memref_slice %arg4[%add3A_194] : memref<320000xi32, #tpu.memory_space<hbm>> -> memref<80xi32, #tpu.memory_space<hbm>>
      %dma_start3A_196 = tpu.memref_slice %arg4[%add3A_194] : memref<320000xi32, #tpu.memory_space<hbm>> -> memref<80xi32, #tpu.memory_space<hbm>>
      tpu.enqueue_dma source(%dma_start3A_196 : memref<80xi32, #tpu.memory_space<hbm>>) target(%arg13 : memref<80xi32, #tpu.memory_space<vmem>>) target_semaphore(%arg22 : memref<!tpu.dma_semaphore, #tpu.memory_space<semaphore_mem>>)
      %dma_start3A_197 = tpu.memref_slice %arg5[%add3A_194] : memref<320000xi32, #tpu.memory_space<hbm>> -> memref<80xi32, #tpu.memory_space<hbm>>
      %dma_start3A_198 = tpu.memref_slice %arg5[%add3A_194] : memref<320000xi32, #tpu.memory_space<hbm>> -> memref<80xi32, #tpu.memory_space<hbm>>
      tpu.enqueue_dma source(%dma_start3A_198 : memref<80xi32, #tpu.memory_space<hbm>>) target(%arg14 : memref<80xi32, #tpu.memory_space<vmem>>) target_semaphore(%arg22 : memref<!tpu.dma_semaphore, #tpu.memory_space<semaphore_mem>>)
      %dma_start3A_199 = tpu.memref_slice %arg6[%add3A_194] : memref<320000xi32, #tpu.memory_space<hbm>> -> memref<80xi32, #tpu.memory_space<hbm>>
      %dma_start3A_200 = tpu.memref_slice %arg6[%add3A_194] : memref<320000xi32, #tpu.memory_space<hbm>> -> memref<80xi32, #tpu.memory_space<hbm>>
      tpu.enqueue_dma source(%dma_start3A_200 : memref<80xi32, #tpu.memory_space<hbm>>) target(%arg15 : memref<80xi32, #tpu.memory_space<vmem>>) target_semaphore(%arg22 : memref<!tpu.dma_semaphore, #tpu.memory_space<semaphore_mem>>)
      %dma_wait3A_201 = tpu.memref_slice %arg4[%add3A_186] : memref<320000xi32, #tpu.memory_space<hbm>> -> memref<80xi32, #tpu.memory_space<hbm>>
      %dma_wait3A_202 = tpu.memref_slice %arg4[%add3A_186] : memref<320000xi32, #tpu.memory_space<hbm>> -> memref<80xi32, #tpu.memory_space<hbm>>
      tpu.wait_dma2 semaphore(%arg22 : memref<!tpu.dma_semaphore, #tpu.memory_space<semaphore_mem>>) src(%dma_wait3A_202 : memref<80xi32, #tpu.memory_space<hbm>>) dst(%arg9 : memref<80xi32, #tpu.memory_space<vmem>>)
      %dma_wait3A_203 = tpu.memref_slice %arg5[%add3A_186] : memref<320000xi32, #tpu.memory_space<hbm>> -> memref<80xi32, #tpu.memory_space<hbm>>
      %dma_wait3A_204 = tpu.memref_slice %arg5[%add3A_186] : memref<320000xi32, #tpu.memory_space<hbm>> -> memref<80xi32, #tpu.memory_space<hbm>>
      tpu.wait_dma2 semaphore(%arg22 : memref<!tpu.dma_semaphore, #tpu.memory_space<semaphore_mem>>) src(%dma_wait3A_204 : memref<80xi32, #tpu.memory_space<hbm>>) dst(%arg10 : memref<80xi32, #tpu.memory_space<vmem>>)
      %dma_wait3A_205 = tpu.memref_slice %arg6[%add3A_186] : memref<320000xi32, #tpu.memory_space<hbm>> -> memref<80xi32, #tpu.memory_space<hbm>>
      %dma_wait3A_206 = tpu.memref_slice %arg6[%add3A_186] : memref<320000xi32, #tpu.memory_space<hbm>> -> memref<80xi32, #tpu.memory_space<hbm>>
      tpu.wait_dma2 semaphore(%arg22 : memref<!tpu.dma_semaphore, #tpu.memory_space<semaphore_mem>>) src(%dma_wait3A_206 : memref<80xi32, #tpu.memory_space<hbm>>) dst(%arg11 : memref<80xi32, #tpu.memory_space<vmem>>)
      %get3A_207 = arith.constant 0 : index
      %get3A_208 = tpu.vector_load %arg9[%get3A_207] {strides = array<i32>} : memref<80xi32, #tpu.memory_space<vmem>>, vector<16xi32>,
      %get3A_209 = vector.shape_cast %get3A_208 : vector<16xi32> to vector<16xi32>
      %mul3A_210 = arith.constant 10000 : i32
      %mul3A_211 = vector.broadcast %mul3A_210 : i32 to vector<16xi32>
      %mul3A_212 = arith.muli %get3A_209, %mul3A_211 : vector<16xi32>
      %get3A_213 = arith.constant 0 : index
      %get3A_214 = tpu.vector_load %arg10[%get3A_213] {strides = array<i32>} : memref<80xi32, #tpu.memory_space<vmem>>, vector<16xi32>,
      %get3A_215 = vector.shape_cast %get3A_214 : vector<16xi32> to vector<16xi32>
      %add3A_216 = arith.addi %mul3A_212, %get3A_215 : vector<16xi32>
      %swap3A_217 = arith.constant 0 : index
      %swap3A_218 = tpu.vector_load %arg10[%swap3A_217] {strides = array<i32>} : memref<80xi32, #tpu.memory_space<vmem>>, vector<16xi32>,
      %swap3A_219 = vector.shape_cast %swap3A_218 : vector<16xi32> to vector<16xi32>
      %swap3A_220 = vector.shape_cast %add3A_216 : vector<16xi32> to vector<16xi32>
      tpu.vector_store %arg10[%swap3A_217], %swap3A_220 {strides = array<i32>} : memref<80xi32, #tpu.memory_space<vmem>>, vector<16xi32>,
      %get3A_221 = arith.constant 0 : index
      %get3A_222 = tpu.vector_load %arg11[%get3A_221] {strides = array<i32>} : memref<80xi32, #tpu.memory_space<vmem>>, vector<16xi32>,
      %get3A_223 = vector.shape_cast %get3A_222 : vector<16xi32> to vector<16xi32>
      %mul3A_224 = arith.constant 8 : i32
      %mul3A_225 = vector.broadcast %mul3A_224 : i32 to vector<16xi32>
      %mul3A_226 = arith.muli %get3A_223, %mul3A_225 : vector<16xi32>
      %add3A_227 = arith.addi %mul3A_226, %get3A_209 : vector<16xi32>
      %swap3A_228 = arith.constant 0 : index
      %swap3A_229 = tpu.vector_load %arg12[%swap3A_228] {strides = array<i32>} : memref<80xi32, #tpu.memory_space<vmem>>, vector<16xi32>,
      %swap3A_230 = vector.shape_cast %swap3A_229 : vector<16xi32> to vector<16xi32>
      %swap3A_231 = vector.shape_cast %add3A_227 : vector<16xi32> to vector<16xi32>
      tpu.vector_store %arg12[%swap3A_228], %swap3A_231 {strides = array<i32>} : memref<80xi32, #tpu.memory_space<vmem>>, vector<16xi32>,
      %get3A_232 = arith.constant 16 : index
      %get3A_233 = tpu.vector_load %arg9[%get3A_232] {strides = array<i32>} : memref<80xi32, #tpu.memory_space<vmem>>, vector<16xi32>,
      %get3A_234 = vector.shape_cast %get3A_233 : vector<16xi32> to vector<16xi32>
      %mul3A_235 = arith.constant 10000 : i32
      %mul3A_236 = vector.broadcast %mul3A_235 : i32 to vector<16xi32>
      %mul3A_237 = arith.muli %get3A_234, %mul3A_236 : vector<16xi32>
      %get3A_238 = arith.constant 16 : index
      %get3A_239 = tpu.vector_load %arg10[%get3A_238] {strides = array<i32>} : memref<80xi32, #tpu.memory_space<vmem>>, vector<16xi32>,
      %get3A_240 = vector.shape_cast %get3A_239 : vector<16xi32> to vector<16xi32>
      %add3A_241 = arith.addi %mul3A_237, %get3A_240 : vector<16xi32>
      %swap3A_242 = arith.constant 16 : index
      %swap3A_243 = tpu.vector_load %arg10[%swap3A_242] {strides = array<i32>} : memref<80xi32, #tpu.memory_space<vmem>>, vector<16xi32>,
      %swap3A_244 = vector.shape_cast %swap3A_243 : vector<16xi32> to vector<16xi32>
      %swap3A_245 = vector.shape_cast %add3A_241 : vector<16xi32> to vector<16xi32>
      tpu.vector_store %arg10[%swap3A_242], %swap3A_245 {strides = array<i32>} : memref<80xi32, #tpu.memory_space<vmem>>, vector<16xi32>,
      %get3A_246 = arith.constant 16 : index
      %get3A_247 = tpu.vector_load %arg11[%get3A_246] {strides = array<i32>} : memref<80xi32, #tpu.memory_space<vmem>>, vector<16xi32>,
      %get3A_248 = vector.shape_cast %get3A_247 : vector<16xi32> to vector<16xi32>
      %mul3A_249 = arith.constant 8 : i32
      %mul3A_250 = vector.broadcast %mul3A_249 : i32 to vector<16xi32>
      %mul3A_251 = arith.muli %get3A_248, %mul3A_250 : vector<16xi32>
      %add3A_252 = arith.addi %mul3A_251, %get3A_234 : vector<16xi32>
      %swap3A_253 = arith.constant 16 : index
      %swap3A_254 = tpu.vector_load %arg12[%swap3A_253] {strides = array<i32>} : memref<80xi32, #tpu.memory_space<vmem>>, vector<16xi32>,
      %swap3A_255 = vector.shape_cast %swap3A_254 : vector<16xi32> to vector<16xi32>
      %swap3A_256 = vector.shape_cast %add3A_252 : vector<16xi32> to vector<16xi32>
      tpu.vector_store %arg12[%swap3A_253], %swap3A_256 {strides = array<i32>} : memref<80xi32, #tpu.memory_space<vmem>>, vector<16xi32>,
      %get3A_257 = arith.constant 32 : index
      %get3A_258 = tpu.vector_load %arg9[%get3A_257] {strides = array<i32>} : memref<80xi32, #tpu.memory_space<vmem>>, vector<16xi32>,
      %get3A_259 = vector.shape_cast %get3A_258 : vector<16xi32> to vector<16xi32>
      %mul3A_260 = arith.constant 10000 : i32
      %mul3A_261 = vector.broadcast %mul3A_260 : i32 to vector<16xi32>
      %mul3A_262 = arith.muli %get3A_259, %mul3A_261 : vector<16xi32>
      %get3A_263 = arith.constant 32 : index
      %get3A_264 = tpu.vector_load %arg10[%get3A_263] {strides = array<i32>} : memref<80xi32, #tpu.memory_space<vmem>>, vector<16xi32>,
      %get3A_265 = vector.shape_cast %get3A_264 : vector<16xi32> to vector<16xi32>
      %add3A_266 = arith.addi %mul3A_262, %get3A_265 : vector<16xi32>
      %swap3A_267 = arith.constant 32 : index
      %swap3A_268 = tpu.vector_load %arg10[%swap3A_267] {strides = array<i32>} : memref<80xi32, #tpu.memory_space<vmem>>, vector<16xi32>,
      %swap3A_269 = vector.shape_cast %swap3A_268 : vector<16xi32> to vector<16xi32>
      %swap3A_270 = vector.shape_cast %add3A_266 : vector<16xi32> to vector<16xi32>
      tpu.vector_store %arg10[%swap3A_267], %swap3A_270 {strides = array<i32>} : memref<80xi32, #tpu.memory_space<vmem>>, vector<16xi32>,
      %get3A_271 = arith.constant 32 : index
      %get3A_272 = tpu.vector_load %arg11[%get3A_271] {strides = array<i32>} : memref<80xi32, #tpu.memory_space<vmem>>, vector<16xi32>,
      %get3A_273 = vector.shape_cast %get3A_272 : vector<16xi32> to vector<16xi32>
      %mul3A_274 = arith.constant 8 : i32
      %mul3A_275 = vector.broadcast %mul3A_274 : i32 to vector<16xi32>
      %mul3A_276 = arith.muli %get3A_273, %mul3A_275 : vector<16xi32>
      %add3A_277 = arith.addi %mul3A_276, %get3A_259 : vector<16xi32>
      %swap3A_278 = arith.constant 32 : index
      %swap3A_279 = tpu.vector_load %arg12[%swap3A_278] {strides = array<i32>} : memref<80xi32, #tpu.memory_space<vmem>>, vector<16xi32>,
      %swap3A_280 = vector.shape_cast %swap3A_279 : vector<16xi32> to vector<16xi32>
      %swap3A_281 = vector.shape_cast %add3A_277 : vector<16xi32> to vector<16xi32>
      tpu.vector_store %arg12[%swap3A_278], %swap3A_281 {strides = array<i32>} : memref<80xi32, #tpu.memory_space<vmem>>, vector<16xi32>,
      %get3A_282 = arith.constant 48 : index
      %get3A_283 = tpu.vector_load %arg9[%get3A_282] {strides = array<i32>} : memref<80xi32, #tpu.memory_space<vmem>>, vector<16xi32>,
      %get3A_284 = vector.shape_cast %get3A_283 : vector<16xi32> to vector<16xi32>
      %mul3A_285 = arith.constant 10000 : i32
      %mul3A_286 = vector.broadcast %mul3A_285 : i32 to vector<16xi32>
      %mul3A_287 = arith.muli %get3A_284, %mul3A_286 : vector<16xi32>
      %get3A_288 = arith.constant 48 : index
      %get3A_289 = tpu.vector_load %arg10[%get3A_288] {strides = array<i32>} : memref<80xi32, #tpu.memory_space<vmem>>, vector<16xi32>,
      %get3A_290 = vector.shape_cast %get3A_289 : vector<16xi32> to vector<16xi32>
      %add3A_291 = arith.addi %mul3A_287, %get3A_290 : vector<16xi32>
      %swap3A_292 = arith.constant 48 : index
      %swap3A_293 = tpu.vector_load %arg10[%swap3A_292] {strides = array<i32>} : memref<80xi32, #tpu.memory_space<vmem>>, vector<16xi32>,
      %swap3A_294 = vector.shape_cast %swap3A_293 : vector<16xi32> to vector<16xi32>
      %swap3A_295 = vector.shape_cast %add3A_291 : vector<16xi32> to vector<16xi32>
      tpu.vector_store %arg10[%swap3A_292], %swap3A_295 {strides = array<i32>} : memref<80xi32, #tpu.memory_space<vmem>>, vector<16xi32>,
      %get3A_296 = arith.constant 48 : index
      %get3A_297 = tpu.vector_load %arg11[%get3A_296] {strides = array<i32>} : memref<80xi32, #tpu.memory_space<vmem>>, vector<16xi32>,
      %get3A_298 = vector.shape_cast %get3A_297 : vector<16xi32> to vector<16xi32>
      %mul3A_299 = arith.constant 8 : i32
      %mul3A_300 = vector.broadcast %mul3A_299 : i32 to vector<16xi32>
      %mul3A_301 = arith.muli %get3A_298, %mul3A_300 : vector<16xi32>
      %add3A_302 = arith.addi %mul3A_301, %get3A_284 : vector<16xi32>
      %swap3A_303 = arith.constant 48 : index
      %swap3A_304 = tpu.vector_load %arg12[%swap3A_303] {strides = array<i32>} : memref<80xi32, #tpu.memory_space<vmem>>, vector<16xi32>,
      %swap3A_305 = vector.shape_cast %swap3A_304 : vector<16xi32> to vector<16xi32>
      %swap3A_306 = vector.shape_cast %add3A_302 : vector<16xi32> to vector<16xi32>
      tpu.vector_store %arg12[%swap3A_303], %swap3A_306 {strides = array<i32>} : memref<80xi32, #tpu.memory_space<vmem>>, vector<16xi32>,
      %get3A_307 = arith.constant 64 : index
      %get3A_308 = tpu.vector_load %arg9[%get3A_307] {strides = array<i32>} : memref<80xi32, #tpu.memory_space<vmem>>, vector<16xi32>,
      %get3A_309 = vector.shape_cast %get3A_308 : vector<16xi32> to vector<16xi32>
      %mul3A_310 = arith.constant 10000 : i32
      %mul3A_311 = vector.broadcast %mul3A_310 : i32 to vector<16xi32>
      %mul3A_312 = arith.muli %get3A_309, %mul3A_311 : vector<16xi32>
      %get3A_313 = arith.constant 64 : index
      %get3A_314 = tpu.vector_load %arg10[%get3A_313] {strides = array<i32>} : memref<80xi32, #tpu.memory_space<vmem>>, vector<16xi32>,
      %get3A_315 = vector.shape_cast %get3A_314 : vector<16xi32> to vector<16xi32>
      %add3A_316 = arith.addi %mul3A_312, %get3A_315 : vector<16xi32>
      %swap3A_317 = arith.constant 64 : index
      %swap3A_318 = tpu.vector_load %arg10[%swap3A_317] {strides = array<i32>} : memref<80xi32, #tpu.memory_space<vmem>>, vector<16xi32>,
      %swap3A_319 = vector.shape_cast %swap3A_318 : vector<16xi32> to vector<16xi32>
      %swap3A_320 = vector.shape_cast %add3A_316 : vector<16xi32> to vector<16xi32>
      tpu.vector_store %arg10[%swap3A_317], %swap3A_320 {strides = array<i32>} : memref<80xi32, #tpu.memory_space<vmem>>, vector<16xi32>,
      %get3A_321 = arith.constant 64 : index
      %get3A_322 = tpu.vector_load %arg11[%get3A_321] {strides = array<i32>} : memref<80xi32, #tpu.memory_space<vmem>>, vector<16xi32>,
      %get3A_323 = vector.shape_cast %get3A_322 : vector<16xi32> to vector<16xi32>
      %mul3A_324 = arith.constant 8 : i32
      %mul3A_325 = vector.broadcast %mul3A_324 : i32 to vector<16xi32>
      %mul3A_326 = arith.muli %get3A_323, %mul3A_325 : vector<16xi32>
      %add3A_327 = arith.addi %mul3A_326, %get3A_309 : vector<16xi32>
      %swap3A_328 = arith.constant 64 : index
      %swap3A_329 = tpu.vector_load %arg12[%swap3A_328] {strides = array<i32>} : memref<80xi32, #tpu.memory_space<vmem>>, vector<16xi32>,
      %swap3A_330 = vector.shape_cast %swap3A_329 : vector<16xi32> to vector<16xi32>
      %swap3A_331 = vector.shape_cast %add3A_327 : vector<16xi32> to vector<16xi32>
      tpu.vector_store %arg12[%swap3A_328], %swap3A_331 {strides = array<i32>} : memref<80xi32, #tpu.memory_space<vmem>>, vector<16xi32>,
      %dma_start3A_332 = arith.constant 0 : i32
      %dma_start3A_333 = arith.constant 0 : i32
      %dma_start3A_334 = tpu.memref_slice %arg2[%dma_start3A_332, %dma_start3A_333] : memref<80000x128xf32, #tpu.memory_space<hbm>> -> memref<80000x128xf32, #tpu.memory_space<hbm>>
      tpu.enqueue_indirect_dma source(%dma_start3A_334 : memref<80000x128xf32, #tpu.memory_space<hbm>>) target(%arg17 : memref<80x128xf32, #tpu.memory_space<vmem>>) offsets(%arg10 : memref<80xi32, #tpu.memory_space<vmem>>) semaphore(%arg23 : memref<!tpu.dma_semaphore, #tpu.memory_space<semaphore_mem>>)
      %dma_start3A_335 = arith.constant 0 : i32
      %dma_start3A_336 = arith.constant 0 : i32
      %dma_start3A_337 = tpu.memref_slice %arg3[%dma_start3A_335, %dma_start3A_336] : memref<80000x128xf32, #tpu.memory_space<hbm>> -> memref<80000x128xf32, #tpu.memory_space<hbm>>
      tpu.enqueue_indirect_dma source(%dma_start3A_337 : memref<80000x128xf32, #tpu.memory_space<hbm>>) target(%arg19 : memref<80x128xf32, #tpu.memory_space<vmem>>) offsets(%arg12 : memref<80xi32, #tpu.memory_space<vmem>>) semaphore(%arg23 : memref<!tpu.dma_semaphore, #tpu.memory_space<semaphore_mem>>)
      %dma_wait3A_338 = tpu.memref_slice %arg4[%add3A_194] : memref<320000xi32, #tpu.memory_space<hbm>> -> memref<80xi32, #tpu.memory_space<hbm>>
      %dma_wait3A_339 = tpu.memref_slice %arg4[%add3A_194] : memref<320000xi32, #tpu.memory_space<hbm>> -> memref<80xi32, #tpu.memory_space<hbm>>
      tpu.wait_dma2 semaphore(%arg22 : memref<!tpu.dma_semaphore, #tpu.memory_space<semaphore_mem>>) src(%dma_wait3A_339 : memref<80xi32, #tpu.memory_space<hbm>>) dst(%arg13 : memref<80xi32, #tpu.memory_space<vmem>>)
      %dma_wait3A_340 = tpu.memref_slice %arg5[%add3A_194] : memref<320000xi32, #tpu.memory_space<hbm>> -> memref<80xi32, #tpu.memory_space<hbm>>
      %dma_wait3A_341 = tpu.memref_slice %arg5[%add3A_194] : memref<320000xi32, #tpu.memory_space<hbm>> -> memref<80xi32, #tpu.memory_space<hbm>>
      tpu.wait_dma2 semaphore(%arg22 : memref<!tpu.dma_semaphore, #tpu.memory_space<semaphore_mem>>) src(%dma_wait3A_341 : memref<80xi32, #tpu.memory_space<hbm>>) dst(%arg14 : memref<80xi32, #tpu.memory_space<vmem>>)
      %dma_wait3A_342 = tpu.memref_slice %arg6[%add3A_194] : memref<320000xi32, #tpu.memory_space<hbm>> -> memref<80xi32, #tpu.memory_space<hbm>>
      %dma_wait3A_343 = tpu.memref_slice %arg6[%add3A_194] : memref<320000xi32, #tpu.memory_space<hbm>> -> memref<80xi32, #tpu.memory_space<hbm>>
      tpu.wait_dma2 semaphore(%arg22 : memref<!tpu.dma_semaphore, #tpu.memory_space<semaphore_mem>>) src(%dma_wait3A_343 : memref<80xi32, #tpu.memory_space<hbm>>) dst(%arg15 : memref<80xi32, #tpu.memory_space<vmem>>)
      %get3A_344 = arith.constant 0 : index
      %get3A_345 = tpu.vector_load %arg13[%get3A_344] {strides = array<i32>} : memref<80xi32, #tpu.memory_space<vmem>>, vector<16xi32>,
      %get3A_346 = vector.shape_cast %get3A_345 : vector<16xi32> to vector<16xi32>
      %mul3A_347 = arith.constant 10000 : i32
      %mul3A_348 = vector.broadcast %mul3A_347 : i32 to vector<16xi32>
      %mul3A_349 = arith.muli %get3A_346, %mul3A_348 : vector<16xi32>
      %get3A_350 = arith.constant 0 : index
      %get3A_351 = tpu.vector_load %arg14[%get3A_350] {strides = array<i32>} : memref<80xi32, #tpu.memory_space<vmem>>, vector<16xi32>,
      %get3A_352 = vector.shape_cast %get3A_351 : vector<16xi32> to vector<16xi32>
      %add3A_353 = arith.addi %mul3A_349, %get3A_352 : vector<16xi32>
      %swap3A_354 = arith.constant 0 : index
      %swap3A_355 = tpu.vector_load %arg14[%swap3A_354] {strides = array<i32>} : memref<80xi32, #tpu.memory_space<vmem>>, vector<16xi32>,
      %swap3A_356 = vector.shape_cast %swap3A_355 : vector<16xi32> to vector<16xi32>
      %swap3A_357 = vector.shape_cast %add3A_353 : vector<16xi32> to vector<16xi32>
      tpu.vector_store %arg14[%swap3A_354], %swap3A_357 {strides = array<i32>} : memref<80xi32, #tpu.memory_space<vmem>>, vector<16xi32>,
      %get3A_358 = arith.constant 0 : index
      %get3A_359 = tpu.vector_load %arg15[%get3A_358] {strides = array<i32>} : memref<80xi32, #tpu.memory_space<vmem>>, vector<16xi32>,
      %get3A_360 = vector.shape_cast %get3A_359 : vector<16xi32> to vector<16xi32>
      %mul3A_361 = arith.constant 8 : i32
      %mul3A_362 = vector.broadcast %mul3A_361 : i32 to vector<16xi32>
      %mul3A_363 = arith.muli %get3A_360, %mul3A_362 : vector<16xi32>
      %add3A_364 = arith.addi %mul3A_363, %get3A_346 : vector<16xi32>
      %swap3A_365 = arith.constant 0 : index
      %swap3A_366 = tpu.vector_load %arg16[%swap3A_365] {strides = array<i32>} : memref<80xi32, #tpu.memory_space<vmem>>, vector<16xi32>,
      %swap3A_367 = vector.shape_cast %swap3A_366 : vector<16xi32> to vector<16xi32>
      %swap3A_368 = vector.shape_cast %add3A_364 : vector<16xi32> to vector<16xi32>
      tpu.vector_store %arg16[%swap3A_365], %swap3A_368 {strides = array<i32>} : memref<80xi32, #tpu.memory_space<vmem>>, vector<16xi32>,
      %get3A_369 = arith.constant 16 : index
      %get3A_370 = tpu.vector_load %arg13[%get3A_369] {strides = array<i32>} : memref<80xi32, #tpu.memory_space<vmem>>, vector<16xi32>,
      %get3A_371 = vector.shape_cast %get3A_370 : vector<16xi32> to vector<16xi32>
      %mul3A_372 = arith.constant 10000 : i32
      %mul3A_373 = vector.broadcast %mul3A_372 : i32 to vector<16xi32>
      %mul3A_374 = arith.muli %get3A_371, %mul3A_373 : vector<16xi32>
      %get3A_375 = arith.constant 16 : index
      %get3A_376 = tpu.vector_load %arg14[%get3A_375] {strides = array<i32>} : memref<80xi32, #tpu.memory_space<vmem>>, vector<16xi32>,
      %get3A_377 = vector.shape_cast %get3A_376 : vector<16xi32> to vector<16xi32>
      %add3A_378 = arith.addi %mul3A_374, %get3A_377 : vector<16xi32>
      %swap3A_379 = arith.constant 16 : index
      %swap3A_380 = tpu.vector_load %arg14[%swap3A_379] {strides = array<i32>} : memref<80xi32, #tpu.memory_space<vmem>>, vector<16xi32>,
      %swap3A_381 = vector.shape_cast %swap3A_380 : vector<16xi32> to vector<16xi32>
      %swap3A_382 = vector.shape_cast %add3A_378 : vector<16xi32> to vector<16xi32>
      tpu.vector_store %arg14[%swap3A_379], %swap3A_382 {strides = array<i32>} : memref<80xi32, #tpu.memory_space<vmem>>, vector<16xi32>,
      %get3A_383 = arith.constant 16 : index
      %get3A_384 = tpu.vector_load %arg15[%get3A_383] {strides = array<i32>} : memref<80xi32, #tpu.memory_space<vmem>>, vector<16xi32>,
      %get3A_385 = vector.shape_cast %get3A_384 : vector<16xi32> to vector<16xi32>
      %mul3A_386 = arith.constant 8 : i32
      %mul3A_387 = vector.broadcast %mul3A_386 : i32 to vector<16xi32>
      %mul3A_388 = arith.muli %get3A_385, %mul3A_387 : vector<16xi32>
      %add3A_389 = arith.addi %mul3A_388, %get3A_371 : vector<16xi32>
      %swap3A_390 = arith.constant 16 : index
      %swap3A_391 = tpu.vector_load %arg16[%swap3A_390] {strides = array<i32>} : memref<80xi32, #tpu.memory_space<vmem>>, vector<16xi32>,
      %swap3A_392 = vector.shape_cast %swap3A_391 : vector<16xi32> to vector<16xi32>
      %swap3A_393 = vector.shape_cast %add3A_389 : vector<16xi32> to vector<16xi32>
      tpu.vector_store %arg16[%swap3A_390], %swap3A_393 {strides = array<i32>} : memref<80xi32, #tpu.memory_space<vmem>>, vector<16xi32>,
      %get3A_394 = arith.constant 32 : index
      %get3A_395 = tpu.vector_load %arg13[%get3A_394] {strides = array<i32>} : memref<80xi32, #tpu.memory_space<vmem>>, vector<16xi32>,
      %get3A_396 = vector.shape_cast %get3A_395 : vector<16xi32> to vector<16xi32>
      %mul3A_397 = arith.constant 10000 : i32
      %mul3A_398 = vector.broadcast %mul3A_397 : i32 to vector<16xi32>
      %mul3A_399 = arith.muli %get3A_396, %mul3A_398 : vector<16xi32>
      %get3A_400 = arith.constant 32 : index
      %get3A_401 = tpu.vector_load %arg14[%get3A_400] {strides = array<i32>} : memref<80xi32, #tpu.memory_space<vmem>>, vector<16xi32>,
      %get3A_402 = vector.shape_cast %get3A_401 : vector<16xi32> to vector<16xi32>
      %add3A_403 = arith.addi %mul3A_399, %get3A_402 : vector<16xi32>
      %swap3A_404 = arith.constant 32 : index
      %swap3A_405 = tpu.vector_load %arg14[%swap3A_404] {strides = array<i32>} : memref<80xi32, #tpu.memory_space<vmem>>, vector<16xi32>,
      %swap3A_406 = vector.shape_cast %swap3A_405 : vector<16xi32> to vector<16xi32>
      %swap3A_407 = vector.shape_cast %add3A_403 : vector<16xi32> to vector<16xi32>
      tpu.vector_store %arg14[%swap3A_404], %swap3A_407 {strides = array<i32>} : memref<80xi32, #tpu.memory_space<vmem>>, vector<16xi32>,
      %get3A_408 = arith.constant 32 : index
      %get3A_409 = tpu.vector_load %arg15[%get3A_408] {strides = array<i32>} : memref<80xi32, #tpu.memory_space<vmem>>, vector<16xi32>,
      %get3A_410 = vector.shape_cast %get3A_409 : vector<16xi32> to vector<16xi32>
      %mul3A_411 = arith.constant 8 : i32
      %mul3A_412 = vector.broadcast %mul3A_411 : i32 to vector<16xi32>
      %mul3A_413 = arith.muli %get3A_410, %mul3A_412 : vector<16xi32>
      %add3A_414 = arith.addi %mul3A_413, %get3A_396 : vector<16xi32>
      %swap3A_415 = arith.constant 32 : index
      %swap3A_416 = tpu.vector_load %arg16[%swap3A_415] {strides = array<i32>} : memref<80xi32, #tpu.memory_space<vmem>>, vector<16xi32>,
      %swap3A_417 = vector.shape_cast %swap3A_416 : vector<16xi32> to vector<16xi32>
      %swap3A_418 = vector.shape_cast %add3A_414 : vector<16xi32> to vector<16xi32>
      tpu.vector_store %arg16[%swap3A_415], %swap3A_418 {strides = array<i32>} : memref<80xi32, #tpu.memory_space<vmem>>, vector<16xi32>,
      %get3A_419 = arith.constant 48 : index
      %get3A_420 = tpu.vector_load %arg13[%get3A_419] {strides = array<i32>} : memref<80xi32, #tpu.memory_space<vmem>>, vector<16xi32>,
      %get3A_421 = vector.shape_cast %get3A_420 : vector<16xi32> to vector<16xi32>
      %mul3A_422 = arith.constant 10000 : i32
      %mul3A_423 = vector.broadcast %mul3A_422 : i32 to vector<16xi32>
      %mul3A_424 = arith.muli %get3A_421, %mul3A_423 : vector<16xi32>
      %get3A_425 = arith.constant 48 : index
      %get3A_426 = tpu.vector_load %arg14[%get3A_425] {strides = array<i32>} : memref<80xi32, #tpu.memory_space<vmem>>, vector<16xi32>,
      %get3A_427 = vector.shape_cast %get3A_426 : vector<16xi32> to vector<16xi32>
      %add3A_428 = arith.addi %mul3A_424, %get3A_427 : vector<16xi32>
      %swap3A_429 = arith.constant 48 : index
      %swap3A_430 = tpu.vector_load %arg14[%swap3A_429] {strides = array<i32>} : memref<80xi32, #tpu.memory_space<vmem>>, vector<16xi32>,
      %swap3A_431 = vector.shape_cast %swap3A_430 : vector<16xi32> to vector<16xi32>
      %swap3A_432 = vector.shape_cast %add3A_428 : vector<16xi32> to vector<16xi32>
      tpu.vector_store %arg14[%swap3A_429], %swap3A_432 {strides = array<i32>} : memref<80xi32, #tpu.memory_space<vmem>>, vector<16xi32>,
      %get3A_433 = arith.constant 48 : index
      %get3A_434 = tpu.vector_load %arg15[%get3A_433] {strides = array<i32>} : memref<80xi32, #tpu.memory_space<vmem>>, vector<16xi32>,
      %get3A_435 = vector.shape_cast %get3A_434 : vector<16xi32> to vector<16xi32>
      %mul3A_436 = arith.constant 8 : i32
      %mul3A_437 = vector.broadcast %mul3A_436 : i32 to vector<16xi32>
      %mul3A_438 = arith.muli %get3A_435, %mul3A_437 : vector<16xi32>
      %add3A_439 = arith.addi %mul3A_438, %get3A_421 : vector<16xi32>
      %swap3A_440 = arith.constant 48 : index
      %swap3A_441 = tpu.vector_load %arg16[%swap3A_440] {strides = array<i32>} : memref<80xi32, #tpu.memory_space<vmem>>, vector<16xi32>,
      %swap3A_442 = vector.shape_cast %swap3A_441 : vector<16xi32> to vector<16xi32>
      %swap3A_443 = vector.shape_cast %add3A_439 : vector<16xi32> to vector<16xi32>
      tpu.vector_store %arg16[%swap3A_440], %swap3A_443 {strides = array<i32>} : memref<80xi32, #tpu.memory_space<vmem>>, vector<16xi32>,
      %get3A_444 = arith.constant 64 : index
      %get3A_445 = tpu.vector_load %arg13[%get3A_444] {strides = array<i32>} : memref<80xi32, #tpu.memory_space<vmem>>, vector<16xi32>,
      %get3A_446 = vector.shape_cast %get3A_445 : vector<16xi32> to vector<16xi32>
      %mul3A_447 = arith.constant 10000 : i32
      %mul3A_448 = vector.broadcast %mul3A_447 : i32 to vector<16xi32>
      %mul3A_449 = arith.muli %get3A_446, %mul3A_448 : vector<16xi32>
      %get3A_450 = arith.constant 64 : index
      %get3A_451 = tpu.vector_load %arg14[%get3A_450] {strides = array<i32>} : memref<80xi32, #tpu.memory_space<vmem>>, vector<16xi32>,
      %get3A_452 = vector.shape_cast %get3A_451 : vector<16xi32> to vector<16xi32>
      %add3A_453 = arith.addi %mul3A_449, %get3A_452 : vector<16xi32>
      %swap3A_454 = arith.constant 64 : index
      %swap3A_455 = tpu.vector_load %arg14[%swap3A_454] {strides = array<i32>} : memref<80xi32, #tpu.memory_space<vmem>>, vector<16xi32>,
      %swap3A_456 = vector.shape_cast %swap3A_455 : vector<16xi32> to vector<16xi32>
      %swap3A_457 = vector.shape_cast %add3A_453 : vector<16xi32> to vector<16xi32>
      tpu.vector_store %arg14[%swap3A_454], %swap3A_457 {strides = array<i32>} : memref<80xi32, #tpu.memory_space<vmem>>, vector<16xi32>,
      %get3A_458 = arith.constant 64 : index
      %get3A_459 = tpu.vector_load %arg15[%get3A_458] {strides = array<i32>} : memref<80xi32, #tpu.memory_space<vmem>>, vector<16xi32>,
      %get3A_460 = vector.shape_cast %get3A_459 : vector<16xi32> to vector<16xi32>
      %mul3A_461 = arith.constant 8 : i32
      %mul3A_462 = vector.broadcast %mul3A_461 : i32 to vector<16xi32>
      %mul3A_463 = arith.muli %get3A_460, %mul3A_462 : vector<16xi32>
      %add3A_464 = arith.addi %mul3A_463, %get3A_446 : vector<16xi32>
      %swap3A_465 = arith.constant 64 : index
      %swap3A_466 = tpu.vector_load %arg16[%swap3A_465] {strides = array<i32>} : memref<80xi32, #tpu.memory_space<vmem>>, vector<16xi32>,
      %swap3A_467 = vector.shape_cast %swap3A_466 : vector<16xi32> to vector<16xi32>
      %swap3A_468 = vector.shape_cast %add3A_464 : vector<16xi32> to vector<16xi32>
      tpu.vector_store %arg16[%swap3A_465], %swap3A_468 {strides = array<i32>} : memref<80xi32, #tpu.memory_space<vmem>>, vector<16xi32>,
      %dma_start3A_469 = arith.constant 0 : i32
      %dma_start3A_470 = arith.constant 0 : i32
      %dma_start3A_471 = tpu.memref_slice %arg2[%dma_start3A_469, %dma_start3A_470] : memref<80000x128xf32, #tpu.memory_space<hbm>> -> memref<80000x128xf32, #tpu.memory_space<hbm>>
      tpu.enqueue_indirect_dma source(%dma_start3A_471 : memref<80000x128xf32, #tpu.memory_space<hbm>>) target(%arg18 : memref<80x128xf32, #tpu.memory_space<vmem>>) offsets(%arg14 : memref<80xi32, #tpu.memory_space<vmem>>) semaphore(%arg24 : memref<!tpu.dma_semaphore, #tpu.memory_space<semaphore_mem>>)
      %dma_start3A_472 = arith.constant 0 : i32
      %dma_start3A_473 = arith.constant 0 : i32
      %dma_start3A_474 = tpu.memref_slice %arg3[%dma_start3A_472, %dma_start3A_473] : memref<80000x128xf32, #tpu.memory_space<hbm>> -> memref<80000x128xf32, #tpu.memory_space<hbm>>
      tpu.enqueue_indirect_dma source(%dma_start3A_474 : memref<80000x128xf32, #tpu.memory_space<hbm>>) target(%arg20 : memref<80x128xf32, #tpu.memory_space<vmem>>) offsets(%arg16 : memref<80xi32, #tpu.memory_space<vmem>>) semaphore(%arg24 : memref<!tpu.dma_semaphore, #tpu.memory_space<semaphore_mem>>)
      %dma_wait3A_475 = arith.constant 0 : i32
      %dma_wait3A_476 = arith.constant 0 : i32
      %dma_wait3A_477 = tpu.memref_slice %arg2[%dma_wait3A_475, %dma_wait3A_476] : memref<80000x128xf32, #tpu.memory_space<hbm>> -> memref<80000x128xf32, #tpu.memory_space<hbm>>
      tpu.wait_indirect_dma semaphore(%arg23 : memref<!tpu.dma_semaphore, #tpu.memory_space<semaphore_mem>>) src(%dma_wait3A_477 : memref<80000x128xf32, #tpu.memory_space<hbm>>) dst(%arg17 : memref<80x128xf32, #tpu.memory_space<vmem>>)
      %dma_wait3A_478 = arith.constant 0 : i32
      %dma_wait3A_479 = arith.constant 0 : i32
      %dma_wait3A_480 = tpu.memref_slice %arg3[%dma_wait3A_478, %dma_wait3A_479] : memref<80000x128xf32, #tpu.memory_space<hbm>> -> memref<80000x128xf32, #tpu.memory_space<hbm>>
      tpu.wait_indirect_dma semaphore(%arg23 : memref<!tpu.dma_semaphore, #tpu.memory_space<semaphore_mem>>) src(%dma_wait3A_480 : memref<80000x128xf32, #tpu.memory_space<hbm>>) dst(%arg19 : memref<80x128xf32, #tpu.memory_space<vmem>>)
      %scan3A_481 = arith.constant 0 : i32
      %scan3A_482 = arith.constant 80 : i32
      %scan3A_483 = arith.addi %scan3A_481, %scan3A_482 : i32
      %scan3A_484 = arith.constant 1 : i32
      scf.for %scan3A_509 = %scan3A_481 to %scan3A_483 step %scan3A_484  : i32 {
        %get3A_510 = arith.index_cast %scan3A_509 : i32 to index
        %get3A_511 = arith.constant 0 : index
        %get3A_512 = tpu.vector_load %arg17[%get3A_510, %get3A_511] {strides = array<i32>} : memref<80x128xf32, #tpu.memory_space<vmem>>, vector<1x16xf32>,
        %get3A_513 = vector.shape_cast %get3A_512 : vector<1x16xf32> to vector<16xf32>
        %get3A_514 = arith.index_cast %scan3A_509 : i32 to index
        %get3A_515 = arith.constant 0 : index
        %get3A_516 = tpu.vector_load %arg19[%get3A_514, %get3A_515] {strides = array<i32>} : memref<80x128xf32, #tpu.memory_space<vmem>>, vector<1x16xf32>,
        %get3A_517 = vector.shape_cast %get3A_516 : vector<1x16xf32> to vector<16xf32>
        %mul3A_518 = arith.mulf %get3A_513, %get3A_517 : vector<16xf32>
        %swap3A_519 = arith.index_cast %scan3A_509 : i32 to index
        %swap3A_520 = arith.constant 0 : index
        %swap3A_521 = tpu.vector_load %arg17[%swap3A_519, %swap3A_520] {strides = array<i32>} : memref<80x128xf32, #tpu.memory_space<vmem>>, vector<1x16xf32>,
        %swap3A_522 = vector.shape_cast %swap3A_521 : vector<1x16xf32> to vector<16xf32>
        %swap3A_523 = vector.shape_cast %mul3A_518 : vector<16xf32> to vector<1x16xf32>
        tpu.vector_store %arg17[%swap3A_519, %swap3A_520], %swap3A_523 {strides = array<i32>} : memref<80x128xf32, #tpu.memory_space<vmem>>, vector<1x16xf32>,
        %get3A_524 = arith.index_cast %scan3A_509 : i32 to index
        %get3A_525 = arith.constant 16 : index
        %get3A_526 = tpu.vector_load %arg17[%get3A_524, %get3A_525] {strides = array<i32>} : memref<80x128xf32, #tpu.memory_space<vmem>>, vector<1x16xf32>,
        %get3A_527 = vector.shape_cast %get3A_526 : vector<1x16xf32> to vector<16xf32>
        %get3A_528 = arith.index_cast %scan3A_509 : i32 to index
        %get3A_529 = arith.constant 16 : index
        %get3A_530 = tpu.vector_load %arg19[%get3A_528, %get3A_529] {strides = array<i32>} : memref<80x128xf32, #tpu.memory_space<vmem>>, vector<1x16xf32>,
        %get3A_531 = vector.shape_cast %get3A_530 : vector<1x16xf32> to vector<16xf32>
        %mul3A_532 = arith.mulf %get3A_527, %get3A_531 : vector<16xf32>
        %swap3A_533 = arith.index_cast %scan3A_509 : i32 to index
        %swap3A_534 = arith.constant 16 : index
        %swap3A_535 = tpu.vector_load %arg17[%swap3A_533, %swap3A_534] {strides = array<i32>} : memref<80x128xf32, #tpu.memory_space<vmem>>, vector<1x16xf32>,
        %swap3A_536 = vector.shape_cast %swap3A_535 : vector<1x16xf32> to vector<16xf32>
        %swap3A_537 = vector.shape_cast %mul3A_532 : vector<16xf32> to vector<1x16xf32>
        tpu.vector_store %arg17[%swap3A_533, %swap3A_534], %swap3A_537 {strides = array<i32>} : memref<80x128xf32, #tpu.memory_space<vmem>>, vector<1x16xf32>,
        %get3A_538 = arith.index_cast %scan3A_509 : i32 to index
        %get3A_539 = arith.constant 32 : index
        %get3A_540 = tpu.vector_load %arg17[%get3A_538, %get3A_539] {strides = array<i32>} : memref<80x128xf32, #tpu.memory_space<vmem>>, vector<1x16xf32>,
        %get3A_541 = vector.shape_cast %get3A_540 : vector<1x16xf32> to vector<16xf32>
        %get3A_542 = arith.index_cast %scan3A_509 : i32 to index
        %get3A_543 = arith.constant 32 : index
        %get3A_544 = tpu.vector_load %arg19[%get3A_542, %get3A_543] {strides = array<i32>} : memref<80x128xf32, #tpu.memory_space<vmem>>, vector<1x16xf32>,
        %get3A_545 = vector.shape_cast %get3A_544 : vector<1x16xf32> to vector<16xf32>
        %mul3A_546 = arith.mulf %get3A_541, %get3A_545 : vector<16xf32>
        %swap3A_547 = arith.index_cast %scan3A_509 : i32 to index
        %swap3A_548 = arith.constant 32 : index
        %swap3A_549 = tpu.vector_load %arg17[%swap3A_547, %swap3A_548] {strides = array<i32>} : memref<80x128xf32, #tpu.memory_space<vmem>>, vector<1x16xf32>,
        %swap3A_550 = vector.shape_cast %swap3A_549 : vector<1x16xf32> to vector<16xf32>
        %swap3A_551 = vector.shape_cast %mul3A_546 : vector<16xf32> to vector<1x16xf32>
        tpu.vector_store %arg17[%swap3A_547, %swap3A_548], %swap3A_551 {strides = array<i32>} : memref<80x128xf32, #tpu.memory_space<vmem>>, vector<1x16xf32>,
        %get3A_552 = arith.index_cast %scan3A_509 : i32 to index
        %get3A_553 = arith.constant 48 : index
        %get3A_554 = tpu.vector_load %arg17[%get3A_552, %get3A_553] {strides = array<i32>} : memref<80x128xf32, #tpu.memory_space<vmem>>, vector<1x16xf32>,
        %get3A_555 = vector.shape_cast %get3A_554 : vector<1x16xf32> to vector<16xf32>
        %get3A_556 = arith.index_cast %scan3A_509 : i32 to index
        %get3A_557 = arith.constant 48 : index
        %get3A_558 = tpu.vector_load %arg19[%get3A_556, %get3A_557] {strides = array<i32>} : memref<80x128xf32, #tpu.memory_space<vmem>>, vector<1x16xf32>,
        %get3A_559 = vector.shape_cast %get3A_558 : vector<1x16xf32> to vector<16xf32>
        %mul3A_560 = arith.mulf %get3A_555, %get3A_559 : vector<16xf32>
        %swap3A_561 = arith.index_cast %scan3A_509 : i32 to index
        %swap3A_562 = arith.constant 48 : index
        %swap3A_563 = tpu.vector_load %arg17[%swap3A_561, %swap3A_562] {strides = array<i32>} : memref<80x128xf32, #tpu.memory_space<vmem>>, vector<1x16xf32>,
        %swap3A_564 = vector.shape_cast %swap3A_563 : vector<1x16xf32> to vector<16xf32>
        %swap3A_565 = vector.shape_cast %mul3A_560 : vector<16xf32> to vector<1x16xf32>
        tpu.vector_store %arg17[%swap3A_561, %swap3A_562], %swap3A_565 {strides = array<i32>} : memref<80x128xf32, #tpu.memory_space<vmem>>, vector<1x16xf32>,
        %get3A_566 = arith.index_cast %scan3A_509 : i32 to index
        %get3A_567 = arith.constant 64 : index
        %get3A_568 = tpu.vector_load %arg17[%get3A_566, %get3A_567] {strides = array<i32>} : memref<80x128xf32, #tpu.memory_space<vmem>>, vector<1x16xf32>,
        %get3A_569 = vector.shape_cast %get3A_568 : vector<1x16xf32> to vector<16xf32>
        %get3A_570 = arith.index_cast %scan3A_509 : i32 to index
        %get3A_571 = arith.constant 64 : index
        %get3A_572 = tpu.vector_load %arg19[%get3A_570, %get3A_571] {strides = array<i32>} : memref<80x128xf32, #tpu.memory_space<vmem>>, vector<1x16xf32>,
        %get3A_573 = vector.shape_cast %get3A_572 : vector<1x16xf32> to vector<16xf32>
        %mul3A_574 = arith.mulf %get3A_569, %get3A_573 : vector<16xf32>
        %swap3A_575 = arith.index_cast %scan3A_509 : i32 to index
        %swap3A_576 = arith.constant 64 : index
        %swap3A_577 = tpu.vector_load %arg17[%swap3A_575, %swap3A_576] {strides = array<i32>} : memref<80x128xf32, #tpu.memory_space<vmem>>, vector<1x16xf32>,
        %swap3A_578 = vector.shape_cast %swap3A_577 : vector<1x16xf32> to vector<16xf32>
        %swap3A_579 = vector.shape_cast %mul3A_574 : vector<16xf32> to vector<1x16xf32>
        tpu.vector_store %arg17[%swap3A_575, %swap3A_576], %swap3A_579 {strides = array<i32>} : memref<80x128xf32, #tpu.memory_space<vmem>>, vector<1x16xf32>,
        %get3A_580 = arith.index_cast %scan3A_509 : i32 to index
        %get3A_581 = arith.constant 80 : index
        %get3A_582 = tpu.vector_load %arg17[%get3A_580, %get3A_581] {strides = array<i32>} : memref<80x128xf32, #tpu.memory_space<vmem>>, vector<1x16xf32>,
        %get3A_583 = vector.shape_cast %get3A_582 : vector<1x16xf32> to vector<16xf32>
        %get3A_584 = arith.index_cast %scan3A_509 : i32 to index
        %get3A_585 = arith.constant 80 : index
        %get3A_586 = tpu.vector_load %arg19[%get3A_584, %get3A_585] {strides = array<i32>} : memref<80x128xf32, #tpu.memory_space<vmem>>, vector<1x16xf32>,
        %get3A_587 = vector.shape_cast %get3A_586 : vector<1x16xf32> to vector<16xf32>
        %mul3A_588 = arith.mulf %get3A_583, %get3A_587 : vector<16xf32>
        %swap3A_589 = arith.index_cast %scan3A_509 : i32 to index
        %swap3A_590 = arith.constant 80 : index
        %swap3A_591 = tpu.vector_load %arg17[%swap3A_589, %swap3A_590] {strides = array<i32>} : memref<80x128xf32, #tpu.memory_space<vmem>>, vector<1x16xf32>,
        %swap3A_592 = vector.shape_cast %swap3A_591 : vector<1x16xf32> to vector<16xf32>
        %swap3A_593 = vector.shape_cast %mul3A_588 : vector<16xf32> to vector<1x16xf32>
        tpu.vector_store %arg17[%swap3A_589, %swap3A_590], %swap3A_593 {strides = array<i32>} : memref<80x128xf32, #tpu.memory_space<vmem>>, vector<1x16xf32>,
        %get3A_594 = arith.index_cast %scan3A_509 : i32 to index
        %get3A_595 = arith.constant 96 : index
        %get3A_596 = tpu.vector_load %arg17[%get3A_594, %get3A_595] {strides = array<i32>} : memref<80x128xf32, #tpu.memory_space<vmem>>, vector<1x16xf32>,
        %get3A_597 = vector.shape_cast %get3A_596 : vector<1x16xf32> to vector<16xf32>
        %get3A_598 = arith.index_cast %scan3A_509 : i32 to index
        %get3A_599 = arith.constant 96 : index
        %get3A_600 = tpu.vector_load %arg19[%get3A_598, %get3A_599] {strides = array<i32>} : memref<80x128xf32, #tpu.memory_space<vmem>>, vector<1x16xf32>,
        %get3A_601 = vector.shape_cast %get3A_600 : vector<1x16xf32> to vector<16xf32>
        %mul3A_602 = arith.mulf %get3A_597, %get3A_601 : vector<16xf32>
        %swap3A_603 = arith.index_cast %scan3A_509 : i32 to index
        %swap3A_604 = arith.constant 96 : index
        %swap3A_605 = tpu.vector_load %arg17[%swap3A_603, %swap3A_604] {strides = array<i32>} : memref<80x128xf32, #tpu.memory_space<vmem>>, vector<1x16xf32>,
        %swap3A_606 = vector.shape_cast %swap3A_605 : vector<1x16xf32> to vector<16xf32>
        %swap3A_607 = vector.shape_cast %mul3A_602 : vector<16xf32> to vector<1x16xf32>
        tpu.vector_store %arg17[%swap3A_603, %swap3A_604], %swap3A_607 {strides = array<i32>} : memref<80x128xf32, #tpu.memory_space<vmem>>, vector<1x16xf32>,
        %get3A_608 = arith.index_cast %scan3A_509 : i32 to index
        %get3A_609 = arith.constant 112 : index
        %get3A_610 = tpu.vector_load %arg17[%get3A_608, %get3A_609] {strides = array<i32>} : memref<80x128xf32, #tpu.memory_space<vmem>>, vector<1x16xf32>,
        %get3A_611 = vector.shape_cast %get3A_610 : vector<1x16xf32> to vector<16xf32>
        %get3A_612 = arith.index_cast %scan3A_509 : i32 to index
        %get3A_613 = arith.constant 112 : index
        %get3A_614 = tpu.vector_load %arg19[%get3A_612, %get3A_613] {strides = array<i32>} : memref<80x128xf32, #tpu.memory_space<vmem>>, vector<1x16xf32>,
        %get3A_615 = vector.shape_cast %get3A_614 : vector<1x16xf32> to vector<16xf32>
        %mul3A_616 = arith.mulf %get3A_611, %get3A_615 : vector<16xf32>
        %swap3A_617 = arith.index_cast %scan3A_509 : i32 to index
        %swap3A_618 = arith.constant 112 : index
        %swap3A_619 = tpu.vector_load %arg17[%swap3A_617, %swap3A_618] {strides = array<i32>} : memref<80x128xf32, #tpu.memory_space<vmem>>, vector<1x16xf32>,
        %swap3A_620 = vector.shape_cast %swap3A_619 : vector<1x16xf32> to vector<16xf32>
        %swap3A_621 = vector.shape_cast %mul3A_616 : vector<16xf32> to vector<1x16xf32>
        tpu.vector_store %arg17[%swap3A_617, %swap3A_618], %swap3A_621 {strides = array<i32>} : memref<80x128xf32, #tpu.memory_space<vmem>>, vector<1x16xf32>,
      }
      %scan3A_485 = arith.constant 80 : i32
      %dma_start3A_486 = arith.constant 0 : i32
      %dma_start3A_487 = arith.constant 0 : i32
      %dma_start3A_488 = tpu.memref_slice %arg8[%dma_start3A_486, %dma_start3A_487] : memref<10000x128xf32, #tpu.memory_space<vmem_shared>> -> memref<10000x128xf32, #tpu.memory_space<vmem_shared>>
      tpu.enqueue_indirect_dma source(%arg17 : memref<80x128xf32, #tpu.memory_space<vmem>>) target(%dma_start3A_488 : memref<10000x128xf32, #tpu.memory_space<vmem_shared>>) offsets(%arg11 : memref<80xi32, #tpu.memory_space<vmem>>) semaphore(%arg25 : memref<!tpu.dma_semaphore, #tpu.memory_space<semaphore_mem>>) {add = true}
      %dma_wait3A_489 = arith.constant 0 : i32
      %dma_wait3A_490 = arith.constant 0 : i32
      %dma_wait3A_491 = tpu.memref_slice %arg2[%dma_wait3A_489, %dma_wait3A_490] : memref<80000x128xf32, #tpu.memory_space<hbm>> -> memref<80000x128xf32, #tpu.memory_space<hbm>>
      tpu.wait_indirect_dma semaphore(%arg24 : memref<!tpu.dma_semaphore, #tpu.memory_space<semaphore_mem>>) src(%dma_wait3A_491 : memref<80000x128xf32, #tpu.memory_space<hbm>>) dst(%arg18 : memref<80x128xf32, #tpu.memory_space<vmem>>)
      %dma_wait3A_492 = arith.constant 0 : i32
      %dma_wait3A_493 = arith.constant 0 : i32
      %dma_wait3A_494 = tpu.memref_slice %arg3[%dma_wait3A_492, %dma_wait3A_493] : memref<80000x128xf32, #tpu.memory_space<hbm>> -> memref<80000x128xf32, #tpu.memory_space<hbm>>
      tpu.wait_indirect_dma semaphore(%arg24 : memref<!tpu.dma_semaphore, #tpu.memory_space<semaphore_mem>>) src(%dma_wait3A_494 : memref<80000x128xf32, #tpu.memory_space<hbm>>) dst(%arg20 : memref<80x128xf32, #tpu.memory_space<vmem>>)
      %scan3A_495 = arith.constant 0 : i32
      %scan3A_496 = arith.constant 80 : i32
      %scan3A_497 = arith.addi %scan3A_495, %scan3A_496 : i32
      %scan3A_498 = arith.constant 1 : i32
      scf.for %scan3A_509 = %scan3A_495 to %scan3A_497 step %scan3A_498  : i32 {
        %get3A_510 = arith.index_cast %scan3A_509 : i32 to index
        %get3A_511 = arith.constant 0 : index
        %get3A_512 = tpu.vector_load %arg18[%get3A_510, %get3A_511] {strides = array<i32>} : memref<80x128xf32, #tpu.memory_space<vmem>>, vector<1x16xf32>,
        %get3A_513 = vector.shape_cast %get3A_512 : vector<1x16xf32> to vector<16xf32>
        %get3A_514 = arith.index_cast %scan3A_509 : i32 to index
        %get3A_515 = arith.constant 0 : index
        %get3A_516 = tpu.vector_load %arg20[%get3A_514, %get3A_515] {strides = array<i32>} : memref<80x128xf32, #tpu.memory_space<vmem>>, vector<1x16xf32>,
        %get3A_517 = vector.shape_cast %get3A_516 : vector<1x16xf32> to vector<16xf32>
        %mul3A_518 = arith.mulf %get3A_513, %get3A_517 : vector<16xf32>
        %swap3A_519 = arith.index_cast %scan3A_509 : i32 to index
        %swap3A_520 = arith.constant 0 : index
        %swap3A_521 = tpu.vector_load %arg18[%swap3A_519, %swap3A_520] {strides = array<i32>} : memref<80x128xf32, #tpu.memory_space<vmem>>, vector<1x16xf32>,
        %swap3A_522 = vector.shape_cast %swap3A_521 : vector<1x16xf32> to vector<16xf32>
        %swap3A_523 = vector.shape_cast %mul3A_518 : vector<16xf32> to vector<1x16xf32>
        tpu.vector_store %arg18[%swap3A_519, %swap3A_520], %swap3A_523 {strides = array<i32>} : memref<80x128xf32, #tpu.memory_space<vmem>>, vector<1x16xf32>,
        %get3A_524 = arith.index_cast %scan3A_509 : i32 to index
        %get3A_525 = arith.constant 16 : index
        %get3A_526 = tpu.vector_load %arg18[%get3A_524, %get3A_525] {strides = array<i32>} : memref<80x128xf32, #tpu.memory_space<vmem>>, vector<1x16xf32>,
        %get3A_527 = vector.shape_cast %get3A_526 : vector<1x16xf32> to vector<16xf32>
        %get3A_528 = arith.index_cast %scan3A_509 : i32 to index
        %get3A_529 = arith.constant 16 : index
        %get3A_530 = tpu.vector_load %arg20[%get3A_528, %get3A_529] {strides = array<i32>} : memref<80x128xf32, #tpu.memory_space<vmem>>, vector<1x16xf32>,
        %get3A_531 = vector.shape_cast %get3A_530 : vector<1x16xf32> to vector<16xf32>
        %mul3A_532 = arith.mulf %get3A_527, %get3A_531 : vector<16xf32>
        %swap3A_533 = arith.index_cast %scan3A_509 : i32 to index
        %swap3A_534 = arith.constant 16 : index
        %swap3A_535 = tpu.vector_load %arg18[%swap3A_533, %swap3A_534] {strides = array<i32>} : memref<80x128xf32, #tpu.memory_space<vmem>>, vector<1x16xf32>,
        %swap3A_536 = vector.shape_cast %swap3A_535 : vector<1x16xf32> to vector<16xf32>
        %swap3A_537 = vector.shape_cast %mul3A_532 : vector<16xf32> to vector<1x16xf32>
        tpu.vector_store %arg18[%swap3A_533, %swap3A_534], %swap3A_537 {strides = array<i32>} : memref<80x128xf32, #tpu.memory_space<vmem>>, vector<1x16xf32>,
        %get3A_538 = arith.index_cast %scan3A_509 : i32 to index
        %get3A_539 = arith.constant 32 : index
        %get3A_540 = tpu.vector_load %arg18[%get3A_538, %get3A_539] {strides = array<i32>} : memref<80x128xf32, #tpu.memory_space<vmem>>, vector<1x16xf32>,
        %get3A_541 = vector.shape_cast %get3A_540 : vector<1x16xf32> to vector<16xf32>
        %get3A_542 = arith.index_cast %scan3A_509 : i32 to index
        %get3A_543 = arith.constant 32 : index
        %get3A_544 = tpu.vector_load %arg20[%get3A_542, %get3A_543] {strides = array<i32>} : memref<80x128xf32, #tpu.memory_space<vmem>>, vector<1x16xf32>,
        %get3A_545 = vector.shape_cast %get3A_544 : vector<1x16xf32> to vector<16xf32>
        %mul3A_546 = arith.mulf %get3A_541, %get3A_545 : vector<16xf32>
        %swap3A_547 = arith.index_cast %scan3A_509 : i32 to index
        %swap3A_548 = arith.constant 32 : index
        %swap3A_549 = tpu.vector_load %arg18[%swap3A_547, %swap3A_548] {strides = array<i32>} : memref<80x128xf32, #tpu.memory_space<vmem>>, vector<1x16xf32>,
        %swap3A_550 = vector.shape_cast %swap3A_549 : vector<1x16xf32> to vector<16xf32>
        %swap3A_551 = vector.shape_cast %mul3A_546 : vector<16xf32> to vector<1x16xf32>
        tpu.vector_store %arg18[%swap3A_547, %swap3A_548], %swap3A_551 {strides = array<i32>} : memref<80x128xf32, #tpu.memory_space<vmem>>, vector<1x16xf32>,
        %get3A_552 = arith.index_cast %scan3A_509 : i32 to index
        %get3A_553 = arith.constant 48 : index
        %get3A_554 = tpu.vector_load %arg18[%get3A_552, %get3A_553] {strides = array<i32>} : memref<80x128xf32, #tpu.memory_space<vmem>>, vector<1x16xf32>,
        %get3A_555 = vector.shape_cast %get3A_554 : vector<1x16xf32> to vector<16xf32>
        %get3A_556 = arith.index_cast %scan3A_509 : i32 to index
        %get3A_557 = arith.constant 48 : index
        %get3A_558 = tpu.vector_load %arg20[%get3A_556, %get3A_557] {strides = array<i32>} : memref<80x128xf32, #tpu.memory_space<vmem>>, vector<1x16xf32>,
        %get3A_559 = vector.shape_cast %get3A_558 : vector<1x16xf32> to vector<16xf32>
        %mul3A_560 = arith.mulf %get3A_555, %get3A_559 : vector<16xf32>
        %swap3A_561 = arith.index_cast %scan3A_509 : i32 to index
        %swap3A_562 = arith.constant 48 : index
        %swap3A_563 = tpu.vector_load %arg18[%swap3A_561, %swap3A_562] {strides = array<i32>} : memref<80x128xf32, #tpu.memory_space<vmem>>, vector<1x16xf32>,
        %swap3A_564 = vector.shape_cast %swap3A_563 : vector<1x16xf32> to vector<16xf32>
        %swap3A_565 = vector.shape_cast %mul3A_560 : vector<16xf32> to vector<1x16xf32>
        tpu.vector_store %arg18[%swap3A_561, %swap3A_562], %swap3A_565 {strides = array<i32>} : memref<80x128xf32, #tpu.memory_space<vmem>>, vector<1x16xf32>,
        %get3A_566 = arith.index_cast %scan3A_509 : i32 to index
        %get3A_567 = arith.constant 64 : index
        %get3A_568 = tpu.vector_load %arg18[%get3A_566, %get3A_567] {strides = array<i32>} : memref<80x128xf32, #tpu.memory_space<vmem>>, vector<1x16xf32>,
        %get3A_569 = vector.shape_cast %get3A_568 : vector<1x16xf32> to vector<16xf32>
        %get3A_570 = arith.index_cast %scan3A_509 : i32 to index
        %get3A_571 = arith.constant 64 : index
        %get3A_572 = tpu.vector_load %arg20[%get3A_570, %get3A_571] {strides = array<i32>} : memref<80x128xf32, #tpu.memory_space<vmem>>, vector<1x16xf32>,
        %get3A_573 = vector.shape_cast %get3A_572 : vector<1x16xf32> to vector<16xf32>
        %mul3A_574 = arith.mulf %get3A_569, %get3A_573 : vector<16xf32>
        %swap3A_575 = arith.index_cast %scan3A_509 : i32 to index
        %swap3A_576 = arith.constant 64 : index
        %swap3A_577 = tpu.vector_load %arg18[%swap3A_575, %swap3A_576] {strides = array<i32>} : memref<80x128xf32, #tpu.memory_space<vmem>>, vector<1x16xf32>,
        %swap3A_578 = vector.shape_cast %swap3A_577 : vector<1x16xf32> to vector<16xf32>
        %swap3A_579 = vector.shape_cast %mul3A_574 : vector<16xf32> to vector<1x16xf32>
        tpu.vector_store %arg18[%swap3A_575, %swap3A_576], %swap3A_579 {strides = array<i32>} : memref<80x128xf32, #tpu.memory_space<vmem>>, vector<1x16xf32>,
        %get3A_580 = arith.index_cast %scan3A_509 : i32 to index
        %get3A_581 = arith.constant 80 : index
        %get3A_582 = tpu.vector_load %arg18[%get3A_580, %get3A_581] {strides = array<i32>} : memref<80x128xf32, #tpu.memory_space<vmem>>, vector<1x16xf32>,
        %get3A_583 = vector.shape_cast %get3A_582 : vector<1x16xf32> to vector<16xf32>
        %get3A_584 = arith.index_cast %scan3A_509 : i32 to index
        %get3A_585 = arith.constant 80 : index
        %get3A_586 = tpu.vector_load %arg20[%get3A_584, %get3A_585] {strides = array<i32>} : memref<80x128xf32, #tpu.memory_space<vmem>>, vector<1x16xf32>,
        %get3A_587 = vector.shape_cast %get3A_586 : vector<1x16xf32> to vector<16xf32>
        %mul3A_588 = arith.mulf %get3A_583, %get3A_587 : vector<16xf32>
        %swap3A_589 = arith.index_cast %scan3A_509 : i32 to index
        %swap3A_590 = arith.constant 80 : index
        %swap3A_591 = tpu.vector_load %arg18[%swap3A_589, %swap3A_590] {strides = array<i32>} : memref<80x128xf32, #tpu.memory_space<vmem>>, vector<1x16xf32>,
        %swap3A_592 = vector.shape_cast %swap3A_591 : vector<1x16xf32> to vector<16xf32>
        %swap3A_593 = vector.shape_cast %mul3A_588 : vector<16xf32> to vector<1x16xf32>
        tpu.vector_store %arg18[%swap3A_589, %swap3A_590], %swap3A_593 {strides = array<i32>} : memref<80x128xf32, #tpu.memory_space<vmem>>, vector<1x16xf32>,
        %get3A_594 = arith.index_cast %scan3A_509 : i32 to index
        %get3A_595 = arith.constant 96 : index
        %get3A_596 = tpu.vector_load %arg18[%get3A_594, %get3A_595] {strides = array<i32>} : memref<80x128xf32, #tpu.memory_space<vmem>>, vector<1x16xf32>,
        %get3A_597 = vector.shape_cast %get3A_596 : vector<1x16xf32> to vector<16xf32>
        %get3A_598 = arith.index_cast %scan3A_509 : i32 to index
        %get3A_599 = arith.constant 96 : index
        %get3A_600 = tpu.vector_load %arg20[%get3A_598, %get3A_599] {strides = array<i32>} : memref<80x128xf32, #tpu.memory_space<vmem>>, vector<1x16xf32>,
        %get3A_601 = vector.shape_cast %get3A_600 : vector<1x16xf32> to vector<16xf32>
        %mul3A_602 = arith.mulf %get3A_597, %get3A_601 : vector<16xf32>
        %swap3A_603 = arith.index_cast %scan3A_509 : i32 to index
        %swap3A_604 = arith.constant 96 : index
        %swap3A_605 = tpu.vector_load %arg18[%swap3A_603, %swap3A_604] {strides = array<i32>} : memref<80x128xf32, #tpu.memory_space<vmem>>, vector<1x16xf32>,
        %swap3A_606 = vector.shape_cast %swap3A_605 : vector<1x16xf32> to vector<16xf32>
        %swap3A_607 = vector.shape_cast %mul3A_602 : vector<16xf32> to vector<1x16xf32>
        tpu.vector_store %arg18[%swap3A_603, %swap3A_604], %swap3A_607 {strides = array<i32>} : memref<80x128xf32, #tpu.memory_space<vmem>>, vector<1x16xf32>,
        %get3A_608 = arith.index_cast %scan3A_509 : i32 to index
        %get3A_609 = arith.constant 112 : index
        %get3A_610 = tpu.vector_load %arg18[%get3A_608, %get3A_609] {strides = array<i32>} : memref<80x128xf32, #tpu.memory_space<vmem>>, vector<1x16xf32>,
        %get3A_611 = vector.shape_cast %get3A_610 : vector<1x16xf32> to vector<16xf32>
        %get3A_612 = arith.index_cast %scan3A_509 : i32 to index
        %get3A_613 = arith.constant 112 : index
        %get3A_614 = tpu.vector_load %arg20[%get3A_612, %get3A_613] {strides = array<i32>} : memref<80x128xf32, #tpu.memory_space<vmem>>, vector<1x16xf32>,
        %get3A_615 = vector.shape_cast %get3A_614 : vector<1x16xf32> to vector<16xf32>
        %mul3A_616 = arith.mulf %get3A_611, %get3A_615 : vector<16xf32>
        %swap3A_617 = arith.index_cast %scan3A_509 : i32 to index
        %swap3A_618 = arith.constant 112 : index
        %swap3A_619 = tpu.vector_load %arg18[%swap3A_617, %swap3A_618] {strides = array<i32>} : memref<80x128xf32, #tpu.memory_space<vmem>>, vector<1x16xf32>,
        %swap3A_620 = vector.shape_cast %swap3A_619 : vector<1x16xf32> to vector<16xf32>
        %swap3A_621 = vector.shape_cast %mul3A_616 : vector<16xf32> to vector<1x16xf32>
        tpu.vector_store %arg18[%swap3A_617, %swap3A_618], %swap3A_621 {strides = array<i32>} : memref<80x128xf32, #tpu.memory_space<vmem>>, vector<1x16xf32>,
      }
      %scan3A_499 = arith.constant 80 : i32
      %dma_start3A_500 = arith.constant 0 : i32
      %dma_start3A_501 = arith.constant 0 : i32
      %dma_start3A_502 = tpu.memref_slice %arg8[%dma_start3A_500, %dma_start3A_501] : memref<10000x128xf32, #tpu.memory_space<vmem_shared>> -> memref<10000x128xf32, #tpu.memory_space<vmem_shared>>
      tpu.enqueue_indirect_dma source(%arg18 : memref<80x128xf32, #tpu.memory_space<vmem>>) target(%dma_start3A_502 : memref<10000x128xf32, #tpu.memory_space<vmem_shared>>) offsets(%arg15 : memref<80xi32, #tpu.memory_space<vmem>>) semaphore(%arg26 : memref<!tpu.dma_semaphore, #tpu.memory_space<semaphore_mem>>) {add = true}
      %dma_wait3A_503 = arith.constant 0 : i32
      %dma_wait3A_504 = arith.constant 0 : i32
      %dma_wait3A_505 = tpu.memref_slice %arg8[%dma_wait3A_503, %dma_wait3A_504] : memref<10000x128xf32, #tpu.memory_space<vmem_shared>> -> memref<10000x128xf32, #tpu.memory_space<vmem_shared>>
      tpu.wait_indirect_dma semaphore(%arg25 : memref<!tpu.dma_semaphore, #tpu.memory_space<semaphore_mem>>) src(%arg17 : memref<80x128xf32, #tpu.memory_space<vmem>>) dst(%dma_wait3A_505 : memref<10000x128xf32, #tpu.memory_space<vmem_shared>>)
      %dma_wait3A_506 = arith.constant 0 : i32
      %dma_wait3A_507 = arith.constant 0 : i32
      %dma_wait3A_508 = tpu.memref_slice %arg8[%dma_wait3A_506, %dma_wait3A_507] : memref<10000x128xf32, #tpu.memory_space<vmem_shared>> -> memref<10000x128xf32, #tpu.memory_space<vmem_shared>>
      tpu.wait_indirect_dma semaphore(%arg26 : memref<!tpu.dma_semaphore, #tpu.memory_space<semaphore_mem>>) src(%arg18 : memref<80x128xf32, #tpu.memory_space<vmem>>) dst(%dma_wait3A_508 : memref<10000x128xf32, #tpu.memory_space<vmem_shared>>)
    }
    %scan3A_16 = arith.constant 62 : i32
    %add3A_17 = arith.constant 9920 : i32
    %add3A_18 = arith.addi %add3A, %add3A_17 : i32
    %dma_start3A = tpu.memref_slice %arg4[%add3A_18] : memref<320000xi32, #tpu.memory_space<hbm>> -> memref<80xi32, #tpu.memory_space<hbm>>
    %dma_start3A_19 = tpu.memref_slice %arg4[%add3A_18] : memref<320000xi32, #tpu.memory_space<hbm>> -> memref<80xi32, #tpu.memory_space<hbm>>
    tpu.enqueue_dma source(%dma_start3A_19 : memref<80xi32, #tpu.memory_space<hbm>>) target(%arg9 : memref<80xi32, #tpu.memory_space<vmem>>) target_semaphore(%arg22 : memref<!tpu.dma_semaphore, #tpu.memory_space<semaphore_mem>>)
    %dma_start3A_20 = tpu.memref_slice %arg5[%add3A_18] : memref<320000xi32, #tpu.memory_space<hbm>> -> memref<80xi32, #tpu.memory_space<hbm>>
    %dma_start3A_21 = tpu.memref_slice %arg5[%add3A_18] : memref<320000xi32, #tpu.memory_space<hbm>> -> memref<80xi32, #tpu.memory_space<hbm>>
    tpu.enqueue_dma source(%dma_start3A_21 : memref<80xi32, #tpu.memory_space<hbm>>) target(%arg10 : memref<80xi32, #tpu.memory_space<vmem>>) target_semaphore(%arg22 : memref<!tpu.dma_semaphore, #tpu.memory_space<semaphore_mem>>)
    %dma_start3A_22 = tpu.memref_slice %arg6[%add3A_18] : memref<320000xi32, #tpu.memory_space<hbm>> -> memref<80xi32, #tpu.memory_space<hbm>>
    %dma_start3A_23 = tpu.memref_slice %arg6[%add3A_18] : memref<320000xi32, #tpu.memory_space<hbm>> -> memref<80xi32, #tpu.memory_space<hbm>>
    tpu.enqueue_dma source(%dma_start3A_23 : memref<80xi32, #tpu.memory_space<hbm>>) target(%arg11 : memref<80xi32, #tpu.memory_space<vmem>>) target_semaphore(%arg22 : memref<!tpu.dma_semaphore, #tpu.memory_space<semaphore_mem>>)
    %dma_wait3A = tpu.memref_slice %arg4[%add3A_18] : memref<320000xi32, #tpu.memory_space<hbm>> -> memref<80xi32, #tpu.memory_space<hbm>>
    %dma_wait3A_24 = tpu.memref_slice %arg4[%add3A_18] : memref<320000xi32, #tpu.memory_space<hbm>> -> memref<80xi32, #tpu.memory_space<hbm>>
    tpu.wait_dma2 semaphore(%arg22 : memref<!tpu.dma_semaphore, #tpu.memory_space<semaphore_mem>>) src(%dma_wait3A_24 : memref<80xi32, #tpu.memory_space<hbm>>) dst(%arg9 : memref<80xi32, #tpu.memory_space<vmem>>)
    %dma_wait3A_25 = tpu.memref_slice %arg5[%add3A_18] : memref<320000xi32, #tpu.memory_space<hbm>> -> memref<80xi32, #tpu.memory_space<hbm>>
    %dma_wait3A_26 = tpu.memref_slice %arg5[%add3A_18] : memref<320000xi32, #tpu.memory_space<hbm>> -> memref<80xi32, #tpu.memory_space<hbm>>
    tpu.wait_dma2 semaphore(%arg22 : memref<!tpu.dma_semaphore, #tpu.memory_space<semaphore_mem>>) src(%dma_wait3A_26 : memref<80xi32, #tpu.memory_space<hbm>>) dst(%arg10 : memref<80xi32, #tpu.memory_space<vmem>>)
    %dma_wait3A_27 = tpu.memref_slice %arg6[%add3A_18] : memref<320000xi32, #tpu.memory_space<hbm>> -> memref<80xi32, #tpu.memory_space<hbm>>
    %dma_wait3A_28 = tpu.memref_slice %arg6[%add3A_18] : memref<320000xi32, #tpu.memory_space<hbm>> -> memref<80xi32, #tpu.memory_space<hbm>>
    tpu.wait_dma2 semaphore(%arg22 : memref<!tpu.dma_semaphore, #tpu.memory_space<semaphore_mem>>) src(%dma_wait3A_28 : memref<80xi32, #tpu.memory_space<hbm>>) dst(%arg11 : memref<80xi32, #tpu.memory_space<vmem>>)
    %get3A = arith.constant 0 : index
    %get3A_29 = tpu.vector_load %arg9[%get3A] {strides = array<i32>} : memref<80xi32, #tpu.memory_space<vmem>>, vector<16xi32>,
    %get3A_30 = vector.shape_cast %get3A_29 : vector<16xi32> to vector<16xi32>
    %mul3A_31 = arith.constant 10000 : i32
    %mul3A_32 = vector.broadcast %mul3A_31 : i32 to vector<16xi32>
    %mul3A_33 = arith.muli %get3A_30, %mul3A_32 : vector<16xi32>
    %get3A_34 = arith.constant 0 : index
    %get3A_35 = tpu.vector_load %arg10[%get3A_34] {strides = array<i32>} : memref<80xi32, #tpu.memory_space<vmem>>, vector<16xi32>,
    %get3A_36 = vector.shape_cast %get3A_35 : vector<16xi32> to vector<16xi32>
    %add3A_37 = arith.addi %mul3A_33, %get3A_36 : vector<16xi32>
    %swap3A = arith.constant 0 : index
    %swap3A_38 = tpu.vector_load %arg10[%swap3A] {strides = array<i32>} : memref<80xi32, #tpu.memory_space<vmem>>, vector<16xi32>,
    %swap3A_39 = vector.shape_cast %swap3A_38 : vector<16xi32> to vector<16xi32>
    %swap3A_40 = vector.shape_cast %add3A_37 : vector<16xi32> to vector<16xi32>
    tpu.vector_store %arg10[%swap3A], %swap3A_40 {strides = array<i32>} : memref<80xi32, #tpu.memory_space<vmem>>, vector<16xi32>,
    %get3A_41 = arith.constant 0 : index
    %get3A_42 = tpu.vector_load %arg11[%get3A_41] {strides = array<i32>} : memref<80xi32, #tpu.memory_space<vmem>>, vector<16xi32>,
    %get3A_43 = vector.shape_cast %get3A_42 : vector<16xi32> to vector<16xi32>
    %mul3A_44 = arith.constant 8 : i32
    %mul3A_45 = vector.broadcast %mul3A_44 : i32 to vector<16xi32>
    %mul3A_46 = arith.muli %get3A_43, %mul3A_45 : vector<16xi32>
    %add3A_47 = arith.addi %mul3A_46, %get3A_30 : vector<16xi32>
    %swap3A_48 = arith.constant 0 : index
    %swap3A_49 = tpu.vector_load %arg12[%swap3A_48] {strides = array<i32>} : memref<80xi32, #tpu.memory_space<vmem>>, vector<16xi32>,
    %swap3A_50 = vector.shape_cast %swap3A_49 : vector<16xi32> to vector<16xi32>
    %swap3A_51 = vector.shape_cast %add3A_47 : vector<16xi32> to vector<16xi32>
    tpu.vector_store %arg12[%swap3A_48], %swap3A_51 {strides = array<i32>} : memref<80xi32, #tpu.memory_space<vmem>>, vector<16xi32>,
    %get3A_52 = arith.constant 16 : index
    %get3A_53 = tpu.vector_load %arg9[%get3A_52] {strides = array<i32>} : memref<80xi32, #tpu.memory_space<vmem>>, vector<16xi32>,
    %get3A_54 = vector.shape_cast %get3A_53 : vector<16xi32> to vector<16xi32>
    %mul3A_55 = arith.constant 10000 : i32
    %mul3A_56 = vector.broadcast %mul3A_55 : i32 to vector<16xi32>
    %mul3A_57 = arith.muli %get3A_54, %mul3A_56 : vector<16xi32>
    %get3A_58 = arith.constant 16 : index
    %get3A_59 = tpu.vector_load %arg10[%get3A_58] {strides = array<i32>} : memref<80xi32, #tpu.memory_space<vmem>>, vector<16xi32>,
    %get3A_60 = vector.shape_cast %get3A_59 : vector<16xi32> to vector<16xi32>
    %add3A_61 = arith.addi %mul3A_57, %get3A_60 : vector<16xi32>
    %swap3A_62 = arith.constant 16 : index
    %swap3A_63 = tpu.vector_load %arg10[%swap3A_62] {strides = array<i32>} : memref<80xi32, #tpu.memory_space<vmem>>, vector<16xi32>,
    %swap3A_64 = vector.shape_cast %swap3A_63 : vector<16xi32> to vector<16xi32>
    %swap3A_65 = vector.shape_cast %add3A_61 : vector<16xi32> to vector<16xi32>
    tpu.vector_store %arg10[%swap3A_62], %swap3A_65 {strides = array<i32>} : memref<80xi32, #tpu.memory_space<vmem>>, vector<16xi32>,
    %get3A_66 = arith.constant 16 : index
    %get3A_67 = tpu.vector_load %arg11[%get3A_66] {strides = array<i32>} : memref<80xi32, #tpu.memory_space<vmem>>, vector<16xi32>,
    %get3A_68 = vector.shape_cast %get3A_67 : vector<16xi32> to vector<16xi32>
    %mul3A_69 = arith.constant 8 : i32
    %mul3A_70 = vector.broadcast %mul3A_69 : i32 to vector<16xi32>
    %mul3A_71 = arith.muli %get3A_68, %mul3A_70 : vector<16xi32>
    %add3A_72 = arith.addi %mul3A_71, %get3A_54 : vector<16xi32>
    %swap3A_73 = arith.constant 16 : index
    %swap3A_74 = tpu.vector_load %arg12[%swap3A_73] {strides = array<i32>} : memref<80xi32, #tpu.memory_space<vmem>>, vector<16xi32>,
    %swap3A_75 = vector.shape_cast %swap3A_74 : vector<16xi32> to vector<16xi32>
    %swap3A_76 = vector.shape_cast %add3A_72 : vector<16xi32> to vector<16xi32>
    tpu.vector_store %arg12[%swap3A_73], %swap3A_76 {strides = array<i32>} : memref<80xi32, #tpu.memory_space<vmem>>, vector<16xi32>,
    %get3A_77 = arith.constant 32 : index
    %get3A_78 = tpu.vector_load %arg9[%get3A_77] {strides = array<i32>} : memref<80xi32, #tpu.memory_space<vmem>>, vector<16xi32>,
    %get3A_79 = vector.shape_cast %get3A_78 : vector<16xi32> to vector<16xi32>
    %mul3A_80 = arith.constant 10000 : i32
    %mul3A_81 = vector.broadcast %mul3A_80 : i32 to vector<16xi32>
    %mul3A_82 = arith.muli %get3A_79, %mul3A_81 : vector<16xi32>
    %get3A_83 = arith.constant 32 : index
    %get3A_84 = tpu.vector_load %arg10[%get3A_83] {strides = array<i32>} : memref<80xi32, #tpu.memory_space<vmem>>, vector<16xi32>,
    %get3A_85 = vector.shape_cast %get3A_84 : vector<16xi32> to vector<16xi32>
    %add3A_86 = arith.addi %mul3A_82, %get3A_85 : vector<16xi32>
    %swap3A_87 = arith.constant 32 : index
    %swap3A_88 = tpu.vector_load %arg10[%swap3A_87] {strides = array<i32>} : memref<80xi32, #tpu.memory_space<vmem>>, vector<16xi32>,
    %swap3A_89 = vector.shape_cast %swap3A_88 : vector<16xi32> to vector<16xi32>
    %swap3A_90 = vector.shape_cast %add3A_86 : vector<16xi32> to vector<16xi32>
    tpu.vector_store %arg10[%swap3A_87], %swap3A_90 {strides = array<i32>} : memref<80xi32, #tpu.memory_space<vmem>>, vector<16xi32>,
    %get3A_91 = arith.constant 32 : index
    %get3A_92 = tpu.vector_load %arg11[%get3A_91] {strides = array<i32>} : memref<80xi32, #tpu.memory_space<vmem>>, vector<16xi32>,
    %get3A_93 = vector.shape_cast %get3A_92 : vector<16xi32> to vector<16xi32>
    %mul3A_94 = arith.constant 8 : i32
    %mul3A_95 = vector.broadcast %mul3A_94 : i32 to vector<16xi32>
    %mul3A_96 = arith.muli %get3A_93, %mul3A_95 : vector<16xi32>
    %add3A_97 = arith.addi %mul3A_96, %get3A_79 : vector<16xi32>
    %swap3A_98 = arith.constant 32 : index
    %swap3A_99 = tpu.vector_load %arg12[%swap3A_98] {strides = array<i32>} : memref<80xi32, #tpu.memory_space<vmem>>, vector<16xi32>,
    %swap3A_100 = vector.shape_cast %swap3A_99 : vector<16xi32> to vector<16xi32>
    %swap3A_101 = vector.shape_cast %add3A_97 : vector<16xi32> to vector<16xi32>
    tpu.vector_store %arg12[%swap3A_98], %swap3A_101 {strides = array<i32>} : memref<80xi32, #tpu.memory_space<vmem>>, vector<16xi32>,
    %get3A_102 = arith.constant 48 : index
    %get3A_103 = tpu.vector_load %arg9[%get3A_102] {strides = array<i32>} : memref<80xi32, #tpu.memory_space<vmem>>, vector<16xi32>,
    %get3A_104 = vector.shape_cast %get3A_103 : vector<16xi32> to vector<16xi32>
    %mul3A_105 = arith.constant 10000 : i32
    %mul3A_106 = vector.broadcast %mul3A_105 : i32 to vector<16xi32>
    %mul3A_107 = arith.muli %get3A_104, %mul3A_106 : vector<16xi32>
    %get3A_108 = arith.constant 48 : index
    %get3A_109 = tpu.vector_load %arg10[%get3A_108] {strides = array<i32>} : memref<80xi32, #tpu.memory_space<vmem>>, vector<16xi32>,
    %get3A_110 = vector.shape_cast %get3A_109 : vector<16xi32> to vector<16xi32>
    %add3A_111 = arith.addi %mul3A_107, %get3A_110 : vector<16xi32>
    %swap3A_112 = arith.constant 48 : index
    %swap3A_113 = tpu.vector_load %arg10[%swap3A_112] {strides = array<i32>} : memref<80xi32, #tpu.memory_space<vmem>>, vector<16xi32>,
    %swap3A_114 = vector.shape_cast %swap3A_113 : vector<16xi32> to vector<16xi32>
    %swap3A_115 = vector.shape_cast %add3A_111 : vector<16xi32> to vector<16xi32>
    tpu.vector_store %arg10[%swap3A_112], %swap3A_115 {strides = array<i32>} : memref<80xi32, #tpu.memory_space<vmem>>, vector<16xi32>,
    %get3A_116 = arith.constant 48 : index
    %get3A_117 = tpu.vector_load %arg11[%get3A_116] {strides = array<i32>} : memref<80xi32, #tpu.memory_space<vmem>>, vector<16xi32>,
    %get3A_118 = vector.shape_cast %get3A_117 : vector<16xi32> to vector<16xi32>
    %mul3A_119 = arith.constant 8 : i32
    %mul3A_120 = vector.broadcast %mul3A_119 : i32 to vector<16xi32>
    %mul3A_121 = arith.muli %get3A_118, %mul3A_120 : vector<16xi32>
    %add3A_122 = arith.addi %mul3A_121, %get3A_104 : vector<16xi32>
    %swap3A_123 = arith.constant 48 : index
    %swap3A_124 = tpu.vector_load %arg12[%swap3A_123] {strides = array<i32>} : memref<80xi32, #tpu.memory_space<vmem>>, vector<16xi32>,
    %swap3A_125 = vector.shape_cast %swap3A_124 : vector<16xi32> to vector<16xi32>
    %swap3A_126 = vector.shape_cast %add3A_122 : vector<16xi32> to vector<16xi32>
    tpu.vector_store %arg12[%swap3A_123], %swap3A_126 {strides = array<i32>} : memref<80xi32, #tpu.memory_space<vmem>>, vector<16xi32>,
    %get3A_127 = arith.constant 64 : index
    %get3A_128 = tpu.vector_load %arg9[%get3A_127] {strides = array<i32>} : memref<80xi32, #tpu.memory_space<vmem>>, vector<16xi32>,
    %get3A_129 = vector.shape_cast %get3A_128 : vector<16xi32> to vector<16xi32>
    %mul3A_130 = arith.constant 10000 : i32
    %mul3A_131 = vector.broadcast %mul3A_130 : i32 to vector<16xi32>
    %mul3A_132 = arith.muli %get3A_129, %mul3A_131 : vector<16xi32>
    %get3A_133 = arith.constant 64 : index
    %get3A_134 = tpu.vector_load %arg10[%get3A_133] {strides = array<i32>} : memref<80xi32, #tpu.memory_space<vmem>>, vector<16xi32>,
    %get3A_135 = vector.shape_cast %get3A_134 : vector<16xi32> to vector<16xi32>
    %add3A_136 = arith.addi %mul3A_132, %get3A_135 : vector<16xi32>
    %swap3A_137 = arith.constant 64 : index
    %swap3A_138 = tpu.vector_load %arg10[%swap3A_137] {strides = array<i32>} : memref<80xi32, #tpu.memory_space<vmem>>, vector<16xi32>,
    %swap3A_139 = vector.shape_cast %swap3A_138 : vector<16xi32> to vector<16xi32>
    %swap3A_140 = vector.shape_cast %add3A_136 : vector<16xi32> to vector<16xi32>
    tpu.vector_store %arg10[%swap3A_137], %swap3A_140 {strides = array<i32>} : memref<80xi32, #tpu.memory_space<vmem>>, vector<16xi32>,
    %get3A_141 = arith.constant 64 : index
    %get3A_142 = tpu.vector_load %arg11[%get3A_141] {strides = array<i32>} : memref<80xi32, #tpu.memory_space<vmem>>, vector<16xi32>,
    %get3A_143 = vector.shape_cast %get3A_142 : vector<16xi32> to vector<16xi32>
    %mul3A_144 = arith.constant 8 : i32
    %mul3A_145 = vector.broadcast %mul3A_144 : i32 to vector<16xi32>
    %mul3A_146 = arith.muli %get3A_143, %mul3A_145 : vector<16xi32>
    %add3A_147 = arith.addi %mul3A_146, %get3A_129 : vector<16xi32>
    %swap3A_148 = arith.constant 64 : index
    %swap3A_149 = tpu.vector_load %arg12[%swap3A_148] {strides = array<i32>} : memref<80xi32, #tpu.memory_space<vmem>>, vector<16xi32>,
    %swap3A_150 = vector.shape_cast %swap3A_149 : vector<16xi32> to vector<16xi32>
    %swap3A_151 = vector.shape_cast %add3A_147 : vector<16xi32> to vector<16xi32>
    tpu.vector_store %arg12[%swap3A_148], %swap3A_151 {strides = array<i32>} : memref<80xi32, #tpu.memory_space<vmem>>, vector<16xi32>,
    %dma_start3A_152 = arith.constant 0 : i32
    %dma_start3A_153 = arith.constant 0 : i32
    %dma_start3A_154 = tpu.memref_slice %arg2[%dma_start3A_152, %dma_start3A_153] : memref<80000x128xf32, #tpu.memory_space<hbm>> -> memref<80000x128xf32, #tpu.memory_space<hbm>>
    tpu.enqueue_indirect_dma source(%dma_start3A_154 : memref<80000x128xf32, #tpu.memory_space<hbm>>) target(%arg17 : memref<80x128xf32, #tpu.memory_space<vmem>>) offsets(%arg10 : memref<80xi32, #tpu.memory_space<vmem>>) semaphore(%arg23 : memref<!tpu.dma_semaphore, #tpu.memory_space<semaphore_mem>>)
    %dma_start3A_155 = arith.constant 0 : i32
    %dma_start3A_156 = arith.constant 0 : i32
    %dma_start3A_157 = tpu.memref_slice %arg3[%dma_start3A_155, %dma_start3A_156] : memref<80000x128xf32, #tpu.memory_space<hbm>> -> memref<80000x128xf32, #tpu.memory_space<hbm>>
    tpu.enqueue_indirect_dma source(%dma_start3A_157 : memref<80000x128xf32, #tpu.memory_space<hbm>>) target(%arg19 : memref<80x128xf32, #tpu.memory_space<vmem>>) offsets(%arg12 : memref<80xi32, #tpu.memory_space<vmem>>) semaphore(%arg23 : memref<!tpu.dma_semaphore, #tpu.memory_space<semaphore_mem>>)
    %dma_wait3A_158 = arith.constant 0 : i32
    %dma_wait3A_159 = arith.constant 0 : i32
    %dma_wait3A_160 = tpu.memref_slice %arg2[%dma_wait3A_158, %dma_wait3A_159] : memref<80000x128xf32, #tpu.memory_space<hbm>> -> memref<80000x128xf32, #tpu.memory_space<hbm>>
    tpu.wait_indirect_dma semaphore(%arg23 : memref<!tpu.dma_semaphore, #tpu.memory_space<semaphore_mem>>) src(%dma_wait3A_160 : memref<80000x128xf32, #tpu.memory_space<hbm>>) dst(%arg17 : memref<80x128xf32, #tpu.memory_space<vmem>>)
    %dma_wait3A_161 = arith.constant 0 : i32
    %dma_wait3A_162 = arith.constant 0 : i32
    %dma_wait3A_163 = tpu.memref_slice %arg3[%dma_wait3A_161, %dma_wait3A_162] : memref<80000x128xf32, #tpu.memory_space<hbm>> -> memref<80000x128xf32, #tpu.memory_space<hbm>>
    tpu.wait_indirect_dma semaphore(%arg23 : memref<!tpu.dma_semaphore, #tpu.memory_space<semaphore_mem>>) src(%dma_wait3A_163 : memref<80000x128xf32, #tpu.memory_space<hbm>>) dst(%arg19 : memref<80x128xf32, #tpu.memory_space<vmem>>)
    %scan3A_164 = arith.constant 0 : i32
    %scan3A_165 = arith.constant 80 : i32
    %scan3A_166 = arith.addi %scan3A_164, %scan3A_165 : i32
    %scan3A_167 = arith.constant 1 : i32
    scf.for %scan3A_181 = %scan3A_164 to %scan3A_166 step %scan3A_167  : i32 {
      %get3A_182 = arith.index_cast %scan3A_181 : i32 to index
      %get3A_183 = arith.constant 0 : index
      %get3A_184 = tpu.vector_load %arg17[%get3A_182, %get3A_183] {strides = array<i32>} : memref<80x128xf32, #tpu.memory_space<vmem>>, vector<1x16xf32>,
      %get3A_185 = vector.shape_cast %get3A_184 : vector<1x16xf32> to vector<16xf32>
      %get3A_186 = arith.index_cast %scan3A_181 : i32 to index
      %get3A_187 = arith.constant 0 : index
      %get3A_188 = tpu.vector_load %arg19[%get3A_186, %get3A_187] {strides = array<i32>} : memref<80x128xf32, #tpu.memory_space<vmem>>, vector<1x16xf32>,
      %get3A_189 = vector.shape_cast %get3A_188 : vector<1x16xf32> to vector<16xf32>
      %mul3A_190 = arith.mulf %get3A_185, %get3A_189 : vector<16xf32>
      %swap3A_191 = arith.index_cast %scan3A_181 : i32 to index
      %swap3A_192 = arith.constant 0 : index
      %swap3A_193 = tpu.vector_load %arg17[%swap3A_191, %swap3A_192] {strides = array<i32>} : memref<80x128xf32, #tpu.memory_space<vmem>>, vector<1x16xf32>,
      %swap3A_194 = vector.shape_cast %swap3A_193 : vector<1x16xf32> to vector<16xf32>
      %swap3A_195 = vector.shape_cast %mul3A_190 : vector<16xf32> to vector<1x16xf32>
      tpu.vector_store %arg17[%swap3A_191, %swap3A_192], %swap3A_195 {strides = array<i32>} : memref<80x128xf32, #tpu.memory_space<vmem>>, vector<1x16xf32>,
      %get3A_196 = arith.index_cast %scan3A_181 : i32 to index
      %get3A_197 = arith.constant 16 : index
      %get3A_198 = tpu.vector_load %arg17[%get3A_196, %get3A_197] {strides = array<i32>} : memref<80x128xf32, #tpu.memory_space<vmem>>, vector<1x16xf32>,
      %get3A_199 = vector.shape_cast %get3A_198 : vector<1x16xf32> to vector<16xf32>
      %get3A_200 = arith.index_cast %scan3A_181 : i32 to index
      %get3A_201 = arith.constant 16 : index
      %get3A_202 = tpu.vector_load %arg19[%get3A_200, %get3A_201] {strides = array<i32>} : memref<80x128xf32, #tpu.memory_space<vmem>>, vector<1x16xf32>,
      %get3A_203 = vector.shape_cast %get3A_202 : vector<1x16xf32> to vector<16xf32>
      %mul3A_204 = arith.mulf %get3A_199, %get3A_203 : vector<16xf32>
      %swap3A_205 = arith.index_cast %scan3A_181 : i32 to index
      %swap3A_206 = arith.constant 16 : index
      %swap3A_207 = tpu.vector_load %arg17[%swap3A_205, %swap3A_206] {strides = array<i32>} : memref<80x128xf32, #tpu.memory_space<vmem>>, vector<1x16xf32>,
      %swap3A_208 = vector.shape_cast %swap3A_207 : vector<1x16xf32> to vector<16xf32>
      %swap3A_209 = vector.shape_cast %mul3A_204 : vector<16xf32> to vector<1x16xf32>
      tpu.vector_store %arg17[%swap3A_205, %swap3A_206], %swap3A_209 {strides = array<i32>} : memref<80x128xf32, #tpu.memory_space<vmem>>, vector<1x16xf32>,
      %get3A_210 = arith.index_cast %scan3A_181 : i32 to index
      %get3A_211 = arith.constant 32 : index
      %get3A_212 = tpu.vector_load %arg17[%get3A_210, %get3A_211] {strides = array<i32>} : memref<80x128xf32, #tpu.memory_space<vmem>>, vector<1x16xf32>,
      %get3A_213 = vector.shape_cast %get3A_212 : vector<1x16xf32> to vector<16xf32>
      %get3A_214 = arith.index_cast %scan3A_181 : i32 to index
      %get3A_215 = arith.constant 32 : index
      %get3A_216 = tpu.vector_load %arg19[%get3A_214, %get3A_215] {strides = array<i32>} : memref<80x128xf32, #tpu.memory_space<vmem>>, vector<1x16xf32>,
      %get3A_217 = vector.shape_cast %get3A_216 : vector<1x16xf32> to vector<16xf32>
      %mul3A_218 = arith.mulf %get3A_213, %get3A_217 : vector<16xf32>
      %swap3A_219 = arith.index_cast %scan3A_181 : i32 to index
      %swap3A_220 = arith.constant 32 : index
      %swap3A_221 = tpu.vector_load %arg17[%swap3A_219, %swap3A_220] {strides = array<i32>} : memref<80x128xf32, #tpu.memory_space<vmem>>, vector<1x16xf32>,
      %swap3A_222 = vector.shape_cast %swap3A_221 : vector<1x16xf32> to vector<16xf32>
      %swap3A_223 = vector.shape_cast %mul3A_218 : vector<16xf32> to vector<1x16xf32>
      tpu.vector_store %arg17[%swap3A_219, %swap3A_220], %swap3A_223 {strides = array<i32>} : memref<80x128xf32, #tpu.memory_space<vmem>>, vector<1x16xf32>,
      %get3A_224 = arith.index_cast %scan3A_181 : i32 to index
      %get3A_225 = arith.constant 48 : index
      %get3A_226 = tpu.vector_load %arg17[%get3A_224, %get3A_225] {strides = array<i32>} : memref<80x128xf32, #tpu.memory_space<vmem>>, vector<1x16xf32>,
      %get3A_227 = vector.shape_cast %get3A_226 : vector<1x16xf32> to vector<16xf32>
      %get3A_228 = arith.index_cast %scan3A_181 : i32 to index
      %get3A_229 = arith.constant 48 : index
      %get3A_230 = tpu.vector_load %arg19[%get3A_228, %get3A_229] {strides = array<i32>} : memref<80x128xf32, #tpu.memory_space<vmem>>, vector<1x16xf32>,
      %get3A_231 = vector.shape_cast %get3A_230 : vector<1x16xf32> to vector<16xf32>
      %mul3A_232 = arith.mulf %get3A_227, %get3A_231 : vector<16xf32>
      %swap3A_233 = arith.index_cast %scan3A_181 : i32 to index
      %swap3A_234 = arith.constant 48 : index
      %swap3A_235 = tpu.vector_load %arg17[%swap3A_233, %swap3A_234] {strides = array<i32>} : memref<80x128xf32, #tpu.memory_space<vmem>>, vector<1x16xf32>,
      %swap3A_236 = vector.shape_cast %swap3A_235 : vector<1x16xf32> to vector<16xf32>
      %swap3A_237 = vector.shape_cast %mul3A_232 : vector<16xf32> to vector<1x16xf32>
      tpu.vector_store %arg17[%swap3A_233, %swap3A_234], %swap3A_237 {strides = array<i32>} : memref<80x128xf32, #tpu.memory_space<vmem>>, vector<1x16xf32>,
      %get3A_238 = arith.index_cast %scan3A_181 : i32 to index
      %get3A_239 = arith.constant 64 : index
      %get3A_240 = tpu.vector_load %arg17[%get3A_238, %get3A_239] {strides = array<i32>} : memref<80x128xf32, #tpu.memory_space<vmem>>, vector<1x16xf32>,
      %get3A_241 = vector.shape_cast %get3A_240 : vector<1x16xf32> to vector<16xf32>
      %get3A_242 = arith.index_cast %scan3A_181 : i32 to index
      %get3A_243 = arith.constant 64 : index
      %get3A_244 = tpu.vector_load %arg19[%get3A_242, %get3A_243] {strides = array<i32>} : memref<80x128xf32, #tpu.memory_space<vmem>>, vector<1x16xf32>,
      %get3A_245 = vector.shape_cast %get3A_244 : vector<1x16xf32> to vector<16xf32>
      %mul3A_246 = arith.mulf %get3A_241, %get3A_245 : vector<16xf32>
      %swap3A_247 = arith.index_cast %scan3A_181 : i32 to index
      %swap3A_248 = arith.constant 64 : index
      %swap3A_249 = tpu.vector_load %arg17[%swap3A_247, %swap3A_248] {strides = array<i32>} : memref<80x128xf32, #tpu.memory_space<vmem>>, vector<1x16xf32>,
      %swap3A_250 = vector.shape_cast %swap3A_249 : vector<1x16xf32> to vector<16xf32>
      %swap3A_251 = vector.shape_cast %mul3A_246 : vector<16xf32> to vector<1x16xf32>
      tpu.vector_store %arg17[%swap3A_247, %swap3A_248], %swap3A_251 {strides = array<i32>} : memref<80x128xf32, #tpu.memory_space<vmem>>, vector<1x16xf32>,
      %get3A_252 = arith.index_cast %scan3A_181 : i32 to index
      %get3A_253 = arith.constant 80 : index
      %get3A_254 = tpu.vector_load %arg17[%get3A_252, %get3A_253] {strides = array<i32>} : memref<80x128xf32, #tpu.memory_space<vmem>>, vector<1x16xf32>,
      %get3A_255 = vector.shape_cast %get3A_254 : vector<1x16xf32> to vector<16xf32>
      %get3A_256 = arith.index_cast %scan3A_181 : i32 to index
      %get3A_257 = arith.constant 80 : index
      %get3A_258 = tpu.vector_load %arg19[%get3A_256, %get3A_257] {strides = array<i32>} : memref<80x128xf32, #tpu.memory_space<vmem>>, vector<1x16xf32>,
      %get3A_259 = vector.shape_cast %get3A_258 : vector<1x16xf32> to vector<16xf32>
      %mul3A_260 = arith.mulf %get3A_255, %get3A_259 : vector<16xf32>
      %swap3A_261 = arith.index_cast %scan3A_181 : i32 to index
      %swap3A_262 = arith.constant 80 : index
      %swap3A_263 = tpu.vector_load %arg17[%swap3A_261, %swap3A_262] {strides = array<i32>} : memref<80x128xf32, #tpu.memory_space<vmem>>, vector<1x16xf32>,
      %swap3A_264 = vector.shape_cast %swap3A_263 : vector<1x16xf32> to vector<16xf32>
      %swap3A_265 = vector.shape_cast %mul3A_260 : vector<16xf32> to vector<1x16xf32>
      tpu.vector_store %arg17[%swap3A_261, %swap3A_262], %swap3A_265 {strides = array<i32>} : memref<80x128xf32, #tpu.memory_space<vmem>>, vector<1x16xf32>,
      %get3A_266 = arith.index_cast %scan3A_181 : i32 to index
      %get3A_267 = arith.constant 96 : index
      %get3A_268 = tpu.vector_load %arg17[%get3A_266, %get3A_267] {strides = array<i32>} : memref<80x128xf32, #tpu.memory_space<vmem>>, vector<1x16xf32>,
      %get3A_269 = vector.shape_cast %get3A_268 : vector<1x16xf32> to vector<16xf32>
      %get3A_270 = arith.index_cast %scan3A_181 : i32 to index
      %get3A_271 = arith.constant 96 : index
      %get3A_272 = tpu.vector_load %arg19[%get3A_270, %get3A_271] {strides = array<i32>} : memref<80x128xf32, #tpu.memory_space<vmem>>, vector<1x16xf32>,
      %get3A_273 = vector.shape_cast %get3A_272 : vector<1x16xf32> to vector<16xf32>
      %mul3A_274 = arith.mulf %get3A_269, %get3A_273 : vector<16xf32>
      %swap3A_275 = arith.index_cast %scan3A_181 : i32 to index
      %swap3A_276 = arith.constant 96 : index
      %swap3A_277 = tpu.vector_load %arg17[%swap3A_275, %swap3A_276] {strides = array<i32>} : memref<80x128xf32, #tpu.memory_space<vmem>>, vector<1x16xf32>,
      %swap3A_278 = vector.shape_cast %swap3A_277 : vector<1x16xf32> to vector<16xf32>
      %swap3A_279 = vector.shape_cast %mul3A_274 : vector<16xf32> to vector<1x16xf32>
      tpu.vector_store %arg17[%swap3A_275, %swap3A_276], %swap3A_279 {strides = array<i32>} : memref<80x128xf32, #tpu.memory_space<vmem>>, vector<1x16xf32>,
      %get3A_280 = arith.index_cast %scan3A_181 : i32 to index
      %get3A_281 = arith.constant 112 : index
      %get3A_282 = tpu.vector_load %arg17[%get3A_280, %get3A_281] {strides = array<i32>} : memref<80x128xf32, #tpu.memory_space<vmem>>, vector<1x16xf32>,
      %get3A_283 = vector.shape_cast %get3A_282 : vector<1x16xf32> to vector<16xf32>
      %get3A_284 = arith.index_cast %scan3A_181 : i32 to index
      %get3A_285 = arith.constant 112 : index
      %get3A_286 = tpu.vector_load %arg19[%get3A_284, %get3A_285] {strides = array<i32>} : memref<80x128xf32, #tpu.memory_space<vmem>>, vector<1x16xf32>,
      %get3A_287 = vector.shape_cast %get3A_286 : vector<1x16xf32> to vector<16xf32>
      %mul3A_288 = arith.mulf %get3A_283, %get3A_287 : vector<16xf32>
      %swap3A_289 = arith.index_cast %scan3A_181 : i32 to index
      %swap3A_290 = arith.constant 112 : index
      %swap3A_291 = tpu.vector_load %arg17[%swap3A_289, %swap3A_290] {strides = array<i32>} : memref<80x128xf32, #tpu.memory_space<vmem>>, vector<1x16xf32>,
      %swap3A_292 = vector.shape_cast %swap3A_291 : vector<1x16xf32> to vector<16xf32>
      %swap3A_293 = vector.shape_cast %mul3A_288 : vector<16xf32> to vector<1x16xf32>
      tpu.vector_store %arg17[%swap3A_289, %swap3A_290], %swap3A_293 {strides = array<i32>} : memref<80x128xf32, #tpu.memory_space<vmem>>, vector<1x16xf32>,
    }
    %scan3A_168 = arith.constant 80 : i32
    %dma_start3A_169 = arith.constant 0 : i32
    %dma_start3A_170 = arith.constant 0 : i32
    %dma_start3A_171 = tpu.memref_slice %arg8[%dma_start3A_169, %dma_start3A_170] : memref<10000x128xf32, #tpu.memory_space<vmem_shared>> -> memref<10000x128xf32, #tpu.memory_space<vmem_shared>>
    tpu.enqueue_indirect_dma source(%arg17 : memref<80x128xf32, #tpu.memory_space<vmem>>) target(%dma_start3A_171 : memref<10000x128xf32, #tpu.memory_space<vmem_shared>>) offsets(%arg11 : memref<80xi32, #tpu.memory_space<vmem>>) semaphore(%arg25 : memref<!tpu.dma_semaphore, #tpu.memory_space<semaphore_mem>>) {add = true}
    %dma_wait3A_172 = arith.constant 0 : i32
    %dma_wait3A_173 = arith.constant 0 : i32
    %dma_wait3A_174 = tpu.memref_slice %arg8[%dma_wait3A_172, %dma_wait3A_173] : memref<10000x128xf32, #tpu.memory_space<vmem_shared>> -> memref<10000x128xf32, #tpu.memory_space<vmem_shared>>
    tpu.wait_indirect_dma semaphore(%arg25 : memref<!tpu.dma_semaphore, #tpu.memory_space<semaphore_mem>>) src(%arg17 : memref<80x128xf32, #tpu.memory_space<vmem>>) dst(%dma_wait3A_174 : memref<10000x128xf32, #tpu.memory_space<vmem_shared>>)
    %barrier3A_175 = arith.constant 0 : index
    tpu.barrier barrier_id(%barrier3A_175)
    %lt3A_176 = arith.constant 10 : i32
    %lt3A_177 = arith.cmpi slt, %arg1, %lt3A_176 : i32
    %convert_element_type3A_178 = arith.extui %lt3A_177 : i1 to i32
    %cond3A_179 = arith.constant 0 : i32
    %cond3A_180 = arith.cmpi ne, %convert_element_type3A_178, %cond3A_179 : i32
    scf.if %cond3A_180 {
      %scan3A_181 = arith.constant 0 : i32
      %scan3A_182 = arith.constant 25 : i32
      %scan3A_183 = arith.addi %scan3A_181, %scan3A_182 : i32
      %scan3A_184 = arith.constant 1 : i32
      scf.for %scan3A_186 = %scan3A_181 to %scan3A_183 step %scan3A_184  : i32 {
        %mul3A_187 = arith.constant 40 : i32
        %mul3A_188 = arith.muli %scan3A_186, %mul3A_187 : i32
        %add3A_189 = arith.addi %mul3A_5, %mul3A_188 : i32
        "tpu.region"() ({
          %run_scoped3A = tpu.sem_alloc : memref<!tpu.dma_semaphore, #tpu.memory_space<semaphore_mem>>
          %dma_start3A_190 = arith.constant 0 : i32
          %dma_start3A_191 = tpu.memref_slice %arg8[%add3A_189, %dma_start3A_190] : memref<10000x128xf32, #tpu.memory_space<vmem_shared>> -> memref<40x128xf32, #tpu.memory_space<vmem_shared>>
          %dma_start3A_192 = arith.constant 0 : i32
          %dma_start3A_193 = tpu.memref_slice %arg8[%add3A_189, %dma_start3A_192] : memref<10000x128xf32, #tpu.memory_space<vmem_shared>> -> memref<40x128xf32, #tpu.memory_space<vmem_shared>>
          tpu.enqueue_dma source(%dma_start3A_193 : memref<40x128xf32, #tpu.memory_space<vmem_shared>>) target(%arg21 : memref<40x128xf32, #tpu.memory_space<vmem>>) target_semaphore(%run_scoped3A : memref<!tpu.dma_semaphore, #tpu.memory_space<semaphore_mem>>)
          %dma_wait3A_194 = arith.constant 0 : i32
          %dma_wait3A_195 = tpu.memref_slice %arg8[%add3A_189, %dma_wait3A_194] : memref<10000x128xf32, #tpu.memory_space<vmem_shared>> -> memref<40x128xf32, #tpu.memory_space<vmem_shared>>
          %dma_wait3A_196 = arith.constant 0 : i32
          %dma_wait3A_197 = tpu.memref_slice %arg8[%add3A_189, %dma_wait3A_196] : memref<10000x128xf32, #tpu.memory_space<vmem_shared>> -> memref<40x128xf32, #tpu.memory_space<vmem_shared>>
          tpu.wait_dma2 semaphore(%run_scoped3A : memref<!tpu.dma_semaphore, #tpu.memory_space<semaphore_mem>>) src(%dma_wait3A_197 : memref<40x128xf32, #tpu.memory_space<vmem_shared>>) dst(%arg21 : memref<40x128xf32, #tpu.memory_space<vmem>>)
          tpu.yield
        }) : () -> ()
        "tpu.region"() ({
          %run_scoped3A = tpu.sem_alloc : memref<!tpu.dma_semaphore, #tpu.memory_space<semaphore_mem>>
          %dma_start3A_190 = arith.constant 0 : i32
          %dma_start3A_191 = tpu.memref_slice %arg7[%arg0, %add3A_189, %dma_start3A_190] : memref<2x10000x128xf32, #tpu.memory_space<hbm>> -> memref<1x40x128xf32, #tpu.memory_space<hbm>>
          %dma_start3A_192 = tpu.memref_squeeze %dma_start3A_191 : memref<1x40x128xf32, #tpu.memory_space<hbm>> -> memref<40x128xf32, #tpu.memory_space<hbm>>
          %dma_start3A_193 = arith.constant 0 : i32
          %dma_start3A_194 = tpu.memref_slice %arg7[%arg0, %add3A_189, %dma_start3A_193] : memref<2x10000x128xf32, #tpu.memory_space<hbm>> -> memref<1x40x128xf32, #tpu.memory_space<hbm>>
          %dma_start3A_195 = tpu.memref_squeeze %dma_start3A_194 : memref<1x40x128xf32, #tpu.memory_space<hbm>> -> memref<40x128xf32, #tpu.memory_space<hbm>>
          tpu.enqueue_dma source(%arg21 : memref<40x128xf32, #tpu.memory_space<vmem>>) target(%dma_start3A_195 : memref<40x128xf32, #tpu.memory_space<hbm>>) target_semaphore(%run_scoped3A : memref<!tpu.dma_semaphore, #tpu.memory_space<semaphore_mem>>)
          %dma_wait3A_196 = arith.constant 0 : i32
          %dma_wait3A_197 = tpu.memref_slice %arg7[%arg0, %add3A_189, %dma_wait3A_196] : memref<2x10000x128xf32, #tpu.memory_space<hbm>> -> memref<1x40x128xf32, #tpu.memory_space<hbm>>
          %dma_wait3A_198 = tpu.memref_squeeze %dma_wait3A_197 : memref<1x40x128xf32, #tpu.memory_space<hbm>> -> memref<40x128xf32, #tpu.memory_space<hbm>>
          %dma_wait3A_199 = arith.constant 0 : i32
          %dma_wait3A_200 = tpu.memref_slice %arg7[%arg0, %add3A_189, %dma_wait3A_199] : memref<2x10000x128xf32, #tpu.memory_space<hbm>> -> memref<1x40x128xf32, #tpu.memory_space<hbm>>
          %dma_wait3A_201 = tpu.memref_squeeze %dma_wait3A_200 : memref<1x40x128xf32, #tpu.memory_space<hbm>> -> memref<40x128xf32, #tpu.memory_space<hbm>>
          tpu.wait_dma2 semaphore(%run_scoped3A : memref<!tpu.dma_semaphore, #tpu.memory_space<semaphore_mem>>) src(%arg21 : memref<40x128xf32, #tpu.memory_space<vmem>>) dst(%dma_wait3A_201 : memref<40x128xf32, #tpu.memory_space<hbm>>)
          tpu.yield
        }) : () -> ()
      }
      %scan3A_185 = arith.constant 25 : i32
    } else {
    }
    return
  }
}

#map = affine_map<(d0, d1) -> (0)>
#map1 = affine_map<(d0, d1) -> (0, 0)>
#map2 = affine_map<(d0, d1) -> (0, 0, 0)>
module attributes {stable_mosaic.version = 14 : i64} {
  func.func @deg_kernel(%arg0: i32, %arg1: i32, %arg2: memref<320000xi32, #tpu.memory_space<hbm>>, %arg3: memref<320000xi32, #tpu.memory_space<hbm>>, %arg4: memref<256x128xf32, #tpu.memory_space<hbm>>, %arg5: memref<2x10000x128xf32, #tpu.memory_space<hbm>>, %arg6: memref<10000x128xf32, #tpu.memory_space<vmem_shared>>, %arg7: memref<80xi32, #tpu.memory_space<vmem>>, %arg8: memref<80xi32, #tpu.memory_space<vmem>>, %arg9: memref<80xi32, #tpu.memory_space<vmem>>, %arg10: memref<80xi32, #tpu.memory_space<vmem>>, %arg11: memref<80x128xf32, #tpu.memory_space<vmem>>, %arg12: memref<80x128xf32, #tpu.memory_space<vmem>>, %arg13: memref<40x128xf32, #tpu.memory_space<vmem>>, %arg14: memref<!tpu.dma_semaphore, #tpu.memory_space<semaphore_mem>>, %arg15: memref<!tpu.dma_semaphore, #tpu.memory_space<semaphore_mem>>, %arg16: memref<!tpu.dma_semaphore, #tpu.memory_space<semaphore_mem>>, %arg17: memref<!tpu.dma_semaphore, #tpu.memory_space<semaphore_mem>>, %arg18: memref<!tpu.dma_semaphore, #tpu.memory_space<semaphore_mem>>) attributes {dimension_semantics = [#tpu.dimension_semantics<core_parallel>, #tpu.dimension_semantics<subcore_parallel>], iteration_bounds = array<i64: 2, 16>, scalar_prefetch = 0 : i64, scratch_operands = 13 : i64, tpu.core_type = #tpu.core_type<sc_vector_subcore>, window_params = [{transform_indices = #map}, {transform_indices = #map}, {transform_indices = #map1}, {transform_indices = #map2}]} {
    %broadcast_in_dim3A = arith.constant 0.000000e+00 : f32
    %broadcast_in_dim3A_0 = vector.broadcast %broadcast_in_dim3A : f32 to vector<16xf32>
    %scan3A = arith.constant 0 : i32
    %scan3A_1 = arith.constant 40 : i32
    %scan3A_2 = arith.addi %scan3A, %scan3A_1 : i32
    %scan3A_3 = arith.constant 1 : i32
    scf.for %scan3A_99 = %scan3A to %scan3A_2 step %scan3A_3  : i32 {
      %swap3A_100 = arith.index_cast %scan3A_99 : i32 to index
      %swap3A_101 = arith.constant 0 : index
      %swap3A_102 = tpu.vector_load %arg13[%swap3A_100, %swap3A_101] {strides = array<i32>} : memref<40x128xf32, #tpu.memory_space<vmem>>, vector<1x16xf32>,
      %swap3A_103 = vector.shape_cast %swap3A_102 : vector<1x16xf32> to vector<16xf32>
      %swap3A_104 = vector.shape_cast %broadcast_in_dim3A_0 : vector<16xf32> to vector<1x16xf32>
      tpu.vector_store %arg13[%swap3A_100, %swap3A_101], %swap3A_104 {strides = array<i32>} : memref<40x128xf32, #tpu.memory_space<vmem>>, vector<1x16xf32>,
      %swap3A_105 = arith.index_cast %scan3A_99 : i32 to index
      %swap3A_106 = arith.constant 16 : index
      %swap3A_107 = tpu.vector_load %arg13[%swap3A_105, %swap3A_106] {strides = array<i32>} : memref<40x128xf32, #tpu.memory_space<vmem>>, vector<1x16xf32>,
      %swap3A_108 = vector.shape_cast %swap3A_107 : vector<1x16xf32> to vector<16xf32>
      %swap3A_109 = vector.shape_cast %broadcast_in_dim3A_0 : vector<16xf32> to vector<1x16xf32>
      tpu.vector_store %arg13[%swap3A_105, %swap3A_106], %swap3A_109 {strides = array<i32>} : memref<40x128xf32, #tpu.memory_space<vmem>>, vector<1x16xf32>,
      %swap3A_110 = arith.index_cast %scan3A_99 : i32 to index
      %swap3A_111 = arith.constant 32 : index
      %swap3A_112 = tpu.vector_load %arg13[%swap3A_110, %swap3A_111] {strides = array<i32>} : memref<40x128xf32, #tpu.memory_space<vmem>>, vector<1x16xf32>,
      %swap3A_113 = vector.shape_cast %swap3A_112 : vector<1x16xf32> to vector<16xf32>
      %swap3A_114 = vector.shape_cast %broadcast_in_dim3A_0 : vector<16xf32> to vector<1x16xf32>
      tpu.vector_store %arg13[%swap3A_110, %swap3A_111], %swap3A_114 {strides = array<i32>} : memref<40x128xf32, #tpu.memory_space<vmem>>, vector<1x16xf32>,
      %swap3A_115 = arith.index_cast %scan3A_99 : i32 to index
      %swap3A_116 = arith.constant 48 : index
      %swap3A_117 = tpu.vector_load %arg13[%swap3A_115, %swap3A_116] {strides = array<i32>} : memref<40x128xf32, #tpu.memory_space<vmem>>, vector<1x16xf32>,
      %swap3A_118 = vector.shape_cast %swap3A_117 : vector<1x16xf32> to vector<16xf32>
      %swap3A_119 = vector.shape_cast %broadcast_in_dim3A_0 : vector<16xf32> to vector<1x16xf32>
      tpu.vector_store %arg13[%swap3A_115, %swap3A_116], %swap3A_119 {strides = array<i32>} : memref<40x128xf32, #tpu.memory_space<vmem>>, vector<1x16xf32>,
      %swap3A_120 = arith.index_cast %scan3A_99 : i32 to index
      %swap3A_121 = arith.constant 64 : index
      %swap3A_122 = tpu.vector_load %arg13[%swap3A_120, %swap3A_121] {strides = array<i32>} : memref<40x128xf32, #tpu.memory_space<vmem>>, vector<1x16xf32>,
      %swap3A_123 = vector.shape_cast %swap3A_122 : vector<1x16xf32> to vector<16xf32>
      %swap3A_124 = vector.shape_cast %broadcast_in_dim3A_0 : vector<16xf32> to vector<1x16xf32>
      tpu.vector_store %arg13[%swap3A_120, %swap3A_121], %swap3A_124 {strides = array<i32>} : memref<40x128xf32, #tpu.memory_space<vmem>>, vector<1x16xf32>,
      %swap3A_125 = arith.index_cast %scan3A_99 : i32 to index
      %swap3A_126 = arith.constant 80 : index
      %swap3A_127 = tpu.vector_load %arg13[%swap3A_125, %swap3A_126] {strides = array<i32>} : memref<40x128xf32, #tpu.memory_space<vmem>>, vector<1x16xf32>,
      %swap3A_128 = vector.shape_cast %swap3A_127 : vector<1x16xf32> to vector<16xf32>
      %swap3A_129 = vector.shape_cast %broadcast_in_dim3A_0 : vector<16xf32> to vector<1x16xf32>
      tpu.vector_store %arg13[%swap3A_125, %swap3A_126], %swap3A_129 {strides = array<i32>} : memref<40x128xf32, #tpu.memory_space<vmem>>, vector<1x16xf32>,
      %swap3A_130 = arith.index_cast %scan3A_99 : i32 to index
      %swap3A_131 = arith.constant 96 : index
      %swap3A_132 = tpu.vector_load %arg13[%swap3A_130, %swap3A_131] {strides = array<i32>} : memref<40x128xf32, #tpu.memory_space<vmem>>, vector<1x16xf32>,
      %swap3A_133 = vector.shape_cast %swap3A_132 : vector<1x16xf32> to vector<16xf32>
      %swap3A_134 = vector.shape_cast %broadcast_in_dim3A_0 : vector<16xf32> to vector<1x16xf32>
      tpu.vector_store %arg13[%swap3A_130, %swap3A_131], %swap3A_134 {strides = array<i32>} : memref<40x128xf32, #tpu.memory_space<vmem>>, vector<1x16xf32>,
      %swap3A_135 = arith.index_cast %scan3A_99 : i32 to index
      %swap3A_136 = arith.constant 112 : index
      %swap3A_137 = tpu.vector_load %arg13[%swap3A_135, %swap3A_136] {strides = array<i32>} : memref<40x128xf32, #tpu.memory_space<vmem>>, vector<1x16xf32>,
      %swap3A_138 = vector.shape_cast %swap3A_137 : vector<1x16xf32> to vector<16xf32>
      %swap3A_139 = vector.shape_cast %broadcast_in_dim3A_0 : vector<16xf32> to vector<1x16xf32>
      tpu.vector_store %arg13[%swap3A_135, %swap3A_136], %swap3A_139 {strides = array<i32>} : memref<40x128xf32, #tpu.memory_space<vmem>>, vector<1x16xf32>,
    }
    %scan3A_4 = arith.constant 40 : i32
    %mul3A = arith.constant 1000 : i32
    %mul3A_5 = arith.muli %arg1, %mul3A : i32
    %lt3A = arith.constant 10 : i32
    %lt3A_6 = arith.cmpi slt, %arg1, %lt3A : i32
    %convert_element_type3A = arith.extui %lt3A_6 : i1 to i32
    %cond3A = arith.constant 0 : i32
    %cond3A_7 = arith.cmpi ne, %convert_element_type3A, %cond3A : i32
    scf.if %cond3A_7 {
      %scan3A_99 = arith.constant 0 : i32
      %scan3A_100 = arith.constant 25 : i32
      %scan3A_101 = arith.addi %scan3A_99, %scan3A_100 : i32
      %scan3A_102 = arith.constant 1 : i32
      scf.for %scan3A_104 = %scan3A_99 to %scan3A_101 step %scan3A_102  : i32 {
        %mul3A_105 = arith.constant 40 : i32
        %mul3A_106 = arith.muli %scan3A_104, %mul3A_105 : i32
        %add3A_107 = arith.addi %mul3A_5, %mul3A_106 : i32
        "tpu.region"() ({
          %run_scoped3A = tpu.sem_alloc : memref<!tpu.dma_semaphore, #tpu.memory_space<semaphore_mem>>
          %dma_start3A_108 = arith.constant 0 : i32
          %dma_start3A_109 = tpu.memref_slice %arg6[%add3A_107, %dma_start3A_108] : memref<10000x128xf32, #tpu.memory_space<vmem_shared>> -> memref<40x128xf32, #tpu.memory_space<vmem_shared>>
          %dma_start3A_110 = arith.constant 0 : i32
          %dma_start3A_111 = tpu.memref_slice %arg6[%add3A_107, %dma_start3A_110] : memref<10000x128xf32, #tpu.memory_space<vmem_shared>> -> memref<40x128xf32, #tpu.memory_space<vmem_shared>>
          tpu.enqueue_dma source(%arg13 : memref<40x128xf32, #tpu.memory_space<vmem>>) target(%dma_start3A_111 : memref<40x128xf32, #tpu.memory_space<vmem_shared>>) target_semaphore(%run_scoped3A : memref<!tpu.dma_semaphore, #tpu.memory_space<semaphore_mem>>)
          %dma_wait3A_112 = arith.constant 0 : i32
          %dma_wait3A_113 = tpu.memref_slice %arg6[%add3A_107, %dma_wait3A_112] : memref<10000x128xf32, #tpu.memory_space<vmem_shared>> -> memref<40x128xf32, #tpu.memory_space<vmem_shared>>
          %dma_wait3A_114 = arith.constant 0 : i32
          %dma_wait3A_115 = tpu.memref_slice %arg6[%add3A_107, %dma_wait3A_114] : memref<10000x128xf32, #tpu.memory_space<vmem_shared>> -> memref<40x128xf32, #tpu.memory_space<vmem_shared>>
          tpu.wait_dma2 semaphore(%run_scoped3A : memref<!tpu.dma_semaphore, #tpu.memory_space<semaphore_mem>>) src(%arg13 : memref<40x128xf32, #tpu.memory_space<vmem>>) dst(%dma_wait3A_115 : memref<40x128xf32, #tpu.memory_space<vmem_shared>>)
          tpu.yield
        }) : () -> ()
      }
      %scan3A_103 = arith.constant 25 : i32
    } else {
    }
    %barrier3A = arith.constant 0 : index
    tpu.barrier barrier_id(%barrier3A)
    %mul3A_8 = arith.constant 160000 : i32
    %mul3A_9 = arith.muli %arg0, %mul3A_8 : i32
    %mul3A_10 = arith.constant 10000 : i32
    %mul3A_11 = arith.muli %arg1, %mul3A_10 : i32
    %add3A = arith.addi %mul3A_9, %mul3A_11 : i32
    %mul3A_12 = arith.constant 2 : i32
    %mul3A_13 = arith.muli %arg1, %mul3A_12 : i32
    %add3A_14 = arith.addi %mul3A_13, %arg0 : i32
    %scan3A_15 = arith.constant 0 : i32
    %scan3A_16 = arith.constant 62 : i32
    %scan3A_17 = arith.addi %scan3A_15, %scan3A_16 : i32
    %scan3A_18 = arith.constant 1 : i32
    scf.for %scan3A_99 = %scan3A_15 to %scan3A_17 step %scan3A_18  : i32 {
      %mul3A_100 = arith.constant 2 : i32
      %mul3A_101 = arith.muli %mul3A_100, %scan3A_99 : i32
      %mul3A_102 = arith.constant 80 : i32
      %mul3A_103 = arith.muli %mul3A_101, %mul3A_102 : i32
      %add3A_104 = arith.addi %add3A, %mul3A_103 : i32
      %dma_start3A_105 = tpu.memref_slice %arg2[%add3A_104] : memref<320000xi32, #tpu.memory_space<hbm>> -> memref<80xi32, #tpu.memory_space<hbm>>
      %dma_start3A_106 = tpu.memref_slice %arg2[%add3A_104] : memref<320000xi32, #tpu.memory_space<hbm>> -> memref<80xi32, #tpu.memory_space<hbm>>
      tpu.enqueue_dma source(%dma_start3A_106 : memref<80xi32, #tpu.memory_space<hbm>>) target(%arg7 : memref<80xi32, #tpu.memory_space<vmem>>) target_semaphore(%arg14 : memref<!tpu.dma_semaphore, #tpu.memory_space<semaphore_mem>>)
      %dma_start3A_107 = tpu.memref_slice %arg3[%add3A_104] : memref<320000xi32, #tpu.memory_space<hbm>> -> memref<80xi32, #tpu.memory_space<hbm>>
      %dma_start3A_108 = tpu.memref_slice %arg3[%add3A_104] : memref<320000xi32, #tpu.memory_space<hbm>> -> memref<80xi32, #tpu.memory_space<hbm>>
      tpu.enqueue_dma source(%dma_start3A_108 : memref<80xi32, #tpu.memory_space<hbm>>) target(%arg8 : memref<80xi32, #tpu.memory_space<vmem>>) target_semaphore(%arg14 : memref<!tpu.dma_semaphore, #tpu.memory_space<semaphore_mem>>)
      %add3A_109 = arith.constant 80 : i32
      %add3A_110 = arith.addi %add3A_104, %add3A_109 : i32
      %dma_start3A_111 = tpu.memref_slice %arg2[%add3A_110] : memref<320000xi32, #tpu.memory_space<hbm>> -> memref<80xi32, #tpu.memory_space<hbm>>
      %dma_start3A_112 = tpu.memref_slice %arg2[%add3A_110] : memref<320000xi32, #tpu.memory_space<hbm>> -> memref<80xi32, #tpu.memory_space<hbm>>
      tpu.enqueue_dma source(%dma_start3A_112 : memref<80xi32, #tpu.memory_space<hbm>>) target(%arg9 : memref<80xi32, #tpu.memory_space<vmem>>) target_semaphore(%arg14 : memref<!tpu.dma_semaphore, #tpu.memory_space<semaphore_mem>>)
      %dma_start3A_113 = tpu.memref_slice %arg3[%add3A_110] : memref<320000xi32, #tpu.memory_space<hbm>> -> memref<80xi32, #tpu.memory_space<hbm>>
      %dma_start3A_114 = tpu.memref_slice %arg3[%add3A_110] : memref<320000xi32, #tpu.memory_space<hbm>> -> memref<80xi32, #tpu.memory_space<hbm>>
      tpu.enqueue_dma source(%dma_start3A_114 : memref<80xi32, #tpu.memory_space<hbm>>) target(%arg10 : memref<80xi32, #tpu.memory_space<vmem>>) target_semaphore(%arg14 : memref<!tpu.dma_semaphore, #tpu.memory_space<semaphore_mem>>)
      %dma_wait3A_115 = tpu.memref_slice %arg2[%add3A_104] : memref<320000xi32, #tpu.memory_space<hbm>> -> memref<80xi32, #tpu.memory_space<hbm>>
      %dma_wait3A_116 = tpu.memref_slice %arg2[%add3A_104] : memref<320000xi32, #tpu.memory_space<hbm>> -> memref<80xi32, #tpu.memory_space<hbm>>
      tpu.wait_dma2 semaphore(%arg14 : memref<!tpu.dma_semaphore, #tpu.memory_space<semaphore_mem>>) src(%dma_wait3A_116 : memref<80xi32, #tpu.memory_space<hbm>>) dst(%arg7 : memref<80xi32, #tpu.memory_space<vmem>>)
      %dma_wait3A_117 = tpu.memref_slice %arg3[%add3A_104] : memref<320000xi32, #tpu.memory_space<hbm>> -> memref<80xi32, #tpu.memory_space<hbm>>
      %dma_wait3A_118 = tpu.memref_slice %arg3[%add3A_104] : memref<320000xi32, #tpu.memory_space<hbm>> -> memref<80xi32, #tpu.memory_space<hbm>>
      tpu.wait_dma2 semaphore(%arg14 : memref<!tpu.dma_semaphore, #tpu.memory_space<semaphore_mem>>) src(%dma_wait3A_118 : memref<80xi32, #tpu.memory_space<hbm>>) dst(%arg8 : memref<80xi32, #tpu.memory_space<vmem>>)
      %get3A_119 = arith.constant 0 : index
      %get3A_120 = tpu.vector_load %arg7[%get3A_119] {strides = array<i32>} : memref<80xi32, #tpu.memory_space<vmem>>, vector<16xi32>,
      %get3A_121 = vector.shape_cast %get3A_120 : vector<16xi32> to vector<16xi32>
      %mul3A_122 = arith.constant 8 : i32
      %mul3A_123 = arith.muli %add3A_14, %mul3A_122 : i32
      %add3A_124 = vector.broadcast %mul3A_123 : i32 to vector<16xi32>
      %add3A_125 = arith.addi %get3A_121, %add3A_124 : vector<16xi32>
      %swap3A_126 = arith.constant 0 : index
      %swap3A_127 = tpu.vector_load %arg7[%swap3A_126] {strides = array<i32>} : memref<80xi32, #tpu.memory_space<vmem>>, vector<16xi32>,
      %swap3A_128 = vector.shape_cast %swap3A_127 : vector<16xi32> to vector<16xi32>
      %swap3A_129 = vector.shape_cast %add3A_125 : vector<16xi32> to vector<16xi32>
      tpu.vector_store %arg7[%swap3A_126], %swap3A_129 {strides = array<i32>} : memref<80xi32, #tpu.memory_space<vmem>>, vector<16xi32>,
      %get3A_130 = arith.constant 16 : index
      %get3A_131 = tpu.vector_load %arg7[%get3A_130] {strides = array<i32>} : memref<80xi32, #tpu.memory_space<vmem>>, vector<16xi32>,
      %get3A_132 = vector.shape_cast %get3A_131 : vector<16xi32> to vector<16xi32>
      %mul3A_133 = arith.constant 8 : i32
      %mul3A_134 = arith.muli %add3A_14, %mul3A_133 : i32
      %add3A_135 = vector.broadcast %mul3A_134 : i32 to vector<16xi32>
      %add3A_136 = arith.addi %get3A_132, %add3A_135 : vector<16xi32>
      %swap3A_137 = arith.constant 16 : index
      %swap3A_138 = tpu.vector_load %arg7[%swap3A_137] {strides = array<i32>} : memref<80xi32, #tpu.memory_space<vmem>>, vector<16xi32>,
      %swap3A_139 = vector.shape_cast %swap3A_138 : vector<16xi32> to vector<16xi32>
      %swap3A_140 = vector.shape_cast %add3A_136 : vector<16xi32> to vector<16xi32>
      tpu.vector_store %arg7[%swap3A_137], %swap3A_140 {strides = array<i32>} : memref<80xi32, #tpu.memory_space<vmem>>, vector<16xi32>,
      %get3A_141 = arith.constant 32 : index
      %get3A_142 = tpu.vector_load %arg7[%get3A_141] {strides = array<i32>} : memref<80xi32, #tpu.memory_space<vmem>>, vector<16xi32>,
      %get3A_143 = vector.shape_cast %get3A_142 : vector<16xi32> to vector<16xi32>
      %mul3A_144 = arith.constant 8 : i32
      %mul3A_145 = arith.muli %add3A_14, %mul3A_144 : i32
      %add3A_146 = vector.broadcast %mul3A_145 : i32 to vector<16xi32>
      %add3A_147 = arith.addi %get3A_143, %add3A_146 : vector<16xi32>
      %swap3A_148 = arith.constant 32 : index
      %swap3A_149 = tpu.vector_load %arg7[%swap3A_148] {strides = array<i32>} : memref<80xi32, #tpu.memory_space<vmem>>, vector<16xi32>,
      %swap3A_150 = vector.shape_cast %swap3A_149 : vector<16xi32> to vector<16xi32>
      %swap3A_151 = vector.shape_cast %add3A_147 : vector<16xi32> to vector<16xi32>
      tpu.vector_store %arg7[%swap3A_148], %swap3A_151 {strides = array<i32>} : memref<80xi32, #tpu.memory_space<vmem>>, vector<16xi32>,
      %get3A_152 = arith.constant 48 : index
      %get3A_153 = tpu.vector_load %arg7[%get3A_152] {strides = array<i32>} : memref<80xi32, #tpu.memory_space<vmem>>, vector<16xi32>,
      %get3A_154 = vector.shape_cast %get3A_153 : vector<16xi32> to vector<16xi32>
      %mul3A_155 = arith.constant 8 : i32
      %mul3A_156 = arith.muli %add3A_14, %mul3A_155 : i32
      %add3A_157 = vector.broadcast %mul3A_156 : i32 to vector<16xi32>
      %add3A_158 = arith.addi %get3A_154, %add3A_157 : vector<16xi32>
      %swap3A_159 = arith.constant 48 : index
      %swap3A_160 = tpu.vector_load %arg7[%swap3A_159] {strides = array<i32>} : memref<80xi32, #tpu.memory_space<vmem>>, vector<16xi32>,
      %swap3A_161 = vector.shape_cast %swap3A_160 : vector<16xi32> to vector<16xi32>
      %swap3A_162 = vector.shape_cast %add3A_158 : vector<16xi32> to vector<16xi32>
      tpu.vector_store %arg7[%swap3A_159], %swap3A_162 {strides = array<i32>} : memref<80xi32, #tpu.memory_space<vmem>>, vector<16xi32>,
      %get3A_163 = arith.constant 64 : index
      %get3A_164 = tpu.vector_load %arg7[%get3A_163] {strides = array<i32>} : memref<80xi32, #tpu.memory_space<vmem>>, vector<16xi32>,
      %get3A_165 = vector.shape_cast %get3A_164 : vector<16xi32> to vector<16xi32>
      %mul3A_166 = arith.constant 8 : i32
      %mul3A_167 = arith.muli %add3A_14, %mul3A_166 : i32
      %add3A_168 = vector.broadcast %mul3A_167 : i32 to vector<16xi32>
      %add3A_169 = arith.addi %get3A_165, %add3A_168 : vector<16xi32>
      %swap3A_170 = arith.constant 64 : index
      %swap3A_171 = tpu.vector_load %arg7[%swap3A_170] {strides = array<i32>} : memref<80xi32, #tpu.memory_space<vmem>>, vector<16xi32>,
      %swap3A_172 = vector.shape_cast %swap3A_171 : vector<16xi32> to vector<16xi32>
      %swap3A_173 = vector.shape_cast %add3A_169 : vector<16xi32> to vector<16xi32>
      tpu.vector_store %arg7[%swap3A_170], %swap3A_173 {strides = array<i32>} : memref<80xi32, #tpu.memory_space<vmem>>, vector<16xi32>,
      %dma_start3A_174 = arith.constant 0 : i32
      %dma_start3A_175 = arith.constant 0 : i32
      %dma_start3A_176 = tpu.memref_slice %arg4[%dma_start3A_174, %dma_start3A_175] : memref<256x128xf32, #tpu.memory_space<hbm>> -> memref<256x128xf32, #tpu.memory_space<hbm>>
      tpu.enqueue_indirect_dma source(%dma_start3A_176 : memref<256x128xf32, #tpu.memory_space<hbm>>) target(%arg11 : memref<80x128xf32, #tpu.memory_space<vmem>>) offsets(%arg7 : memref<80xi32, #tpu.memory_space<vmem>>) semaphore(%arg15 : memref<!tpu.dma_semaphore, #tpu.memory_space<semaphore_mem>>)
      %dma_wait3A_177 = tpu.memref_slice %arg2[%add3A_110] : memref<320000xi32, #tpu.memory_space<hbm>> -> memref<80xi32, #tpu.memory_space<hbm>>
      %dma_wait3A_178 = tpu.memref_slice %arg2[%add3A_110] : memref<320000xi32, #tpu.memory_space<hbm>> -> memref<80xi32, #tpu.memory_space<hbm>>
      tpu.wait_dma2 semaphore(%arg14 : memref<!tpu.dma_semaphore, #tpu.memory_space<semaphore_mem>>) src(%dma_wait3A_178 : memref<80xi32, #tpu.memory_space<hbm>>) dst(%arg9 : memref<80xi32, #tpu.memory_space<vmem>>)
      %dma_wait3A_179 = tpu.memref_slice %arg3[%add3A_110] : memref<320000xi32, #tpu.memory_space<hbm>> -> memref<80xi32, #tpu.memory_space<hbm>>
      %dma_wait3A_180 = tpu.memref_slice %arg3[%add3A_110] : memref<320000xi32, #tpu.memory_space<hbm>> -> memref<80xi32, #tpu.memory_space<hbm>>
      tpu.wait_dma2 semaphore(%arg14 : memref<!tpu.dma_semaphore, #tpu.memory_space<semaphore_mem>>) src(%dma_wait3A_180 : memref<80xi32, #tpu.memory_space<hbm>>) dst(%arg10 : memref<80xi32, #tpu.memory_space<vmem>>)
      %get3A_181 = arith.constant 0 : index
      %get3A_182 = tpu.vector_load %arg9[%get3A_181] {strides = array<i32>} : memref<80xi32, #tpu.memory_space<vmem>>, vector<16xi32>,
      %get3A_183 = vector.shape_cast %get3A_182 : vector<16xi32> to vector<16xi32>
      %mul3A_184 = arith.constant 8 : i32
      %mul3A_185 = arith.muli %add3A_14, %mul3A_184 : i32
      %add3A_186 = vector.broadcast %mul3A_185 : i32 to vector<16xi32>
      %add3A_187 = arith.addi %get3A_183, %add3A_186 : vector<16xi32>
      %swap3A_188 = arith.constant 0 : index
      %swap3A_189 = tpu.vector_load %arg9[%swap3A_188] {strides = array<i32>} : memref<80xi32, #tpu.memory_space<vmem>>, vector<16xi32>,
      %swap3A_190 = vector.shape_cast %swap3A_189 : vector<16xi32> to vector<16xi32>
      %swap3A_191 = vector.shape_cast %add3A_187 : vector<16xi32> to vector<16xi32>
      tpu.vector_store %arg9[%swap3A_188], %swap3A_191 {strides = array<i32>} : memref<80xi32, #tpu.memory_space<vmem>>, vector<16xi32>,
      %get3A_192 = arith.constant 16 : index
      %get3A_193 = tpu.vector_load %arg9[%get3A_192] {strides = array<i32>} : memref<80xi32, #tpu.memory_space<vmem>>, vector<16xi32>,
      %get3A_194 = vector.shape_cast %get3A_193 : vector<16xi32> to vector<16xi32>
      %mul3A_195 = arith.constant 8 : i32
      %mul3A_196 = arith.muli %add3A_14, %mul3A_195 : i32
      %add3A_197 = vector.broadcast %mul3A_196 : i32 to vector<16xi32>
      %add3A_198 = arith.addi %get3A_194, %add3A_197 : vector<16xi32>
      %swap3A_199 = arith.constant 16 : index
      %swap3A_200 = tpu.vector_load %arg9[%swap3A_199] {strides = array<i32>} : memref<80xi32, #tpu.memory_space<vmem>>, vector<16xi32>,
      %swap3A_201 = vector.shape_cast %swap3A_200 : vector<16xi32> to vector<16xi32>
      %swap3A_202 = vector.shape_cast %add3A_198 : vector<16xi32> to vector<16xi32>
      tpu.vector_store %arg9[%swap3A_199], %swap3A_202 {strides = array<i32>} : memref<80xi32, #tpu.memory_space<vmem>>, vector<16xi32>,
      %get3A_203 = arith.constant 32 : index
      %get3A_204 = tpu.vector_load %arg9[%get3A_203] {strides = array<i32>} : memref<80xi32, #tpu.memory_space<vmem>>, vector<16xi32>,
      %get3A_205 = vector.shape_cast %get3A_204 : vector<16xi32> to vector<16xi32>
      %mul3A_206 = arith.constant 8 : i32
      %mul3A_207 = arith.muli %add3A_14, %mul3A_206 : i32
      %add3A_208 = vector.broadcast %mul3A_207 : i32 to vector<16xi32>
      %add3A_209 = arith.addi %get3A_205, %add3A_208 : vector<16xi32>
      %swap3A_210 = arith.constant 32 : index
      %swap3A_211 = tpu.vector_load %arg9[%swap3A_210] {strides = array<i32>} : memref<80xi32, #tpu.memory_space<vmem>>, vector<16xi32>,
      %swap3A_212 = vector.shape_cast %swap3A_211 : vector<16xi32> to vector<16xi32>
      %swap3A_213 = vector.shape_cast %add3A_209 : vector<16xi32> to vector<16xi32>
      tpu.vector_store %arg9[%swap3A_210], %swap3A_213 {strides = array<i32>} : memref<80xi32, #tpu.memory_space<vmem>>, vector<16xi32>,
      %get3A_214 = arith.constant 48 : index
      %get3A_215 = tpu.vector_load %arg9[%get3A_214] {strides = array<i32>} : memref<80xi32, #tpu.memory_space<vmem>>, vector<16xi32>,
      %get3A_216 = vector.shape_cast %get3A_215 : vector<16xi32> to vector<16xi32>
      %mul3A_217 = arith.constant 8 : i32
      %mul3A_218 = arith.muli %add3A_14, %mul3A_217 : i32
      %add3A_219 = vector.broadcast %mul3A_218 : i32 to vector<16xi32>
      %add3A_220 = arith.addi %get3A_216, %add3A_219 : vector<16xi32>
      %swap3A_221 = arith.constant 48 : index
      %swap3A_222 = tpu.vector_load %arg9[%swap3A_221] {strides = array<i32>} : memref<80xi32, #tpu.memory_space<vmem>>, vector<16xi32>,
      %swap3A_223 = vector.shape_cast %swap3A_222 : vector<16xi32> to vector<16xi32>
      %swap3A_224 = vector.shape_cast %add3A_220 : vector<16xi32> to vector<16xi32>
      tpu.vector_store %arg9[%swap3A_221], %swap3A_224 {strides = array<i32>} : memref<80xi32, #tpu.memory_space<vmem>>, vector<16xi32>,
      %get3A_225 = arith.constant 64 : index
      %get3A_226 = tpu.vector_load %arg9[%get3A_225] {strides = array<i32>} : memref<80xi32, #tpu.memory_space<vmem>>, vector<16xi32>,
      %get3A_227 = vector.shape_cast %get3A_226 : vector<16xi32> to vector<16xi32>
      %mul3A_228 = arith.constant 8 : i32
      %mul3A_229 = arith.muli %add3A_14, %mul3A_228 : i32
      %add3A_230 = vector.broadcast %mul3A_229 : i32 to vector<16xi32>
      %add3A_231 = arith.addi %get3A_227, %add3A_230 : vector<16xi32>
      %swap3A_232 = arith.constant 64 : index
      %swap3A_233 = tpu.vector_load %arg9[%swap3A_232] {strides = array<i32>} : memref<80xi32, #tpu.memory_space<vmem>>, vector<16xi32>,
      %swap3A_234 = vector.shape_cast %swap3A_233 : vector<16xi32> to vector<16xi32>
      %swap3A_235 = vector.shape_cast %add3A_231 : vector<16xi32> to vector<16xi32>
      tpu.vector_store %arg9[%swap3A_232], %swap3A_235 {strides = array<i32>} : memref<80xi32, #tpu.memory_space<vmem>>, vector<16xi32>,
      %dma_start3A_236 = arith.constant 0 : i32
      %dma_start3A_237 = arith.constant 0 : i32
      %dma_start3A_238 = tpu.memref_slice %arg4[%dma_start3A_236, %dma_start3A_237] : memref<256x128xf32, #tpu.memory_space<hbm>> -> memref<256x128xf32, #tpu.memory_space<hbm>>
      tpu.enqueue_indirect_dma source(%dma_start3A_238 : memref<256x128xf32, #tpu.memory_space<hbm>>) target(%arg12 : memref<80x128xf32, #tpu.memory_space<vmem>>) offsets(%arg9 : memref<80xi32, #tpu.memory_space<vmem>>) semaphore(%arg16 : memref<!tpu.dma_semaphore, #tpu.memory_space<semaphore_mem>>)
      %dma_wait3A_239 = arith.constant 0 : i32
      %dma_wait3A_240 = arith.constant 0 : i32
      %dma_wait3A_241 = tpu.memref_slice %arg4[%dma_wait3A_239, %dma_wait3A_240] : memref<256x128xf32, #tpu.memory_space<hbm>> -> memref<256x128xf32, #tpu.memory_space<hbm>>
      tpu.wait_indirect_dma semaphore(%arg15 : memref<!tpu.dma_semaphore, #tpu.memory_space<semaphore_mem>>) src(%dma_wait3A_241 : memref<256x128xf32, #tpu.memory_space<hbm>>) dst(%arg11 : memref<80x128xf32, #tpu.memory_space<vmem>>)
      %dma_start3A_242 = arith.constant 0 : i32
      %dma_start3A_243 = arith.constant 0 : i32
      %dma_start3A_244 = tpu.memref_slice %arg6[%dma_start3A_242, %dma_start3A_243] : memref<10000x128xf32, #tpu.memory_space<vmem_shared>> -> memref<10000x128xf32, #tpu.memory_space<vmem_shared>>
      tpu.enqueue_indirect_dma source(%arg11 : memref<80x128xf32, #tpu.memory_space<vmem>>) target(%dma_start3A_244 : memref<10000x128xf32, #tpu.memory_space<vmem_shared>>) offsets(%arg8 : memref<80xi32, #tpu.memory_space<vmem>>) semaphore(%arg17 : memref<!tpu.dma_semaphore, #tpu.memory_space<semaphore_mem>>) {add = true}
      %dma_wait3A_245 = arith.constant 0 : i32
      %dma_wait3A_246 = arith.constant 0 : i32
      %dma_wait3A_247 = tpu.memref_slice %arg4[%dma_wait3A_245, %dma_wait3A_246] : memref<256x128xf32, #tpu.memory_space<hbm>> -> memref<256x128xf32, #tpu.memory_space<hbm>>
      tpu.wait_indirect_dma semaphore(%arg16 : memref<!tpu.dma_semaphore, #tpu.memory_space<semaphore_mem>>) src(%dma_wait3A_247 : memref<256x128xf32, #tpu.memory_space<hbm>>) dst(%arg12 : memref<80x128xf32, #tpu.memory_space<vmem>>)
      %dma_start3A_248 = arith.constant 0 : i32
      %dma_start3A_249 = arith.constant 0 : i32
      %dma_start3A_250 = tpu.memref_slice %arg6[%dma_start3A_248, %dma_start3A_249] : memref<10000x128xf32, #tpu.memory_space<vmem_shared>> -> memref<10000x128xf32, #tpu.memory_space<vmem_shared>>
      tpu.enqueue_indirect_dma source(%arg12 : memref<80x128xf32, #tpu.memory_space<vmem>>) target(%dma_start3A_250 : memref<10000x128xf32, #tpu.memory_space<vmem_shared>>) offsets(%arg10 : memref<80xi32, #tpu.memory_space<vmem>>) semaphore(%arg18 : memref<!tpu.dma_semaphore, #tpu.memory_space<semaphore_mem>>) {add = true}
      %dma_wait3A_251 = arith.constant 0 : i32
      %dma_wait3A_252 = arith.constant 0 : i32
      %dma_wait3A_253 = tpu.memref_slice %arg6[%dma_wait3A_251, %dma_wait3A_252] : memref<10000x128xf32, #tpu.memory_space<vmem_shared>> -> memref<10000x128xf32, #tpu.memory_space<vmem_shared>>
      tpu.wait_indirect_dma semaphore(%arg17 : memref<!tpu.dma_semaphore, #tpu.memory_space<semaphore_mem>>) src(%arg11 : memref<80x128xf32, #tpu.memory_space<vmem>>) dst(%dma_wait3A_253 : memref<10000x128xf32, #tpu.memory_space<vmem_shared>>)
      %dma_wait3A_254 = arith.constant 0 : i32
      %dma_wait3A_255 = arith.constant 0 : i32
      %dma_wait3A_256 = tpu.memref_slice %arg6[%dma_wait3A_254, %dma_wait3A_255] : memref<10000x128xf32, #tpu.memory_space<vmem_shared>> -> memref<10000x128xf32, #tpu.memory_space<vmem_shared>>
      tpu.wait_indirect_dma semaphore(%arg18 : memref<!tpu.dma_semaphore, #tpu.memory_space<semaphore_mem>>) src(%arg12 : memref<80x128xf32, #tpu.memory_space<vmem>>) dst(%dma_wait3A_256 : memref<10000x128xf32, #tpu.memory_space<vmem_shared>>)
    }
    %scan3A_19 = arith.constant 62 : i32
    %add3A_20 = arith.constant 9920 : i32
    %add3A_21 = arith.addi %add3A, %add3A_20 : i32
    %dma_start3A = tpu.memref_slice %arg2[%add3A_21] : memref<320000xi32, #tpu.memory_space<hbm>> -> memref<80xi32, #tpu.memory_space<hbm>>
    %dma_start3A_22 = tpu.memref_slice %arg2[%add3A_21] : memref<320000xi32, #tpu.memory_space<hbm>> -> memref<80xi32, #tpu.memory_space<hbm>>
    tpu.enqueue_dma source(%dma_start3A_22 : memref<80xi32, #tpu.memory_space<hbm>>) target(%arg7 : memref<80xi32, #tpu.memory_space<vmem>>) target_semaphore(%arg14 : memref<!tpu.dma_semaphore, #tpu.memory_space<semaphore_mem>>)
    %dma_start3A_23 = tpu.memref_slice %arg3[%add3A_21] : memref<320000xi32, #tpu.memory_space<hbm>> -> memref<80xi32, #tpu.memory_space<hbm>>
    %dma_start3A_24 = tpu.memref_slice %arg3[%add3A_21] : memref<320000xi32, #tpu.memory_space<hbm>> -> memref<80xi32, #tpu.memory_space<hbm>>
    tpu.enqueue_dma source(%dma_start3A_24 : memref<80xi32, #tpu.memory_space<hbm>>) target(%arg8 : memref<80xi32, #tpu.memory_space<vmem>>) target_semaphore(%arg14 : memref<!tpu.dma_semaphore, #tpu.memory_space<semaphore_mem>>)
    %dma_wait3A = tpu.memref_slice %arg2[%add3A_21] : memref<320000xi32, #tpu.memory_space<hbm>> -> memref<80xi32, #tpu.memory_space<hbm>>
    %dma_wait3A_25 = tpu.memref_slice %arg2[%add3A_21] : memref<320000xi32, #tpu.memory_space<hbm>> -> memref<80xi32, #tpu.memory_space<hbm>>
    tpu.wait_dma2 semaphore(%arg14 : memref<!tpu.dma_semaphore, #tpu.memory_space<semaphore_mem>>) src(%dma_wait3A_25 : memref<80xi32, #tpu.memory_space<hbm>>) dst(%arg7 : memref<80xi32, #tpu.memory_space<vmem>>)
    %dma_wait3A_26 = tpu.memref_slice %arg3[%add3A_21] : memref<320000xi32, #tpu.memory_space<hbm>> -> memref<80xi32, #tpu.memory_space<hbm>>
    %dma_wait3A_27 = tpu.memref_slice %arg3[%add3A_21] : memref<320000xi32, #tpu.memory_space<hbm>> -> memref<80xi32, #tpu.memory_space<hbm>>
    tpu.wait_dma2 semaphore(%arg14 : memref<!tpu.dma_semaphore, #tpu.memory_space<semaphore_mem>>) src(%dma_wait3A_27 : memref<80xi32, #tpu.memory_space<hbm>>) dst(%arg8 : memref<80xi32, #tpu.memory_space<vmem>>)
    %get3A = arith.constant 0 : index
    %get3A_28 = tpu.vector_load %arg7[%get3A] {strides = array<i32>} : memref<80xi32, #tpu.memory_space<vmem>>, vector<16xi32>,
    %get3A_29 = vector.shape_cast %get3A_28 : vector<16xi32> to vector<16xi32>
    %mul3A_30 = arith.constant 8 : i32
    %mul3A_31 = arith.muli %add3A_14, %mul3A_30 : i32
    %add3A_32 = vector.broadcast %mul3A_31 : i32 to vector<16xi32>
    %add3A_33 = arith.addi %get3A_29, %add3A_32 : vector<16xi32>
    %swap3A = arith.constant 0 : index
    %swap3A_34 = tpu.vector_load %arg7[%swap3A] {strides = array<i32>} : memref<80xi32, #tpu.memory_space<vmem>>, vector<16xi32>,
    %swap3A_35 = vector.shape_cast %swap3A_34 : vector<16xi32> to vector<16xi32>
    %swap3A_36 = vector.shape_cast %add3A_33 : vector<16xi32> to vector<16xi32>
    tpu.vector_store %arg7[%swap3A], %swap3A_36 {strides = array<i32>} : memref<80xi32, #tpu.memory_space<vmem>>, vector<16xi32>,
    %get3A_37 = arith.constant 16 : index
    %get3A_38 = tpu.vector_load %arg7[%get3A_37] {strides = array<i32>} : memref<80xi32, #tpu.memory_space<vmem>>, vector<16xi32>,
    %get3A_39 = vector.shape_cast %get3A_38 : vector<16xi32> to vector<16xi32>
    %mul3A_40 = arith.constant 8 : i32
    %mul3A_41 = arith.muli %add3A_14, %mul3A_40 : i32
    %add3A_42 = vector.broadcast %mul3A_41 : i32 to vector<16xi32>
    %add3A_43 = arith.addi %get3A_39, %add3A_42 : vector<16xi32>
    %swap3A_44 = arith.constant 16 : index
    %swap3A_45 = tpu.vector_load %arg7[%swap3A_44] {strides = array<i32>} : memref<80xi32, #tpu.memory_space<vmem>>, vector<16xi32>,
    %swap3A_46 = vector.shape_cast %swap3A_45 : vector<16xi32> to vector<16xi32>
    %swap3A_47 = vector.shape_cast %add3A_43 : vector<16xi32> to vector<16xi32>
    tpu.vector_store %arg7[%swap3A_44], %swap3A_47 {strides = array<i32>} : memref<80xi32, #tpu.memory_space<vmem>>, vector<16xi32>,
    %get3A_48 = arith.constant 32 : index
    %get3A_49 = tpu.vector_load %arg7[%get3A_48] {strides = array<i32>} : memref<80xi32, #tpu.memory_space<vmem>>, vector<16xi32>,
    %get3A_50 = vector.shape_cast %get3A_49 : vector<16xi32> to vector<16xi32>
    %mul3A_51 = arith.constant 8 : i32
    %mul3A_52 = arith.muli %add3A_14, %mul3A_51 : i32
    %add3A_53 = vector.broadcast %mul3A_52 : i32 to vector<16xi32>
    %add3A_54 = arith.addi %get3A_50, %add3A_53 : vector<16xi32>
    %swap3A_55 = arith.constant 32 : index
    %swap3A_56 = tpu.vector_load %arg7[%swap3A_55] {strides = array<i32>} : memref<80xi32, #tpu.memory_space<vmem>>, vector<16xi32>,
    %swap3A_57 = vector.shape_cast %swap3A_56 : vector<16xi32> to vector<16xi32>
    %swap3A_58 = vector.shape_cast %add3A_54 : vector<16xi32> to vector<16xi32>
    tpu.vector_store %arg7[%swap3A_55], %swap3A_58 {strides = array<i32>} : memref<80xi32, #tpu.memory_space<vmem>>, vector<16xi32>,
    %get3A_59 = arith.constant 48 : index
    %get3A_60 = tpu.vector_load %arg7[%get3A_59] {strides = array<i32>} : memref<80xi32, #tpu.memory_space<vmem>>, vector<16xi32>,
    %get3A_61 = vector.shape_cast %get3A_60 : vector<16xi32> to vector<16xi32>
    %mul3A_62 = arith.constant 8 : i32
    %mul3A_63 = arith.muli %add3A_14, %mul3A_62 : i32
    %add3A_64 = vector.broadcast %mul3A_63 : i32 to vector<16xi32>
    %add3A_65 = arith.addi %get3A_61, %add3A_64 : vector<16xi32>
    %swap3A_66 = arith.constant 48 : index
    %swap3A_67 = tpu.vector_load %arg7[%swap3A_66] {strides = array<i32>} : memref<80xi32, #tpu.memory_space<vmem>>, vector<16xi32>,
    %swap3A_68 = vector.shape_cast %swap3A_67 : vector<16xi32> to vector<16xi32>
    %swap3A_69 = vector.shape_cast %add3A_65 : vector<16xi32> to vector<16xi32>
    tpu.vector_store %arg7[%swap3A_66], %swap3A_69 {strides = array<i32>} : memref<80xi32, #tpu.memory_space<vmem>>, vector<16xi32>,
    %get3A_70 = arith.constant 64 : index
    %get3A_71 = tpu.vector_load %arg7[%get3A_70] {strides = array<i32>} : memref<80xi32, #tpu.memory_space<vmem>>, vector<16xi32>,
    %get3A_72 = vector.shape_cast %get3A_71 : vector<16xi32> to vector<16xi32>
    %mul3A_73 = arith.constant 8 : i32
    %mul3A_74 = arith.muli %add3A_14, %mul3A_73 : i32
    %add3A_75 = vector.broadcast %mul3A_74 : i32 to vector<16xi32>
    %add3A_76 = arith.addi %get3A_72, %add3A_75 : vector<16xi32>
    %swap3A_77 = arith.constant 64 : index
    %swap3A_78 = tpu.vector_load %arg7[%swap3A_77] {strides = array<i32>} : memref<80xi32, #tpu.memory_space<vmem>>, vector<16xi32>,
    %swap3A_79 = vector.shape_cast %swap3A_78 : vector<16xi32> to vector<16xi32>
    %swap3A_80 = vector.shape_cast %add3A_76 : vector<16xi32> to vector<16xi32>
    tpu.vector_store %arg7[%swap3A_77], %swap3A_80 {strides = array<i32>} : memref<80xi32, #tpu.memory_space<vmem>>, vector<16xi32>,
    %dma_start3A_81 = arith.constant 0 : i32
    %dma_start3A_82 = arith.constant 0 : i32
    %dma_start3A_83 = tpu.memref_slice %arg4[%dma_start3A_81, %dma_start3A_82] : memref<256x128xf32, #tpu.memory_space<hbm>> -> memref<256x128xf32, #tpu.memory_space<hbm>>
    tpu.enqueue_indirect_dma source(%dma_start3A_83 : memref<256x128xf32, #tpu.memory_space<hbm>>) target(%arg11 : memref<80x128xf32, #tpu.memory_space<vmem>>) offsets(%arg7 : memref<80xi32, #tpu.memory_space<vmem>>) semaphore(%arg15 : memref<!tpu.dma_semaphore, #tpu.memory_space<semaphore_mem>>)
    %dma_wait3A_84 = arith.constant 0 : i32
    %dma_wait3A_85 = arith.constant 0 : i32
    %dma_wait3A_86 = tpu.memref_slice %arg4[%dma_wait3A_84, %dma_wait3A_85] : memref<256x128xf32, #tpu.memory_space<hbm>> -> memref<256x128xf32, #tpu.memory_space<hbm>>
    tpu.wait_indirect_dma semaphore(%arg15 : memref<!tpu.dma_semaphore, #tpu.memory_space<semaphore_mem>>) src(%dma_wait3A_86 : memref<256x128xf32, #tpu.memory_space<hbm>>) dst(%arg11 : memref<80x128xf32, #tpu.memory_space<vmem>>)
    %dma_start3A_87 = arith.constant 0 : i32
    %dma_start3A_88 = arith.constant 0 : i32
    %dma_start3A_89 = tpu.memref_slice %arg6[%dma_start3A_87, %dma_start3A_88] : memref<10000x128xf32, #tpu.memory_space<vmem_shared>> -> memref<10000x128xf32, #tpu.memory_space<vmem_shared>>
    tpu.enqueue_indirect_dma source(%arg11 : memref<80x128xf32, #tpu.memory_space<vmem>>) target(%dma_start3A_89 : memref<10000x128xf32, #tpu.memory_space<vmem_shared>>) offsets(%arg8 : memref<80xi32, #tpu.memory_space<vmem>>) semaphore(%arg17 : memref<!tpu.dma_semaphore, #tpu.memory_space<semaphore_mem>>) {add = true}
    %dma_wait3A_90 = arith.constant 0 : i32
    %dma_wait3A_91 = arith.constant 0 : i32
    %dma_wait3A_92 = tpu.memref_slice %arg6[%dma_wait3A_90, %dma_wait3A_91] : memref<10000x128xf32, #tpu.memory_space<vmem_shared>> -> memref<10000x128xf32, #tpu.memory_space<vmem_shared>>
    tpu.wait_indirect_dma semaphore(%arg17 : memref<!tpu.dma_semaphore, #tpu.memory_space<semaphore_mem>>) src(%arg11 : memref<80x128xf32, #tpu.memory_space<vmem>>) dst(%dma_wait3A_92 : memref<10000x128xf32, #tpu.memory_space<vmem_shared>>)
    %barrier3A_93 = arith.constant 0 : index
    tpu.barrier barrier_id(%barrier3A_93)
    %lt3A_94 = arith.constant 10 : i32
    %lt3A_95 = arith.cmpi slt, %arg1, %lt3A_94 : i32
    %convert_element_type3A_96 = arith.extui %lt3A_95 : i1 to i32
    %cond3A_97 = arith.constant 0 : i32
    %cond3A_98 = arith.cmpi ne, %convert_element_type3A_96, %cond3A_97 : i32
    scf.if %cond3A_98 {
      %scan3A_99 = arith.constant 0 : i32
      %scan3A_100 = arith.constant 25 : i32
      %scan3A_101 = arith.addi %scan3A_99, %scan3A_100 : i32
      %scan3A_102 = arith.constant 1 : i32
      scf.for %scan3A_104 = %scan3A_99 to %scan3A_101 step %scan3A_102  : i32 {
        %mul3A_105 = arith.constant 40 : i32
        %mul3A_106 = arith.muli %scan3A_104, %mul3A_105 : i32
        %add3A_107 = arith.addi %mul3A_5, %mul3A_106 : i32
        "tpu.region"() ({
          %run_scoped3A = tpu.sem_alloc : memref<!tpu.dma_semaphore, #tpu.memory_space<semaphore_mem>>
          %dma_start3A_108 = arith.constant 0 : i32
          %dma_start3A_109 = tpu.memref_slice %arg6[%add3A_107, %dma_start3A_108] : memref<10000x128xf32, #tpu.memory_space<vmem_shared>> -> memref<40x128xf32, #tpu.memory_space<vmem_shared>>
          %dma_start3A_110 = arith.constant 0 : i32
          %dma_start3A_111 = tpu.memref_slice %arg6[%add3A_107, %dma_start3A_110] : memref<10000x128xf32, #tpu.memory_space<vmem_shared>> -> memref<40x128xf32, #tpu.memory_space<vmem_shared>>
          tpu.enqueue_dma source(%dma_start3A_111 : memref<40x128xf32, #tpu.memory_space<vmem_shared>>) target(%arg13 : memref<40x128xf32, #tpu.memory_space<vmem>>) target_semaphore(%run_scoped3A : memref<!tpu.dma_semaphore, #tpu.memory_space<semaphore_mem>>)
          %dma_wait3A_112 = arith.constant 0 : i32
          %dma_wait3A_113 = tpu.memref_slice %arg6[%add3A_107, %dma_wait3A_112] : memref<10000x128xf32, #tpu.memory_space<vmem_shared>> -> memref<40x128xf32, #tpu.memory_space<vmem_shared>>
          %dma_wait3A_114 = arith.constant 0 : i32
          %dma_wait3A_115 = tpu.memref_slice %arg6[%add3A_107, %dma_wait3A_114] : memref<10000x128xf32, #tpu.memory_space<vmem_shared>> -> memref<40x128xf32, #tpu.memory_space<vmem_shared>>
          tpu.wait_dma2 semaphore(%run_scoped3A : memref<!tpu.dma_semaphore, #tpu.memory_space<semaphore_mem>>) src(%dma_wait3A_115 : memref<40x128xf32, #tpu.memory_space<vmem_shared>>) dst(%arg13 : memref<40x128xf32, #tpu.memory_space<vmem>>)
          tpu.yield
        }) : () -> ()
        "tpu.region"() ({
          %run_scoped3A = tpu.sem_alloc : memref<!tpu.dma_semaphore, #tpu.memory_space<semaphore_mem>>
          %dma_start3A_108 = arith.constant 0 : i32
          %dma_start3A_109 = tpu.memref_slice %arg5[%arg0, %add3A_107, %dma_start3A_108] : memref<2x10000x128xf32, #tpu.memory_space<hbm>> -> memref<1x40x128xf32, #tpu.memory_space<hbm>>
          %dma_start3A_110 = tpu.memref_squeeze %dma_start3A_109 : memref<1x40x128xf32, #tpu.memory_space<hbm>> -> memref<40x128xf32, #tpu.memory_space<hbm>>
          %dma_start3A_111 = arith.constant 0 : i32
          %dma_start3A_112 = tpu.memref_slice %arg5[%arg0, %add3A_107, %dma_start3A_111] : memref<2x10000x128xf32, #tpu.memory_space<hbm>> -> memref<1x40x128xf32, #tpu.memory_space<hbm>>
          %dma_start3A_113 = tpu.memref_squeeze %dma_start3A_112 : memref<1x40x128xf32, #tpu.memory_space<hbm>> -> memref<40x128xf32, #tpu.memory_space<hbm>>
          tpu.enqueue_dma source(%arg13 : memref<40x128xf32, #tpu.memory_space<vmem>>) target(%dma_start3A_113 : memref<40x128xf32, #tpu.memory_space<hbm>>) target_semaphore(%run_scoped3A : memref<!tpu.dma_semaphore, #tpu.memory_space<semaphore_mem>>)
          %dma_wait3A_114 = arith.constant 0 : i32
          %dma_wait3A_115 = tpu.memref_slice %arg5[%arg0, %add3A_107, %dma_wait3A_114] : memref<2x10000x128xf32, #tpu.memory_space<hbm>> -> memref<1x40x128xf32, #tpu.memory_space<hbm>>
          %dma_wait3A_116 = tpu.memref_squeeze %dma_wait3A_115 : memref<1x40x128xf32, #tpu.memory_space<hbm>> -> memref<40x128xf32, #tpu.memory_space<hbm>>
          %dma_wait3A_117 = arith.constant 0 : i32
          %dma_wait3A_118 = tpu.memref_slice %arg5[%arg0, %add3A_107, %dma_wait3A_117] : memref<2x10000x128xf32, #tpu.memory_space<hbm>> -> memref<1x40x128xf32, #tpu.memory_space<hbm>>
          %dma_wait3A_119 = tpu.memref_squeeze %dma_wait3A_118 : memref<1x40x128xf32, #tpu.memory_space<hbm>> -> memref<40x128xf32, #tpu.memory_space<hbm>>
          tpu.wait_dma2 semaphore(%run_scoped3A : memref<!tpu.dma_semaphore, #tpu.memory_space<semaphore_mem>>) src(%arg13 : memref<40x128xf32, #tpu.memory_space<vmem>>) dst(%dma_wait3A_119 : memref<40x128xf32, #tpu.memory_space<hbm>>)
          tpu.yield
        }) : () -> ()
      }
      %scan3A_103 = arith.constant 25 : i32
    } else {
    }
    return
  }
}

#map = affine_map<(d0, d1) -> (0, 0)>
#map1 = affine_map<(d0, d1) -> (0)>
#map2 = affine_map<(d0, d1) -> (0, 0, 0)>
module attributes {stable_mosaic.version = 14 : i64} {
  func.func @agg_kernel(%arg0: i32, %arg1: i32, %arg2: memref<80000x128xf32, #tpu.memory_space<hbm>>, %arg3: memref<80000x128xf32, #tpu.memory_space<hbm>>, %arg4: memref<320000xi32, #tpu.memory_space<hbm>>, %arg5: memref<320000xi32, #tpu.memory_space<hbm>>, %arg6: memref<320000xi32, #tpu.memory_space<hbm>>, %arg7: memref<2x10000x128xf32, #tpu.memory_space<hbm>>, %arg8: memref<10000x128xf32, #tpu.memory_space<vmem_shared>>, %arg9: memref<80xi32, #tpu.memory_space<vmem>>, %arg10: memref<80xi32, #tpu.memory_space<vmem>>, %arg11: memref<80xi32, #tpu.memory_space<vmem>>, %arg12: memref<80xi32, #tpu.memory_space<vmem>>, %arg13: memref<80xi32, #tpu.memory_space<vmem>>, %arg14: memref<80xi32, #tpu.memory_space<vmem>>, %arg15: memref<80xi32, #tpu.memory_space<vmem>>, %arg16: memref<80xi32, #tpu.memory_space<vmem>>, %arg17: memref<80x128xf32, #tpu.memory_space<vmem>>, %arg18: memref<80x128xf32, #tpu.memory_space<vmem>>, %arg19: memref<80x128xf32, #tpu.memory_space<vmem>>, %arg20: memref<80x128xf32, #tpu.memory_space<vmem>>, %arg21: memref<40x128xf32, #tpu.memory_space<vmem>>, %arg22: memref<!tpu.dma_semaphore, #tpu.memory_space<semaphore_mem>>, %arg23: memref<!tpu.dma_semaphore, #tpu.memory_space<semaphore_mem>>, %arg24: memref<!tpu.dma_semaphore, #tpu.memory_space<semaphore_mem>>, %arg25: memref<!tpu.dma_semaphore, #tpu.memory_space<semaphore_mem>>, %arg26: memref<!tpu.dma_semaphore, #tpu.memory_space<semaphore_mem>>) attributes {dimension_semantics = [#tpu.dimension_semantics<core_parallel>, #tpu.dimension_semantics<subcore_parallel>], iteration_bounds = array<i64: 2, 16>, scalar_prefetch = 0 : i64, scratch_operands = 19 : i64, tpu.core_type = #tpu.core_type<sc_vector_subcore>, window_params = [{transform_indices = #map}, {transform_indices = #map}, {transform_indices = #map1}, {transform_indices = #map1}, {transform_indices = #map1}, {transform_indices = #map2}]} {
    %broadcast_in_dim3A = arith.constant 0.000000e+00 : f32
    %broadcast_in_dim3A_0 = vector.broadcast %broadcast_in_dim3A : f32 to vector<16xf32>
    %scan3A = arith.constant 0 : i32
    %scan3A_1 = arith.constant 40 : i32
    %scan3A_2 = arith.addi %scan3A, %scan3A_1 : i32
    %scan3A_3 = arith.constant 1 : i32
    scf.for %scan3A_181 = %scan3A to %scan3A_2 step %scan3A_3  : i32 {
      %swap3A_182 = arith.index_cast %scan3A_181 : i32 to index
      %swap3A_183 = arith.constant 0 : index
      %swap3A_184 = tpu.vector_load %arg21[%swap3A_182, %swap3A_183] {strides = array<i32>} : memref<40x128xf32, #tpu.memory_space<vmem>>, vector<1x16xf32>,
      %swap3A_185 = vector.shape_cast %swap3A_184 : vector<1x16xf32> to vector<16xf32>
      %swap3A_186 = vector.shape_cast %broadcast_in_dim3A_0 : vector<16xf32> to vector<1x16xf32>
      tpu.vector_store %arg21[%swap3A_182, %swap3A_183], %swap3A_186 {strides = array<i32>} : memref<40x128xf32, #tpu.memory_space<vmem>>, vector<1x16xf32>,
      %swap3A_187 = arith.index_cast %scan3A_181 : i32 to index
      %swap3A_188 = arith.constant 16 : index
      %swap3A_189 = tpu.vector_load %arg21[%swap3A_187, %swap3A_188] {strides = array<i32>} : memref<40x128xf32, #tpu.memory_space<vmem>>, vector<1x16xf32>,
      %swap3A_190 = vector.shape_cast %swap3A_189 : vector<1x16xf32> to vector<16xf32>
      %swap3A_191 = vector.shape_cast %broadcast_in_dim3A_0 : vector<16xf32> to vector<1x16xf32>
      tpu.vector_store %arg21[%swap3A_187, %swap3A_188], %swap3A_191 {strides = array<i32>} : memref<40x128xf32, #tpu.memory_space<vmem>>, vector<1x16xf32>,
      %swap3A_192 = arith.index_cast %scan3A_181 : i32 to index
      %swap3A_193 = arith.constant 32 : index
      %swap3A_194 = tpu.vector_load %arg21[%swap3A_192, %swap3A_193] {strides = array<i32>} : memref<40x128xf32, #tpu.memory_space<vmem>>, vector<1x16xf32>,
      %swap3A_195 = vector.shape_cast %swap3A_194 : vector<1x16xf32> to vector<16xf32>
      %swap3A_196 = vector.shape_cast %broadcast_in_dim3A_0 : vector<16xf32> to vector<1x16xf32>
      tpu.vector_store %arg21[%swap3A_192, %swap3A_193], %swap3A_196 {strides = array<i32>} : memref<40x128xf32, #tpu.memory_space<vmem>>, vector<1x16xf32>,
      %swap3A_197 = arith.index_cast %scan3A_181 : i32 to index
      %swap3A_198 = arith.constant 48 : index
      %swap3A_199 = tpu.vector_load %arg21[%swap3A_197, %swap3A_198] {strides = array<i32>} : memref<40x128xf32, #tpu.memory_space<vmem>>, vector<1x16xf32>,
      %swap3A_200 = vector.shape_cast %swap3A_199 : vector<1x16xf32> to vector<16xf32>
      %swap3A_201 = vector.shape_cast %broadcast_in_dim3A_0 : vector<16xf32> to vector<1x16xf32>
      tpu.vector_store %arg21[%swap3A_197, %swap3A_198], %swap3A_201 {strides = array<i32>} : memref<40x128xf32, #tpu.memory_space<vmem>>, vector<1x16xf32>,
      %swap3A_202 = arith.index_cast %scan3A_181 : i32 to index
      %swap3A_203 = arith.constant 64 : index
      %swap3A_204 = tpu.vector_load %arg21[%swap3A_202, %swap3A_203] {strides = array<i32>} : memref<40x128xf32, #tpu.memory_space<vmem>>, vector<1x16xf32>,
      %swap3A_205 = vector.shape_cast %swap3A_204 : vector<1x16xf32> to vector<16xf32>
      %swap3A_206 = vector.shape_cast %broadcast_in_dim3A_0 : vector<16xf32> to vector<1x16xf32>
      tpu.vector_store %arg21[%swap3A_202, %swap3A_203], %swap3A_206 {strides = array<i32>} : memref<40x128xf32, #tpu.memory_space<vmem>>, vector<1x16xf32>,
      %swap3A_207 = arith.index_cast %scan3A_181 : i32 to index
      %swap3A_208 = arith.constant 80 : index
      %swap3A_209 = tpu.vector_load %arg21[%swap3A_207, %swap3A_208] {strides = array<i32>} : memref<40x128xf32, #tpu.memory_space<vmem>>, vector<1x16xf32>,
      %swap3A_210 = vector.shape_cast %swap3A_209 : vector<1x16xf32> to vector<16xf32>
      %swap3A_211 = vector.shape_cast %broadcast_in_dim3A_0 : vector<16xf32> to vector<1x16xf32>
      tpu.vector_store %arg21[%swap3A_207, %swap3A_208], %swap3A_211 {strides = array<i32>} : memref<40x128xf32, #tpu.memory_space<vmem>>, vector<1x16xf32>,
      %swap3A_212 = arith.index_cast %scan3A_181 : i32 to index
      %swap3A_213 = arith.constant 96 : index
      %swap3A_214 = tpu.vector_load %arg21[%swap3A_212, %swap3A_213] {strides = array<i32>} : memref<40x128xf32, #tpu.memory_space<vmem>>, vector<1x16xf32>,
      %swap3A_215 = vector.shape_cast %swap3A_214 : vector<1x16xf32> to vector<16xf32>
      %swap3A_216 = vector.shape_cast %broadcast_in_dim3A_0 : vector<16xf32> to vector<1x16xf32>
      tpu.vector_store %arg21[%swap3A_212, %swap3A_213], %swap3A_216 {strides = array<i32>} : memref<40x128xf32, #tpu.memory_space<vmem>>, vector<1x16xf32>,
      %swap3A_217 = arith.index_cast %scan3A_181 : i32 to index
      %swap3A_218 = arith.constant 112 : index
      %swap3A_219 = tpu.vector_load %arg21[%swap3A_217, %swap3A_218] {strides = array<i32>} : memref<40x128xf32, #tpu.memory_space<vmem>>, vector<1x16xf32>,
      %swap3A_220 = vector.shape_cast %swap3A_219 : vector<1x16xf32> to vector<16xf32>
      %swap3A_221 = vector.shape_cast %broadcast_in_dim3A_0 : vector<16xf32> to vector<1x16xf32>
      tpu.vector_store %arg21[%swap3A_217, %swap3A_218], %swap3A_221 {strides = array<i32>} : memref<40x128xf32, #tpu.memory_space<vmem>>, vector<1x16xf32>,
    }
    %scan3A_4 = arith.constant 40 : i32
    %mul3A = arith.constant 1000 : i32
    %mul3A_5 = arith.muli %arg1, %mul3A : i32
    %lt3A = arith.constant 10 : i32
    %lt3A_6 = arith.cmpi slt, %arg1, %lt3A : i32
    %convert_element_type3A = arith.extui %lt3A_6 : i1 to i32
    %cond3A = arith.constant 0 : i32
    %cond3A_7 = arith.cmpi ne, %convert_element_type3A, %cond3A : i32
    scf.if %cond3A_7 {
      %scan3A_181 = arith.constant 0 : i32
      %scan3A_182 = arith.constant 25 : i32
      %scan3A_183 = arith.addi %scan3A_181, %scan3A_182 : i32
      %scan3A_184 = arith.constant 1 : i32
      scf.for %scan3A_186 = %scan3A_181 to %scan3A_183 step %scan3A_184  : i32 {
        %mul3A_187 = arith.constant 40 : i32
        %mul3A_188 = arith.muli %scan3A_186, %mul3A_187 : i32
        %add3A_189 = arith.addi %mul3A_5, %mul3A_188 : i32
        "tpu.region"() ({
          %run_scoped3A = tpu.sem_alloc : memref<!tpu.dma_semaphore, #tpu.memory_space<semaphore_mem>>
          %dma_start3A_190 = arith.constant 0 : i32
          %dma_start3A_191 = tpu.memref_slice %arg8[%add3A_189, %dma_start3A_190] : memref<10000x128xf32, #tpu.memory_space<vmem_shared>> -> memref<40x128xf32, #tpu.memory_space<vmem_shared>>
          %dma_start3A_192 = arith.constant 0 : i32
          %dma_start3A_193 = tpu.memref_slice %arg8[%add3A_189, %dma_start3A_192] : memref<10000x128xf32, #tpu.memory_space<vmem_shared>> -> memref<40x128xf32, #tpu.memory_space<vmem_shared>>
          tpu.enqueue_dma source(%arg21 : memref<40x128xf32, #tpu.memory_space<vmem>>) target(%dma_start3A_193 : memref<40x128xf32, #tpu.memory_space<vmem_shared>>) target_semaphore(%run_scoped3A : memref<!tpu.dma_semaphore, #tpu.memory_space<semaphore_mem>>)
          %dma_wait3A_194 = arith.constant 0 : i32
          %dma_wait3A_195 = tpu.memref_slice %arg8[%add3A_189, %dma_wait3A_194] : memref<10000x128xf32, #tpu.memory_space<vmem_shared>> -> memref<40x128xf32, #tpu.memory_space<vmem_shared>>
          %dma_wait3A_196 = arith.constant 0 : i32
          %dma_wait3A_197 = tpu.memref_slice %arg8[%add3A_189, %dma_wait3A_196] : memref<10000x128xf32, #tpu.memory_space<vmem_shared>> -> memref<40x128xf32, #tpu.memory_space<vmem_shared>>
          tpu.wait_dma2 semaphore(%run_scoped3A : memref<!tpu.dma_semaphore, #tpu.memory_space<semaphore_mem>>) src(%arg21 : memref<40x128xf32, #tpu.memory_space<vmem>>) dst(%dma_wait3A_197 : memref<40x128xf32, #tpu.memory_space<vmem_shared>>)
          tpu.yield
        }) : () -> ()
      }
      %scan3A_185 = arith.constant 25 : i32
    } else {
    }
    %barrier3A = arith.constant 0 : index
    tpu.barrier barrier_id(%barrier3A)
    %mul3A_8 = arith.constant 160000 : i32
    %mul3A_9 = arith.muli %arg0, %mul3A_8 : i32
    %mul3A_10 = arith.constant 10000 : i32
    %mul3A_11 = arith.muli %arg1, %mul3A_10 : i32
    %add3A = arith.addi %mul3A_9, %mul3A_11 : i32
    %scan3A_12 = arith.constant 0 : i32
    %scan3A_13 = arith.constant 62 : i32
    %scan3A_14 = arith.addi %scan3A_12, %scan3A_13 : i32
    %scan3A_15 = arith.constant 1 : i32
    scf.for %scan3A_181 = %scan3A_12 to %scan3A_14 step %scan3A_15  : i32 {
      %mul3A_182 = arith.constant 2 : i32
      %mul3A_183 = arith.muli %mul3A_182, %scan3A_181 : i32
      %mul3A_184 = arith.constant 80 : i32
      %mul3A_185 = arith.muli %mul3A_183, %mul3A_184 : i32
      %add3A_186 = arith.addi %add3A, %mul3A_185 : i32
      %dma_start3A_187 = tpu.memref_slice %arg4[%add3A_186] : memref<320000xi32, #tpu.memory_space<hbm>> -> memref<80xi32, #tpu.memory_space<hbm>>
      %dma_start3A_188 = tpu.memref_slice %arg4[%add3A_186] : memref<320000xi32, #tpu.memory_space<hbm>> -> memref<80xi32, #tpu.memory_space<hbm>>
      tpu.enqueue_dma source(%dma_start3A_188 : memref<80xi32, #tpu.memory_space<hbm>>) target(%arg9 : memref<80xi32, #tpu.memory_space<vmem>>) target_semaphore(%arg22 : memref<!tpu.dma_semaphore, #tpu.memory_space<semaphore_mem>>)
      %dma_start3A_189 = tpu.memref_slice %arg5[%add3A_186] : memref<320000xi32, #tpu.memory_space<hbm>> -> memref<80xi32, #tpu.memory_space<hbm>>
      %dma_start3A_190 = tpu.memref_slice %arg5[%add3A_186] : memref<320000xi32, #tpu.memory_space<hbm>> -> memref<80xi32, #tpu.memory_space<hbm>>
      tpu.enqueue_dma source(%dma_start3A_190 : memref<80xi32, #tpu.memory_space<hbm>>) target(%arg10 : memref<80xi32, #tpu.memory_space<vmem>>) target_semaphore(%arg22 : memref<!tpu.dma_semaphore, #tpu.memory_space<semaphore_mem>>)
      %dma_start3A_191 = tpu.memref_slice %arg6[%add3A_186] : memref<320000xi32, #tpu.memory_space<hbm>> -> memref<80xi32, #tpu.memory_space<hbm>>
      %dma_start3A_192 = tpu.memref_slice %arg6[%add3A_186] : memref<320000xi32, #tpu.memory_space<hbm>> -> memref<80xi32, #tpu.memory_space<hbm>>
      tpu.enqueue_dma source(%dma_start3A_192 : memref<80xi32, #tpu.memory_space<hbm>>) target(%arg11 : memref<80xi32, #tpu.memory_space<vmem>>) target_semaphore(%arg22 : memref<!tpu.dma_semaphore, #tpu.memory_space<semaphore_mem>>)
      %add3A_193 = arith.constant 80 : i32
      %add3A_194 = arith.addi %add3A_186, %add3A_193 : i32
      %dma_start3A_195 = tpu.memref_slice %arg4[%add3A_194] : memref<320000xi32, #tpu.memory_space<hbm>> -> memref<80xi32, #tpu.memory_space<hbm>>
      %dma_start3A_196 = tpu.memref_slice %arg4[%add3A_194] : memref<320000xi32, #tpu.memory_space<hbm>> -> memref<80xi32, #tpu.memory_space<hbm>>
      tpu.enqueue_dma source(%dma_start3A_196 : memref<80xi32, #tpu.memory_space<hbm>>) target(%arg13 : memref<80xi32, #tpu.memory_space<vmem>>) target_semaphore(%arg22 : memref<!tpu.dma_semaphore, #tpu.memory_space<semaphore_mem>>)
      %dma_start3A_197 = tpu.memref_slice %arg5[%add3A_194] : memref<320000xi32, #tpu.memory_space<hbm>> -> memref<80xi32, #tpu.memory_space<hbm>>
      %dma_start3A_198 = tpu.memref_slice %arg5[%add3A_194] : memref<320000xi32, #tpu.memory_space<hbm>> -> memref<80xi32, #tpu.memory_space<hbm>>
      tpu.enqueue_dma source(%dma_start3A_198 : memref<80xi32, #tpu.memory_space<hbm>>) target(%arg14 : memref<80xi32, #tpu.memory_space<vmem>>) target_semaphore(%arg22 : memref<!tpu.dma_semaphore, #tpu.memory_space<semaphore_mem>>)
      %dma_start3A_199 = tpu.memref_slice %arg6[%add3A_194] : memref<320000xi32, #tpu.memory_space<hbm>> -> memref<80xi32, #tpu.memory_space<hbm>>
      %dma_start3A_200 = tpu.memref_slice %arg6[%add3A_194] : memref<320000xi32, #tpu.memory_space<hbm>> -> memref<80xi32, #tpu.memory_space<hbm>>
      tpu.enqueue_dma source(%dma_start3A_200 : memref<80xi32, #tpu.memory_space<hbm>>) target(%arg15 : memref<80xi32, #tpu.memory_space<vmem>>) target_semaphore(%arg22 : memref<!tpu.dma_semaphore, #tpu.memory_space<semaphore_mem>>)
      %dma_wait3A_201 = tpu.memref_slice %arg4[%add3A_186] : memref<320000xi32, #tpu.memory_space<hbm>> -> memref<80xi32, #tpu.memory_space<hbm>>
      %dma_wait3A_202 = tpu.memref_slice %arg4[%add3A_186] : memref<320000xi32, #tpu.memory_space<hbm>> -> memref<80xi32, #tpu.memory_space<hbm>>
      tpu.wait_dma2 semaphore(%arg22 : memref<!tpu.dma_semaphore, #tpu.memory_space<semaphore_mem>>) src(%dma_wait3A_202 : memref<80xi32, #tpu.memory_space<hbm>>) dst(%arg9 : memref<80xi32, #tpu.memory_space<vmem>>)
      %dma_wait3A_203 = tpu.memref_slice %arg5[%add3A_186] : memref<320000xi32, #tpu.memory_space<hbm>> -> memref<80xi32, #tpu.memory_space<hbm>>
      %dma_wait3A_204 = tpu.memref_slice %arg5[%add3A_186] : memref<320000xi32, #tpu.memory_space<hbm>> -> memref<80xi32, #tpu.memory_space<hbm>>
      tpu.wait_dma2 semaphore(%arg22 : memref<!tpu.dma_semaphore, #tpu.memory_space<semaphore_mem>>) src(%dma_wait3A_204 : memref<80xi32, #tpu.memory_space<hbm>>) dst(%arg10 : memref<80xi32, #tpu.memory_space<vmem>>)
      %dma_wait3A_205 = tpu.memref_slice %arg6[%add3A_186] : memref<320000xi32, #tpu.memory_space<hbm>> -> memref<80xi32, #tpu.memory_space<hbm>>
      %dma_wait3A_206 = tpu.memref_slice %arg6[%add3A_186] : memref<320000xi32, #tpu.memory_space<hbm>> -> memref<80xi32, #tpu.memory_space<hbm>>
      tpu.wait_dma2 semaphore(%arg22 : memref<!tpu.dma_semaphore, #tpu.memory_space<semaphore_mem>>) src(%dma_wait3A_206 : memref<80xi32, #tpu.memory_space<hbm>>) dst(%arg11 : memref<80xi32, #tpu.memory_space<vmem>>)
      %get3A_207 = arith.constant 0 : index
      %get3A_208 = tpu.vector_load %arg9[%get3A_207] {strides = array<i32>} : memref<80xi32, #tpu.memory_space<vmem>>, vector<16xi32>,
      %get3A_209 = vector.shape_cast %get3A_208 : vector<16xi32> to vector<16xi32>
      %mul3A_210 = arith.constant 10000 : i32
      %mul3A_211 = vector.broadcast %mul3A_210 : i32 to vector<16xi32>
      %mul3A_212 = arith.muli %get3A_209, %mul3A_211 : vector<16xi32>
      %get3A_213 = arith.constant 0 : index
      %get3A_214 = tpu.vector_load %arg10[%get3A_213] {strides = array<i32>} : memref<80xi32, #tpu.memory_space<vmem>>, vector<16xi32>,
      %get3A_215 = vector.shape_cast %get3A_214 : vector<16xi32> to vector<16xi32>
      %add3A_216 = arith.addi %mul3A_212, %get3A_215 : vector<16xi32>
      %swap3A_217 = arith.constant 0 : index
      %swap3A_218 = tpu.vector_load %arg10[%swap3A_217] {strides = array<i32>} : memref<80xi32, #tpu.memory_space<vmem>>, vector<16xi32>,
      %swap3A_219 = vector.shape_cast %swap3A_218 : vector<16xi32> to vector<16xi32>
      %swap3A_220 = vector.shape_cast %add3A_216 : vector<16xi32> to vector<16xi32>
      tpu.vector_store %arg10[%swap3A_217], %swap3A_220 {strides = array<i32>} : memref<80xi32, #tpu.memory_space<vmem>>, vector<16xi32>,
      %get3A_221 = arith.constant 0 : index
      %get3A_222 = tpu.vector_load %arg11[%get3A_221] {strides = array<i32>} : memref<80xi32, #tpu.memory_space<vmem>>, vector<16xi32>,
      %get3A_223 = vector.shape_cast %get3A_222 : vector<16xi32> to vector<16xi32>
      %mul3A_224 = arith.constant 8 : i32
      %mul3A_225 = vector.broadcast %mul3A_224 : i32 to vector<16xi32>
      %mul3A_226 = arith.muli %get3A_223, %mul3A_225 : vector<16xi32>
      %add3A_227 = arith.addi %mul3A_226, %get3A_209 : vector<16xi32>
      %swap3A_228 = arith.constant 0 : index
      %swap3A_229 = tpu.vector_load %arg12[%swap3A_228] {strides = array<i32>} : memref<80xi32, #tpu.memory_space<vmem>>, vector<16xi32>,
      %swap3A_230 = vector.shape_cast %swap3A_229 : vector<16xi32> to vector<16xi32>
      %swap3A_231 = vector.shape_cast %add3A_227 : vector<16xi32> to vector<16xi32>
      tpu.vector_store %arg12[%swap3A_228], %swap3A_231 {strides = array<i32>} : memref<80xi32, #tpu.memory_space<vmem>>, vector<16xi32>,
      %get3A_232 = arith.constant 16 : index
      %get3A_233 = tpu.vector_load %arg9[%get3A_232] {strides = array<i32>} : memref<80xi32, #tpu.memory_space<vmem>>, vector<16xi32>,
      %get3A_234 = vector.shape_cast %get3A_233 : vector<16xi32> to vector<16xi32>
      %mul3A_235 = arith.constant 10000 : i32
      %mul3A_236 = vector.broadcast %mul3A_235 : i32 to vector<16xi32>
      %mul3A_237 = arith.muli %get3A_234, %mul3A_236 : vector<16xi32>
      %get3A_238 = arith.constant 16 : index
      %get3A_239 = tpu.vector_load %arg10[%get3A_238] {strides = array<i32>} : memref<80xi32, #tpu.memory_space<vmem>>, vector<16xi32>,
      %get3A_240 = vector.shape_cast %get3A_239 : vector<16xi32> to vector<16xi32>
      %add3A_241 = arith.addi %mul3A_237, %get3A_240 : vector<16xi32>
      %swap3A_242 = arith.constant 16 : index
      %swap3A_243 = tpu.vector_load %arg10[%swap3A_242] {strides = array<i32>} : memref<80xi32, #tpu.memory_space<vmem>>, vector<16xi32>,
      %swap3A_244 = vector.shape_cast %swap3A_243 : vector<16xi32> to vector<16xi32>
      %swap3A_245 = vector.shape_cast %add3A_241 : vector<16xi32> to vector<16xi32>
      tpu.vector_store %arg10[%swap3A_242], %swap3A_245 {strides = array<i32>} : memref<80xi32, #tpu.memory_space<vmem>>, vector<16xi32>,
      %get3A_246 = arith.constant 16 : index
      %get3A_247 = tpu.vector_load %arg11[%get3A_246] {strides = array<i32>} : memref<80xi32, #tpu.memory_space<vmem>>, vector<16xi32>,
      %get3A_248 = vector.shape_cast %get3A_247 : vector<16xi32> to vector<16xi32>
      %mul3A_249 = arith.constant 8 : i32
      %mul3A_250 = vector.broadcast %mul3A_249 : i32 to vector<16xi32>
      %mul3A_251 = arith.muli %get3A_248, %mul3A_250 : vector<16xi32>
      %add3A_252 = arith.addi %mul3A_251, %get3A_234 : vector<16xi32>
      %swap3A_253 = arith.constant 16 : index
      %swap3A_254 = tpu.vector_load %arg12[%swap3A_253] {strides = array<i32>} : memref<80xi32, #tpu.memory_space<vmem>>, vector<16xi32>,
      %swap3A_255 = vector.shape_cast %swap3A_254 : vector<16xi32> to vector<16xi32>
      %swap3A_256 = vector.shape_cast %add3A_252 : vector<16xi32> to vector<16xi32>
      tpu.vector_store %arg12[%swap3A_253], %swap3A_256 {strides = array<i32>} : memref<80xi32, #tpu.memory_space<vmem>>, vector<16xi32>,
      %get3A_257 = arith.constant 32 : index
      %get3A_258 = tpu.vector_load %arg9[%get3A_257] {strides = array<i32>} : memref<80xi32, #tpu.memory_space<vmem>>, vector<16xi32>,
      %get3A_259 = vector.shape_cast %get3A_258 : vector<16xi32> to vector<16xi32>
      %mul3A_260 = arith.constant 10000 : i32
      %mul3A_261 = vector.broadcast %mul3A_260 : i32 to vector<16xi32>
      %mul3A_262 = arith.muli %get3A_259, %mul3A_261 : vector<16xi32>
      %get3A_263 = arith.constant 32 : index
      %get3A_264 = tpu.vector_load %arg10[%get3A_263] {strides = array<i32>} : memref<80xi32, #tpu.memory_space<vmem>>, vector<16xi32>,
      %get3A_265 = vector.shape_cast %get3A_264 : vector<16xi32> to vector<16xi32>
      %add3A_266 = arith.addi %mul3A_262, %get3A_265 : vector<16xi32>
      %swap3A_267 = arith.constant 32 : index
      %swap3A_268 = tpu.vector_load %arg10[%swap3A_267] {strides = array<i32>} : memref<80xi32, #tpu.memory_space<vmem>>, vector<16xi32>,
      %swap3A_269 = vector.shape_cast %swap3A_268 : vector<16xi32> to vector<16xi32>
      %swap3A_270 = vector.shape_cast %add3A_266 : vector<16xi32> to vector<16xi32>
      tpu.vector_store %arg10[%swap3A_267], %swap3A_270 {strides = array<i32>} : memref<80xi32, #tpu.memory_space<vmem>>, vector<16xi32>,
      %get3A_271 = arith.constant 32 : index
      %get3A_272 = tpu.vector_load %arg11[%get3A_271] {strides = array<i32>} : memref<80xi32, #tpu.memory_space<vmem>>, vector<16xi32>,
      %get3A_273 = vector.shape_cast %get3A_272 : vector<16xi32> to vector<16xi32>
      %mul3A_274 = arith.constant 8 : i32
      %mul3A_275 = vector.broadcast %mul3A_274 : i32 to vector<16xi32>
      %mul3A_276 = arith.muli %get3A_273, %mul3A_275 : vector<16xi32>
      %add3A_277 = arith.addi %mul3A_276, %get3A_259 : vector<16xi32>
      %swap3A_278 = arith.constant 32 : index
      %swap3A_279 = tpu.vector_load %arg12[%swap3A_278] {strides = array<i32>} : memref<80xi32, #tpu.memory_space<vmem>>, vector<16xi32>,
      %swap3A_280 = vector.shape_cast %swap3A_279 : vector<16xi32> to vector<16xi32>
      %swap3A_281 = vector.shape_cast %add3A_277 : vector<16xi32> to vector<16xi32>
      tpu.vector_store %arg12[%swap3A_278], %swap3A_281 {strides = array<i32>} : memref<80xi32, #tpu.memory_space<vmem>>, vector<16xi32>,
      %get3A_282 = arith.constant 48 : index
      %get3A_283 = tpu.vector_load %arg9[%get3A_282] {strides = array<i32>} : memref<80xi32, #tpu.memory_space<vmem>>, vector<16xi32>,
      %get3A_284 = vector.shape_cast %get3A_283 : vector<16xi32> to vector<16xi32>
      %mul3A_285 = arith.constant 10000 : i32
      %mul3A_286 = vector.broadcast %mul3A_285 : i32 to vector<16xi32>
      %mul3A_287 = arith.muli %get3A_284, %mul3A_286 : vector<16xi32>
      %get3A_288 = arith.constant 48 : index
      %get3A_289 = tpu.vector_load %arg10[%get3A_288] {strides = array<i32>} : memref<80xi32, #tpu.memory_space<vmem>>, vector<16xi32>,
      %get3A_290 = vector.shape_cast %get3A_289 : vector<16xi32> to vector<16xi32>
      %add3A_291 = arith.addi %mul3A_287, %get3A_290 : vector<16xi32>
      %swap3A_292 = arith.constant 48 : index
      %swap3A_293 = tpu.vector_load %arg10[%swap3A_292] {strides = array<i32>} : memref<80xi32, #tpu.memory_space<vmem>>, vector<16xi32>,
      %swap3A_294 = vector.shape_cast %swap3A_293 : vector<16xi32> to vector<16xi32>
      %swap3A_295 = vector.shape_cast %add3A_291 : vector<16xi32> to vector<16xi32>
      tpu.vector_store %arg10[%swap3A_292], %swap3A_295 {strides = array<i32>} : memref<80xi32, #tpu.memory_space<vmem>>, vector<16xi32>,
      %get3A_296 = arith.constant 48 : index
      %get3A_297 = tpu.vector_load %arg11[%get3A_296] {strides = array<i32>} : memref<80xi32, #tpu.memory_space<vmem>>, vector<16xi32>,
      %get3A_298 = vector.shape_cast %get3A_297 : vector<16xi32> to vector<16xi32>
      %mul3A_299 = arith.constant 8 : i32
      %mul3A_300 = vector.broadcast %mul3A_299 : i32 to vector<16xi32>
      %mul3A_301 = arith.muli %get3A_298, %mul3A_300 : vector<16xi32>
      %add3A_302 = arith.addi %mul3A_301, %get3A_284 : vector<16xi32>
      %swap3A_303 = arith.constant 48 : index
      %swap3A_304 = tpu.vector_load %arg12[%swap3A_303] {strides = array<i32>} : memref<80xi32, #tpu.memory_space<vmem>>, vector<16xi32>,
      %swap3A_305 = vector.shape_cast %swap3A_304 : vector<16xi32> to vector<16xi32>
      %swap3A_306 = vector.shape_cast %add3A_302 : vector<16xi32> to vector<16xi32>
      tpu.vector_store %arg12[%swap3A_303], %swap3A_306 {strides = array<i32>} : memref<80xi32, #tpu.memory_space<vmem>>, vector<16xi32>,
      %get3A_307 = arith.constant 64 : index
      %get3A_308 = tpu.vector_load %arg9[%get3A_307] {strides = array<i32>} : memref<80xi32, #tpu.memory_space<vmem>>, vector<16xi32>,
      %get3A_309 = vector.shape_cast %get3A_308 : vector<16xi32> to vector<16xi32>
      %mul3A_310 = arith.constant 10000 : i32
      %mul3A_311 = vector.broadcast %mul3A_310 : i32 to vector<16xi32>
      %mul3A_312 = arith.muli %get3A_309, %mul3A_311 : vector<16xi32>
      %get3A_313 = arith.constant 64 : index
      %get3A_314 = tpu.vector_load %arg10[%get3A_313] {strides = array<i32>} : memref<80xi32, #tpu.memory_space<vmem>>, vector<16xi32>,
      %get3A_315 = vector.shape_cast %get3A_314 : vector<16xi32> to vector<16xi32>
      %add3A_316 = arith.addi %mul3A_312, %get3A_315 : vector<16xi32>
      %swap3A_317 = arith.constant 64 : index
      %swap3A_318 = tpu.vector_load %arg10[%swap3A_317] {strides = array<i32>} : memref<80xi32, #tpu.memory_space<vmem>>, vector<16xi32>,
      %swap3A_319 = vector.shape_cast %swap3A_318 : vector<16xi32> to vector<16xi32>
      %swap3A_320 = vector.shape_cast %add3A_316 : vector<16xi32> to vector<16xi32>
      tpu.vector_store %arg10[%swap3A_317], %swap3A_320 {strides = array<i32>} : memref<80xi32, #tpu.memory_space<vmem>>, vector<16xi32>,
      %get3A_321 = arith.constant 64 : index
      %get3A_322 = tpu.vector_load %arg11[%get3A_321] {strides = array<i32>} : memref<80xi32, #tpu.memory_space<vmem>>, vector<16xi32>,
      %get3A_323 = vector.shape_cast %get3A_322 : vector<16xi32> to vector<16xi32>
      %mul3A_324 = arith.constant 8 : i32
      %mul3A_325 = vector.broadcast %mul3A_324 : i32 to vector<16xi32>
      %mul3A_326 = arith.muli %get3A_323, %mul3A_325 : vector<16xi32>
      %add3A_327 = arith.addi %mul3A_326, %get3A_309 : vector<16xi32>
      %swap3A_328 = arith.constant 64 : index
      %swap3A_329 = tpu.vector_load %arg12[%swap3A_328] {strides = array<i32>} : memref<80xi32, #tpu.memory_space<vmem>>, vector<16xi32>,
      %swap3A_330 = vector.shape_cast %swap3A_329 : vector<16xi32> to vector<16xi32>
      %swap3A_331 = vector.shape_cast %add3A_327 : vector<16xi32> to vector<16xi32>
      tpu.vector_store %arg12[%swap3A_328], %swap3A_331 {strides = array<i32>} : memref<80xi32, #tpu.memory_space<vmem>>, vector<16xi32>,
      %dma_start3A_332 = arith.constant 0 : i32
      %dma_start3A_333 = arith.constant 0 : i32
      %dma_start3A_334 = tpu.memref_slice %arg2[%dma_start3A_332, %dma_start3A_333] : memref<80000x128xf32, #tpu.memory_space<hbm>> -> memref<80000x128xf32, #tpu.memory_space<hbm>>
      tpu.enqueue_indirect_dma source(%dma_start3A_334 : memref<80000x128xf32, #tpu.memory_space<hbm>>) target(%arg17 : memref<80x128xf32, #tpu.memory_space<vmem>>) offsets(%arg10 : memref<80xi32, #tpu.memory_space<vmem>>) semaphore(%arg23 : memref<!tpu.dma_semaphore, #tpu.memory_space<semaphore_mem>>)
      %dma_start3A_335 = arith.constant 0 : i32
      %dma_start3A_336 = arith.constant 0 : i32
      %dma_start3A_337 = tpu.memref_slice %arg3[%dma_start3A_335, %dma_start3A_336] : memref<80000x128xf32, #tpu.memory_space<hbm>> -> memref<80000x128xf32, #tpu.memory_space<hbm>>
      tpu.enqueue_indirect_dma source(%dma_start3A_337 : memref<80000x128xf32, #tpu.memory_space<hbm>>) target(%arg19 : memref<80x128xf32, #tpu.memory_space<vmem>>) offsets(%arg12 : memref<80xi32, #tpu.memory_space<vmem>>) semaphore(%arg23 : memref<!tpu.dma_semaphore, #tpu.memory_space<semaphore_mem>>)
      %dma_wait3A_338 = tpu.memref_slice %arg4[%add3A_194] : memref<320000xi32, #tpu.memory_space<hbm>> -> memref<80xi32, #tpu.memory_space<hbm>>
      %dma_wait3A_339 = tpu.memref_slice %arg4[%add3A_194] : memref<320000xi32, #tpu.memory_space<hbm>> -> memref<80xi32, #tpu.memory_space<hbm>>
      tpu.wait_dma2 semaphore(%arg22 : memref<!tpu.dma_semaphore, #tpu.memory_space<semaphore_mem>>) src(%dma_wait3A_339 : memref<80xi32, #tpu.memory_space<hbm>>) dst(%arg13 : memref<80xi32, #tpu.memory_space<vmem>>)
      %dma_wait3A_340 = tpu.memref_slice %arg5[%add3A_194] : memref<320000xi32, #tpu.memory_space<hbm>> -> memref<80xi32, #tpu.memory_space<hbm>>
      %dma_wait3A_341 = tpu.memref_slice %arg5[%add3A_194] : memref<320000xi32, #tpu.memory_space<hbm>> -> memref<80xi32, #tpu.memory_space<hbm>>
      tpu.wait_dma2 semaphore(%arg22 : memref<!tpu.dma_semaphore, #tpu.memory_space<semaphore_mem>>) src(%dma_wait3A_341 : memref<80xi32, #tpu.memory_space<hbm>>) dst(%arg14 : memref<80xi32, #tpu.memory_space<vmem>>)
      %dma_wait3A_342 = tpu.memref_slice %arg6[%add3A_194] : memref<320000xi32, #tpu.memory_space<hbm>> -> memref<80xi32, #tpu.memory_space<hbm>>
      %dma_wait3A_343 = tpu.memref_slice %arg6[%add3A_194] : memref<320000xi32, #tpu.memory_space<hbm>> -> memref<80xi32, #tpu.memory_space<hbm>>
      tpu.wait_dma2 semaphore(%arg22 : memref<!tpu.dma_semaphore, #tpu.memory_space<semaphore_mem>>) src(%dma_wait3A_343 : memref<80xi32, #tpu.memory_space<hbm>>) dst(%arg15 : memref<80xi32, #tpu.memory_space<vmem>>)
      %get3A_344 = arith.constant 0 : index
      %get3A_345 = tpu.vector_load %arg13[%get3A_344] {strides = array<i32>} : memref<80xi32, #tpu.memory_space<vmem>>, vector<16xi32>,
      %get3A_346 = vector.shape_cast %get3A_345 : vector<16xi32> to vector<16xi32>
      %mul3A_347 = arith.constant 10000 : i32
      %mul3A_348 = vector.broadcast %mul3A_347 : i32 to vector<16xi32>
      %mul3A_349 = arith.muli %get3A_346, %mul3A_348 : vector<16xi32>
      %get3A_350 = arith.constant 0 : index
      %get3A_351 = tpu.vector_load %arg14[%get3A_350] {strides = array<i32>} : memref<80xi32, #tpu.memory_space<vmem>>, vector<16xi32>,
      %get3A_352 = vector.shape_cast %get3A_351 : vector<16xi32> to vector<16xi32>
      %add3A_353 = arith.addi %mul3A_349, %get3A_352 : vector<16xi32>
      %swap3A_354 = arith.constant 0 : index
      %swap3A_355 = tpu.vector_load %arg14[%swap3A_354] {strides = array<i32>} : memref<80xi32, #tpu.memory_space<vmem>>, vector<16xi32>,
      %swap3A_356 = vector.shape_cast %swap3A_355 : vector<16xi32> to vector<16xi32>
      %swap3A_357 = vector.shape_cast %add3A_353 : vector<16xi32> to vector<16xi32>
      tpu.vector_store %arg14[%swap3A_354], %swap3A_357 {strides = array<i32>} : memref<80xi32, #tpu.memory_space<vmem>>, vector<16xi32>,
      %get3A_358 = arith.constant 0 : index
      %get3A_359 = tpu.vector_load %arg15[%get3A_358] {strides = array<i32>} : memref<80xi32, #tpu.memory_space<vmem>>, vector<16xi32>,
      %get3A_360 = vector.shape_cast %get3A_359 : vector<16xi32> to vector<16xi32>
      %mul3A_361 = arith.constant 8 : i32
      %mul3A_362 = vector.broadcast %mul3A_361 : i32 to vector<16xi32>
      %mul3A_363 = arith.muli %get3A_360, %mul3A_362 : vector<16xi32>
      %add3A_364 = arith.addi %mul3A_363, %get3A_346 : vector<16xi32>
      %swap3A_365 = arith.constant 0 : index
      %swap3A_366 = tpu.vector_load %arg16[%swap3A_365] {strides = array<i32>} : memref<80xi32, #tpu.memory_space<vmem>>, vector<16xi32>,
      %swap3A_367 = vector.shape_cast %swap3A_366 : vector<16xi32> to vector<16xi32>
      %swap3A_368 = vector.shape_cast %add3A_364 : vector<16xi32> to vector<16xi32>
      tpu.vector_store %arg16[%swap3A_365], %swap3A_368 {strides = array<i32>} : memref<80xi32, #tpu.memory_space<vmem>>, vector<16xi32>,
      %get3A_369 = arith.constant 16 : index
      %get3A_370 = tpu.vector_load %arg13[%get3A_369] {strides = array<i32>} : memref<80xi32, #tpu.memory_space<vmem>>, vector<16xi32>,
      %get3A_371 = vector.shape_cast %get3A_370 : vector<16xi32> to vector<16xi32>
      %mul3A_372 = arith.constant 10000 : i32
      %mul3A_373 = vector.broadcast %mul3A_372 : i32 to vector<16xi32>
      %mul3A_374 = arith.muli %get3A_371, %mul3A_373 : vector<16xi32>
      %get3A_375 = arith.constant 16 : index
      %get3A_376 = tpu.vector_load %arg14[%get3A_375] {strides = array<i32>} : memref<80xi32, #tpu.memory_space<vmem>>, vector<16xi32>,
      %get3A_377 = vector.shape_cast %get3A_376 : vector<16xi32> to vector<16xi32>
      %add3A_378 = arith.addi %mul3A_374, %get3A_377 : vector<16xi32>
      %swap3A_379 = arith.constant 16 : index
      %swap3A_380 = tpu.vector_load %arg14[%swap3A_379] {strides = array<i32>} : memref<80xi32, #tpu.memory_space<vmem>>, vector<16xi32>,
      %swap3A_381 = vector.shape_cast %swap3A_380 : vector<16xi32> to vector<16xi32>
      %swap3A_382 = vector.shape_cast %add3A_378 : vector<16xi32> to vector<16xi32>
      tpu.vector_store %arg14[%swap3A_379], %swap3A_382 {strides = array<i32>} : memref<80xi32, #tpu.memory_space<vmem>>, vector<16xi32>,
      %get3A_383 = arith.constant 16 : index
      %get3A_384 = tpu.vector_load %arg15[%get3A_383] {strides = array<i32>} : memref<80xi32, #tpu.memory_space<vmem>>, vector<16xi32>,
      %get3A_385 = vector.shape_cast %get3A_384 : vector<16xi32> to vector<16xi32>
      %mul3A_386 = arith.constant 8 : i32
      %mul3A_387 = vector.broadcast %mul3A_386 : i32 to vector<16xi32>
      %mul3A_388 = arith.muli %get3A_385, %mul3A_387 : vector<16xi32>
      %add3A_389 = arith.addi %mul3A_388, %get3A_371 : vector<16xi32>
      %swap3A_390 = arith.constant 16 : index
      %swap3A_391 = tpu.vector_load %arg16[%swap3A_390] {strides = array<i32>} : memref<80xi32, #tpu.memory_space<vmem>>, vector<16xi32>,
      %swap3A_392 = vector.shape_cast %swap3A_391 : vector<16xi32> to vector<16xi32>
      %swap3A_393 = vector.shape_cast %add3A_389 : vector<16xi32> to vector<16xi32>
      tpu.vector_store %arg16[%swap3A_390], %swap3A_393 {strides = array<i32>} : memref<80xi32, #tpu.memory_space<vmem>>, vector<16xi32>,
      %get3A_394 = arith.constant 32 : index
      %get3A_395 = tpu.vector_load %arg13[%get3A_394] {strides = array<i32>} : memref<80xi32, #tpu.memory_space<vmem>>, vector<16xi32>,
      %get3A_396 = vector.shape_cast %get3A_395 : vector<16xi32> to vector<16xi32>
      %mul3A_397 = arith.constant 10000 : i32
      %mul3A_398 = vector.broadcast %mul3A_397 : i32 to vector<16xi32>
      %mul3A_399 = arith.muli %get3A_396, %mul3A_398 : vector<16xi32>
      %get3A_400 = arith.constant 32 : index
      %get3A_401 = tpu.vector_load %arg14[%get3A_400] {strides = array<i32>} : memref<80xi32, #tpu.memory_space<vmem>>, vector<16xi32>,
      %get3A_402 = vector.shape_cast %get3A_401 : vector<16xi32> to vector<16xi32>
      %add3A_403 = arith.addi %mul3A_399, %get3A_402 : vector<16xi32>
      %swap3A_404 = arith.constant 32 : index
      %swap3A_405 = tpu.vector_load %arg14[%swap3A_404] {strides = array<i32>} : memref<80xi32, #tpu.memory_space<vmem>>, vector<16xi32>,
      %swap3A_406 = vector.shape_cast %swap3A_405 : vector<16xi32> to vector<16xi32>
      %swap3A_407 = vector.shape_cast %add3A_403 : vector<16xi32> to vector<16xi32>
      tpu.vector_store %arg14[%swap3A_404], %swap3A_407 {strides = array<i32>} : memref<80xi32, #tpu.memory_space<vmem>>, vector<16xi32>,
      %get3A_408 = arith.constant 32 : index
      %get3A_409 = tpu.vector_load %arg15[%get3A_408] {strides = array<i32>} : memref<80xi32, #tpu.memory_space<vmem>>, vector<16xi32>,
      %get3A_410 = vector.shape_cast %get3A_409 : vector<16xi32> to vector<16xi32>
      %mul3A_411 = arith.constant 8 : i32
      %mul3A_412 = vector.broadcast %mul3A_411 : i32 to vector<16xi32>
      %mul3A_413 = arith.muli %get3A_410, %mul3A_412 : vector<16xi32>
      %add3A_414 = arith.addi %mul3A_413, %get3A_396 : vector<16xi32>
      %swap3A_415 = arith.constant 32 : index
      %swap3A_416 = tpu.vector_load %arg16[%swap3A_415] {strides = array<i32>} : memref<80xi32, #tpu.memory_space<vmem>>, vector<16xi32>,
      %swap3A_417 = vector.shape_cast %swap3A_416 : vector<16xi32> to vector<16xi32>
      %swap3A_418 = vector.shape_cast %add3A_414 : vector<16xi32> to vector<16xi32>
      tpu.vector_store %arg16[%swap3A_415], %swap3A_418 {strides = array<i32>} : memref<80xi32, #tpu.memory_space<vmem>>, vector<16xi32>,
      %get3A_419 = arith.constant 48 : index
      %get3A_420 = tpu.vector_load %arg13[%get3A_419] {strides = array<i32>} : memref<80xi32, #tpu.memory_space<vmem>>, vector<16xi32>,
      %get3A_421 = vector.shape_cast %get3A_420 : vector<16xi32> to vector<16xi32>
      %mul3A_422 = arith.constant 10000 : i32
      %mul3A_423 = vector.broadcast %mul3A_422 : i32 to vector<16xi32>
      %mul3A_424 = arith.muli %get3A_421, %mul3A_423 : vector<16xi32>
      %get3A_425 = arith.constant 48 : index
      %get3A_426 = tpu.vector_load %arg14[%get3A_425] {strides = array<i32>} : memref<80xi32, #tpu.memory_space<vmem>>, vector<16xi32>,
      %get3A_427 = vector.shape_cast %get3A_426 : vector<16xi32> to vector<16xi32>
      %add3A_428 = arith.addi %mul3A_424, %get3A_427 : vector<16xi32>
      %swap3A_429 = arith.constant 48 : index
      %swap3A_430 = tpu.vector_load %arg14[%swap3A_429] {strides = array<i32>} : memref<80xi32, #tpu.memory_space<vmem>>, vector<16xi32>,
      %swap3A_431 = vector.shape_cast %swap3A_430 : vector<16xi32> to vector<16xi32>
      %swap3A_432 = vector.shape_cast %add3A_428 : vector<16xi32> to vector<16xi32>
      tpu.vector_store %arg14[%swap3A_429], %swap3A_432 {strides = array<i32>} : memref<80xi32, #tpu.memory_space<vmem>>, vector<16xi32>,
      %get3A_433 = arith.constant 48 : index
      %get3A_434 = tpu.vector_load %arg15[%get3A_433] {strides = array<i32>} : memref<80xi32, #tpu.memory_space<vmem>>, vector<16xi32>,
      %get3A_435 = vector.shape_cast %get3A_434 : vector<16xi32> to vector<16xi32>
      %mul3A_436 = arith.constant 8 : i32
      %mul3A_437 = vector.broadcast %mul3A_436 : i32 to vector<16xi32>
      %mul3A_438 = arith.muli %get3A_435, %mul3A_437 : vector<16xi32>
      %add3A_439 = arith.addi %mul3A_438, %get3A_421 : vector<16xi32>
      %swap3A_440 = arith.constant 48 : index
      %swap3A_441 = tpu.vector_load %arg16[%swap3A_440] {strides = array<i32>} : memref<80xi32, #tpu.memory_space<vmem>>, vector<16xi32>,
      %swap3A_442 = vector.shape_cast %swap3A_441 : vector<16xi32> to vector<16xi32>
      %swap3A_443 = vector.shape_cast %add3A_439 : vector<16xi32> to vector<16xi32>
      tpu.vector_store %arg16[%swap3A_440], %swap3A_443 {strides = array<i32>} : memref<80xi32, #tpu.memory_space<vmem>>, vector<16xi32>,
      %get3A_444 = arith.constant 64 : index
      %get3A_445 = tpu.vector_load %arg13[%get3A_444] {strides = array<i32>} : memref<80xi32, #tpu.memory_space<vmem>>, vector<16xi32>,
      %get3A_446 = vector.shape_cast %get3A_445 : vector<16xi32> to vector<16xi32>
      %mul3A_447 = arith.constant 10000 : i32
      %mul3A_448 = vector.broadcast %mul3A_447 : i32 to vector<16xi32>
      %mul3A_449 = arith.muli %get3A_446, %mul3A_448 : vector<16xi32>
      %get3A_450 = arith.constant 64 : index
      %get3A_451 = tpu.vector_load %arg14[%get3A_450] {strides = array<i32>} : memref<80xi32, #tpu.memory_space<vmem>>, vector<16xi32>,
      %get3A_452 = vector.shape_cast %get3A_451 : vector<16xi32> to vector<16xi32>
      %add3A_453 = arith.addi %mul3A_449, %get3A_452 : vector<16xi32>
      %swap3A_454 = arith.constant 64 : index
      %swap3A_455 = tpu.vector_load %arg14[%swap3A_454] {strides = array<i32>} : memref<80xi32, #tpu.memory_space<vmem>>, vector<16xi32>,
      %swap3A_456 = vector.shape_cast %swap3A_455 : vector<16xi32> to vector<16xi32>
      %swap3A_457 = vector.shape_cast %add3A_453 : vector<16xi32> to vector<16xi32>
      tpu.vector_store %arg14[%swap3A_454], %swap3A_457 {strides = array<i32>} : memref<80xi32, #tpu.memory_space<vmem>>, vector<16xi32>,
      %get3A_458 = arith.constant 64 : index
      %get3A_459 = tpu.vector_load %arg15[%get3A_458] {strides = array<i32>} : memref<80xi32, #tpu.memory_space<vmem>>, vector<16xi32>,
      %get3A_460 = vector.shape_cast %get3A_459 : vector<16xi32> to vector<16xi32>
      %mul3A_461 = arith.constant 8 : i32
      %mul3A_462 = vector.broadcast %mul3A_461 : i32 to vector<16xi32>
      %mul3A_463 = arith.muli %get3A_460, %mul3A_462 : vector<16xi32>
      %add3A_464 = arith.addi %mul3A_463, %get3A_446 : vector<16xi32>
      %swap3A_465 = arith.constant 64 : index
      %swap3A_466 = tpu.vector_load %arg16[%swap3A_465] {strides = array<i32>} : memref<80xi32, #tpu.memory_space<vmem>>, vector<16xi32>,
      %swap3A_467 = vector.shape_cast %swap3A_466 : vector<16xi32> to vector<16xi32>
      %swap3A_468 = vector.shape_cast %add3A_464 : vector<16xi32> to vector<16xi32>
      tpu.vector_store %arg16[%swap3A_465], %swap3A_468 {strides = array<i32>} : memref<80xi32, #tpu.memory_space<vmem>>, vector<16xi32>,
      %dma_start3A_469 = arith.constant 0 : i32
      %dma_start3A_470 = arith.constant 0 : i32
      %dma_start3A_471 = tpu.memref_slice %arg2[%dma_start3A_469, %dma_start3A_470] : memref<80000x128xf32, #tpu.memory_space<hbm>> -> memref<80000x128xf32, #tpu.memory_space<hbm>>
      tpu.enqueue_indirect_dma source(%dma_start3A_471 : memref<80000x128xf32, #tpu.memory_space<hbm>>) target(%arg18 : memref<80x128xf32, #tpu.memory_space<vmem>>) offsets(%arg14 : memref<80xi32, #tpu.memory_space<vmem>>) semaphore(%arg24 : memref<!tpu.dma_semaphore, #tpu.memory_space<semaphore_mem>>)
      %dma_start3A_472 = arith.constant 0 : i32
      %dma_start3A_473 = arith.constant 0 : i32
      %dma_start3A_474 = tpu.memref_slice %arg3[%dma_start3A_472, %dma_start3A_473] : memref<80000x128xf32, #tpu.memory_space<hbm>> -> memref<80000x128xf32, #tpu.memory_space<hbm>>
      tpu.enqueue_indirect_dma source(%dma_start3A_474 : memref<80000x128xf32, #tpu.memory_space<hbm>>) target(%arg20 : memref<80x128xf32, #tpu.memory_space<vmem>>) offsets(%arg16 : memref<80xi32, #tpu.memory_space<vmem>>) semaphore(%arg24 : memref<!tpu.dma_semaphore, #tpu.memory_space<semaphore_mem>>)
      %dma_wait3A_475 = arith.constant 0 : i32
      %dma_wait3A_476 = arith.constant 0 : i32
      %dma_wait3A_477 = tpu.memref_slice %arg2[%dma_wait3A_475, %dma_wait3A_476] : memref<80000x128xf32, #tpu.memory_space<hbm>> -> memref<80000x128xf32, #tpu.memory_space<hbm>>
      tpu.wait_indirect_dma semaphore(%arg23 : memref<!tpu.dma_semaphore, #tpu.memory_space<semaphore_mem>>) src(%dma_wait3A_477 : memref<80000x128xf32, #tpu.memory_space<hbm>>) dst(%arg17 : memref<80x128xf32, #tpu.memory_space<vmem>>)
      %dma_wait3A_478 = arith.constant 0 : i32
      %dma_wait3A_479 = arith.constant 0 : i32
      %dma_wait3A_480 = tpu.memref_slice %arg3[%dma_wait3A_478, %dma_wait3A_479] : memref<80000x128xf32, #tpu.memory_space<hbm>> -> memref<80000x128xf32, #tpu.memory_space<hbm>>
      tpu.wait_indirect_dma semaphore(%arg23 : memref<!tpu.dma_semaphore, #tpu.memory_space<semaphore_mem>>) src(%dma_wait3A_480 : memref<80000x128xf32, #tpu.memory_space<hbm>>) dst(%arg19 : memref<80x128xf32, #tpu.memory_space<vmem>>)
      %scan3A_481 = arith.constant 0 : i32
      %scan3A_482 = arith.constant 80 : i32
      %scan3A_483 = arith.addi %scan3A_481, %scan3A_482 : i32
      %scan3A_484 = arith.constant 1 : i32
      scf.for %scan3A_509 = %scan3A_481 to %scan3A_483 step %scan3A_484  : i32 {
        %get3A_510 = arith.index_cast %scan3A_509 : i32 to index
        %get3A_511 = arith.constant 0 : index
        %get3A_512 = tpu.vector_load %arg17[%get3A_510, %get3A_511] {strides = array<i32>} : memref<80x128xf32, #tpu.memory_space<vmem>>, vector<1x16xf32>,
        %get3A_513 = vector.shape_cast %get3A_512 : vector<1x16xf32> to vector<16xf32>
        %get3A_514 = arith.index_cast %scan3A_509 : i32 to index
        %get3A_515 = arith.constant 0 : index
        %get3A_516 = tpu.vector_load %arg19[%get3A_514, %get3A_515] {strides = array<i32>} : memref<80x128xf32, #tpu.memory_space<vmem>>, vector<1x16xf32>,
        %get3A_517 = vector.shape_cast %get3A_516 : vector<1x16xf32> to vector<16xf32>
        %mul3A_518 = arith.mulf %get3A_513, %get3A_517 : vector<16xf32>
        %swap3A_519 = arith.index_cast %scan3A_509 : i32 to index
        %swap3A_520 = arith.constant 0 : index
        %swap3A_521 = tpu.vector_load %arg17[%swap3A_519, %swap3A_520] {strides = array<i32>} : memref<80x128xf32, #tpu.memory_space<vmem>>, vector<1x16xf32>,
        %swap3A_522 = vector.shape_cast %swap3A_521 : vector<1x16xf32> to vector<16xf32>
        %swap3A_523 = vector.shape_cast %mul3A_518 : vector<16xf32> to vector<1x16xf32>
        tpu.vector_store %arg17[%swap3A_519, %swap3A_520], %swap3A_523 {strides = array<i32>} : memref<80x128xf32, #tpu.memory_space<vmem>>, vector<1x16xf32>,
        %get3A_524 = arith.index_cast %scan3A_509 : i32 to index
        %get3A_525 = arith.constant 16 : index
        %get3A_526 = tpu.vector_load %arg17[%get3A_524, %get3A_525] {strides = array<i32>} : memref<80x128xf32, #tpu.memory_space<vmem>>, vector<1x16xf32>,
        %get3A_527 = vector.shape_cast %get3A_526 : vector<1x16xf32> to vector<16xf32>
        %get3A_528 = arith.index_cast %scan3A_509 : i32 to index
        %get3A_529 = arith.constant 16 : index
        %get3A_530 = tpu.vector_load %arg19[%get3A_528, %get3A_529] {strides = array<i32>} : memref<80x128xf32, #tpu.memory_space<vmem>>, vector<1x16xf32>,
        %get3A_531 = vector.shape_cast %get3A_530 : vector<1x16xf32> to vector<16xf32>
        %mul3A_532 = arith.mulf %get3A_527, %get3A_531 : vector<16xf32>
        %swap3A_533 = arith.index_cast %scan3A_509 : i32 to index
        %swap3A_534 = arith.constant 16 : index
        %swap3A_535 = tpu.vector_load %arg17[%swap3A_533, %swap3A_534] {strides = array<i32>} : memref<80x128xf32, #tpu.memory_space<vmem>>, vector<1x16xf32>,
        %swap3A_536 = vector.shape_cast %swap3A_535 : vector<1x16xf32> to vector<16xf32>
        %swap3A_537 = vector.shape_cast %mul3A_532 : vector<16xf32> to vector<1x16xf32>
        tpu.vector_store %arg17[%swap3A_533, %swap3A_534], %swap3A_537 {strides = array<i32>} : memref<80x128xf32, #tpu.memory_space<vmem>>, vector<1x16xf32>,
        %get3A_538 = arith.index_cast %scan3A_509 : i32 to index
        %get3A_539 = arith.constant 32 : index
        %get3A_540 = tpu.vector_load %arg17[%get3A_538, %get3A_539] {strides = array<i32>} : memref<80x128xf32, #tpu.memory_space<vmem>>, vector<1x16xf32>,
        %get3A_541 = vector.shape_cast %get3A_540 : vector<1x16xf32> to vector<16xf32>
        %get3A_542 = arith.index_cast %scan3A_509 : i32 to index
        %get3A_543 = arith.constant 32 : index
        %get3A_544 = tpu.vector_load %arg19[%get3A_542, %get3A_543] {strides = array<i32>} : memref<80x128xf32, #tpu.memory_space<vmem>>, vector<1x16xf32>,
        %get3A_545 = vector.shape_cast %get3A_544 : vector<1x16xf32> to vector<16xf32>
        %mul3A_546 = arith.mulf %get3A_541, %get3A_545 : vector<16xf32>
        %swap3A_547 = arith.index_cast %scan3A_509 : i32 to index
        %swap3A_548 = arith.constant 32 : index
        %swap3A_549 = tpu.vector_load %arg17[%swap3A_547, %swap3A_548] {strides = array<i32>} : memref<80x128xf32, #tpu.memory_space<vmem>>, vector<1x16xf32>,
        %swap3A_550 = vector.shape_cast %swap3A_549 : vector<1x16xf32> to vector<16xf32>
        %swap3A_551 = vector.shape_cast %mul3A_546 : vector<16xf32> to vector<1x16xf32>
        tpu.vector_store %arg17[%swap3A_547, %swap3A_548], %swap3A_551 {strides = array<i32>} : memref<80x128xf32, #tpu.memory_space<vmem>>, vector<1x16xf32>,
        %get3A_552 = arith.index_cast %scan3A_509 : i32 to index
        %get3A_553 = arith.constant 48 : index
        %get3A_554 = tpu.vector_load %arg17[%get3A_552, %get3A_553] {strides = array<i32>} : memref<80x128xf32, #tpu.memory_space<vmem>>, vector<1x16xf32>,
        %get3A_555 = vector.shape_cast %get3A_554 : vector<1x16xf32> to vector<16xf32>
        %get3A_556 = arith.index_cast %scan3A_509 : i32 to index
        %get3A_557 = arith.constant 48 : index
        %get3A_558 = tpu.vector_load %arg19[%get3A_556, %get3A_557] {strides = array<i32>} : memref<80x128xf32, #tpu.memory_space<vmem>>, vector<1x16xf32>,
        %get3A_559 = vector.shape_cast %get3A_558 : vector<1x16xf32> to vector<16xf32>
        %mul3A_560 = arith.mulf %get3A_555, %get3A_559 : vector<16xf32>
        %swap3A_561 = arith.index_cast %scan3A_509 : i32 to index
        %swap3A_562 = arith.constant 48 : index
        %swap3A_563 = tpu.vector_load %arg17[%swap3A_561, %swap3A_562] {strides = array<i32>} : memref<80x128xf32, #tpu.memory_space<vmem>>, vector<1x16xf32>,
        %swap3A_564 = vector.shape_cast %swap3A_563 : vector<1x16xf32> to vector<16xf32>
        %swap3A_565 = vector.shape_cast %mul3A_560 : vector<16xf32> to vector<1x16xf32>
        tpu.vector_store %arg17[%swap3A_561, %swap3A_562], %swap3A_565 {strides = array<i32>} : memref<80x128xf32, #tpu.memory_space<vmem>>, vector<1x16xf32>,
        %get3A_566 = arith.index_cast %scan3A_509 : i32 to index
        %get3A_567 = arith.constant 64 : index
        %get3A_568 = tpu.vector_load %arg17[%get3A_566, %get3A_567] {strides = array<i32>} : memref<80x128xf32, #tpu.memory_space<vmem>>, vector<1x16xf32>,
        %get3A_569 = vector.shape_cast %get3A_568 : vector<1x16xf32> to vector<16xf32>
        %get3A_570 = arith.index_cast %scan3A_509 : i32 to index
        %get3A_571 = arith.constant 64 : index
        %get3A_572 = tpu.vector_load %arg19[%get3A_570, %get3A_571] {strides = array<i32>} : memref<80x128xf32, #tpu.memory_space<vmem>>, vector<1x16xf32>,
        %get3A_573 = vector.shape_cast %get3A_572 : vector<1x16xf32> to vector<16xf32>
        %mul3A_574 = arith.mulf %get3A_569, %get3A_573 : vector<16xf32>
        %swap3A_575 = arith.index_cast %scan3A_509 : i32 to index
        %swap3A_576 = arith.constant 64 : index
        %swap3A_577 = tpu.vector_load %arg17[%swap3A_575, %swap3A_576] {strides = array<i32>} : memref<80x128xf32, #tpu.memory_space<vmem>>, vector<1x16xf32>,
        %swap3A_578 = vector.shape_cast %swap3A_577 : vector<1x16xf32> to vector<16xf32>
        %swap3A_579 = vector.shape_cast %mul3A_574 : vector<16xf32> to vector<1x16xf32>
        tpu.vector_store %arg17[%swap3A_575, %swap3A_576], %swap3A_579 {strides = array<i32>} : memref<80x128xf32, #tpu.memory_space<vmem>>, vector<1x16xf32>,
        %get3A_580 = arith.index_cast %scan3A_509 : i32 to index
        %get3A_581 = arith.constant 80 : index
        %get3A_582 = tpu.vector_load %arg17[%get3A_580, %get3A_581] {strides = array<i32>} : memref<80x128xf32, #tpu.memory_space<vmem>>, vector<1x16xf32>,
        %get3A_583 = vector.shape_cast %get3A_582 : vector<1x16xf32> to vector<16xf32>
        %get3A_584 = arith.index_cast %scan3A_509 : i32 to index
        %get3A_585 = arith.constant 80 : index
        %get3A_586 = tpu.vector_load %arg19[%get3A_584, %get3A_585] {strides = array<i32>} : memref<80x128xf32, #tpu.memory_space<vmem>>, vector<1x16xf32>,
        %get3A_587 = vector.shape_cast %get3A_586 : vector<1x16xf32> to vector<16xf32>
        %mul3A_588 = arith.mulf %get3A_583, %get3A_587 : vector<16xf32>
        %swap3A_589 = arith.index_cast %scan3A_509 : i32 to index
        %swap3A_590 = arith.constant 80 : index
        %swap3A_591 = tpu.vector_load %arg17[%swap3A_589, %swap3A_590] {strides = array<i32>} : memref<80x128xf32, #tpu.memory_space<vmem>>, vector<1x16xf32>,
        %swap3A_592 = vector.shape_cast %swap3A_591 : vector<1x16xf32> to vector<16xf32>
        %swap3A_593 = vector.shape_cast %mul3A_588 : vector<16xf32> to vector<1x16xf32>
        tpu.vector_store %arg17[%swap3A_589, %swap3A_590], %swap3A_593 {strides = array<i32>} : memref<80x128xf32, #tpu.memory_space<vmem>>, vector<1x16xf32>,
        %get3A_594 = arith.index_cast %scan3A_509 : i32 to index
        %get3A_595 = arith.constant 96 : index
        %get3A_596 = tpu.vector_load %arg17[%get3A_594, %get3A_595] {strides = array<i32>} : memref<80x128xf32, #tpu.memory_space<vmem>>, vector<1x16xf32>,
        %get3A_597 = vector.shape_cast %get3A_596 : vector<1x16xf32> to vector<16xf32>
        %get3A_598 = arith.index_cast %scan3A_509 : i32 to index
        %get3A_599 = arith.constant 96 : index
        %get3A_600 = tpu.vector_load %arg19[%get3A_598, %get3A_599] {strides = array<i32>} : memref<80x128xf32, #tpu.memory_space<vmem>>, vector<1x16xf32>,
        %get3A_601 = vector.shape_cast %get3A_600 : vector<1x16xf32> to vector<16xf32>
        %mul3A_602 = arith.mulf %get3A_597, %get3A_601 : vector<16xf32>
        %swap3A_603 = arith.index_cast %scan3A_509 : i32 to index
        %swap3A_604 = arith.constant 96 : index
        %swap3A_605 = tpu.vector_load %arg17[%swap3A_603, %swap3A_604] {strides = array<i32>} : memref<80x128xf32, #tpu.memory_space<vmem>>, vector<1x16xf32>,
        %swap3A_606 = vector.shape_cast %swap3A_605 : vector<1x16xf32> to vector<16xf32>
        %swap3A_607 = vector.shape_cast %mul3A_602 : vector<16xf32> to vector<1x16xf32>
        tpu.vector_store %arg17[%swap3A_603, %swap3A_604], %swap3A_607 {strides = array<i32>} : memref<80x128xf32, #tpu.memory_space<vmem>>, vector<1x16xf32>,
        %get3A_608 = arith.index_cast %scan3A_509 : i32 to index
        %get3A_609 = arith.constant 112 : index
        %get3A_610 = tpu.vector_load %arg17[%get3A_608, %get3A_609] {strides = array<i32>} : memref<80x128xf32, #tpu.memory_space<vmem>>, vector<1x16xf32>,
        %get3A_611 = vector.shape_cast %get3A_610 : vector<1x16xf32> to vector<16xf32>
        %get3A_612 = arith.index_cast %scan3A_509 : i32 to index
        %get3A_613 = arith.constant 112 : index
        %get3A_614 = tpu.vector_load %arg19[%get3A_612, %get3A_613] {strides = array<i32>} : memref<80x128xf32, #tpu.memory_space<vmem>>, vector<1x16xf32>,
        %get3A_615 = vector.shape_cast %get3A_614 : vector<1x16xf32> to vector<16xf32>
        %mul3A_616 = arith.mulf %get3A_611, %get3A_615 : vector<16xf32>
        %swap3A_617 = arith.index_cast %scan3A_509 : i32 to index
        %swap3A_618 = arith.constant 112 : index
        %swap3A_619 = tpu.vector_load %arg17[%swap3A_617, %swap3A_618] {strides = array<i32>} : memref<80x128xf32, #tpu.memory_space<vmem>>, vector<1x16xf32>,
        %swap3A_620 = vector.shape_cast %swap3A_619 : vector<1x16xf32> to vector<16xf32>
        %swap3A_621 = vector.shape_cast %mul3A_616 : vector<16xf32> to vector<1x16xf32>
        tpu.vector_store %arg17[%swap3A_617, %swap3A_618], %swap3A_621 {strides = array<i32>} : memref<80x128xf32, #tpu.memory_space<vmem>>, vector<1x16xf32>,
      }
      %scan3A_485 = arith.constant 80 : i32
      %dma_start3A_486 = arith.constant 0 : i32
      %dma_start3A_487 = arith.constant 0 : i32
      %dma_start3A_488 = tpu.memref_slice %arg8[%dma_start3A_486, %dma_start3A_487] : memref<10000x128xf32, #tpu.memory_space<vmem_shared>> -> memref<10000x128xf32, #tpu.memory_space<vmem_shared>>
      tpu.enqueue_indirect_dma source(%arg17 : memref<80x128xf32, #tpu.memory_space<vmem>>) target(%dma_start3A_488 : memref<10000x128xf32, #tpu.memory_space<vmem_shared>>) offsets(%arg11 : memref<80xi32, #tpu.memory_space<vmem>>) semaphore(%arg25 : memref<!tpu.dma_semaphore, #tpu.memory_space<semaphore_mem>>) {add = true}
      %dma_wait3A_489 = arith.constant 0 : i32
      %dma_wait3A_490 = arith.constant 0 : i32
      %dma_wait3A_491 = tpu.memref_slice %arg2[%dma_wait3A_489, %dma_wait3A_490] : memref<80000x128xf32, #tpu.memory_space<hbm>> -> memref<80000x128xf32, #tpu.memory_space<hbm>>
      tpu.wait_indirect_dma semaphore(%arg24 : memref<!tpu.dma_semaphore, #tpu.memory_space<semaphore_mem>>) src(%dma_wait3A_491 : memref<80000x128xf32, #tpu.memory_space<hbm>>) dst(%arg18 : memref<80x128xf32, #tpu.memory_space<vmem>>)
      %dma_wait3A_492 = arith.constant 0 : i32
      %dma_wait3A_493 = arith.constant 0 : i32
      %dma_wait3A_494 = tpu.memref_slice %arg3[%dma_wait3A_492, %dma_wait3A_493] : memref<80000x128xf32, #tpu.memory_space<hbm>> -> memref<80000x128xf32, #tpu.memory_space<hbm>>
      tpu.wait_indirect_dma semaphore(%arg24 : memref<!tpu.dma_semaphore, #tpu.memory_space<semaphore_mem>>) src(%dma_wait3A_494 : memref<80000x128xf32, #tpu.memory_space<hbm>>) dst(%arg20 : memref<80x128xf32, #tpu.memory_space<vmem>>)
      %scan3A_495 = arith.constant 0 : i32
      %scan3A_496 = arith.constant 80 : i32
      %scan3A_497 = arith.addi %scan3A_495, %scan3A_496 : i32
      %scan3A_498 = arith.constant 1 : i32
      scf.for %scan3A_509 = %scan3A_495 to %scan3A_497 step %scan3A_498  : i32 {
        %get3A_510 = arith.index_cast %scan3A_509 : i32 to index
        %get3A_511 = arith.constant 0 : index
        %get3A_512 = tpu.vector_load %arg18[%get3A_510, %get3A_511] {strides = array<i32>} : memref<80x128xf32, #tpu.memory_space<vmem>>, vector<1x16xf32>,
        %get3A_513 = vector.shape_cast %get3A_512 : vector<1x16xf32> to vector<16xf32>
        %get3A_514 = arith.index_cast %scan3A_509 : i32 to index
        %get3A_515 = arith.constant 0 : index
        %get3A_516 = tpu.vector_load %arg20[%get3A_514, %get3A_515] {strides = array<i32>} : memref<80x128xf32, #tpu.memory_space<vmem>>, vector<1x16xf32>,
        %get3A_517 = vector.shape_cast %get3A_516 : vector<1x16xf32> to vector<16xf32>
        %mul3A_518 = arith.mulf %get3A_513, %get3A_517 : vector<16xf32>
        %swap3A_519 = arith.index_cast %scan3A_509 : i32 to index
        %swap3A_520 = arith.constant 0 : index
        %swap3A_521 = tpu.vector_load %arg18[%swap3A_519, %swap3A_520] {strides = array<i32>} : memref<80x128xf32, #tpu.memory_space<vmem>>, vector<1x16xf32>,
        %swap3A_522 = vector.shape_cast %swap3A_521 : vector<1x16xf32> to vector<16xf32>
        %swap3A_523 = vector.shape_cast %mul3A_518 : vector<16xf32> to vector<1x16xf32>
        tpu.vector_store %arg18[%swap3A_519, %swap3A_520], %swap3A_523 {strides = array<i32>} : memref<80x128xf32, #tpu.memory_space<vmem>>, vector<1x16xf32>,
        %get3A_524 = arith.index_cast %scan3A_509 : i32 to index
        %get3A_525 = arith.constant 16 : index
        %get3A_526 = tpu.vector_load %arg18[%get3A_524, %get3A_525] {strides = array<i32>} : memref<80x128xf32, #tpu.memory_space<vmem>>, vector<1x16xf32>,
        %get3A_527 = vector.shape_cast %get3A_526 : vector<1x16xf32> to vector<16xf32>
        %get3A_528 = arith.index_cast %scan3A_509 : i32 to index
        %get3A_529 = arith.constant 16 : index
        %get3A_530 = tpu.vector_load %arg20[%get3A_528, %get3A_529] {strides = array<i32>} : memref<80x128xf32, #tpu.memory_space<vmem>>, vector<1x16xf32>,
        %get3A_531 = vector.shape_cast %get3A_530 : vector<1x16xf32> to vector<16xf32>
        %mul3A_532 = arith.mulf %get3A_527, %get3A_531 : vector<16xf32>
        %swap3A_533 = arith.index_cast %scan3A_509 : i32 to index
        %swap3A_534 = arith.constant 16 : index
        %swap3A_535 = tpu.vector_load %arg18[%swap3A_533, %swap3A_534] {strides = array<i32>} : memref<80x128xf32, #tpu.memory_space<vmem>>, vector<1x16xf32>,
        %swap3A_536 = vector.shape_cast %swap3A_535 : vector<1x16xf32> to vector<16xf32>
        %swap3A_537 = vector.shape_cast %mul3A_532 : vector<16xf32> to vector<1x16xf32>
        tpu.vector_store %arg18[%swap3A_533, %swap3A_534], %swap3A_537 {strides = array<i32>} : memref<80x128xf32, #tpu.memory_space<vmem>>, vector<1x16xf32>,
        %get3A_538 = arith.index_cast %scan3A_509 : i32 to index
        %get3A_539 = arith.constant 32 : index
        %get3A_540 = tpu.vector_load %arg18[%get3A_538, %get3A_539] {strides = array<i32>} : memref<80x128xf32, #tpu.memory_space<vmem>>, vector<1x16xf32>,
        %get3A_541 = vector.shape_cast %get3A_540 : vector<1x16xf32> to vector<16xf32>
        %get3A_542 = arith.index_cast %scan3A_509 : i32 to index
        %get3A_543 = arith.constant 32 : index
        %get3A_544 = tpu.vector_load %arg20[%get3A_542, %get3A_543] {strides = array<i32>} : memref<80x128xf32, #tpu.memory_space<vmem>>, vector<1x16xf32>,
        %get3A_545 = vector.shape_cast %get3A_544 : vector<1x16xf32> to vector<16xf32>
        %mul3A_546 = arith.mulf %get3A_541, %get3A_545 : vector<16xf32>
        %swap3A_547 = arith.index_cast %scan3A_509 : i32 to index
        %swap3A_548 = arith.constant 32 : index
        %swap3A_549 = tpu.vector_load %arg18[%swap3A_547, %swap3A_548] {strides = array<i32>} : memref<80x128xf32, #tpu.memory_space<vmem>>, vector<1x16xf32>,
        %swap3A_550 = vector.shape_cast %swap3A_549 : vector<1x16xf32> to vector<16xf32>
        %swap3A_551 = vector.shape_cast %mul3A_546 : vector<16xf32> to vector<1x16xf32>
        tpu.vector_store %arg18[%swap3A_547, %swap3A_548], %swap3A_551 {strides = array<i32>} : memref<80x128xf32, #tpu.memory_space<vmem>>, vector<1x16xf32>,
        %get3A_552 = arith.index_cast %scan3A_509 : i32 to index
        %get3A_553 = arith.constant 48 : index
        %get3A_554 = tpu.vector_load %arg18[%get3A_552, %get3A_553] {strides = array<i32>} : memref<80x128xf32, #tpu.memory_space<vmem>>, vector<1x16xf32>,
        %get3A_555 = vector.shape_cast %get3A_554 : vector<1x16xf32> to vector<16xf32>
        %get3A_556 = arith.index_cast %scan3A_509 : i32 to index
        %get3A_557 = arith.constant 48 : index
        %get3A_558 = tpu.vector_load %arg20[%get3A_556, %get3A_557] {strides = array<i32>} : memref<80x128xf32, #tpu.memory_space<vmem>>, vector<1x16xf32>,
        %get3A_559 = vector.shape_cast %get3A_558 : vector<1x16xf32> to vector<16xf32>
        %mul3A_560 = arith.mulf %get3A_555, %get3A_559 : vector<16xf32>
        %swap3A_561 = arith.index_cast %scan3A_509 : i32 to index
        %swap3A_562 = arith.constant 48 : index
        %swap3A_563 = tpu.vector_load %arg18[%swap3A_561, %swap3A_562] {strides = array<i32>} : memref<80x128xf32, #tpu.memory_space<vmem>>, vector<1x16xf32>,
        %swap3A_564 = vector.shape_cast %swap3A_563 : vector<1x16xf32> to vector<16xf32>
        %swap3A_565 = vector.shape_cast %mul3A_560 : vector<16xf32> to vector<1x16xf32>
        tpu.vector_store %arg18[%swap3A_561, %swap3A_562], %swap3A_565 {strides = array<i32>} : memref<80x128xf32, #tpu.memory_space<vmem>>, vector<1x16xf32>,
        %get3A_566 = arith.index_cast %scan3A_509 : i32 to index
        %get3A_567 = arith.constant 64 : index
        %get3A_568 = tpu.vector_load %arg18[%get3A_566, %get3A_567] {strides = array<i32>} : memref<80x128xf32, #tpu.memory_space<vmem>>, vector<1x16xf32>,
        %get3A_569 = vector.shape_cast %get3A_568 : vector<1x16xf32> to vector<16xf32>
        %get3A_570 = arith.index_cast %scan3A_509 : i32 to index
        %get3A_571 = arith.constant 64 : index
        %get3A_572 = tpu.vector_load %arg20[%get3A_570, %get3A_571] {strides = array<i32>} : memref<80x128xf32, #tpu.memory_space<vmem>>, vector<1x16xf32>,
        %get3A_573 = vector.shape_cast %get3A_572 : vector<1x16xf32> to vector<16xf32>
        %mul3A_574 = arith.mulf %get3A_569, %get3A_573 : vector<16xf32>
        %swap3A_575 = arith.index_cast %scan3A_509 : i32 to index
        %swap3A_576 = arith.constant 64 : index
        %swap3A_577 = tpu.vector_load %arg18[%swap3A_575, %swap3A_576] {strides = array<i32>} : memref<80x128xf32, #tpu.memory_space<vmem>>, vector<1x16xf32>,
        %swap3A_578 = vector.shape_cast %swap3A_577 : vector<1x16xf32> to vector<16xf32>
        %swap3A_579 = vector.shape_cast %mul3A_574 : vector<16xf32> to vector<1x16xf32>
        tpu.vector_store %arg18[%swap3A_575, %swap3A_576], %swap3A_579 {strides = array<i32>} : memref<80x128xf32, #tpu.memory_space<vmem>>, vector<1x16xf32>,
        %get3A_580 = arith.index_cast %scan3A_509 : i32 to index
        %get3A_581 = arith.constant 80 : index
        %get3A_582 = tpu.vector_load %arg18[%get3A_580, %get3A_581] {strides = array<i32>} : memref<80x128xf32, #tpu.memory_space<vmem>>, vector<1x16xf32>,
        %get3A_583 = vector.shape_cast %get3A_582 : vector<1x16xf32> to vector<16xf32>
        %get3A_584 = arith.index_cast %scan3A_509 : i32 to index
        %get3A_585 = arith.constant 80 : index
        %get3A_586 = tpu.vector_load %arg20[%get3A_584, %get3A_585] {strides = array<i32>} : memref<80x128xf32, #tpu.memory_space<vmem>>, vector<1x16xf32>,
        %get3A_587 = vector.shape_cast %get3A_586 : vector<1x16xf32> to vector<16xf32>
        %mul3A_588 = arith.mulf %get3A_583, %get3A_587 : vector<16xf32>
        %swap3A_589 = arith.index_cast %scan3A_509 : i32 to index
        %swap3A_590 = arith.constant 80 : index
        %swap3A_591 = tpu.vector_load %arg18[%swap3A_589, %swap3A_590] {strides = array<i32>} : memref<80x128xf32, #tpu.memory_space<vmem>>, vector<1x16xf32>,
        %swap3A_592 = vector.shape_cast %swap3A_591 : vector<1x16xf32> to vector<16xf32>
        %swap3A_593 = vector.shape_cast %mul3A_588 : vector<16xf32> to vector<1x16xf32>
        tpu.vector_store %arg18[%swap3A_589, %swap3A_590], %swap3A_593 {strides = array<i32>} : memref<80x128xf32, #tpu.memory_space<vmem>>, vector<1x16xf32>,
        %get3A_594 = arith.index_cast %scan3A_509 : i32 to index
        %get3A_595 = arith.constant 96 : index
        %get3A_596 = tpu.vector_load %arg18[%get3A_594, %get3A_595] {strides = array<i32>} : memref<80x128xf32, #tpu.memory_space<vmem>>, vector<1x16xf32>,
        %get3A_597 = vector.shape_cast %get3A_596 : vector<1x16xf32> to vector<16xf32>
        %get3A_598 = arith.index_cast %scan3A_509 : i32 to index
        %get3A_599 = arith.constant 96 : index
        %get3A_600 = tpu.vector_load %arg20[%get3A_598, %get3A_599] {strides = array<i32>} : memref<80x128xf32, #tpu.memory_space<vmem>>, vector<1x16xf32>,
        %get3A_601 = vector.shape_cast %get3A_600 : vector<1x16xf32> to vector<16xf32>
        %mul3A_602 = arith.mulf %get3A_597, %get3A_601 : vector<16xf32>
        %swap3A_603 = arith.index_cast %scan3A_509 : i32 to index
        %swap3A_604 = arith.constant 96 : index
        %swap3A_605 = tpu.vector_load %arg18[%swap3A_603, %swap3A_604] {strides = array<i32>} : memref<80x128xf32, #tpu.memory_space<vmem>>, vector<1x16xf32>,
        %swap3A_606 = vector.shape_cast %swap3A_605 : vector<1x16xf32> to vector<16xf32>
        %swap3A_607 = vector.shape_cast %mul3A_602 : vector<16xf32> to vector<1x16xf32>
        tpu.vector_store %arg18[%swap3A_603, %swap3A_604], %swap3A_607 {strides = array<i32>} : memref<80x128xf32, #tpu.memory_space<vmem>>, vector<1x16xf32>,
        %get3A_608 = arith.index_cast %scan3A_509 : i32 to index
        %get3A_609 = arith.constant 112 : index
        %get3A_610 = tpu.vector_load %arg18[%get3A_608, %get3A_609] {strides = array<i32>} : memref<80x128xf32, #tpu.memory_space<vmem>>, vector<1x16xf32>,
        %get3A_611 = vector.shape_cast %get3A_610 : vector<1x16xf32> to vector<16xf32>
        %get3A_612 = arith.index_cast %scan3A_509 : i32 to index
        %get3A_613 = arith.constant 112 : index
        %get3A_614 = tpu.vector_load %arg20[%get3A_612, %get3A_613] {strides = array<i32>} : memref<80x128xf32, #tpu.memory_space<vmem>>, vector<1x16xf32>,
        %get3A_615 = vector.shape_cast %get3A_614 : vector<1x16xf32> to vector<16xf32>
        %mul3A_616 = arith.mulf %get3A_611, %get3A_615 : vector<16xf32>
        %swap3A_617 = arith.index_cast %scan3A_509 : i32 to index
        %swap3A_618 = arith.constant 112 : index
        %swap3A_619 = tpu.vector_load %arg18[%swap3A_617, %swap3A_618] {strides = array<i32>} : memref<80x128xf32, #tpu.memory_space<vmem>>, vector<1x16xf32>,
        %swap3A_620 = vector.shape_cast %swap3A_619 : vector<1x16xf32> to vector<16xf32>
        %swap3A_621 = vector.shape_cast %mul3A_616 : vector<16xf32> to vector<1x16xf32>
        tpu.vector_store %arg18[%swap3A_617, %swap3A_618], %swap3A_621 {strides = array<i32>} : memref<80x128xf32, #tpu.memory_space<vmem>>, vector<1x16xf32>,
      }
      %scan3A_499 = arith.constant 80 : i32
      %dma_start3A_500 = arith.constant 0 : i32
      %dma_start3A_501 = arith.constant 0 : i32
      %dma_start3A_502 = tpu.memref_slice %arg8[%dma_start3A_500, %dma_start3A_501] : memref<10000x128xf32, #tpu.memory_space<vmem_shared>> -> memref<10000x128xf32, #tpu.memory_space<vmem_shared>>
      tpu.enqueue_indirect_dma source(%arg18 : memref<80x128xf32, #tpu.memory_space<vmem>>) target(%dma_start3A_502 : memref<10000x128xf32, #tpu.memory_space<vmem_shared>>) offsets(%arg15 : memref<80xi32, #tpu.memory_space<vmem>>) semaphore(%arg26 : memref<!tpu.dma_semaphore, #tpu.memory_space<semaphore_mem>>) {add = true}
      %dma_wait3A_503 = arith.constant 0 : i32
      %dma_wait3A_504 = arith.constant 0 : i32
      %dma_wait3A_505 = tpu.memref_slice %arg8[%dma_wait3A_503, %dma_wait3A_504] : memref<10000x128xf32, #tpu.memory_space<vmem_shared>> -> memref<10000x128xf32, #tpu.memory_space<vmem_shared>>
      tpu.wait_indirect_dma semaphore(%arg25 : memref<!tpu.dma_semaphore, #tpu.memory_space<semaphore_mem>>) src(%arg17 : memref<80x128xf32, #tpu.memory_space<vmem>>) dst(%dma_wait3A_505 : memref<10000x128xf32, #tpu.memory_space<vmem_shared>>)
      %dma_wait3A_506 = arith.constant 0 : i32
      %dma_wait3A_507 = arith.constant 0 : i32
      %dma_wait3A_508 = tpu.memref_slice %arg8[%dma_wait3A_506, %dma_wait3A_507] : memref<10000x128xf32, #tpu.memory_space<vmem_shared>> -> memref<10000x128xf32, #tpu.memory_space<vmem_shared>>
      tpu.wait_indirect_dma semaphore(%arg26 : memref<!tpu.dma_semaphore, #tpu.memory_space<semaphore_mem>>) src(%arg18 : memref<80x128xf32, #tpu.memory_space<vmem>>) dst(%dma_wait3A_508 : memref<10000x128xf32, #tpu.memory_space<vmem_shared>>)
    }
    %scan3A_16 = arith.constant 62 : i32
    %add3A_17 = arith.constant 9920 : i32
    %add3A_18 = arith.addi %add3A, %add3A_17 : i32
    %dma_start3A = tpu.memref_slice %arg4[%add3A_18] : memref<320000xi32, #tpu.memory_space<hbm>> -> memref<80xi32, #tpu.memory_space<hbm>>
    %dma_start3A_19 = tpu.memref_slice %arg4[%add3A_18] : memref<320000xi32, #tpu.memory_space<hbm>> -> memref<80xi32, #tpu.memory_space<hbm>>
    tpu.enqueue_dma source(%dma_start3A_19 : memref<80xi32, #tpu.memory_space<hbm>>) target(%arg9 : memref<80xi32, #tpu.memory_space<vmem>>) target_semaphore(%arg22 : memref<!tpu.dma_semaphore, #tpu.memory_space<semaphore_mem>>)
    %dma_start3A_20 = tpu.memref_slice %arg5[%add3A_18] : memref<320000xi32, #tpu.memory_space<hbm>> -> memref<80xi32, #tpu.memory_space<hbm>>
    %dma_start3A_21 = tpu.memref_slice %arg5[%add3A_18] : memref<320000xi32, #tpu.memory_space<hbm>> -> memref<80xi32, #tpu.memory_space<hbm>>
    tpu.enqueue_dma source(%dma_start3A_21 : memref<80xi32, #tpu.memory_space<hbm>>) target(%arg10 : memref<80xi32, #tpu.memory_space<vmem>>) target_semaphore(%arg22 : memref<!tpu.dma_semaphore, #tpu.memory_space<semaphore_mem>>)
    %dma_start3A_22 = tpu.memref_slice %arg6[%add3A_18] : memref<320000xi32, #tpu.memory_space<hbm>> -> memref<80xi32, #tpu.memory_space<hbm>>
    %dma_start3A_23 = tpu.memref_slice %arg6[%add3A_18] : memref<320000xi32, #tpu.memory_space<hbm>> -> memref<80xi32, #tpu.memory_space<hbm>>
    tpu.enqueue_dma source(%dma_start3A_23 : memref<80xi32, #tpu.memory_space<hbm>>) target(%arg11 : memref<80xi32, #tpu.memory_space<vmem>>) target_semaphore(%arg22 : memref<!tpu.dma_semaphore, #tpu.memory_space<semaphore_mem>>)
    %dma_wait3A = tpu.memref_slice %arg4[%add3A_18] : memref<320000xi32, #tpu.memory_space<hbm>> -> memref<80xi32, #tpu.memory_space<hbm>>
    %dma_wait3A_24 = tpu.memref_slice %arg4[%add3A_18] : memref<320000xi32, #tpu.memory_space<hbm>> -> memref<80xi32, #tpu.memory_space<hbm>>
    tpu.wait_dma2 semaphore(%arg22 : memref<!tpu.dma_semaphore, #tpu.memory_space<semaphore_mem>>) src(%dma_wait3A_24 : memref<80xi32, #tpu.memory_space<hbm>>) dst(%arg9 : memref<80xi32, #tpu.memory_space<vmem>>)
    %dma_wait3A_25 = tpu.memref_slice %arg5[%add3A_18] : memref<320000xi32, #tpu.memory_space<hbm>> -> memref<80xi32, #tpu.memory_space<hbm>>
    %dma_wait3A_26 = tpu.memref_slice %arg5[%add3A_18] : memref<320000xi32, #tpu.memory_space<hbm>> -> memref<80xi32, #tpu.memory_space<hbm>>
    tpu.wait_dma2 semaphore(%arg22 : memref<!tpu.dma_semaphore, #tpu.memory_space<semaphore_mem>>) src(%dma_wait3A_26 : memref<80xi32, #tpu.memory_space<hbm>>) dst(%arg10 : memref<80xi32, #tpu.memory_space<vmem>>)
    %dma_wait3A_27 = tpu.memref_slice %arg6[%add3A_18] : memref<320000xi32, #tpu.memory_space<hbm>> -> memref<80xi32, #tpu.memory_space<hbm>>
    %dma_wait3A_28 = tpu.memref_slice %arg6[%add3A_18] : memref<320000xi32, #tpu.memory_space<hbm>> -> memref<80xi32, #tpu.memory_space<hbm>>
    tpu.wait_dma2 semaphore(%arg22 : memref<!tpu.dma_semaphore, #tpu.memory_space<semaphore_mem>>) src(%dma_wait3A_28 : memref<80xi32, #tpu.memory_space<hbm>>) dst(%arg11 : memref<80xi32, #tpu.memory_space<vmem>>)
    %get3A = arith.constant 0 : index
    %get3A_29 = tpu.vector_load %arg9[%get3A] {strides = array<i32>} : memref<80xi32, #tpu.memory_space<vmem>>, vector<16xi32>,
    %get3A_30 = vector.shape_cast %get3A_29 : vector<16xi32> to vector<16xi32>
    %mul3A_31 = arith.constant 10000 : i32
    %mul3A_32 = vector.broadcast %mul3A_31 : i32 to vector<16xi32>
    %mul3A_33 = arith.muli %get3A_30, %mul3A_32 : vector<16xi32>
    %get3A_34 = arith.constant 0 : index
    %get3A_35 = tpu.vector_load %arg10[%get3A_34] {strides = array<i32>} : memref<80xi32, #tpu.memory_space<vmem>>, vector<16xi32>,
    %get3A_36 = vector.shape_cast %get3A_35 : vector<16xi32> to vector<16xi32>
    %add3A_37 = arith.addi %mul3A_33, %get3A_36 : vector<16xi32>
    %swap3A = arith.constant 0 : index
    %swap3A_38 = tpu.vector_load %arg10[%swap3A] {strides = array<i32>} : memref<80xi32, #tpu.memory_space<vmem>>, vector<16xi32>,
    %swap3A_39 = vector.shape_cast %swap3A_38 : vector<16xi32> to vector<16xi32>
    %swap3A_40 = vector.shape_cast %add3A_37 : vector<16xi32> to vector<16xi32>
    tpu.vector_store %arg10[%swap3A], %swap3A_40 {strides = array<i32>} : memref<80xi32, #tpu.memory_space<vmem>>, vector<16xi32>,
    %get3A_41 = arith.constant 0 : index
    %get3A_42 = tpu.vector_load %arg11[%get3A_41] {strides = array<i32>} : memref<80xi32, #tpu.memory_space<vmem>>, vector<16xi32>,
    %get3A_43 = vector.shape_cast %get3A_42 : vector<16xi32> to vector<16xi32>
    %mul3A_44 = arith.constant 8 : i32
    %mul3A_45 = vector.broadcast %mul3A_44 : i32 to vector<16xi32>
    %mul3A_46 = arith.muli %get3A_43, %mul3A_45 : vector<16xi32>
    %add3A_47 = arith.addi %mul3A_46, %get3A_30 : vector<16xi32>
    %swap3A_48 = arith.constant 0 : index
    %swap3A_49 = tpu.vector_load %arg12[%swap3A_48] {strides = array<i32>} : memref<80xi32, #tpu.memory_space<vmem>>, vector<16xi32>,
    %swap3A_50 = vector.shape_cast %swap3A_49 : vector<16xi32> to vector<16xi32>
    %swap3A_51 = vector.shape_cast %add3A_47 : vector<16xi32> to vector<16xi32>
    tpu.vector_store %arg12[%swap3A_48], %swap3A_51 {strides = array<i32>} : memref<80xi32, #tpu.memory_space<vmem>>, vector<16xi32>,
    %get3A_52 = arith.constant 16 : index
    %get3A_53 = tpu.vector_load %arg9[%get3A_52] {strides = array<i32>} : memref<80xi32, #tpu.memory_space<vmem>>, vector<16xi32>,
    %get3A_54 = vector.shape_cast %get3A_53 : vector<16xi32> to vector<16xi32>
    %mul3A_55 = arith.constant 10000 : i32
    %mul3A_56 = vector.broadcast %mul3A_55 : i32 to vector<16xi32>
    %mul3A_57 = arith.muli %get3A_54, %mul3A_56 : vector<16xi32>
    %get3A_58 = arith.constant 16 : index
    %get3A_59 = tpu.vector_load %arg10[%get3A_58] {strides = array<i32>} : memref<80xi32, #tpu.memory_space<vmem>>, vector<16xi32>,
    %get3A_60 = vector.shape_cast %get3A_59 : vector<16xi32> to vector<16xi32>
    %add3A_61 = arith.addi %mul3A_57, %get3A_60 : vector<16xi32>
    %swap3A_62 = arith.constant 16 : index
    %swap3A_63 = tpu.vector_load %arg10[%swap3A_62] {strides = array<i32>} : memref<80xi32, #tpu.memory_space<vmem>>, vector<16xi32>,
    %swap3A_64 = vector.shape_cast %swap3A_63 : vector<16xi32> to vector<16xi32>
    %swap3A_65 = vector.shape_cast %add3A_61 : vector<16xi32> to vector<16xi32>
    tpu.vector_store %arg10[%swap3A_62], %swap3A_65 {strides = array<i32>} : memref<80xi32, #tpu.memory_space<vmem>>, vector<16xi32>,
    %get3A_66 = arith.constant 16 : index
    %get3A_67 = tpu.vector_load %arg11[%get3A_66] {strides = array<i32>} : memref<80xi32, #tpu.memory_space<vmem>>, vector<16xi32>,
    %get3A_68 = vector.shape_cast %get3A_67 : vector<16xi32> to vector<16xi32>
    %mul3A_69 = arith.constant 8 : i32
    %mul3A_70 = vector.broadcast %mul3A_69 : i32 to vector<16xi32>
    %mul3A_71 = arith.muli %get3A_68, %mul3A_70 : vector<16xi32>
    %add3A_72 = arith.addi %mul3A_71, %get3A_54 : vector<16xi32>
    %swap3A_73 = arith.constant 16 : index
    %swap3A_74 = tpu.vector_load %arg12[%swap3A_73] {strides = array<i32>} : memref<80xi32, #tpu.memory_space<vmem>>, vector<16xi32>,
    %swap3A_75 = vector.shape_cast %swap3A_74 : vector<16xi32> to vector<16xi32>
    %swap3A_76 = vector.shape_cast %add3A_72 : vector<16xi32> to vector<16xi32>
    tpu.vector_store %arg12[%swap3A_73], %swap3A_76 {strides = array<i32>} : memref<80xi32, #tpu.memory_space<vmem>>, vector<16xi32>,
    %get3A_77 = arith.constant 32 : index
    %get3A_78 = tpu.vector_load %arg9[%get3A_77] {strides = array<i32>} : memref<80xi32, #tpu.memory_space<vmem>>, vector<16xi32>,
    %get3A_79 = vector.shape_cast %get3A_78 : vector<16xi32> to vector<16xi32>
    %mul3A_80 = arith.constant 10000 : i32
    %mul3A_81 = vector.broadcast %mul3A_80 : i32 to vector<16xi32>
    %mul3A_82 = arith.muli %get3A_79, %mul3A_81 : vector<16xi32>
    %get3A_83 = arith.constant 32 : index
    %get3A_84 = tpu.vector_load %arg10[%get3A_83] {strides = array<i32>} : memref<80xi32, #tpu.memory_space<vmem>>, vector<16xi32>,
    %get3A_85 = vector.shape_cast %get3A_84 : vector<16xi32> to vector<16xi32>
    %add3A_86 = arith.addi %mul3A_82, %get3A_85 : vector<16xi32>
    %swap3A_87 = arith.constant 32 : index
    %swap3A_88 = tpu.vector_load %arg10[%swap3A_87] {strides = array<i32>} : memref<80xi32, #tpu.memory_space<vmem>>, vector<16xi32>,
    %swap3A_89 = vector.shape_cast %swap3A_88 : vector<16xi32> to vector<16xi32>
    %swap3A_90 = vector.shape_cast %add3A_86 : vector<16xi32> to vector<16xi32>
    tpu.vector_store %arg10[%swap3A_87], %swap3A_90 {strides = array<i32>} : memref<80xi32, #tpu.memory_space<vmem>>, vector<16xi32>,
    %get3A_91 = arith.constant 32 : index
    %get3A_92 = tpu.vector_load %arg11[%get3A_91] {strides = array<i32>} : memref<80xi32, #tpu.memory_space<vmem>>, vector<16xi32>,
    %get3A_93 = vector.shape_cast %get3A_92 : vector<16xi32> to vector<16xi32>
    %mul3A_94 = arith.constant 8 : i32
    %mul3A_95 = vector.broadcast %mul3A_94 : i32 to vector<16xi32>
    %mul3A_96 = arith.muli %get3A_93, %mul3A_95 : vector<16xi32>
    %add3A_97 = arith.addi %mul3A_96, %get3A_79 : vector<16xi32>
    %swap3A_98 = arith.constant 32 : index
    %swap3A_99 = tpu.vector_load %arg12[%swap3A_98] {strides = array<i32>} : memref<80xi32, #tpu.memory_space<vmem>>, vector<16xi32>,
    %swap3A_100 = vector.shape_cast %swap3A_99 : vector<16xi32> to vector<16xi32>
    %swap3A_101 = vector.shape_cast %add3A_97 : vector<16xi32> to vector<16xi32>
    tpu.vector_store %arg12[%swap3A_98], %swap3A_101 {strides = array<i32>} : memref<80xi32, #tpu.memory_space<vmem>>, vector<16xi32>,
    %get3A_102 = arith.constant 48 : index
    %get3A_103 = tpu.vector_load %arg9[%get3A_102] {strides = array<i32>} : memref<80xi32, #tpu.memory_space<vmem>>, vector<16xi32>,
    %get3A_104 = vector.shape_cast %get3A_103 : vector<16xi32> to vector<16xi32>
    %mul3A_105 = arith.constant 10000 : i32
    %mul3A_106 = vector.broadcast %mul3A_105 : i32 to vector<16xi32>
    %mul3A_107 = arith.muli %get3A_104, %mul3A_106 : vector<16xi32>
    %get3A_108 = arith.constant 48 : index
    %get3A_109 = tpu.vector_load %arg10[%get3A_108] {strides = array<i32>} : memref<80xi32, #tpu.memory_space<vmem>>, vector<16xi32>,
    %get3A_110 = vector.shape_cast %get3A_109 : vector<16xi32> to vector<16xi32>
    %add3A_111 = arith.addi %mul3A_107, %get3A_110 : vector<16xi32>
    %swap3A_112 = arith.constant 48 : index
    %swap3A_113 = tpu.vector_load %arg10[%swap3A_112] {strides = array<i32>} : memref<80xi32, #tpu.memory_space<vmem>>, vector<16xi32>,
    %swap3A_114 = vector.shape_cast %swap3A_113 : vector<16xi32> to vector<16xi32>
    %swap3A_115 = vector.shape_cast %add3A_111 : vector<16xi32> to vector<16xi32>
    tpu.vector_store %arg10[%swap3A_112], %swap3A_115 {strides = array<i32>} : memref<80xi32, #tpu.memory_space<vmem>>, vector<16xi32>,
    %get3A_116 = arith.constant 48 : index
    %get3A_117 = tpu.vector_load %arg11[%get3A_116] {strides = array<i32>} : memref<80xi32, #tpu.memory_space<vmem>>, vector<16xi32>,
    %get3A_118 = vector.shape_cast %get3A_117 : vector<16xi32> to vector<16xi32>
    %mul3A_119 = arith.constant 8 : i32
    %mul3A_120 = vector.broadcast %mul3A_119 : i32 to vector<16xi32>
    %mul3A_121 = arith.muli %get3A_118, %mul3A_120 : vector<16xi32>
    %add3A_122 = arith.addi %mul3A_121, %get3A_104 : vector<16xi32>
    %swap3A_123 = arith.constant 48 : index
    %swap3A_124 = tpu.vector_load %arg12[%swap3A_123] {strides = array<i32>} : memref<80xi32, #tpu.memory_space<vmem>>, vector<16xi32>,
    %swap3A_125 = vector.shape_cast %swap3A_124 : vector<16xi32> to vector<16xi32>
    %swap3A_126 = vector.shape_cast %add3A_122 : vector<16xi32> to vector<16xi32>
    tpu.vector_store %arg12[%swap3A_123], %swap3A_126 {strides = array<i32>} : memref<80xi32, #tpu.memory_space<vmem>>, vector<16xi32>,
    %get3A_127 = arith.constant 64 : index
    %get3A_128 = tpu.vector_load %arg9[%get3A_127] {strides = array<i32>} : memref<80xi32, #tpu.memory_space<vmem>>, vector<16xi32>,
    %get3A_129 = vector.shape_cast %get3A_128 : vector<16xi32> to vector<16xi32>
    %mul3A_130 = arith.constant 10000 : i32
    %mul3A_131 = vector.broadcast %mul3A_130 : i32 to vector<16xi32>
    %mul3A_132 = arith.muli %get3A_129, %mul3A_131 : vector<16xi32>
    %get3A_133 = arith.constant 64 : index
    %get3A_134 = tpu.vector_load %arg10[%get3A_133] {strides = array<i32>} : memref<80xi32, #tpu.memory_space<vmem>>, vector<16xi32>,
    %get3A_135 = vector.shape_cast %get3A_134 : vector<16xi32> to vector<16xi32>
    %add3A_136 = arith.addi %mul3A_132, %get3A_135 : vector<16xi32>
    %swap3A_137 = arith.constant 64 : index
    %swap3A_138 = tpu.vector_load %arg10[%swap3A_137] {strides = array<i32>} : memref<80xi32, #tpu.memory_space<vmem>>, vector<16xi32>,
    %swap3A_139 = vector.shape_cast %swap3A_138 : vector<16xi32> to vector<16xi32>
    %swap3A_140 = vector.shape_cast %add3A_136 : vector<16xi32> to vector<16xi32>
    tpu.vector_store %arg10[%swap3A_137], %swap3A_140 {strides = array<i32>} : memref<80xi32, #tpu.memory_space<vmem>>, vector<16xi32>,
    %get3A_141 = arith.constant 64 : index
    %get3A_142 = tpu.vector_load %arg11[%get3A_141] {strides = array<i32>} : memref<80xi32, #tpu.memory_space<vmem>>, vector<16xi32>,
    %get3A_143 = vector.shape_cast %get3A_142 : vector<16xi32> to vector<16xi32>
    %mul3A_144 = arith.constant 8 : i32
    %mul3A_145 = vector.broadcast %mul3A_144 : i32 to vector<16xi32>
    %mul3A_146 = arith.muli %get3A_143, %mul3A_145 : vector<16xi32>
    %add3A_147 = arith.addi %mul3A_146, %get3A_129 : vector<16xi32>
    %swap3A_148 = arith.constant 64 : index
    %swap3A_149 = tpu.vector_load %arg12[%swap3A_148] {strides = array<i32>} : memref<80xi32, #tpu.memory_space<vmem>>, vector<16xi32>,
    %swap3A_150 = vector.shape_cast %swap3A_149 : vector<16xi32> to vector<16xi32>
    %swap3A_151 = vector.shape_cast %add3A_147 : vector<16xi32> to vector<16xi32>
    tpu.vector_store %arg12[%swap3A_148], %swap3A_151 {strides = array<i32>} : memref<80xi32, #tpu.memory_space<vmem>>, vector<16xi32>,
    %dma_start3A_152 = arith.constant 0 : i32
    %dma_start3A_153 = arith.constant 0 : i32
    %dma_start3A_154 = tpu.memref_slice %arg2[%dma_start3A_152, %dma_start3A_153] : memref<80000x128xf32, #tpu.memory_space<hbm>> -> memref<80000x128xf32, #tpu.memory_space<hbm>>
    tpu.enqueue_indirect_dma source(%dma_start3A_154 : memref<80000x128xf32, #tpu.memory_space<hbm>>) target(%arg17 : memref<80x128xf32, #tpu.memory_space<vmem>>) offsets(%arg10 : memref<80xi32, #tpu.memory_space<vmem>>) semaphore(%arg23 : memref<!tpu.dma_semaphore, #tpu.memory_space<semaphore_mem>>)
    %dma_start3A_155 = arith.constant 0 : i32
    %dma_start3A_156 = arith.constant 0 : i32
    %dma_start3A_157 = tpu.memref_slice %arg3[%dma_start3A_155, %dma_start3A_156] : memref<80000x128xf32, #tpu.memory_space<hbm>> -> memref<80000x128xf32, #tpu.memory_space<hbm>>
    tpu.enqueue_indirect_dma source(%dma_start3A_157 : memref<80000x128xf32, #tpu.memory_space<hbm>>) target(%arg19 : memref<80x128xf32, #tpu.memory_space<vmem>>) offsets(%arg12 : memref<80xi32, #tpu.memory_space<vmem>>) semaphore(%arg23 : memref<!tpu.dma_semaphore, #tpu.memory_space<semaphore_mem>>)
    %dma_wait3A_158 = arith.constant 0 : i32
    %dma_wait3A_159 = arith.constant 0 : i32
    %dma_wait3A_160 = tpu.memref_slice %arg2[%dma_wait3A_158, %dma_wait3A_159] : memref<80000x128xf32, #tpu.memory_space<hbm>> -> memref<80000x128xf32, #tpu.memory_space<hbm>>
    tpu.wait_indirect_dma semaphore(%arg23 : memref<!tpu.dma_semaphore, #tpu.memory_space<semaphore_mem>>) src(%dma_wait3A_160 : memref<80000x128xf32, #tpu.memory_space<hbm>>) dst(%arg17 : memref<80x128xf32, #tpu.memory_space<vmem>>)
    %dma_wait3A_161 = arith.constant 0 : i32
    %dma_wait3A_162 = arith.constant 0 : i32
    %dma_wait3A_163 = tpu.memref_slice %arg3[%dma_wait3A_161, %dma_wait3A_162] : memref<80000x128xf32, #tpu.memory_space<hbm>> -> memref<80000x128xf32, #tpu.memory_space<hbm>>
    tpu.wait_indirect_dma semaphore(%arg23 : memref<!tpu.dma_semaphore, #tpu.memory_space<semaphore_mem>>) src(%dma_wait3A_163 : memref<80000x128xf32, #tpu.memory_space<hbm>>) dst(%arg19 : memref<80x128xf32, #tpu.memory_space<vmem>>)
    %scan3A_164 = arith.constant 0 : i32
    %scan3A_165 = arith.constant 80 : i32
    %scan3A_166 = arith.addi %scan3A_164, %scan3A_165 : i32
    %scan3A_167 = arith.constant 1 : i32
    scf.for %scan3A_181 = %scan3A_164 to %scan3A_166 step %scan3A_167  : i32 {
      %get3A_182 = arith.index_cast %scan3A_181 : i32 to index
      %get3A_183 = arith.constant 0 : index
      %get3A_184 = tpu.vector_load %arg17[%get3A_182, %get3A_183] {strides = array<i32>} : memref<80x128xf32, #tpu.memory_space<vmem>>, vector<1x16xf32>,
      %get3A_185 = vector.shape_cast %get3A_184 : vector<1x16xf32> to vector<16xf32>
      %get3A_186 = arith.index_cast %scan3A_181 : i32 to index
      %get3A_187 = arith.constant 0 : index
      %get3A_188 = tpu.vector_load %arg19[%get3A_186, %get3A_187] {strides = array<i32>} : memref<80x128xf32, #tpu.memory_space<vmem>>, vector<1x16xf32>,
      %get3A_189 = vector.shape_cast %get3A_188 : vector<1x16xf32> to vector<16xf32>
      %mul3A_190 = arith.mulf %get3A_185, %get3A_189 : vector<16xf32>
      %swap3A_191 = arith.index_cast %scan3A_181 : i32 to index
      %swap3A_192 = arith.constant 0 : index
      %swap3A_193 = tpu.vector_load %arg17[%swap3A_191, %swap3A_192] {strides = array<i32>} : memref<80x128xf32, #tpu.memory_space<vmem>>, vector<1x16xf32>,
      %swap3A_194 = vector.shape_cast %swap3A_193 : vector<1x16xf32> to vector<16xf32>
      %swap3A_195 = vector.shape_cast %mul3A_190 : vector<16xf32> to vector<1x16xf32>
      tpu.vector_store %arg17[%swap3A_191, %swap3A_192], %swap3A_195 {strides = array<i32>} : memref<80x128xf32, #tpu.memory_space<vmem>>, vector<1x16xf32>,
      %get3A_196 = arith.index_cast %scan3A_181 : i32 to index
      %get3A_197 = arith.constant 16 : index
      %get3A_198 = tpu.vector_load %arg17[%get3A_196, %get3A_197] {strides = array<i32>} : memref<80x128xf32, #tpu.memory_space<vmem>>, vector<1x16xf32>,
      %get3A_199 = vector.shape_cast %get3A_198 : vector<1x16xf32> to vector<16xf32>
      %get3A_200 = arith.index_cast %scan3A_181 : i32 to index
      %get3A_201 = arith.constant 16 : index
      %get3A_202 = tpu.vector_load %arg19[%get3A_200, %get3A_201] {strides = array<i32>} : memref<80x128xf32, #tpu.memory_space<vmem>>, vector<1x16xf32>,
      %get3A_203 = vector.shape_cast %get3A_202 : vector<1x16xf32> to vector<16xf32>
      %mul3A_204 = arith.mulf %get3A_199, %get3A_203 : vector<16xf32>
      %swap3A_205 = arith.index_cast %scan3A_181 : i32 to index
      %swap3A_206 = arith.constant 16 : index
      %swap3A_207 = tpu.vector_load %arg17[%swap3A_205, %swap3A_206] {strides = array<i32>} : memref<80x128xf32, #tpu.memory_space<vmem>>, vector<1x16xf32>,
      %swap3A_208 = vector.shape_cast %swap3A_207 : vector<1x16xf32> to vector<16xf32>
      %swap3A_209 = vector.shape_cast %mul3A_204 : vector<16xf32> to vector<1x16xf32>
      tpu.vector_store %arg17[%swap3A_205, %swap3A_206], %swap3A_209 {strides = array<i32>} : memref<80x128xf32, #tpu.memory_space<vmem>>, vector<1x16xf32>,
      %get3A_210 = arith.index_cast %scan3A_181 : i32 to index
      %get3A_211 = arith.constant 32 : index
      %get3A_212 = tpu.vector_load %arg17[%get3A_210, %get3A_211] {strides = array<i32>} : memref<80x128xf32, #tpu.memory_space<vmem>>, vector<1x16xf32>,
      %get3A_213 = vector.shape_cast %get3A_212 : vector<1x16xf32> to vector<16xf32>
      %get3A_214 = arith.index_cast %scan3A_181 : i32 to index
      %get3A_215 = arith.constant 32 : index
      %get3A_216 = tpu.vector_load %arg19[%get3A_214, %get3A_215] {strides = array<i32>} : memref<80x128xf32, #tpu.memory_space<vmem>>, vector<1x16xf32>,
      %get3A_217 = vector.shape_cast %get3A_216 : vector<1x16xf32> to vector<16xf32>
      %mul3A_218 = arith.mulf %get3A_213, %get3A_217 : vector<16xf32>
      %swap3A_219 = arith.index_cast %scan3A_181 : i32 to index
      %swap3A_220 = arith.constant 32 : index
      %swap3A_221 = tpu.vector_load %arg17[%swap3A_219, %swap3A_220] {strides = array<i32>} : memref<80x128xf32, #tpu.memory_space<vmem>>, vector<1x16xf32>,
      %swap3A_222 = vector.shape_cast %swap3A_221 : vector<1x16xf32> to vector<16xf32>
      %swap3A_223 = vector.shape_cast %mul3A_218 : vector<16xf32> to vector<1x16xf32>
      tpu.vector_store %arg17[%swap3A_219, %swap3A_220], %swap3A_223 {strides = array<i32>} : memref<80x128xf32, #tpu.memory_space<vmem>>, vector<1x16xf32>,
      %get3A_224 = arith.index_cast %scan3A_181 : i32 to index
      %get3A_225 = arith.constant 48 : index
      %get3A_226 = tpu.vector_load %arg17[%get3A_224, %get3A_225] {strides = array<i32>} : memref<80x128xf32, #tpu.memory_space<vmem>>, vector<1x16xf32>,
      %get3A_227 = vector.shape_cast %get3A_226 : vector<1x16xf32> to vector<16xf32>
      %get3A_228 = arith.index_cast %scan3A_181 : i32 to index
      %get3A_229 = arith.constant 48 : index
      %get3A_230 = tpu.vector_load %arg19[%get3A_228, %get3A_229] {strides = array<i32>} : memref<80x128xf32, #tpu.memory_space<vmem>>, vector<1x16xf32>,
      %get3A_231 = vector.shape_cast %get3A_230 : vector<1x16xf32> to vector<16xf32>
      %mul3A_232 = arith.mulf %get3A_227, %get3A_231 : vector<16xf32>
      %swap3A_233 = arith.index_cast %scan3A_181 : i32 to index
      %swap3A_234 = arith.constant 48 : index
      %swap3A_235 = tpu.vector_load %arg17[%swap3A_233, %swap3A_234] {strides = array<i32>} : memref<80x128xf32, #tpu.memory_space<vmem>>, vector<1x16xf32>,
      %swap3A_236 = vector.shape_cast %swap3A_235 : vector<1x16xf32> to vector<16xf32>
      %swap3A_237 = vector.shape_cast %mul3A_232 : vector<16xf32> to vector<1x16xf32>
      tpu.vector_store %arg17[%swap3A_233, %swap3A_234], %swap3A_237 {strides = array<i32>} : memref<80x128xf32, #tpu.memory_space<vmem>>, vector<1x16xf32>,
      %get3A_238 = arith.index_cast %scan3A_181 : i32 to index
      %get3A_239 = arith.constant 64 : index
      %get3A_240 = tpu.vector_load %arg17[%get3A_238, %get3A_239] {strides = array<i32>} : memref<80x128xf32, #tpu.memory_space<vmem>>, vector<1x16xf32>,
      %get3A_241 = vector.shape_cast %get3A_240 : vector<1x16xf32> to vector<16xf32>
      %get3A_242 = arith.index_cast %scan3A_181 : i32 to index
      %get3A_243 = arith.constant 64 : index
      %get3A_244 = tpu.vector_load %arg19[%get3A_242, %get3A_243] {strides = array<i32>} : memref<80x128xf32, #tpu.memory_space<vmem>>, vector<1x16xf32>,
      %get3A_245 = vector.shape_cast %get3A_244 : vector<1x16xf32> to vector<16xf32>
      %mul3A_246 = arith.mulf %get3A_241, %get3A_245 : vector<16xf32>
      %swap3A_247 = arith.index_cast %scan3A_181 : i32 to index
      %swap3A_248 = arith.constant 64 : index
      %swap3A_249 = tpu.vector_load %arg17[%swap3A_247, %swap3A_248] {strides = array<i32>} : memref<80x128xf32, #tpu.memory_space<vmem>>, vector<1x16xf32>,
      %swap3A_250 = vector.shape_cast %swap3A_249 : vector<1x16xf32> to vector<16xf32>
      %swap3A_251 = vector.shape_cast %mul3A_246 : vector<16xf32> to vector<1x16xf32>
      tpu.vector_store %arg17[%swap3A_247, %swap3A_248], %swap3A_251 {strides = array<i32>} : memref<80x128xf32, #tpu.memory_space<vmem>>, vector<1x16xf32>,
      %get3A_252 = arith.index_cast %scan3A_181 : i32 to index
      %get3A_253 = arith.constant 80 : index
      %get3A_254 = tpu.vector_load %arg17[%get3A_252, %get3A_253] {strides = array<i32>} : memref<80x128xf32, #tpu.memory_space<vmem>>, vector<1x16xf32>,
      %get3A_255 = vector.shape_cast %get3A_254 : vector<1x16xf32> to vector<16xf32>
      %get3A_256 = arith.index_cast %scan3A_181 : i32 to index
      %get3A_257 = arith.constant 80 : index
      %get3A_258 = tpu.vector_load %arg19[%get3A_256, %get3A_257] {strides = array<i32>} : memref<80x128xf32, #tpu.memory_space<vmem>>, vector<1x16xf32>,
      %get3A_259 = vector.shape_cast %get3A_258 : vector<1x16xf32> to vector<16xf32>
      %mul3A_260 = arith.mulf %get3A_255, %get3A_259 : vector<16xf32>
      %swap3A_261 = arith.index_cast %scan3A_181 : i32 to index
      %swap3A_262 = arith.constant 80 : index
      %swap3A_263 = tpu.vector_load %arg17[%swap3A_261, %swap3A_262] {strides = array<i32>} : memref<80x128xf32, #tpu.memory_space<vmem>>, vector<1x16xf32>,
      %swap3A_264 = vector.shape_cast %swap3A_263 : vector<1x16xf32> to vector<16xf32>
      %swap3A_265 = vector.shape_cast %mul3A_260 : vector<16xf32> to vector<1x16xf32>
      tpu.vector_store %arg17[%swap3A_261, %swap3A_262], %swap3A_265 {strides = array<i32>} : memref<80x128xf32, #tpu.memory_space<vmem>>, vector<1x16xf32>,
      %get3A_266 = arith.index_cast %scan3A_181 : i32 to index
      %get3A_267 = arith.constant 96 : index
      %get3A_268 = tpu.vector_load %arg17[%get3A_266, %get3A_267] {strides = array<i32>} : memref<80x128xf32, #tpu.memory_space<vmem>>, vector<1x16xf32>,
      %get3A_269 = vector.shape_cast %get3A_268 : vector<1x16xf32> to vector<16xf32>
      %get3A_270 = arith.index_cast %scan3A_181 : i32 to index
      %get3A_271 = arith.constant 96 : index
      %get3A_272 = tpu.vector_load %arg19[%get3A_270, %get3A_271] {strides = array<i32>} : memref<80x128xf32, #tpu.memory_space<vmem>>, vector<1x16xf32>,
      %get3A_273 = vector.shape_cast %get3A_272 : vector<1x16xf32> to vector<16xf32>
      %mul3A_274 = arith.mulf %get3A_269, %get3A_273 : vector<16xf32>
      %swap3A_275 = arith.index_cast %scan3A_181 : i32 to index
      %swap3A_276 = arith.constant 96 : index
      %swap3A_277 = tpu.vector_load %arg17[%swap3A_275, %swap3A_276] {strides = array<i32>} : memref<80x128xf32, #tpu.memory_space<vmem>>, vector<1x16xf32>,
      %swap3A_278 = vector.shape_cast %swap3A_277 : vector<1x16xf32> to vector<16xf32>
      %swap3A_279 = vector.shape_cast %mul3A_274 : vector<16xf32> to vector<1x16xf32>
      tpu.vector_store %arg17[%swap3A_275, %swap3A_276], %swap3A_279 {strides = array<i32>} : memref<80x128xf32, #tpu.memory_space<vmem>>, vector<1x16xf32>,
      %get3A_280 = arith.index_cast %scan3A_181 : i32 to index
      %get3A_281 = arith.constant 112 : index
      %get3A_282 = tpu.vector_load %arg17[%get3A_280, %get3A_281] {strides = array<i32>} : memref<80x128xf32, #tpu.memory_space<vmem>>, vector<1x16xf32>,
      %get3A_283 = vector.shape_cast %get3A_282 : vector<1x16xf32> to vector<16xf32>
      %get3A_284 = arith.index_cast %scan3A_181 : i32 to index
      %get3A_285 = arith.constant 112 : index
      %get3A_286 = tpu.vector_load %arg19[%get3A_284, %get3A_285] {strides = array<i32>} : memref<80x128xf32, #tpu.memory_space<vmem>>, vector<1x16xf32>,
      %get3A_287 = vector.shape_cast %get3A_286 : vector<1x16xf32> to vector<16xf32>
      %mul3A_288 = arith.mulf %get3A_283, %get3A_287 : vector<16xf32>
      %swap3A_289 = arith.index_cast %scan3A_181 : i32 to index
      %swap3A_290 = arith.constant 112 : index
      %swap3A_291 = tpu.vector_load %arg17[%swap3A_289, %swap3A_290] {strides = array<i32>} : memref<80x128xf32, #tpu.memory_space<vmem>>, vector<1x16xf32>,
      %swap3A_292 = vector.shape_cast %swap3A_291 : vector<1x16xf32> to vector<16xf32>
      %swap3A_293 = vector.shape_cast %mul3A_288 : vector<16xf32> to vector<1x16xf32>
      tpu.vector_store %arg17[%swap3A_289, %swap3A_290], %swap3A_293 {strides = array<i32>} : memref<80x128xf32, #tpu.memory_space<vmem>>, vector<1x16xf32>,
    }
    %scan3A_168 = arith.constant 80 : i32
    %dma_start3A_169 = arith.constant 0 : i32
    %dma_start3A_170 = arith.constant 0 : i32
    %dma_start3A_171 = tpu.memref_slice %arg8[%dma_start3A_169, %dma_start3A_170] : memref<10000x128xf32, #tpu.memory_space<vmem_shared>> -> memref<10000x128xf32, #tpu.memory_space<vmem_shared>>
    tpu.enqueue_indirect_dma source(%arg17 : memref<80x128xf32, #tpu.memory_space<vmem>>) target(%dma_start3A_171 : memref<10000x128xf32, #tpu.memory_space<vmem_shared>>) offsets(%arg11 : memref<80xi32, #tpu.memory_space<vmem>>) semaphore(%arg25 : memref<!tpu.dma_semaphore, #tpu.memory_space<semaphore_mem>>) {add = true}
    %dma_wait3A_172 = arith.constant 0 : i32
    %dma_wait3A_173 = arith.constant 0 : i32
    %dma_wait3A_174 = tpu.memref_slice %arg8[%dma_wait3A_172, %dma_wait3A_173] : memref<10000x128xf32, #tpu.memory_space<vmem_shared>> -> memref<10000x128xf32, #tpu.memory_space<vmem_shared>>
    tpu.wait_indirect_dma semaphore(%arg25 : memref<!tpu.dma_semaphore, #tpu.memory_space<semaphore_mem>>) src(%arg17 : memref<80x128xf32, #tpu.memory_space<vmem>>) dst(%dma_wait3A_174 : memref<10000x128xf32, #tpu.memory_space<vmem_shared>>)
    %barrier3A_175 = arith.constant 0 : index
    tpu.barrier barrier_id(%barrier3A_175)
    %lt3A_176 = arith.constant 10 : i32
    %lt3A_177 = arith.cmpi slt, %arg1, %lt3A_176 : i32
    %convert_element_type3A_178 = arith.extui %lt3A_177 : i1 to i32
    %cond3A_179 = arith.constant 0 : i32
    %cond3A_180 = arith.cmpi ne, %convert_element_type3A_178, %cond3A_179 : i32
    scf.if %cond3A_180 {
      %scan3A_181 = arith.constant 0 : i32
      %scan3A_182 = arith.constant 25 : i32
      %scan3A_183 = arith.addi %scan3A_181, %scan3A_182 : i32
      %scan3A_184 = arith.constant 1 : i32
      scf.for %scan3A_186 = %scan3A_181 to %scan3A_183 step %scan3A_184  : i32 {
        %mul3A_187 = arith.constant 40 : i32
        %mul3A_188 = arith.muli %scan3A_186, %mul3A_187 : i32
        %add3A_189 = arith.addi %mul3A_5, %mul3A_188 : i32
        "tpu.region"() ({
          %run_scoped3A = tpu.sem_alloc : memref<!tpu.dma_semaphore, #tpu.memory_space<semaphore_mem>>
          %dma_start3A_190 = arith.constant 0 : i32
          %dma_start3A_191 = tpu.memref_slice %arg8[%add3A_189, %dma_start3A_190] : memref<10000x128xf32, #tpu.memory_space<vmem_shared>> -> memref<40x128xf32, #tpu.memory_space<vmem_shared>>
          %dma_start3A_192 = arith.constant 0 : i32
          %dma_start3A_193 = tpu.memref_slice %arg8[%add3A_189, %dma_start3A_192] : memref<10000x128xf32, #tpu.memory_space<vmem_shared>> -> memref<40x128xf32, #tpu.memory_space<vmem_shared>>
          tpu.enqueue_dma source(%dma_start3A_193 : memref<40x128xf32, #tpu.memory_space<vmem_shared>>) target(%arg21 : memref<40x128xf32, #tpu.memory_space<vmem>>) target_semaphore(%run_scoped3A : memref<!tpu.dma_semaphore, #tpu.memory_space<semaphore_mem>>)
          %dma_wait3A_194 = arith.constant 0 : i32
          %dma_wait3A_195 = tpu.memref_slice %arg8[%add3A_189, %dma_wait3A_194] : memref<10000x128xf32, #tpu.memory_space<vmem_shared>> -> memref<40x128xf32, #tpu.memory_space<vmem_shared>>
          %dma_wait3A_196 = arith.constant 0 : i32
          %dma_wait3A_197 = tpu.memref_slice %arg8[%add3A_189, %dma_wait3A_196] : memref<10000x128xf32, #tpu.memory_space<vmem_shared>> -> memref<40x128xf32, #tpu.memory_space<vmem_shared>>
          tpu.wait_dma2 semaphore(%run_scoped3A : memref<!tpu.dma_semaphore, #tpu.memory_space<semaphore_mem>>) src(%dma_wait3A_197 : memref<40x128xf32, #tpu.memory_space<vmem_shared>>) dst(%arg21 : memref<40x128xf32, #tpu.memory_space<vmem>>)
          tpu.yield
        }) : () -> ()
        "tpu.region"() ({
          %run_scoped3A = tpu.sem_alloc : memref<!tpu.dma_semaphore, #tpu.memory_space<semaphore_mem>>
          %dma_start3A_190 = arith.constant 0 : i32
          %dma_start3A_191 = tpu.memref_slice %arg7[%arg0, %add3A_189, %dma_start3A_190] : memref<2x10000x128xf32, #tpu.memory_space<hbm>> -> memref<1x40x128xf32, #tpu.memory_space<hbm>>
          %dma_start3A_192 = tpu.memref_squeeze %dma_start3A_191 : memref<1x40x128xf32, #tpu.memory_space<hbm>> -> memref<40x128xf32, #tpu.memory_space<hbm>>
          %dma_start3A_193 = arith.constant 0 : i32
          %dma_start3A_194 = tpu.memref_slice %arg7[%arg0, %add3A_189, %dma_start3A_193] : memref<2x10000x128xf32, #tpu.memory_space<hbm>> -> memref<1x40x128xf32, #tpu.memory_space<hbm>>
          %dma_start3A_195 = tpu.memref_squeeze %dma_start3A_194 : memref<1x40x128xf32, #tpu.memory_space<hbm>> -> memref<40x128xf32, #tpu.memory_space<hbm>>
          tpu.enqueue_dma source(%arg21 : memref<40x128xf32, #tpu.memory_space<vmem>>) target(%dma_start3A_195 : memref<40x128xf32, #tpu.memory_space<hbm>>) target_semaphore(%run_scoped3A : memref<!tpu.dma_semaphore, #tpu.memory_space<semaphore_mem>>)
          %dma_wait3A_196 = arith.constant 0 : i32
          %dma_wait3A_197 = tpu.memref_slice %arg7[%arg0, %add3A_189, %dma_wait3A_196] : memref<2x10000x128xf32, #tpu.memory_space<hbm>> -> memref<1x40x128xf32, #tpu.memory_space<hbm>>
          %dma_wait3A_198 = tpu.memref_squeeze %dma_wait3A_197 : memref<1x40x128xf32, #tpu.memory_space<hbm>> -> memref<40x128xf32, #tpu.memory_space<hbm>>
          %dma_wait3A_199 = arith.constant 0 : i32
          %dma_wait3A_200 = tpu.memref_slice %arg7[%arg0, %add3A_189, %dma_wait3A_199] : memref<2x10000x128xf32, #tpu.memory_space<hbm>> -> memref<1x40x128xf32, #tpu.memory_space<hbm>>
          %dma_wait3A_201 = tpu.memref_squeeze %dma_wait3A_200 : memref<1x40x128xf32, #tpu.memory_space<hbm>> -> memref<40x128xf32, #tpu.memory_space<hbm>>
          tpu.wait_dma2 semaphore(%run_scoped3A : memref<!tpu.dma_semaphore, #tpu.memory_space<semaphore_mem>>) src(%arg21 : memref<40x128xf32, #tpu.memory_space<vmem>>) dst(%dma_wait3A_201 : memref<40x128xf32, #tpu.memory_space<hbm>>)
          tpu.yield
        }) : () -> ()
      }
      %scan3A_185 = arith.constant 25 : i32
    } else {
    }
    return
  }
}

module attributes {stable_mosaic.version = 14 : i64} {
  func.func @_norm_body(%arg0: i32, %arg1: memref<2x400x128xf32, #tpu.memory_space<vmem>>, %arg2: memref<3200x128xf32, #tpu.memory_space<vmem>>) attributes {dimension_semantics = [#tpu.dimension_semantics<arbitrary>], iteration_bounds = array<i64: 25>, scalar_prefetch = 0 : i64, scratch_operands = 0 : i64, tpu.core_type = #tpu.core_type<tc>, window_params = [{transform_indices = @transform_0, window_bounds = array<i64: 2, 400, 128>}, {transform_indices = @transform_1, window_bounds = array<i64: 3200, 128>}]} {
    %get3A = arith.constant 0 : index
    %get3A_0 = arith.constant 0 : index
    %get3A_1 = arith.constant 0 : index
    %get3A_2 = vector.load %arg1[%get3A, %get3A_0, %get3A_1] : memref<2x400x128xf32, #tpu.memory_space<vmem>>, vector<1x400x128xf32>
    %get3A_3 = vector.shape_cast %get3A_2 : vector<1x400x128xf32> to vector<400x128xf32>
    %get3A_4 = arith.constant 1 : index
    %get3A_5 = arith.constant 0 : index
    %get3A_6 = arith.constant 0 : index
    %get3A_7 = vector.load %arg1[%get3A_4, %get3A_5, %get3A_6] : memref<2x400x128xf32, #tpu.memory_space<vmem>>, vector<1x400x128xf32>
    %get3A_8 = vector.shape_cast %get3A_7 : vector<1x400x128xf32> to vector<400x128xf32>
    %add3A = arith.addf %get3A_3, %get3A_8 : vector<400x128xf32>
    %slice3A = vector.extract_strided_slice %add3A {offsets = [0, 0], sizes = [400, 1], strides = [1, 1]} : vector<400x128xf32> to vector<400x1xf32>
    %max3A = arith.constant 1.000000e+00 : f32
    %max3A_9 = vector.broadcast %max3A : f32 to vector<400x1xf32>
    %max3A_10 = arith.maximumf %slice3A, %max3A_9 : vector<400x1xf32>
    %div3A = arith.constant 1.000000e+00 : f32
    %div3A_11 = vector.broadcast %div3A : f32 to vector<400x1xf32>
    %div3A_12 = arith.divf %div3A_11, %max3A_10 : vector<400x1xf32>
    %broadcast_in_dim3A = vector.shape_cast %div3A_12 : vector<400x1xf32> to vector<400x1xf32>
    %broadcast_in_dim3A_13 = vector.broadcast %broadcast_in_dim3A : vector<400x1xf32> to vector<400x128xf32>
    %slice3A_14 = vector.extract_strided_slice %add3A {offsets = [0, 16], sizes = [400, 1], strides = [1, 1]} : vector<400x128xf32> to vector<400x1xf32>
    %max3A_15 = arith.constant 1.000000e+00 : f32
    %max3A_16 = vector.broadcast %max3A_15 : f32 to vector<400x1xf32>
    %max3A_17 = arith.maximumf %slice3A_14, %max3A_16 : vector<400x1xf32>
    %div3A_18 = arith.constant 1.000000e+00 : f32
    %div3A_19 = vector.broadcast %div3A_18 : f32 to vector<400x1xf32>
    %div3A_20 = arith.divf %div3A_19, %max3A_17 : vector<400x1xf32>
    %broadcast_in_dim3A_21 = vector.shape_cast %div3A_20 : vector<400x1xf32> to vector<400x1xf32>
    %broadcast_in_dim3A_22 = vector.broadcast %broadcast_in_dim3A_21 : vector<400x1xf32> to vector<400x128xf32>
    %slice3A_23 = vector.extract_strided_slice %add3A {offsets = [0, 32], sizes = [400, 1], strides = [1, 1]} : vector<400x128xf32> to vector<400x1xf32>
    %max3A_24 = arith.constant 1.000000e+00 : f32
    %max3A_25 = vector.broadcast %max3A_24 : f32 to vector<400x1xf32>
    %max3A_26 = arith.maximumf %slice3A_23, %max3A_25 : vector<400x1xf32>
    %div3A_27 = arith.constant 1.000000e+00 : f32
    %div3A_28 = vector.broadcast %div3A_27 : f32 to vector<400x1xf32>
    %div3A_29 = arith.divf %div3A_28, %max3A_26 : vector<400x1xf32>
    %broadcast_in_dim3A_30 = vector.shape_cast %div3A_29 : vector<400x1xf32> to vector<400x1xf32>
    %broadcast_in_dim3A_31 = vector.broadcast %broadcast_in_dim3A_30 : vector<400x1xf32> to vector<400x128xf32>
    %slice3A_32 = vector.extract_strided_slice %add3A {offsets = [0, 48], sizes = [400, 1], strides = [1, 1]} : vector<400x128xf32> to vector<400x1xf32>
    %max3A_33 = arith.constant 1.000000e+00 : f32
    %max3A_34 = vector.broadcast %max3A_33 : f32 to vector<400x1xf32>
    %max3A_35 = arith.maximumf %slice3A_32, %max3A_34 : vector<400x1xf32>
    %div3A_36 = arith.constant 1.000000e+00 : f32
    %div3A_37 = vector.broadcast %div3A_36 : f32 to vector<400x1xf32>
    %div3A_38 = arith.divf %div3A_37, %max3A_35 : vector<400x1xf32>
    %broadcast_in_dim3A_39 = vector.shape_cast %div3A_38 : vector<400x1xf32> to vector<400x1xf32>
    %broadcast_in_dim3A_40 = vector.broadcast %broadcast_in_dim3A_39 : vector<400x1xf32> to vector<400x128xf32>
    %slice3A_41 = vector.extract_strided_slice %add3A {offsets = [0, 64], sizes = [400, 1], strides = [1, 1]} : vector<400x128xf32> to vector<400x1xf32>
    %max3A_42 = arith.constant 1.000000e+00 : f32
    %max3A_43 = vector.broadcast %max3A_42 : f32 to vector<400x1xf32>
    %max3A_44 = arith.maximumf %slice3A_41, %max3A_43 : vector<400x1xf32>
    %div3A_45 = arith.constant 1.000000e+00 : f32
    %div3A_46 = vector.broadcast %div3A_45 : f32 to vector<400x1xf32>
    %div3A_47 = arith.divf %div3A_46, %max3A_44 : vector<400x1xf32>
    %broadcast_in_dim3A_48 = vector.shape_cast %div3A_47 : vector<400x1xf32> to vector<400x1xf32>
    %broadcast_in_dim3A_49 = vector.broadcast %broadcast_in_dim3A_48 : vector<400x1xf32> to vector<400x128xf32>
    %slice3A_50 = vector.extract_strided_slice %add3A {offsets = [0, 80], sizes = [400, 1], strides = [1, 1]} : vector<400x128xf32> to vector<400x1xf32>
    %max3A_51 = arith.constant 1.000000e+00 : f32
    %max3A_52 = vector.broadcast %max3A_51 : f32 to vector<400x1xf32>
    %max3A_53 = arith.maximumf %slice3A_50, %max3A_52 : vector<400x1xf32>
    %div3A_54 = arith.constant 1.000000e+00 : f32
    %div3A_55 = vector.broadcast %div3A_54 : f32 to vector<400x1xf32>
    %div3A_56 = arith.divf %div3A_55, %max3A_53 : vector<400x1xf32>
    %broadcast_in_dim3A_57 = vector.shape_cast %div3A_56 : vector<400x1xf32> to vector<400x1xf32>
    %broadcast_in_dim3A_58 = vector.broadcast %broadcast_in_dim3A_57 : vector<400x1xf32> to vector<400x128xf32>
    %slice3A_59 = vector.extract_strided_slice %add3A {offsets = [0, 96], sizes = [400, 1], strides = [1, 1]} : vector<400x128xf32> to vector<400x1xf32>
    %max3A_60 = arith.constant 1.000000e+00 : f32
    %max3A_61 = vector.broadcast %max3A_60 : f32 to vector<400x1xf32>
    %max3A_62 = arith.maximumf %slice3A_59, %max3A_61 : vector<400x1xf32>
    %div3A_63 = arith.constant 1.000000e+00 : f32
    %div3A_64 = vector.broadcast %div3A_63 : f32 to vector<400x1xf32>
    %div3A_65 = arith.divf %div3A_64, %max3A_62 : vector<400x1xf32>
    %broadcast_in_dim3A_66 = vector.shape_cast %div3A_65 : vector<400x1xf32> to vector<400x1xf32>
    %broadcast_in_dim3A_67 = vector.broadcast %broadcast_in_dim3A_66 : vector<400x1xf32> to vector<400x128xf32>
    %slice3A_68 = vector.extract_strided_slice %add3A {offsets = [0, 112], sizes = [400, 1], strides = [1, 1]} : vector<400x128xf32> to vector<400x1xf32>
    %max3A_69 = arith.constant 1.000000e+00 : f32
    %max3A_70 = vector.broadcast %max3A_69 : f32 to vector<400x1xf32>
    %max3A_71 = arith.maximumf %slice3A_68, %max3A_70 : vector<400x1xf32>
    %div3A_72 = arith.constant 1.000000e+00 : f32
    %div3A_73 = vector.broadcast %div3A_72 : f32 to vector<400x1xf32>
    %div3A_74 = arith.divf %div3A_73, %max3A_71 : vector<400x1xf32>
    %broadcast_in_dim3A_75 = vector.shape_cast %div3A_74 : vector<400x1xf32> to vector<400x1xf32>
    %broadcast_in_dim3A_76 = vector.broadcast %broadcast_in_dim3A_75 : vector<400x1xf32> to vector<400x128xf32>
    %concatenate3A = tpu.concatenate %broadcast_in_dim3A_13, %broadcast_in_dim3A_22, %broadcast_in_dim3A_31, %broadcast_in_dim3A_40, %broadcast_in_dim3A_49, %broadcast_in_dim3A_58, %broadcast_in_dim3A_67, %broadcast_in_dim3A_76 in 1 : vector<400x128xf32>, vector<400x128xf32>, vector<400x128xf32>, vector<400x128xf32>, vector<400x128xf32>, vector<400x128xf32>, vector<400x128xf32>, vector<400x128xf32> -> vector<400x1024xf32>
    %reshape3A = vector.shape_cast %concatenate3A : vector<400x1024xf32> to vector<3200x128xf32>
    %swap3A = arith.constant 0 : index
    %swap3A_77 = arith.constant 0 : index
    %swap3A_78 = vector.load %arg2[%swap3A, %swap3A_77] : memref<3200x128xf32, #tpu.memory_space<vmem>>, vector<3200x128xf32>
    tpu.vector_store %arg2[%swap3A, %swap3A_77], %reshape3A {strides = array<i32>} : memref<3200x128xf32, #tpu.memory_space<vmem>>, vector<3200x128xf32>,
    return
  }
  func.func @transform_0(%arg0: i32) -> (i32, i32, i32) {
    %c0_i32 = arith.constant 0 : i32
    %c0_i32_0 = arith.constant 0 : i32
    %c0_i32_1 = arith.constant 0 : i32
    return %c0_i32, %arg0, %c0_i32_0 : i32, i32, i32
  }
  func.func @transform_1(%arg0: i32) -> (i32, i32) {
    %c0_i32 = arith.constant 0 : i32
    %c0_i32_0 = arith.constant 0 : i32
    return %arg0, %c0_i32 : i32, i32
  }
}

module attributes {stable_mosaic.version = 14 : i64} {
  func.func @_rel_tables_body(%arg0: i32, %arg1: i32, %arg2: memref<400x128xf32, #tpu.memory_space<vmem>>, %arg3: memref<1x128x128xf32, #tpu.memory_space<vmem>>, %arg4: memref<1x400x128xf32, #tpu.memory_space<vmem>>) attributes {dimension_semantics = [#tpu.dimension_semantics<arbitrary>, #tpu.dimension_semantics<arbitrary>], iteration_bounds = array<i64: 8, 25>, scalar_prefetch = 0 : i64, scratch_operands = 0 : i64, tpu.core_type = #tpu.core_type<tc>, window_params = [{transform_indices = @transform_0, window_bounds = array<i64: 400, 128>}, {transform_indices = @transform_1, window_bounds = array<i64: 1, 128, 128>}, {transform_indices = @transform_2, window_bounds = array<i64: 1, 400, 128>}]} {
    %get3A = arith.constant 0 : index
    %get3A_0 = arith.constant 0 : index
    %get3A_1 = vector.load %arg2[%get3A, %get3A_0] : memref<400x128xf32, #tpu.memory_space<vmem>>, vector<400x128xf32>
    %get3A_2 = arith.constant 0 : index
    %get3A_3 = arith.constant 0 : index
    %get3A_4 = arith.constant 0 : index
    %get3A_5 = vector.load %arg3[%get3A_2, %get3A_3, %get3A_4] : memref<1x128x128xf32, #tpu.memory_space<vmem>>, vector<1x128x128xf32>
    %get3A_6 = vector.shape_cast %get3A_5 : vector<1x128x128xf32> to vector<128x128xf32>
    %dot_general3A = arith.constant dense<0.000000e+00> : vector<400x128xf32>
    %dot_general3A_7 = tpu.matmul %get3A_1, %get3A_6, %dot_general3A {dimension_numbers = #tpu.dot_dimension_numbers<[1], [0], [0], [1], [0, 0, 1, 1], [], []>, precision = #tpu.contract_precision<fp32>, transpose_lhs_hint = false} : vector<400x128xf32>, vector<128x128xf32>, vector<400x128xf32> -> vector<400x128xf32>
    %swap3A = arith.constant 0 : index
    %swap3A_8 = arith.constant 0 : index
    %swap3A_9 = arith.constant 0 : index
    %swap3A_10 = vector.load %arg4[%swap3A, %swap3A_8, %swap3A_9] : memref<1x400x128xf32, #tpu.memory_space<vmem>>, vector<1x400x128xf32>
    %swap3A_11 = vector.shape_cast %swap3A_10 : vector<1x400x128xf32> to vector<400x128xf32>
    %swap3A_12 = vector.shape_cast %dot_general3A_7 : vector<400x128xf32> to vector<1x400x128xf32>
    tpu.vector_store %arg4[%swap3A, %swap3A_8, %swap3A_9], %swap3A_12 {strides = array<i32>} : memref<1x400x128xf32, #tpu.memory_space<vmem>>, vector<1x400x128xf32>,
    return
  }
  func.func @transform_0(%arg0: i32, %arg1: i32) -> (i32, i32) {
    %c0_i32 = arith.constant 0 : i32
    %c0_i32_0 = arith.constant 0 : i32
    return %arg1, %c0_i32 : i32, i32
  }
  func.func @transform_1(%arg0: i32, %arg1: i32) -> (i32, i32, i32) {
    %c0_i32 = arith.constant 0 : i32
    %c0_i32_0 = arith.constant 0 : i32
    %c0_i32_1 = arith.constant 0 : i32
    return %arg0, %c0_i32, %c0_i32_0 : i32, i32, i32
  }
  func.func @transform_2(%arg0: i32, %arg1: i32) -> (i32, i32, i32) {
    %c0_i32 = arith.constant 0 : i32
    %c0_i32_0 = arith.constant 0 : i32
    return %arg0, %arg1, %c0_i32 : i32, i32, i32
  }
}

module attributes {stable_mosaic.version = 14 : i64} {
  func.func @_onehot_body(%arg0: memref<256x128xf32, #tpu.memory_space<vmem>>) attributes {dimension_semantics = [], scalar_prefetch = 0 : i64, scratch_operands = 0 : i64, tpu.core_type = #tpu.core_type<tc>} {
    %iota3A = tpu.iota {dimensions = array<i32: 1>} : vector<256x128xi32>
    %jit3A = arith.constant 16 : i32
    %div3A = vector.broadcast %jit3A : i32 to vector<256x128xi32>
    %div3A_0 = arith.divsi %iota3A, %div3A : vector<256x128xi32>
    %sign3A = arith.constant 0 : i32
    %sign3A_1 = vector.broadcast %sign3A : i32 to vector<256x128xi32>
    %sign3A_2 = arith.cmpi sgt, %iota3A, %sign3A_1 : vector<256x128xi32>
    %sign3A_3 = arith.extui %sign3A_2 : vector<256x128xi1> to vector<256x128xi32>
    %sign3A_4 = arith.constant 0 : i32
    %sign3A_5 = vector.broadcast %sign3A_4 : i32 to vector<256x128xi32>
    %sign3A_6 = arith.cmpi slt, %iota3A, %sign3A_5 : vector<256x128xi32>
    %sign3A_7 = arith.extui %sign3A_6 : vector<256x128xi1> to vector<256x128xi32>
    %sign3A_8 = arith.subi %sign3A_3, %sign3A_7 : vector<256x128xi32>
    %sign3A_9 = arith.constant 0 : i32
    %sign3A_10 = arith.cmpi sgt, %jit3A, %sign3A_9 : i32
    %sign3A_11 = arith.extui %sign3A_10 : i1 to i32
    %sign3A_12 = arith.constant 0 : i32
    %sign3A_13 = arith.cmpi slt, %jit3A, %sign3A_12 : i32
    %sign3A_14 = arith.extui %sign3A_13 : i1 to i32
    %sign3A_15 = arith.subi %sign3A_11, %sign3A_14 : i32
    %ne3A = vector.broadcast %sign3A_15 : i32 to vector<256x128xi32>
    %ne3A_16 = arith.cmpi ne, %sign3A_8, %ne3A : vector<256x128xi32>
    %rem3A = vector.broadcast %jit3A : i32 to vector<256x128xi32>
    %rem3A_17 = arith.remsi %iota3A, %rem3A : vector<256x128xi32>
    %ne3A_18 = arith.constant 0 : i32
    %ne3A_19 = vector.broadcast %ne3A_18 : i32 to vector<256x128xi32>
    %ne3A_20 = arith.cmpi ne, %rem3A_17, %ne3A_19 : vector<256x128xi32>
    %and3A = arith.andi %ne3A_16, %ne3A_20 : vector<256x128xi1>
    %sub3A = arith.constant 1 : i32
    %sub3A_21 = vector.broadcast %sub3A : i32 to vector<256x128xi32>
    %sub3A_22 = arith.subi %div3A_0, %sub3A_21 : vector<256x128xi32>
    %select_n3A = arith.select %and3A, %sub3A_22, %div3A_0 : vector<256x128xi1>, vector<256x128xi32>
    %iota3A_23 = tpu.iota {dimensions = array<i32: 0>} : vector<256x128xi32>
    %jit3A_24 = arith.constant 8 : i32
    %eq3A = arith.constant 0 : i32
    %eq3A_25 = arith.cmpi eq, %jit3A_24, %eq3A : i32
    %jit3A_26 = arith.constant 1 : i32
    %select_n3A_27 = arith.select %eq3A_25, %jit3A_26, %jit3A_24 : i32
    %rem3A_28 = vector.broadcast %select_n3A_27 : i32 to vector<256x128xi32>
    %rem3A_29 = arith.remsi %iota3A_23, %rem3A_28 : vector<256x128xi32>
    %ne3A_30 = arith.constant 0 : i32
    %ne3A_31 = vector.broadcast %ne3A_30 : i32 to vector<256x128xi32>
    %ne3A_32 = arith.cmpi ne, %rem3A_29, %ne3A_31 : vector<256x128xi32>
    %lt3A = arith.constant 0 : i32
    %lt3A_33 = vector.broadcast %lt3A : i32 to vector<256x128xi32>
    %lt3A_34 = arith.cmpi slt, %rem3A_29, %lt3A_33 : vector<256x128xi32>
    %lt3A_35 = arith.constant 0 : i32
    %lt3A_36 = arith.cmpi slt, %select_n3A_27, %lt3A_35 : i32
    %ne3A_37 = vector.broadcast %lt3A_36 : i1 to vector<256x128xi1>
    %ne3A_38 = vector.broadcast %ne3A_37 : vector<256x128xi1> to vector<256x128xi1>
    %ne3A_39 = arith.xori %lt3A_34, %ne3A_38 : vector<256x128xi1>
    %and3A_40 = arith.andi %ne3A_39, %ne3A_32 : vector<256x128xi1>
    %add3A = vector.broadcast %select_n3A_27 : i32 to vector<256x128xi32>
    %add3A_41 = arith.addi %rem3A_29, %add3A : vector<256x128xi32>
    %select_n3A_42 = arith.select %and3A_40, %add3A_41, %rem3A_29 : vector<256x128xi1>, vector<256x128xi32>
    %eq3A_43 = arith.cmpi eq, %select_n3A, %select_n3A_42 : vector<256x128xi32>
    %jit3A_44 = arith.constant 1.000000e+00 : f32
    %jit3A_45 = arith.constant 0.000000e+00 : f32
    %broadcast_in_dim3A = vector.broadcast %jit3A_44 : f32 to vector<256x128xf32>
    %broadcast_in_dim3A_46 = vector.broadcast %jit3A_45 : f32 to vector<256x128xf32>
    %select_n3A_47 = arith.select %eq3A_43, %broadcast_in_dim3A, %broadcast_in_dim3A_46 : vector<256x128xi1>, vector<256x128xf32>
    %swap3A = arith.constant 0 : index
    %swap3A_48 = arith.constant 0 : index
    %swap3A_49 = vector.load %arg0[%swap3A, %swap3A_48] : memref<256x128xf32, #tpu.memory_space<vmem>>, vector<256x128xf32>
    tpu.vector_store %arg0[%swap3A, %swap3A_48], %select_n3A_47 {strides = array<i32>} : memref<256x128xf32, #tpu.memory_space<vmem>>, vector<256x128xf32>,
    return
  }
}

module attributes {stable_mosaic.version = 14 : i64} {
  func.func @_root_body(%arg0: i32, %arg1: memref<400x128xf32, #tpu.memory_space<vmem>>, %arg2: memref<128x128xf32, #tpu.memory_space<vmem>>, %arg3: memref<128xf32, #tpu.memory_space<vmem>>, %arg4: memref<400x128xf32, #tpu.memory_space<vmem>>) attributes {dimension_semantics = [#tpu.dimension_semantics<arbitrary>], iteration_bounds = array<i64: 25>, scalar_prefetch = 0 : i64, scratch_operands = 0 : i64, tpu.core_type = #tpu.core_type<tc>, window_params = [{transform_indices = @transform_0, window_bounds = array<i64: 400, 128>}, {pipeline_mode = #tpu.pipeline_mode<synchronous>, transform_indices = @transform_1, window_bounds = array<i64: 128, 128>}, {pipeline_mode = #tpu.pipeline_mode<synchronous>, transform_indices = @transform_2, window_bounds = array<i64: 128>}, {transform_indices = @transform_3, window_bounds = array<i64: 400, 128>}]} {
    %get3A = arith.constant 0 : index
    %get3A_0 = arith.constant 0 : index
    %get3A_1 = vector.load %arg1[%get3A, %get3A_0] : memref<400x128xf32, #tpu.memory_space<vmem>>, vector<400x128xf32>
    %get3A_2 = arith.constant 0 : index
    %get3A_3 = arith.constant 0 : index
    %get3A_4 = vector.load %arg2[%get3A_2, %get3A_3] : memref<128x128xf32, #tpu.memory_space<vmem>>, vector<128x128xf32>
    %dot_general3A = arith.constant dense<0.000000e+00> : vector<400x128xf32>
    %dot_general3A_5 = tpu.matmul %get3A_1, %get3A_4, %dot_general3A {dimension_numbers = #tpu.dot_dimension_numbers<[1], [0], [0], [1], [0, 0, 1, 1], [], []>, precision = #tpu.contract_precision<fp32>, transpose_lhs_hint = false} : vector<400x128xf32>, vector<128x128xf32>, vector<400x128xf32> -> vector<400x128xf32>
    %get3A_6 = arith.constant 0 : index
    %get3A_7 = vector.load %arg3[%get3A_6] : memref<128xf32, #tpu.memory_space<vmem>>, vector<128xf32>
    %broadcast_in_dim3A = vector.shape_cast %get3A_7 : vector<128xf32> to vector<1x128xf32>
    %add3A = vector.broadcast %broadcast_in_dim3A : vector<1x128xf32> to vector<400x128xf32>
    %add3A_8 = arith.addf %dot_general3A_5, %add3A : vector<400x128xf32>
    %swap3A = arith.constant 0 : index
    %swap3A_9 = arith.constant 0 : index
    %swap3A_10 = vector.load %arg4[%swap3A, %swap3A_9] : memref<400x128xf32, #tpu.memory_space<vmem>>, vector<400x128xf32>
    tpu.vector_store %arg4[%swap3A, %swap3A_9], %add3A_8 {strides = array<i32>} : memref<400x128xf32, #tpu.memory_space<vmem>>, vector<400x128xf32>,
    return
  }
  func.func @transform_0(%arg0: i32) -> (i32, i32) {
    %c0_i32 = arith.constant 0 : i32
    %c0_i32_0 = arith.constant 0 : i32
    return %arg0, %c0_i32 : i32, i32
  }
  func.func @transform_1(%arg0: i32) -> (i32, i32) {
    %c0_i32 = arith.constant 0 : i32
    %c0_i32_0 = arith.constant 0 : i32
    %c0_i32_1 = arith.constant 0 : i32
    return %c0_i32, %c0_i32_0 : i32, i32
  }
  func.func @transform_2(%arg0: i32) -> i32 {
    %c0_i32 = arith.constant 0 : i32
    %c0_i32_0 = arith.constant 0 : i32
    return %c0_i32 : i32
  }
  func.func @transform_3(%arg0: i32) -> (i32, i32) {
    %c0_i32 = arith.constant 0 : i32
    %c0_i32_0 = arith.constant 0 : i32
    return %arg0, %c0_i32 : i32, i32
  }
}

module attributes {stable_mosaic.version = 14 : i64} {
  func.func @_combine_body(%arg0: i32, %arg1: memref<2x400x128xf32, #tpu.memory_space<vmem>>, %arg2: memref<400x128xf32, #tpu.memory_space<vmem>>, %arg3: memref<400x128xf32, #tpu.memory_space<vmem>>) attributes {dimension_semantics = [#tpu.dimension_semantics<arbitrary>], iteration_bounds = array<i64: 25>, scalar_prefetch = 0 : i64, scratch_operands = 0 : i64, tpu.core_type = #tpu.core_type<tc>, window_params = [{transform_indices = @transform_0, window_bounds = array<i64: 2, 400, 128>}, {transform_indices = @transform_1, window_bounds = array<i64: 400, 128>}, {transform_indices = @transform_2, window_bounds = array<i64: 400, 128>}]} {
    %get3A = arith.constant 0 : index
    %get3A_0 = arith.constant 0 : index
    %get3A_1 = arith.constant 0 : index
    %get3A_2 = vector.load %arg1[%get3A, %get3A_0, %get3A_1] : memref<2x400x128xf32, #tpu.memory_space<vmem>>, vector<1x400x128xf32>
    %get3A_3 = vector.shape_cast %get3A_2 : vector<1x400x128xf32> to vector<400x128xf32>
    %get3A_4 = arith.constant 1 : index
    %get3A_5 = arith.constant 0 : index
    %get3A_6 = arith.constant 0 : index
    %get3A_7 = vector.load %arg1[%get3A_4, %get3A_5, %get3A_6] : memref<2x400x128xf32, #tpu.memory_space<vmem>>, vector<1x400x128xf32>
    %get3A_8 = vector.shape_cast %get3A_7 : vector<1x400x128xf32> to vector<400x128xf32>
    %add3A = arith.addf %get3A_3, %get3A_8 : vector<400x128xf32>
    %get3A_9 = arith.constant 0 : index
    %get3A_10 = arith.constant 0 : index
    %get3A_11 = vector.load %arg2[%get3A_9, %get3A_10] : memref<400x128xf32, #tpu.memory_space<vmem>>, vector<400x128xf32>
    %add3A_12 = arith.addf %add3A, %get3A_11 : vector<400x128xf32>
    %max3A = arith.constant 0.000000e+00 : f32
    %max3A_13 = vector.broadcast %max3A : f32 to vector<400x128xf32>
    %max3A_14 = arith.maximumf %add3A_12, %max3A_13 : vector<400x128xf32>
    %swap3A = arith.constant 0 : index
    %swap3A_15 = arith.constant 0 : index
    %swap3A_16 = vector.load %arg3[%swap3A, %swap3A_15] : memref<400x128xf32, #tpu.memory_space<vmem>>, vector<400x128xf32>
    tpu.vector_store %arg3[%swap3A, %swap3A_15], %max3A_14 {strides = array<i32>} : memref<400x128xf32, #tpu.memory_space<vmem>>, vector<400x128xf32>,
    return
  }
  func.func @transform_0(%arg0: i32) -> (i32, i32, i32) {
    %c0_i32 = arith.constant 0 : i32
    %c0_i32_0 = arith.constant 0 : i32
    %c0_i32_1 = arith.constant 0 : i32
    return %c0_i32, %arg0, %c0_i32_0 : i32, i32, i32
  }
  func.func @transform_1(%arg0: i32) -> (i32, i32) {
    %c0_i32 = arith.constant 0 : i32
    %c0_i32_0 = arith.constant 0 : i32
    return %arg0, %c0_i32 : i32, i32
  }
  func.func @transform_2(%arg0: i32) -> (i32, i32) {
    %c0_i32 = arith.constant 0 : i32
    %c0_i32_0 = arith.constant 0 : i32
    return %arg0, %c0_i32 : i32, i32
  }
}

module attributes {stable_mosaic.version = 14 : i64} {
  func.func @_combine_body(%arg0: i32, %arg1: memref<2x400x128xf32, #tpu.memory_space<vmem>>, %arg2: memref<400x128xf32, #tpu.memory_space<vmem>>, %arg3: memref<400x128xf32, #tpu.memory_space<vmem>>) attributes {dimension_semantics = [#tpu.dimension_semantics<arbitrary>], iteration_bounds = array<i64: 25>, scalar_prefetch = 0 : i64, scratch_operands = 0 : i64, tpu.core_type = #tpu.core_type<tc>, window_params = [{transform_indices = @transform_0, window_bounds = array<i64: 2, 400, 128>}, {transform_indices = @transform_1, window_bounds = array<i64: 400, 128>}, {transform_indices = @transform_2, window_bounds = array<i64: 400, 128>}]} {
    %get3A = arith.constant 0 : index
    %get3A_0 = arith.constant 0 : index
    %get3A_1 = arith.constant 0 : index
    %get3A_2 = vector.load %arg1[%get3A, %get3A_0, %get3A_1] : memref<2x400x128xf32, #tpu.memory_space<vmem>>, vector<1x400x128xf32>
    %get3A_3 = vector.shape_cast %get3A_2 : vector<1x400x128xf32> to vector<400x128xf32>
    %get3A_4 = arith.constant 1 : index
    %get3A_5 = arith.constant 0 : index
    %get3A_6 = arith.constant 0 : index
    %get3A_7 = vector.load %arg1[%get3A_4, %get3A_5, %get3A_6] : memref<2x400x128xf32, #tpu.memory_space<vmem>>, vector<1x400x128xf32>
    %get3A_8 = vector.shape_cast %get3A_7 : vector<1x400x128xf32> to vector<400x128xf32>
    %add3A = arith.addf %get3A_3, %get3A_8 : vector<400x128xf32>
    %get3A_9 = arith.constant 0 : index
    %get3A_10 = arith.constant 0 : index
    %get3A_11 = vector.load %arg2[%get3A_9, %get3A_10] : memref<400x128xf32, #tpu.memory_space<vmem>>, vector<400x128xf32>
    %add3A_12 = arith.addf %add3A, %get3A_11 : vector<400x128xf32>
    %swap3A = arith.constant 0 : index
    %swap3A_13 = arith.constant 0 : index
    %swap3A_14 = vector.load %arg3[%swap3A, %swap3A_13] : memref<400x128xf32, #tpu.memory_space<vmem>>, vector<400x128xf32>
    tpu.vector_store %arg3[%swap3A, %swap3A_13], %add3A_12 {strides = array<i32>} : memref<400x128xf32, #tpu.memory_space<vmem>>, vector<400x128xf32>,
    return
  }
  func.func @transform_0(%arg0: i32) -> (i32, i32, i32) {
    %c0_i32 = arith.constant 0 : i32
    %c0_i32_0 = arith.constant 0 : i32
    %c0_i32_1 = arith.constant 0 : i32
    return %c0_i32, %arg0, %c0_i32_0 : i32, i32, i32
  }
  func.func @transform_1(%arg0: i32) -> (i32, i32) {
    %c0_i32 = arith.constant 0 : i32
    %c0_i32_0 = arith.constant 0 : i32
    return %arg0, %c0_i32 : i32, i32
  }
  func.func @transform_2(%arg0: i32) -> (i32, i32) {
    %c0_i32 = arith.constant 0 : i32
    %c0_i32_0 = arith.constant 0 : i32
    return %arg0, %c0_i32 : i32, i32
  }
}

</mosaic_0001>

<sc_bundles>
// kernel: kernel.13.cloned.1.call-start
scs
__scs_entry_jumppad:
0x0: {  	(pc) =	sbr.rel $0x88, $3  }
0x1: {  	(tag) =	ssettag $0x0;
	lr =	simm.s32 $0x1  }
0x2: {  	[smem:$0x3F98] =	sst lr;
	_ =	strace $0xD0000000  }
0x3: {  	_ = 	snop  }
0x4: {  	_ = 	snop  }
0x5: {  	_ = 	snop  }
0x6: {  	_ = 	snop  }
0x7: {  	_ = 	snop  }
__scs_overlays_trampoline_lowered:
0x8: {  	[smem:$0x3FA7] =	sst s0  }
0x9: {  	[smem:$0x3FA8] =	sst s1  }
0xa: {  	[smem:$0x3FA9] =	sst s2  }
0xb: {  	[smem:$0x3FAA] =	sst s3  }
0xc: {  	[smem:$0x3FAB] =	sst s4  }
0xd: {  	[smem:$0x3FAC] =	sst s5  }
0xe: {  	[smem:$0x3FAD] =	sst s6  }
0xf: {  	[smem:$0x3FAE] =	sst s7  }
0x10: {  	[smem:$0x3FAF] =	sst s8  }
0x11: {  	[smem:$0x3FB0] =	sst s9;
	s0 =	simm.s32 @!p0 $0x0  }
0x12: {  	s1 =	sld [smem:$0x3F96];
	s0 =	simm.s32 @p0 $0x1  }
0x13: {  	[smem:$0x3FB1] =	sst s0;
	s0 =	simm.s32 @!p1 $0x0  }
0x14: {  	s2 =	sld [smem:$0x3F95];
	s0 =	simm.s32 @p1 $0x1  }
0x15: {  	[smem:$0x3FB2] =	sst s0;
	s0 =	simm.s32 @!p2 $0x0  }
0x16: {  	s3 =	sld [smem:$0x3FDB];
	s0 =	simm.s32 @p2 $0x1  }
0x17: {  	s4 =	simm.s32 $0x1BF5;
	[smem:$0x3FB4] =	sst s0  }
0x18: {  	s0 =	sld [smem:$0x3F97];
	_ =	swait.ge [sflag:s4], $0x0  }
0x19: {  	s7 =	sld [smem:$0x3F98]  }
0x1a: {  	s8 =	sadd.s32 $0xFFFFE003, lr  }
0x1b: {  	s9 =	sadd.s32 $0xFFFFFEF7, lr;
	s5 =	simm.s32 $0xFFFFFFFF;
	p2 =	slt.u32 s8, $0xFFFFF086  }
0x1c: {  	p1 =	slt.u32 s9, $0xF7A;
	s5 =	simm.s32 @!p2 $0x0  }
0x1d: {  	s5 =	simm.s32 @p1 $0x1;
	p0 =	seq.s32 s7, s2  }
0x1e: {  	s7 =	smul.u32 @!p0 $0xF7A, s2;
	p2 =	seq.s32 @!p0 s5, $0x0  }
0x1f: {  	s9 =	smul.u32 $0xF7A, s1;
	s8 =	simm.s32 @!p0 $0x1BF5;
	p2 =	por !p2, p0  }
0x20: {  	[sflag:s8] =	ssyncset.s32 @!p0 $0xFFFFF086;
	s6 =	sadd.s32 @!p0 s3, s7;
	s7 =	simm.s32 @!p0 $0x108  }
0x21: {  	s3 =	sadd.s32 s3, s9;
	s6 =	sadd.s32 @!p0 $0x88, s6;
	s7 =	simm.s32 @p2 $0x1082  }
0x22: {  	[simem:s7], [sflag:s8] =	dma.local @!p0 [hbm:s6], $0xF7A  }
0x23: {  	s9 =	sor.u32 $0xD0000000, s2;
	s6 =	simm.s32 $0x108;
	_ =	swait.ge @!p0 [sflag:s8], $0x0  }
0x24: {  	s3 =	sadd.s32 $0x88, s3;
	s6 =	simm.s32 @!p1 $0x1082;
	[sflag:s4] =	ssyncset.s32 $0xFFFFF086  }
0x25: {  	[simem:s6], [sflag:s4] =	dma.local [hbm:s3], $0xF7A  }
0x26: {  	[smem:$0x3F98] =	sst s1;
	(tag) =	ssettag s2;
	_ =	strace s9  }
0x27: {  	s1 =	sld [smem:$0x3FA8]  }
0x28: {  	s2 =	sld [smem:$0x3FA9]  }
0x29: {  	s4 =	sld [smem:$0x3FAB]  }
0x2a: {  	p0 =	seq.s32 s5, $0x0;
	s5 =	sld [smem:$0x3FAC]  }
0x2b: {  	s6 =	sld [smem:$0x3FAD]  }
0x2c: {  	s7 =	sld [smem:$0x3FAE]  }
0x2d: {  	s3 =	simm.s32 $0x108;
	s8 =	sld [smem:$0x3FAF]  }
0x2e: {  	s3 =	simm.s32 @!p0 $0x1082;
	s9 =	sld [smem:$0x3FB0]  }
0x2f: {  	lr =	sadd.s32 s0, s3;
	s0 =	sld [smem:$0x3FA7]  }
0x30: {  	s3 =	sld [smem:$0x3FAA]  }
0x31: {  	[smem:$0x3FB3] =	sst s10  }
0x32: {  	s10 =	sld [smem:$0x3FB1];
	_ =	sdelay $0x3  }
0x33: {  	p0 =	seq.s32 s10, $0x1;
	s10 =	sld [smem:$0x3FB3];
	_ =	sdelay $0x3  }
0x34: {  	[smem:$0x3FB3] =	sst s10  }
0x35: {  	s10 =	sld [smem:$0x3FB2];
	_ =	sdelay $0x3  }
0x36: {  	p1 =	seq.s32 s10, $0x1;
	s10 =	sld [smem:$0x3FB3];
	_ =	sdelay $0x3  }
0x37: {  	[smem:$0x3FB3] =	sst s10  }
0x38: {  	s10 =	sld [smem:$0x3FB4]  }
0x39: {  	_ = 	snop;
	(pc) =	sbr.ind lr, $3  }
0x3a: {  	_ = 	snop  }
0x3b: {  	_ = 	snop  }
0x3c: {  	p2 =	seq.s32 s10, $0x1;
	s10 =	sld [smem:$0x3FB3]  }
0x3d: {  	_ =	shalt  }
0x3e: {  	_ =	shalt  }
0x3f: {  	_ =	shalt  }
0x40: {  	_ =	shalt  }
0x41: {  	_ =	shalt  }
0x42: {  	_ =	shalt  }
0x43: {  	_ =	shalt  }
0x44: {  	_ =	shalt  }
0x45: {  	_ =	shalt  }
0x46: {  	_ =	shalt  }
0x47: {  	_ =	shalt  }
0x48: {  	_ =	shalt  }
0x49: {  	_ =	shalt  }
0x4a: {  	_ =	shalt  }
0x4b: {  	_ =	shalt  }
0x4c: {  	_ =	shalt  }
0x4d: {  	_ =	shalt  }
0x4e: {  	_ =	shalt  }
0x4f: {  	_ =	shalt  }
0x50: {  	_ =	shalt  }
0x51: {  	_ =	shalt  }
0x52: {  	_ =	shalt  }
0x53: {  	_ =	shalt  }
0x54: {  	_ =	shalt  }
0x55: {  	_ =	shalt  }
0x56: {  	_ =	shalt  }
0x57: {  	_ =	shalt  }
0x58: {  	_ =	shalt  }
0x59: {  	_ =	shalt  }
0x5a: {  	_ =	shalt  }
0x5b: {  	_ =	shalt  }
0x5c: {  	_ =	shalt  }
0x5d: {  	_ =	shalt  }
0x5e: {  	_ =	shalt  }
0x5f: {  	_ =	shalt  }
0x60: {  	_ =	shalt  }
0x61: {  	_ =	shalt  }
0x62: {  	_ =	shalt  }
0x63: {  	_ =	shalt  }
0x64: {  	_ =	shalt  }
0x65: {  	_ =	shalt  }
0x66: {  	_ =	shalt  }
0x67: {  	_ =	shalt  }
0x68: {  	_ =	shalt  }
0x69: {  	_ =	shalt  }
0x6a: {  	_ =	shalt  }
0x6b: {  	_ =	shalt  }
0x6c: {  	_ =	shalt  }
0x6d: {  	_ =	shalt  }
0x6e: {  	_ =	shalt  }
0x6f: {  	_ =	shalt  }
0x70: {  	_ =	shalt  }
0x71: {  	_ =	shalt  }
0x72: {  	_ =	shalt  }
0x73: {  	_ =	shalt  }
0x74: {  	_ =	shalt  }
0x75: {  	_ =	shalt  }
0x76: {  	_ =	shalt  }
0x77: {  	_ =	shalt  }
0x78: {  	_ =	shalt  }
0x79: {  	_ =	shalt  }
0x7a: {  	_ =	shalt  }
0x7b: {  	_ =	shalt  }
0x7c: {  	_ =	shalt  }
0x7d: {  	_ =	shalt  }
0x7e: {  	_ =	shalt  }
0x7f: {  	_ =	shalt  }
0x80: {  	_ =	shalt  }
0x81: {  	_ =	shalt  }
0x82: {  	_ =	shalt  }
0x83: {  	_ =	shalt  }
0x84: {  	_ =	shalt  }
0x85: {  	_ =	shalt  }
0x86: {  	_ =	shalt  }
0x87: {  	_ =	shalt  }
.Lfunc_end0:
.L_simem_size_0:
called_computation_lowered:
.L_overlay_start_0:
0x88: {  	s2 =	sld [smem:$0x3FD9]  }
0x89: {  	s3 =	sld [smem:$0x3FFE];
	_ =	sdelay $0x1  }
0x8a: {  	s1 =	srdreg.scid  }
0x8b: {  	s0 =	sand.u32 $0x1, s1  }
0x8c: {  	s17 =	sshll.u32 s0, $0xA;
	s2 =	sadd.s32 s3, s2  }
0x8d: {  	s2 =	sadd.s32 s2, s17  }
0x8e: {  	[smem:$0x3FBF] =	sst s2  }
0x8f: {  	_ = 	snop  }
0x90: {  	s2 =	sld [smem:$0x3FC7];
	(tm) =	ssettm $0x1  }
0x91: {  	s18 =	sld [smem:$0x3FFB];
	_ =	sdelay $0x3  }
0x92: {  	_ =	strace s18  }
0x93: {  	s3 =	sld [smem:$0x3FFC];
	_ =	sdelay $0x3  }
0x94: {  	_ =	strace s3  }
0x95: {  	s3 =	sld [smem:$0x3FFD];
	_ =	sdelay $0x3  }
0x96: {  	_ =	strace s3  }
0x97: {  	_ =	strace $0x8FFFFFFF  }
0x98: {  	s19 =	sld [smem:$0x3FDB];
	_ =	sdelay $0x1  }
0x99: {  	s4 =	simm.s32 $_scs_section_size  }
0x9a: {  	s5 =	simm.s32 $_size__tile_overlayer_lowered;
	s6 =	simm.s32 $_tile_overlayer_lowered  }
0x9b: {  	s22 =	simm.s32 $0x1BFF;
	s21 =	sshll.u32 s6, $0x1;
	s3 =	sadd.s32 s4, s19  }
0x9c: {  	s7 =	simm.s32 $0x0;
	s20 =	sshll.u32 s5, $0x1;
	s5 =	sadd.s32 s21, s3  }
0x9d: {  	[timem:s7], [sflag:s22] =	dma.local [hbm:s5], s20  }
0x9e: {  	_ =	swait.ge [sflag:s22], s20  }
0x9f: {  	s4 =	ssub.s32 $0x0, s20;
	[sflag:s22] =	ssyncset.done $0x0  }
0xa0: {  	[sflag:s22] =	ssyncadd.s32 s4;
	_ =	sdelay $0x1  }
0xa1: {  	s23 =	simm.s32 $0x1B8B  }
0xa2: {  	_ =	swait.ge [sflag:s23], $0x1  }
0xa3: {  	[sflag:s23] =	ssyncset.done $0x0  }
0xa4: {  	s25 =	simm.s32 $0x1B8E;
	s24 =	sld [smem:$0x3FFE];
	[sflag:s23] =	ssyncadd.s32 $0xFFFFFFFF  }
0xa5: {  	s26 =	simm.s32 $execute0_lowered;
	[smem:$0x3FD2] =	sst s25  }
0xa6: {  	s5 =	sshll.u32 s26, $0x1;
	_ =	strace $0x80000046;
	[dreg:$0x1] =	wrdreg $0xFFFFFFFF  }
0xa7: {  	s28 =	simm.s32 $_size_execute0_lowered;
	s3 =	sadd.s32 s3, s5;
	[dreg:$0x0] =	wrdreg $0x0  }
0xa8: {  	s5 =	sshll.u32 s28, $0x1;
	[dreg:$0x2] =	wrdreg s3  }
0xa9: {  	[dreg:$0x3] =	wrdreg s5  }
0xaa: {  	[dreg:$0x4] =	wrdreg $0xC0  }
0xab: {  	_ =	task [dreg:s7], $0x5FFFF  }
0xac: {  	[dreg:$0x1] =	wrdreg $0xFFFFFFFF  }
0xad: {  	[dreg:$0x0] =	wrdreg $0x60  }
0xae: {  	[dreg:$0x2] =	wrdreg s2  }
0xaf: {  	[dreg:$0x3] =	wrdreg s24  }
0xb0: {  	[dreg:$0x4] =	wrdreg $0x0  }
0xb1: {  	[dreg:$0x5] =	wrdreg $0x9  }
0xb2: {  	_ =	task.clear_ibuf [dreg:s7], $0x6FFFF;
	_ =	strace $0x90000046  }
0xb3: {  	s29 =	simm.s32 $0x9;
	_ =	strace $0x80000048  }
0xb4: {  	_ =	swait.ge [sflag:s29], $0x1  }
0xb5: {  	[sflag:s29] =	ssyncadd.s32 $0xFFFFFFFF  }
0xb6: {  	_ =	strace $0x90000048  }
0xb7: {  	_ =	sfence  }
0xb8: {  	s30 =	sld [smem:$0x0];
	_ =	sdelay $0x2  }
0xb9: {  	s31 =	sshll.u32 s1, $0xD;
	s1 =	sshrl.u32 s1, $0x2  }
0xba: {  	s3 =	sand.u32 $0x4000, s31;
	s1 =	sadd.s32 s1, s30  }
0xbb: {  	s0 =	sor.u32 s3, s0;
	s1 =	sshll.u32 s1, $0x11  }
0xbc: {  	s0 =	sor.u32 s1, s0  }
0xbd: {  	s0 =	sadd.s32 $0x8F2B, s0  }
0xbe: {  	[sflag:s0] =	ssyncadd.remote.s32 $0x1  }
0xbf: {  	_ =	sfence.sel $0xFFFF  }
0xc0: {  	[dreg:$0x0] =	wrdreg $0xFFFFFFFF;
	(pc) =	sbr.abs _section_cstart, $3  }
0xc1: {  	[dreg:$0x1] =	wrdreg $0xFFFFFFFF  }
0xc2: {  	_ =	task.clear_ibuf [dreg:s7], $0x2FFFF;
	_ =	strace $0x9FFFFFFF  }
0xc3: {  	(tm) =	ssettm $0x7FFFFFFF  }
tec
execute0_lowered:
.L_overlay_start_1:
0x0: {  	(tag) =	ssettag $0x1  }
0x1: {  	s12 =	rddreg [dreg:$0x0]  }
0x2: {  	s5 =	rddreg [dreg:$0x1];
	s0 =	srdreg.scid  }
0x3: {  	s2 =	rddreg [dreg:$0x2];
	s1 =	stileid.u32;
	s3 =	simm.s32 $0x0  }
0x4: {  	s16 =	simm.s32 $0x13880;
	s17 =	simm.s32 $0x13900;
	s18 =	simm.s32 $0x13980  }
0x5: {  	s19 =	simm.s32 $0x13A00;
	s20 =	simm.s32 $0x1;
	s21 =	simm.s32 $0x50  }
0x6: {  	s22 =	simm.s32 $0x13A80;
	s28 =	simm.s32 $0x5;
	s7 =	smul.u32 $0x1F400, s1  }
0x7: {  	s29 =	simm.s32 $0x0;
	s6 =	sand.u32 $0x1, s0;
	s9 =	smul.u32 $0x2710, s1  }
0x8: {  	[smem:$0x7FF] =	sst s3;
	s11 =	sadd.s32 $0x3000, s5;
	s15 =	smul.u32 $0x7D000, s1  }
0x9: {  	s26 =	sshll.u32 s1, $0x4;
	p0 =	sgt.u32 s1, $0x9;
	s4 =	smul.u32 $0x138800, s6  }
0xa: {  	s8 =	smul.u32 $0x27100, s6;
	s23 =	ssub.s32 $0x2, s6;
	s6 =	sshll.u32 s6, $0x3  }
0xb: {  	_ =	strace $0x80000047;
	s25 =	sshrl.u32 s23, $0x1;
	s26 =	sor.u32 s6, s26  }
0xc: {  	s30 =	sshrl.u32 s15, $0x2;
	s15 =	simm.s32 $0x6;
	s7 =	sadd.s32 s7, s4  }
0xd: {  	s4 =	sadd.s32 $0x2000, s5;
	s24 =	sadd.s32 s9, s8;
	s8 =	ssub.s32 s23, s25  }
0xe: {  	s23 =	simm.s32 $0x16280;
	s25 =	simm.s32 $0x3;
	v0 =	vmov s26;
	s26 =	simm.s32 $0x4  }
0xf: {  	s7 =	sshrl.u32 s7, $0x3;
	s10 =	sshrl.u32 s24, $0x3;
	s31 =	sadd.s32 $0x50, s24  }
.Ltmp0:
0x10: {  	s24 =	simm.s32 $0x2;
	s13 =	sadd.s32 s7, s5;
	(pc) =	sbr.rel .LBB2_1-.Ltmp0, $4  }
0x11: {  	s14 =	sadd.s32 $0x4D8, s10;
	s7 =	smax.u32 s8, $0x1;
	s8 =	sadd.s32 s30, s2  }
0x12: {  	s9 =	sadd.s32 s10, s11;
	s10 =	sadd.s32 s10, s12;
	s5 =	sadd.s32 s12, s14  }
0x13: {  	s6 =	sadd.s32 s11, s14;
	s14 =	sshrl.u32 s31, $0x3;
	s13 =	sadd.s32 $0xCE00, s13  }
0x14: {  	v1 =	vimm.f32 $0.0e+00;
	s11 =	sadd.s32 s14, s11;
	s12 =	sadd.s32 s14, s12;
	s14 =	simm.s32 $0x18A80  }
.LBB2_12:
0x15: {  	[sflag:s15] =	ssyncadd.s32 $0xFFFFEC00  }
.LBB2_13:
0x16: {  	s29 =	sadd.s32 $0x1, s29  }
0x17: {  	p1 =	sne.s32 s29, s7  }
.Ltmp1:
0x18: {  	_ = 	snop;
	(pc) =	sbr.rel @!p1 .LBB2_14-.Ltmp1, $1  }
0x19: {  	_ =	sdelay $0x3  }
.LBB2_1:
0x1a: {  	s30 =	simm.s32 $0x0;
	s31 =	simm.s32 $0x200  }
.LBB2_2:
0x1b: {  	p1 =	sne.s32 s31, $0x4E00;
	[tilespmem:s30+$0x18AF0] =	vst v1  }
0x1c: {  	[tilespmem:s30+$0x18A80] =	vst v1  }
0x1d: {  	[tilespmem:s30+$0x18A90] =	vst v1  }
.Ltmp2:
0x1e: {  	[tilespmem:s30+$0x18AA0] =	vst v1;
	(pc) =	sbr.rel @p1 .LBB2_2-.Ltmp2, $4  }
0x1f: {  	[tilespmem:s30+$0x18AB0] =	vst v1  }
0x20: {  	[tilespmem:s30+$0x18AC0] =	vst v1  }
0x21: {  	[tilespmem:s30+$0x18AD0] =	vst v1  }
0x22: {  	[tilespmem:s30+$0x18AE0] =	vst v1;
	s30 =	sshra.s32 s31, $0x2;
	s31 =	sadd.s32 $0x200, s31  }
0x23: {  	[tilespmem:s30+$0x18AF0] =	vst v1  }
0x24: {  	[tilespmem:s30+$0x18A80] =	vst v1  }
0x25: {  	[tilespmem:s30+$0x18A90] =	vst v1  }
.Ltmp3:
0x26: {  	[tilespmem:s30+$0x18AA0] =	vst v1;
	(pc) =	sbr.rel @p0 .LBB2_7-.Ltmp3, $4  }
0x27: {  	[tilespmem:s30+$0x18AB0] =	vst v1  }
0x28: {  	[tilespmem:s30+$0x18AC0] =	vst v1  }
0x29: {  	[tilespmem:s30+$0x18AD0] =	vst v1  }
0x2a: {  	[tilespmem:s30+$0x18AE0] =	vst v1  }
0x2b: {  	s30 =	sadd.s32 $0x0, s8  }
0x2c: {  	[spmem:s30] =	stream.linear.scatter [tilespmem:s14], [sflag:$0x6], $0x1400, $0x38;
	[tilespmem:$0x19E80] =	vst v63  }
0x2d: {  	s30 =	simm.s32 $0x5000;
	_ =	swait.ge [sflag:s15], $0x1400  }
.LBB2_5:
0x2e: {  	s31 =	sshra.s32 s30, $0x2;
	[sflag:s15] =	ssyncset.done $0x0;
	p1 =	sne.s32 s30, $0x78000  }
.Ltmp4:
0x2f: {  	s31 =	sadd.s32 s31, s8;
	[sflag:s15] =	ssyncadd.s32 $0xFFFFEC00;
	(pc) =	sbr.rel @p1 .LBB2_5-.Ltmp4, $3  }
0x30: {  	[spmem:s31] =	stream.linear.scatter [tilespmem:s14], [sflag:$0x6], $0x1400, $0x38;
	[tilespmem:$0x19E80] =	vst v63  }
0x31: {  	s30 =	sadd.s32 $0x5000, s30;
	_ =	sdelay $0x1  }
0x32: {  	_ =	swait.ge [sflag:s15], $0x1400  }
0x33: {  	[sflag:s15] =	ssyncset.done $0x0  }
0x34: {  	[sflag:s15] =	ssyncadd.s32 $0xFFFFEC00  }
.LBB2_7:
0x35: {  	[bflag:$0x0] =	sbarrier.arrive $0xFFFF;
	s30 =	sadd.s32 $0x0, s10  }
0x36: {  	[tilespmem:s16], [sflag:$0x1] =	stream.linear.gather [hbm4b:s30+s3], $0x50, $0x38;
	[tilespmem:$0x19E80] =	vst v63  }
0x37: {  	s30 =	sadd.s32 $0x0, s9  }
0x38: {  	[tilespmem:s17], [sflag:$0x1] =	stream.linear.gather [hbm4b:s30+s3], $0x50, $0x38;
	[tilespmem:$0x19E80] =	vst v63  }
0x39: {  	s30 =	sadd.s32 $0x0, s12  }
0x3a: {  	[tilespmem:s18], [sflag:$0x1] =	stream.linear.gather [hbm4b:s30+s3], $0x50, $0x38;
	[tilespmem:$0x19E80] =	vst v63  }
0x3b: {  	s30 =	sadd.s32 $0x0, s11  }
0x3c: {  	[tilespmem:s19], [sflag:$0x1] =	stream.linear.gather [hbm4b:s30+s3], $0x50, $0x38;
	[tilespmem:$0x19E80] =	vst v63  }
0x3d: {  	_ =	swait.ge [sflag:s20], $0x50  }
0x3e: {  	[sflag:s20] =	ssyncset.done $0x0  }
0x3f: {  	[sflag:s20] =	ssyncadd.s32 $0xFFFFFFB0  }
0x40: {  	_ =	swait.ge [sflag:s20], $0x50  }
0x41: {  	[sflag:s20] =	ssyncset.done $0x0  }
0x42: {  	[sflag:s20] =	ssyncadd.s32 $0xFFFFFFB0  }
0x43: {  	v2 =	vld [tilespmem:$0x138C0]  }
0x44: {  	v3 =	vld [tilespmem:$0x138A0]  }
0x45: {  	v4 =	vld [tilespmem:$0x13890]  }
0x46: {  	v5 =	vld [tilespmem:$0x13880]  }
0x47: {  	v6 =	vld [tilespmem:$0x138B0]  }
0x48: {  	v2 =	vadd.s32 v0, v2  }
0x49: {  	v3 =	vadd.s32 v0, v3;
	[tilespmem:$0x138C0] =	vst v2  }
0x4a: {  	v2 =	vadd.s32 v0, v4;
	[tilespmem:$0x138A0] =	vst v3  }
0x4b: {  	v3 =	vadd.s32 v0, v5;
	[tilespmem:$0x13890] =	vst v2  }
0x4c: {  	[tilespmem:$0x13880] =	vst v3;
	v2 =	vadd.s32 v0, v6  }
0x4d: {  	[tilespmem:$0x138B0] =	vst v2  }
0x4e: {  	[tilespmem:s22], [sflag:$0x2] =	stream.indirect.gather [hbm4b:s4+s21], $0x80, s16, s21, $0xb8;
	[tilespmem:$0x19E80] =	vst v63  }
0x4f: {  	_ =	swait.ge [sflag:s20], $0x50  }
0x50: {  	[sflag:s20] =	ssyncset.done $0x0  }
0x51: {  	[sflag:s20] =	ssyncadd.s32 $0xFFFFFFB0  }
0x52: {  	_ =	swait.ge [sflag:s20], $0x50  }
0x53: {  	[sflag:s20] =	ssyncset.done $0x0  }
0x54: {  	[sflag:s20] =	ssyncadd.s32 $0xFFFFFFB0  }
0x55: {  	v2 =	vld [tilespmem:$0x139C0]  }
0x56: {  	v3 =	vld [tilespmem:$0x139B0]  }
0x57: {  	v61 =	vld [tilespmem:$0x13990]  }
0x58: {  	v62 =	vld [tilespmem:$0x13980]  }
0x59: {  	v63 =	vld [tilespmem:$0x139A0]  }
0x5a: {  	v2 =	vadd.s32 v0, v2  }
0x5b: {  	v3 =	vadd.s32 v0, v3;
	[tilespmem:$0x139C0] =	vst v2  }
0x5c: {  	v2 =	vadd.s32 v0, v61;
	[tilespmem:$0x139B0] =	vst v3  }
0x5d: {  	v3 =	vadd.s32 v0, v62;
	[tilespmem:$0x13990] =	vst v2  }
0x5e: {  	[tilespmem:$0x13980] =	vst v3;
	v2 =	vadd.s32 v0, v63  }
0x5f: {  	[tilespmem:$0x139A0] =	vst v2  }
0x60: {  	[tilespmem:s23], [sflag:$0x3] =	stream.indirect.gather [hbm4b:s4+s21], $0x80, s18, s21, $0xb8;
	[tilespmem:$0x19E80] =	vst v63  }
0x61: {  	_ =	swait.ge [sflag:s24], $0x2800  }
0x62: {  	[sflag:s24] =	ssyncset.done $0x0  }
0x63: {  	[sflag:s24] =	ssyncadd.s32 $0xFFFFD800  }
0x64: {  	[spmem:s2] =	stream.indirect.scatter.add.f32 [tilespmem:s22], [sflag:$0x4], $0x80, s17, s21, $0xb8;
	[tilespmem:$0x19E80] =	vst v63  }
0x65: {  	s30 =	simm.s32 $0x14;
	_ =	swait.ge [sflag:s25], $0x2800  }
.LBB2_8:
0x66: {  	p1 =	sne.s32 s30, $0x4C4  }
0x67: {  	[sflag:s25] =	ssyncset.done $0x0;
	s31 =	smov.u32 s30;
	s30 =	sadd.s32 $0x14, s30  }
0x68: {  	[sflag:s25] =	ssyncadd.s32 $0xFFFFD800  }
0x69: {  	[spmem:s2] =	stream.indirect.scatter.add.f32 [tilespmem:s23], [sflag:$0x5], $0x80, s19, s21, $0xb8;
	[tilespmem:$0x19E80] =	vst v63  }
0x6a: {  	_ =	swait.ge [sflag:s26], $0x2800  }
0x6b: {  	[sflag:s26] =	ssyncset.done $0x0  }
0x6c: {  	[sflag:s26] =	ssyncadd.s32 $0xFFFFD800  }
0x6d: {  	_ =	swait.ge [sflag:s28], $0x2800  }
0x6e: {  	[sflag:s28] =	ssyncset.done $0x0  }
0x6f: {  	s0 =	sadd.s32 s31, s10;
	[sflag:s28] =	ssyncadd.s32 $0xFFFFD800  }
0x70: {  	[tilespmem:s16], [sflag:$0x1] =	stream.linear.gather [hbm4b:s0+s3], $0x50, $0x38;
	[tilespmem:$0x19E80] =	vst v63  }
0x71: {  	s0 =	sadd.s32 s31, s9  }
0x72: {  	[tilespmem:s17], [sflag:$0x1] =	stream.linear.gather [hbm4b:s0+s3], $0x50, $0x38;
	[tilespmem:$0x19E80] =	vst v63  }
0x73: {  	s0 =	sadd.s32 s31, s12  }
0x74: {  	[tilespmem:s18], [sflag:$0x1] =	stream.linear.gather [hbm4b:s0+s3], $0x50, $0x38;
	[tilespmem:$0x19E80] =	vst v63  }
0x75: {  	s0 =	sadd.s32 s31, s11  }
0x76: {  	[tilespmem:s19], [sflag:$0x1] =	stream.linear.gather [hbm4b:s0+s3], $0x50, $0x38;
	[tilespmem:$0x19E80] =	vst v63  }
0x77: {  	_ =	swait.ge [sflag:s20], $0x50  }
0x78: {  	[sflag:s20] =	ssyncset.done $0x0  }
0x79: {  	[sflag:s20] =	ssyncadd.s32 $0xFFFFFFB0  }
0x7a: {  	_ =	swait.ge [sflag:s20], $0x50  }
0x7b: {  	[sflag:s20] =	ssyncset.done $0x0  }
0x7c: {  	[sflag:s20] =	ssyncadd.s32 $0xFFFFFFB0  }
0x7d: {  	v2 =	vld [tilespmem:$0x138C0]  }
0x7e: {  	v3 =	vld [tilespmem:$0x138A0]  }
0x7f: {  	v4 =	vld [tilespmem:$0x13890]  }
0x80: {  	v5 =	vld [tilespmem:$0x13880]  }
0x81: {  	v6 =	vld [tilespmem:$0x138B0]  }
0x82: {  	v2 =	vadd.s32 v0, v2  }
0x83: {  	v3 =	vadd.s32 v0, v3;
	[tilespmem:$0x138C0] =	vst v2  }
0x84: {  	v2 =	vadd.s32 v0, v4;
	[tilespmem:$0x138A0] =	vst v3  }
0x85: {  	v3 =	vadd.s32 v0, v5;
	[tilespmem:$0x13890] =	vst v2  }
0x86: {  	[tilespmem:$0x13880] =	vst v3;
	v2 =	vadd.s32 v0, v6  }
0x87: {  	[tilespmem:$0x138B0] =	vst v2  }
0x88: {  	[tilespmem:s22], [sflag:$0x2] =	stream.indirect.gather [hbm4b:s4+s21], $0x80, s16, s21, $0xb8;
	[tilespmem:$0x19E80] =	vst v63  }
0x89: {  	_ =	swait.ge [sflag:s20], $0x50  }
0x8a: {  	[sflag:s20] =	ssyncset.done $0x0  }
0x8b: {  	[sflag:s20] =	ssyncadd.s32 $0xFFFFFFB0  }
0x8c: {  	_ =	swait.ge [sflag:s20], $0x50  }
0x8d: {  	[sflag:s20] =	ssyncset.done $0x0  }
0x8e: {  	[sflag:s20] =	ssyncadd.s32 $0xFFFFFFB0  }
0x8f: {  	v2 =	vld [tilespmem:$0x139C0]  }
0x90: {  	v3 =	vld [tilespmem:$0x139B0]  }
0x91: {  	v4 =	vld [tilespmem:$0x13990]  }
0x92: {  	v5 =	vld [tilespmem:$0x13980]  }
0x93: {  	v6 =	vld [tilespmem:$0x139A0]  }
0x94: {  	v2 =	vadd.s32 v0, v2  }
0x95: {  	v3 =	vadd.s32 v0, v3;
	[tilespmem:$0x139C0] =	vst v2  }
0x96: {  	v2 =	vadd.s32 v0, v4;
	[tilespmem:$0x139B0] =	vst v3  }
0x97: {  	v3 =	vadd.s32 v0, v5;
	[tilespmem:$0x13990] =	vst v2  }
0x98: {  	[tilespmem:$0x13980] =	vst v3;
	v2 =	vadd.s32 v0, v6  }
0x99: {  	[tilespmem:$0x139A0] =	vst v2  }
0x9a: {  	[tilespmem:s23], [sflag:$0x3] =	stream.indirect.gather [hbm4b:s4+s21], $0x80, s18, s21, $0xb8;
	[tilespmem:$0x19E80] =	vst v63  }
.Ltmp5:
0x9b: {  	_ =	swait.ge [sflag:s24], $0x2800;
	(pc) =	sbr.rel @p1 .LBB2_8-.Ltmp5, $4  }
0x9c: {  	[sflag:s24] =	ssyncset.done $0x0  }
0x9d: {  	[sflag:s24] =	ssyncadd.s32 $0xFFFFD800  }
0x9e: {  	[spmem:s2] =	stream.indirect.scatter.add.f32 [tilespmem:s22], [sflag:$0x4], $0x80, s17, s21, $0xb8;
	[tilespmem:$0x19E80] =	vst v63  }
0x9f: {  	_ =	swait.ge [sflag:s25], $0x2800  }
0xa0: {  	[sflag:s25] =	ssyncset.done $0x0  }
0xa1: {  	[sflag:s25] =	ssyncadd.s32 $0xFFFFD800  }
0xa2: {  	[spmem:s2] =	stream.indirect.scatter.add.f32 [tilespmem:s23], [sflag:$0x5], $0x80, s19, s21, $0xb8;
	[tilespmem:$0x19E80] =	vst v63  }
0xa3: {  	_ =	swait.ge [sflag:s26], $0x2800  }
0xa4: {  	[sflag:s26] =	ssyncset.done $0x0  }
0xa5: {  	[sflag:s26] =	ssyncadd.s32 $0xFFFFD800  }
0xa6: {  	_ =	swait.ge [sflag:s28], $0x2800  }
0xa7: {  	[sflag:s28] =	ssyncset.done $0x0  }
0xa8: {  	[sflag:s28] =	ssyncadd.s32 $0xFFFFD800  }
0xa9: {  	[tilespmem:s16], [sflag:$0x1] =	stream.linear.gather [hbm4b:s5+s3], $0x50, $0x38;
	[tilespmem:$0x19E80] =	vst v63  }
0xaa: {  	_ = 	snop  }
0xab: {  	[tilespmem:s17], [sflag:$0x1] =	stream.linear.gather [hbm4b:s6+s3], $0x50, $0x38;
	[tilespmem:$0x19E80] =	vst v63  }
0xac: {  	_ =	swait.ge [sflag:s20], $0x50  }
0xad: {  	[sflag:s20] =	ssyncset.done $0x0  }
0xae: {  	[sflag:s20] =	ssyncadd.s32 $0xFFFFFFB0  }
0xaf: {  	_ =	swait.ge [sflag:s20], $0x50  }
0xb0: {  	[sflag:s20] =	ssyncset.done $0x0  }
0xb1: {  	[sflag:s20] =	ssyncadd.s32 $0xFFFFFFB0  }
0xb2: {  	v2 =	vld [tilespmem:$0x13880]  }
0xb3: {  	v3 =	vld [tilespmem:$0x13890]  }
0xb4: {  	v4 =	vld [tilespmem:$0x138A0]  }
0xb5: {  	v5 =	vld [tilespmem:$0x138B0]  }
0xb6: {  	v6 =	vld [tilespmem:$0x138C0]  }
0xb7: {  	v2 =	vadd.s32 v0, v2  }
0xb8: {  	[tilespmem:$0x13880] =	vst v2;
	v2 =	vadd.s32 v0, v3  }
0xb9: {  	[tilespmem:$0x13890] =	vst v2;
	v2 =	vadd.s32 v0, v4  }
0xba: {  	[tilespmem:$0x138A0] =	vst v2;
	v2 =	vadd.s32 v0, v5  }
0xbb: {  	[tilespmem:$0x138B0] =	vst v2;
	v2 =	vadd.s32 v0, v6  }
0xbc: {  	[tilespmem:$0x138C0] =	vst v2  }
0xbd: {  	[tilespmem:s22], [sflag:$0x2] =	stream.indirect.gather [hbm4b:s4+s21], $0x80, s16, s21, $0xb8;
	[tilespmem:$0x19E80] =	vst v63  }
0xbe: {  	_ =	swait.ge [sflag:s24], $0x2800  }
0xbf: {  	[sflag:s24] =	ssyncset.done $0x0  }
0xc0: {  	[sflag:s24] =	ssyncadd.s32 $0xFFFFD800  }
0xc1: {  	[spmem:s2] =	stream.indirect.scatter.add.f32 [tilespmem:s22], [sflag:$0x4], $0x80, s17, s21, $0xb8;
	[tilespmem:$0x19E80] =	vst v63  }
.Ltmp6:
0xc2: {  	_ =	swait.ge [sflag:s26], $0x2800;
	(pc) =	sbr.rel @p0 .LBB2_13-.Ltmp6, $3  }
0xc3: {  	[sflag:s26] =	ssyncset.done $0x0  }
0xc4: {  	[sflag:s26] =	ssyncadd.s32 $0xFFFFD800  }
0xc5: {  	[bflag:$0x0] =	sbarrier.arrive $0xFFFF;
	_ =	sdelay $0x1  }
0xc6: {  	[tilespmem:s14], [sflag:$0x6] =	stream.linear.gather [spmem:s8], $0x1400, $0x38;
	[tilespmem:$0x19E80] =	vst v63  }
0xc7: {  	_ =	swait.ge [sflag:s15], $0x1400  }
0xc8: {  	[sflag:s15] =	ssyncset.done $0x0  }
0xc9: {  	s0 =	sadd.s32 $0x0, s13;
	[sflag:s15] =	ssyncadd.s32 $0xFFFFEC00  }
0xca: {  	[hbm4b:s0+s3] =	stream.linear.scatter [tilespmem:s14], [sflag:$0x6], $0x1400, $0x38;
	[tilespmem:$0x19E80] =	vst v63  }
0xcb: {  	_ =	swait.ge [sflag:s15], $0x1400  }
0xcc: {  	s30 =	simm.s32 $0x280;
	s31 =	smov.u32 s8;
	[sflag:s15] =	ssyncset.done $0x0  }
.LBB2_11:
0xcd: {  	p1 =	sne.s32 s30, $0x3C00;
	[sflag:s15] =	ssyncadd.s32 $0xFFFFEC00;
	s31 =	sadd.s32 $0x1400, s31  }
0xce: {  	[tilespmem:s14], [sflag:$0x6] =	stream.linear.gather [spmem:s31], $0x1400, $0x38;
	[tilespmem:$0x19E80] =	vst v63  }
0xcf: {  	s0 =	smov.u32 s30;
	s30 =	sadd.s32 $0x280, s30;
	_ =	swait.ge [sflag:s15], $0x1400  }
.Ltmp7:
0xd0: {  	[sflag:s15] =	ssyncset.done $0x0;
	(pc) =	sbr.rel @p1 .LBB2_11-.Ltmp7, $4  }
0xd1: {  	s0 =	sadd.s32 s0, s13;
	[sflag:s15] =	ssyncadd.s32 $0xFFFFEC00  }
0xd2: {  	[hbm4b:s0+s3] =	stream.linear.scatter [tilespmem:s14], [sflag:$0x6], $0x1400, $0x38;
	[tilespmem:$0x19E80] =	vst v63  }
0xd3: {  	_ =	swait.ge [sflag:s15], $0x1400  }
0xd4: {  	[sflag:s15] =	ssyncset.done $0x0  }
.Ltmp8:
0xd5: {  	_ = 	snop;
	(pc) =	sbr.rel .LBB2_12-.Ltmp8, $1  }
0xd6: {  	_ =	sdelay $0x3  }
.LBB2_14:
0xd7: {  	_ =	sfence.sel $0x180000  }
0xd8: {  	[bflag:$0x0] =	sbarrier.arrive $0xFFFF  }
0xd9: {  	_ =	strace $0x90000047  }
0xda: {  	[bflag:$0x2] =	sbarrier.arrive $0xFFFF  }
0xdb: {  	p0 =	sne.s32 s1, $0x0;
	s0 =	rddreg [dreg:$0x3]  }
0xdc: {  	s0 =	sadd.s32 @!p0 $0x100000, s0  }
0xdd: {  	[sflag:s0] =	ssyncadd.tile.s32 @!p0 $0x1;
	_ =	shalt  }
.Lfunc_end2:
_tile_overlayer_lowered:
.L_overlay_start_2:
0xde: {  	(tag) =	ssettag $0x2  }
0xdf: {  	s0 =	rddreg [dreg:$0x0];
	s2 =	stileid.u32  }
0xe0: {  	s1 =	rddreg [dreg:$0x1];
	p0 =	sne.s32 s2, $0x0  }
0xe1: {  	s3 =	rddreg [dreg:$0x2];
	[bflag:$0x3] =	sbarrier.arrive $0xFFFF;
	s2 =	simm.s32 @!p0 $0x1C06  }
0xe2: {  	[timem:s3], [sflag:s2] =	dma.local @!p0 [hbm:s0], s1  }
0xe3: {  	s0 =	simm.s32 @!p0 $0x6  }
0xe4: {  	_ =	swait.ge @!p0 [sflag:s0], s1  }
0xe5: {  	s1 =	ssub.s32 @!p0 $0x0, s1;
	[sflag:s0] =	ssyncset.done @!p0 $0x0  }
0xe6: {  	[sflag:s0] =	ssyncadd.s32 @!p0 s1  }
0xe7: {  	[bflag:$0x3] =	sbarrier.arrive $0xFFFF  }
0xe8: {  	_ =	shalt  }

// kernel: kernel.16.cloned.1.call-start
scs
__scs_entry_jumppad:
0x0: {  	(pc) =	sbr.rel $0x88, $3  }
0x1: {  	(tag) =	ssettag $0x0;
	lr =	simm.s32 $0x1  }
0x2: {  	[smem:$0x3F98] =	sst lr;
	_ =	strace $0xD0000000  }
0x3: {  	_ = 	snop  }
0x4: {  	_ = 	snop  }
0x5: {  	_ = 	snop  }
0x6: {  	_ = 	snop  }
0x7: {  	_ = 	snop  }
__scs_overlays_trampoline_lowered:
0x8: {  	[smem:$0x3FA7] =	sst s0  }
0x9: {  	[smem:$0x3FA8] =	sst s1  }
0xa: {  	[smem:$0x3FA9] =	sst s2  }
0xb: {  	[smem:$0x3FAA] =	sst s3  }
0xc: {  	[smem:$0x3FAB] =	sst s4  }
0xd: {  	[smem:$0x3FAC] =	sst s5  }
0xe: {  	[smem:$0x3FAD] =	sst s6  }
0xf: {  	[smem:$0x3FAE] =	sst s7  }
0x10: {  	[smem:$0x3FAF] =	sst s8  }
0x11: {  	[smem:$0x3FB0] =	sst s9;
	s0 =	simm.s32 @!p0 $0x0  }
0x12: {  	s1 =	sld [smem:$0x3F96];
	s0 =	simm.s32 @p0 $0x1  }
0x13: {  	[smem:$0x3FB1] =	sst s0;
	s0 =	simm.s32 @!p1 $0x0  }
0x14: {  	s2 =	sld [smem:$0x3F95];
	s0 =	simm.s32 @p1 $0x1  }
0x15: {  	[smem:$0x3FB2] =	sst s0;
	s0 =	simm.s32 @!p2 $0x0  }
0x16: {  	s3 =	sld [smem:$0x3FDB];
	s0 =	simm.s32 @p2 $0x1  }
0x17: {  	s4 =	simm.s32 $0x1BF5;
	[smem:$0x3FB4] =	sst s0  }
0x18: {  	s0 =	sld [smem:$0x3F97];
	_ =	swait.ge [sflag:s4], $0x0  }
0x19: {  	s7 =	sld [smem:$0x3F98]  }
0x1a: {  	s8 =	sadd.s32 $0xFFFFE003, lr  }
0x1b: {  	s9 =	sadd.s32 $0xFFFFFEF7, lr;
	s5 =	simm.s32 $0xFFFFFFFF;
	p2 =	slt.u32 s8, $0xFFFFF086  }
0x1c: {  	p1 =	slt.u32 s9, $0xF7A;
	s5 =	simm.s32 @!p2 $0x0  }
0x1d: {  	s5 =	simm.s32 @p1 $0x1;
	p0 =	seq.s32 s7, s2  }
0x1e: {  	s7 =	smul.u32 @!p0 $0xF7A, s2;
	p2 =	seq.s32 @!p0 s5, $0x0  }
0x1f: {  	s9 =	smul.u32 $0xF7A, s1;
	s8 =	simm.s32 @!p0 $0x1BF5;
	p2 =	por !p2, p0  }
0x20: {  	[sflag:s8] =	ssyncset.s32 @!p0 $0xFFFFF086;
	s6 =	sadd.s32 @!p0 s3, s7;
	s7 =	simm.s32 @!p0 $0x108  }
0x21: {  	s3 =	sadd.s32 s3, s9;
	s6 =	sadd.s32 @!p0 $0x88, s6;
	s7 =	simm.s32 @p2 $0x1082  }
0x22: {  	[simem:s7], [sflag:s8] =	dma.local @!p0 [hbm:s6], $0xF7A  }
0x23: {  	s9 =	sor.u32 $0xD0000000, s2;
	s6 =	simm.s32 $0x108;
	_ =	swait.ge @!p0 [sflag:s8], $0x0  }
0x24: {  	s3 =	sadd.s32 $0x88, s3;
	s6 =	simm.s32 @!p1 $0x1082;
	[sflag:s4] =	ssyncset.s32 $0xFFFFF086  }
0x25: {  	[simem:s6], [sflag:s4] =	dma.local [hbm:s3], $0xF7A  }
0x26: {  	[smem:$0x3F98] =	sst s1;
	(tag) =	ssettag s2;
	_ =	strace s9  }
0x27: {  	s1 =	sld [smem:$0x3FA8]  }
0x28: {  	s2 =	sld [smem:$0x3FA9]  }
0x29: {  	s4 =	sld [smem:$0x3FAB]  }
0x2a: {  	p0 =	seq.s32 s5, $0x0;
	s5 =	sld [smem:$0x3FAC]  }
0x2b: {  	s6 =	sld [smem:$0x3FAD]  }
0x2c: {  	s7 =	sld [smem:$0x3FAE]  }
0x2d: {  	s3 =	simm.s32 $0x108;
	s8 =	sld [smem:$0x3FAF]  }
0x2e: {  	s3 =	simm.s32 @!p0 $0x1082;
	s9 =	sld [smem:$0x3FB0]  }
0x2f: {  	lr =	sadd.s32 s0, s3;
	s0 =	sld [smem:$0x3FA7]  }
0x30: {  	s3 =	sld [smem:$0x3FAA]  }
0x31: {  	[smem:$0x3FB3] =	sst s10  }
0x32: {  	s10 =	sld [smem:$0x3FB1];
	_ =	sdelay $0x3  }
0x33: {  	p0 =	seq.s32 s10, $0x1;
	s10 =	sld [smem:$0x3FB3];
	_ =	sdelay $0x3  }
0x34: {  	[smem:$0x3FB3] =	sst s10  }
0x35: {  	s10 =	sld [smem:$0x3FB2];
	_ =	sdelay $0x3  }
0x36: {  	p1 =	seq.s32 s10, $0x1;
	s10 =	sld [smem:$0x3FB3];
	_ =	sdelay $0x3  }
0x37: {  	[smem:$0x3FB3] =	sst s10  }
0x38: {  	s10 =	sld [smem:$0x3FB4]  }
0x39: {  	_ = 	snop;
	(pc) =	sbr.ind lr, $3  }
0x3a: {  	_ = 	snop  }
0x3b: {  	_ = 	snop  }
0x3c: {  	p2 =	seq.s32 s10, $0x1;
	s10 =	sld [smem:$0x3FB3]  }
0x3d: {  	_ =	shalt  }
0x3e: {  	_ =	shalt  }
0x3f: {  	_ =	shalt  }
0x40: {  	_ =	shalt  }
0x41: {  	_ =	shalt  }
0x42: {  	_ =	shalt  }
0x43: {  	_ =	shalt  }
0x44: {  	_ =	shalt  }
0x45: {  	_ =	shalt  }
0x46: {  	_ =	shalt  }
0x47: {  	_ =	shalt  }
0x48: {  	_ =	shalt  }
0x49: {  	_ =	shalt  }
0x4a: {  	_ =	shalt  }
0x4b: {  	_ =	shalt  }
0x4c: {  	_ =	shalt  }
0x4d: {  	_ =	shalt  }
0x4e: {  	_ =	shalt  }
0x4f: {  	_ =	shalt  }
0x50: {  	_ =	shalt  }
0x51: {  	_ =	shalt  }
0x52: {  	_ =	shalt  }
0x53: {  	_ =	shalt  }
0x54: {  	_ =	shalt  }
0x55: {  	_ =	shalt  }
0x56: {  	_ =	shalt  }
0x57: {  	_ =	shalt  }
0x58: {  	_ =	shalt  }
0x59: {  	_ =	shalt  }
0x5a: {  	_ =	shalt  }
0x5b: {  	_ =	shalt  }
0x5c: {  	_ =	shalt  }
0x5d: {  	_ =	shalt  }
0x5e: {  	_ =	shalt  }
0x5f: {  	_ =	shalt  }
0x60: {  	_ =	shalt  }
0x61: {  	_ =	shalt  }
0x62: {  	_ =	shalt  }
0x63: {  	_ =	shalt  }
0x64: {  	_ =	shalt  }
0x65: {  	_ =	shalt  }
0x66: {  	_ =	shalt  }
0x67: {  	_ =	shalt  }
0x68: {  	_ =	shalt  }
0x69: {  	_ =	shalt  }
0x6a: {  	_ =	shalt  }
0x6b: {  	_ =	shalt  }
0x6c: {  	_ =	shalt  }
0x6d: {  	_ =	shalt  }
0x6e: {  	_ =	shalt  }
0x6f: {  	_ =	shalt  }
0x70: {  	_ =	shalt  }
0x71: {  	_ =	shalt  }
0x72: {  	_ =	shalt  }
0x73: {  	_ =	shalt  }
0x74: {  	_ =	shalt  }
0x75: {  	_ =	shalt  }
0x76: {  	_ =	shalt  }
0x77: {  	_ =	shalt  }
0x78: {  	_ =	shalt  }
0x79: {  	_ =	shalt  }
0x7a: {  	_ =	shalt  }
0x7b: {  	_ =	shalt  }
0x7c: {  	_ =	shalt  }
0x7d: {  	_ =	shalt  }
0x7e: {  	_ =	shalt  }
0x7f: {  	_ =	shalt  }
0x80: {  	_ =	shalt  }
0x81: {  	_ =	shalt  }
0x82: {  	_ =	shalt  }
0x83: {  	_ =	shalt  }
0x84: {  	_ =	shalt  }
0x85: {  	_ =	shalt  }
0x86: {  	_ =	shalt  }
0x87: {  	_ =	shalt  }
.Lfunc_end0:
.L_simem_size_0:
called_computation.1_lowered:
.L_overlay_start_0:
0x88: {  	s2 =	sld [smem:$0x3FD9]  }
0x89: {  	s3 =	sld [smem:$0x3FFE];
	_ =	sdelay $0x1  }
0x8a: {  	s1 =	srdreg.scid  }
0x8b: {  	s0 =	sand.u32 $0x1, s1  }
0x8c: {  	s17 =	sshll.u32 s0, $0xA;
	s2 =	sadd.s32 s3, s2  }
0x8d: {  	s2 =	sadd.s32 s2, s17  }
0x8e: {  	[smem:$0x3FBF] =	sst s2  }
0x8f: {  	_ = 	snop  }
0x90: {  	s2 =	sld [smem:$0x3FC7]  }
0x91: {  	s18 =	sld [smem:$0x3FD0];
	(tm) =	ssettm $0x1  }
0x92: {  	s4 =	sld [smem:$0x3FFB];
	_ =	sdelay $0x3  }
0x93: {  	_ =	strace s4  }
0x94: {  	s4 =	sld [smem:$0x3FFC];
	_ =	sdelay $0x3  }
0x95: {  	_ =	strace s4  }
0x96: {  	s4 =	sld [smem:$0x3FFD];
	_ =	sdelay $0x3  }
0x97: {  	_ =	strace s4  }
0x98: {  	_ =	strace $0x8FFFFFFF  }
0x99: {  	s19 =	sld [smem:$0x3FDB];
	_ =	sdelay $0x1  }
0x9a: {  	s5 =	simm.s32 $_scs_section_size  }
0x9b: {  	s6 =	simm.s32 $_size__tile_overlayer_lowered;
	s7 =	simm.s32 $_tile_overlayer_lowered  }
0x9c: {  	s22 =	simm.s32 $0x1BFF;
	s21 =	sshll.u32 s7, $0x1;
	s4 =	sadd.s32 s5, s19  }
0x9d: {  	s8 =	simm.s32 $0x0;
	s20 =	sshll.u32 s6, $0x1;
	s6 =	sadd.s32 s21, s4  }
0x9e: {  	[timem:s8], [sflag:s22] =	dma.local [hbm:s6], s20  }
0x9f: {  	_ =	swait.ge [sflag:s22], s20  }
0xa0: {  	s5 =	ssub.s32 $0x0, s20;
	[sflag:s22] =	ssyncset.done $0x0  }
0xa1: {  	[sflag:s22] =	ssyncadd.s32 s5;
	_ =	sdelay $0x1  }
0xa2: {  	s23 =	simm.s32 $0x1B8B  }
0xa3: {  	_ =	swait.ge [sflag:s23], $0x1  }
0xa4: {  	[sflag:s23] =	ssyncset.done $0x0  }
0xa5: {  	s25 =	simm.s32 $0x1B8E;
	s24 =	sld [smem:$0x3FFE];
	[sflag:s23] =	ssyncadd.s32 $0xFFFFFFFF  }
0xa6: {  	s26 =	simm.s32 $execute0_lowered;
	[smem:$0x3FD2] =	sst s25  }
0xa7: {  	s6 =	sshll.u32 s26, $0x1;
	_ =	strace $0x80000049;
	[dreg:$0x1] =	wrdreg $0xFFFFFFFF  }
0xa8: {  	s28 =	simm.s32 $_size_execute0_lowered;
	s4 =	sadd.s32 s4, s6;
	[dreg:$0x0] =	wrdreg $0x0  }
0xa9: {  	s6 =	sshll.u32 s28, $0x1;
	[dreg:$0x2] =	wrdreg s4  }
0xaa: {  	[dreg:$0x3] =	wrdreg s6  }
0xab: {  	[dreg:$0x4] =	wrdreg $0xC0  }
0xac: {  	_ =	task [dreg:s8], $0x5FFFF  }
0xad: {  	[dreg:$0x1] =	wrdreg $0xFFFFFFFF  }
0xae: {  	[dreg:$0x0] =	wrdreg $0x60  }
0xaf: {  	[dreg:$0x2] =	wrdreg s24  }
0xb0: {  	[dreg:$0x3] =	wrdreg s2  }
0xb1: {  	[dreg:$0x4] =	wrdreg s18  }
0xb2: {  	[dreg:$0x5] =	wrdreg $0x0  }
0xb3: {  	[dreg:$0x6] =	wrdreg $0x9  }
0xb4: {  	_ =	task.clear_ibuf [dreg:s8], $0x7FFFF;
	_ =	strace $0x90000049  }
0xb5: {  	s29 =	simm.s32 $0x9;
	_ =	strace $0x8000004B  }
0xb6: {  	_ =	swait.ge [sflag:s29], $0x1  }
0xb7: {  	[sflag:s29] =	ssyncadd.s32 $0xFFFFFFFF  }
0xb8: {  	_ =	strace $0x9000004B  }
0xb9: {  	_ =	sfence  }
0xba: {  	s30 =	sld [smem:$0x0];
	_ =	sdelay $0x2  }
0xbb: {  	s31 =	sshll.u32 s1, $0xD;
	s1 =	sshrl.u32 s1, $0x2  }
0xbc: {  	s3 =	sand.u32 $0x4000, s31;
	s1 =	sadd.s32 s1, s30  }
0xbd: {  	s0 =	sor.u32 s3, s0;
	s1 =	sshll.u32 s1, $0x11  }
0xbe: {  	s0 =	sor.u32 s1, s0  }
0xbf: {  	s0 =	sadd.s32 $0x8F2B, s0  }
0xc0: {  	[sflag:s0] =	ssyncadd.remote.s32 $0x1  }
0xc1: {  	_ =	sfence.sel $0xFFFF  }
0xc2: {  	[dreg:$0x0] =	wrdreg $0xFFFFFFFF;
	(pc) =	sbr.abs _section_cstart, $3  }
0xc3: {  	[dreg:$0x1] =	wrdreg $0xFFFFFFFF  }
0xc4: {  	_ =	task.clear_ibuf [dreg:s8], $0x2FFFF;
	_ =	strace $0x9FFFFFFF  }
0xc5: {  	(tm) =	ssettm $0x7FFFFFFF  }
tec
execute0_lowered:
.L_overlay_start_1:
0x0: {  	(tag) =	ssettag $0x1  }
0x1: {  	s1 =	rddreg [dreg:$0x0]  }
0x2: {  	s0 =	rddreg [dreg:$0x1]  }
0x3: {  	s3 =	rddreg [dreg:$0x2];
	s2 =	srdreg.scid  }
0x4: {  	s4 =	rddreg [dreg:$0x3];
	s13 =	stileid.u32  }
0x5: {  	s5 =	simm.s32 $0x0;
	s16 =	simm.s32 $0x1DC80;
	s17 =	simm.s32 $0x6  }
0x6: {  	s19 =	simm.s32 $0x13900;
	s20 =	simm.s32 $0x13980;
	s22 =	simm.s32 $0x13B00  }
0x7: {  	s28 =	simm.s32 $0x13A00;
	s29 =	simm.s32 $0x18C80;
	s9 =	smul.u32 $0x1F400, s13  }
0x8: {  	s30 =	simm.s32 $0x16480;
	s2 =	sand.u32 $0x1, s2;
	s11 =	smul.u32 $0x2710, s13  }
0x9: {  	[smem:$0x7FF] =	sst s5;
	s7 =	sadd.s32 $0x193800, s1;
	s24 =	smul.u32 $0x7D000, s13  }
0xa: {  	s6 =	sadd.s32 $0x5B000, s1;
	p0 =	sgt.u32 s13, $0x9;
	s8 =	smul.u32 $0x138800, s2  }
0xb: {  	s13 =	simm.s32 $0x0;
	s10 =	smul.u32 $0x27100, s2;
	s2 =	ssub.s32 $0x2, s2  }
0xc: {  	_ =	strace $0x8000004A;
	s23 =	sshrl.u32 s2, $0x1;
	s31 =	sshrl.u32 s24, $0x2  }
0xd: {  	s24 =	simm.s32 $0x1;
	s9 =	sadd.s32 s9, s8;
	s8 =	sadd.s32 $0x3000, s1  }
0xe: {  	s2 =	ssub.s32 s2, s23;
	s12 =	sshrl.u32 s9, $0x3;
	s9 =	sadd.s32 s11, s10  }
0xf: {  	s14 =	sadd.s32 s31, s4;
	s23 =	simm.s32 $0x13B80;
	s10 =	sshrl.u32 s9, $0x3  }
0x10: {  	s2 =	smax.u32 s2, $0x1;
	s11 =	simm.s32 $0x4;
	s10 =	sadd.s32 $0x4D8, s10  }
.Ltmp0:
0x11: {  	[dreg:$0x8] =	wrdreg s2;
	s25 =	sadd.s32 s0, s10;
	(pc) =	sbr.rel .LBB2_1-.Ltmp0, $4  }
0x12: {  	s1 =	sadd.s32 s12, s1;
	s26 =	sadd.s32 s3, s10;
	[dreg:$0x5] =	wrdreg s25  }
0x13: {  	s2 =	simm.s32 $0x2;
	s10 =	sadd.s32 s8, s10;
	[dreg:$0x6] =	wrdreg s26  }
0x14: {  	s12 =	simm.s32 $0x5;
	s15 =	sadd.s32 $0xCE00, s1;
	[dreg:$0x7] =	wrdreg s10  }
0x15: {  	v0 =	vimm.f32 $0.0e+00;
	s25 =	simm.s32 $0x50;
	s26 =	simm.s32 $0x13C80;
	s10 =	simm.s32 $0x3  }
.LBB2_19:
0x16: {  	s13 =	sadd.s32 $0x1, s13;
	s1 =	rddreg [dreg:$0x8]  }
0x17: {  	p1 =	sne.s32 s13, s1  }
.Ltmp1:
0x18: {  	_ = 	snop;
	(pc) =	sbr.rel @!p1 .LBB2_20-.Ltmp1, $1  }
0x19: {  	_ =	sdelay $0x3  }
.LBB2_1:
0x1a: {  	[dreg:$0x9] =	wrdreg s13;
	s1 =	simm.s32 $0x0;
	s13 =	simm.s32 $0x200  }
.LBB2_2:
0x1b: {  	p1 =	sne.s32 s13, $0x4E00;
	[tilespmem:s1+$0x1DCF0] =	vst v0  }
0x1c: {  	[tilespmem:s1+$0x1DC80] =	vst v0  }
0x1d: {  	[tilespmem:s1+$0x1DC90] =	vst v0  }
.Ltmp2:
0x1e: {  	[tilespmem:s1+$0x1DCA0] =	vst v0;
	(pc) =	sbr.rel @p1 .LBB2_2-.Ltmp2, $4  }
0x1f: {  	[tilespmem:s1+$0x1DCB0] =	vst v0  }
0x20: {  	[tilespmem:s1+$0x1DCC0] =	vst v0  }
0x21: {  	[tilespmem:s1+$0x1DCD0] =	vst v0  }
0x22: {  	[tilespmem:s1+$0x1DCE0] =	vst v0;
	s1 =	sshra.s32 s13, $0x2;
	s13 =	sadd.s32 $0x200, s13  }
0x23: {  	[tilespmem:s1+$0x1DCF0] =	vst v0  }
0x24: {  	[tilespmem:s1+$0x1DC80] =	vst v0  }
0x25: {  	[tilespmem:s1+$0x1DC90] =	vst v0  }
.Ltmp3:
0x26: {  	[tilespmem:s1+$0x1DCA0] =	vst v0;
	(pc) =	sbr.rel @p0 .LBB2_7-.Ltmp3, $4  }
0x27: {  	[tilespmem:s1+$0x1DCB0] =	vst v0  }
0x28: {  	[tilespmem:s1+$0x1DCC0] =	vst v0  }
0x29: {  	[tilespmem:s1+$0x1DCD0] =	vst v0  }
0x2a: {  	[tilespmem:s1+$0x1DCE0] =	vst v0  }
0x2b: {  	s1 =	sadd.s32 $0x0, s14  }
0x2c: {  	[spmem:s1] =	stream.linear.scatter [tilespmem:s16], [sflag:$0x6], $0x1400, $0x38;
	[tilespmem:$0x1F080] =	vst v63  }
0x2d: {  	s1 =	simm.s32 $0x5000;
	_ =	swait.ge [sflag:s17], $0x1400  }
.LBB2_5:
0x2e: {  	s13 =	sshra.s32 s1, $0x2;
	[sflag:s17] =	ssyncset.done $0x0;
	p1 =	sne.s32 s1, $0x78000  }
.Ltmp4:
0x2f: {  	s13 =	sadd.s32 s13, s14;
	[sflag:s17] =	ssyncadd.s32 $0xFFFFEC00;
	(pc) =	sbr.rel @p1 .LBB2_5-.Ltmp4, $3  }
0x30: {  	[spmem:s13] =	stream.linear.scatter [tilespmem:s16], [sflag:$0x6], $0x1400, $0x38;
	[tilespmem:$0x1F080] =	vst v63  }
0x31: {  	s1 =	sadd.s32 $0x5000, s1;
	_ =	sdelay $0x1  }
0x32: {  	_ =	swait.ge [sflag:s17], $0x1400  }
0x33: {  	[sflag:s17] =	ssyncset.done $0x0  }
0x34: {  	[sflag:s17] =	ssyncadd.s32 $0xFFFFEC00  }
.LBB2_7:
0x35: {  	[bflag:$0x0] =	sbarrier.arrive $0xFFFF;
	s13 =	simm.s32 $0x0;
	s21 =	simm.s32 $0x0  }
.LBB2_8:
0x36: {  	s1 =	smul.u32 $0xA0, s21;
	_ =	sdelay $0x1  }
0x37: {  	s1 =	sadd.s32 s9, s1  }
0x38: {  	s1 =	sshrl.u32 s1, $0x3  }
0x39: {  	s18 =	simm.s32 $0x13880;
	s31 =	sadd.s32 s0, s1  }
0x3a: {  	[tilespmem:s18], [sflag:$0x1] =	stream.linear.gather [hbm4b:s31+s13], $0x50, $0x38;
	[tilespmem:$0x1F080] =	vst v63  }
0x3b: {  	s31 =	sadd.s32 s3, s1  }
0x3c: {  	[tilespmem:s19], [sflag:$0x1] =	stream.linear.gather [hbm4b:s31+s13], $0x50, $0x38;
	[tilespmem:$0x1F080] =	vst v63  }
0x3d: {  	s31 =	sadd.s32 s8, s1;
	s1 =	sadd.s32 $0xA, s1  }
0x3e: {  	[tilespmem:s20], [sflag:$0x1] =	stream.linear.gather [hbm4b:s31+s13], $0x50, $0x38;
	[tilespmem:$0x1F080] =	vst v63  }
0x3f: {  	s18 =	simm.s32 $0x13A80;
	s31 =	sadd.s32 s0, s1  }
0x40: {  	[tilespmem:s18], [sflag:$0x1] =	stream.linear.gather [hbm4b:s31+s13], $0x50, $0x38;
	[tilespmem:$0x1F080] =	vst v63  }
0x41: {  	s31 =	sadd.s32 s3, s1  }
0x42: {  	[tilespmem:s22], [sflag:$0x1] =	stream.linear.gather [hbm4b:s31+s13], $0x50, $0x38;
	[tilespmem:$0x1F080] =	vst v63  }
0x43: {  	s1 =	sadd.s32 s8, s1  }
0x44: {  	[tilespmem:s23], [sflag:$0x1] =	stream.linear.gather [hbm4b:s1+s13], $0x50, $0x38;
	[tilespmem:$0x1F080] =	vst v63  }
0x45: {  	_ =	swait.ge [sflag:s24], $0x50  }
0x46: {  	[sflag:s24] =	ssyncset.done $0x0  }
0x47: {  	[sflag:s24] =	ssyncadd.s32 $0xFFFFFFB0  }
0x48: {  	_ =	swait.ge [sflag:s24], $0x50  }
0x49: {  	[sflag:s24] =	ssyncset.done $0x0  }
0x4a: {  	[sflag:s24] =	ssyncadd.s32 $0xFFFFFFB0  }
0x4b: {  	_ =	swait.ge [sflag:s24], $0x50  }
0x4c: {  	[sflag:s24] =	ssyncset.done $0x0  }
0x4d: {  	[sflag:s24] =	ssyncadd.s32 $0xFFFFFFB0  }
0x4e: {  	v1 =	vld [tilespmem:$0x13880]  }
0x4f: {  	v2 =	vld [tilespmem:$0x13900]  }
0x50: {  	v3 =	vld [tilespmem:$0x13980]  }
0x51: {  	v4 =	vld [tilespmem:$0x13890]  }
0x52: {  	v5 =	vld [tilespmem:$0x13910]  }
0x53: {  	v6 =	vld [tilespmem:$0x13990]  }
0x54: {  	v7 =	vld [tilespmem:$0x138A0]  }
0x55: {  	v8 =	vld [tilespmem:$0x13920]  }
0x56: {  	v9 =	vld [tilespmem:$0x139A0]  }
0x57: {  	v11 =	vld [tilespmem:$0x138B0];
	v10 =	vmul.u32 $0x2710, v1  }
0x58: {  	v12 =	vld [tilespmem:$0x13930]  }
0x59: {  	v13 =	vld [tilespmem:$0x139B0];
	v3 =	vshll.u32 v3, $0x3;
	v2 =	vadd.s32 v2, v10;
	v10 =	vmul.u32 $0x2710, v4  }
0x5a: {  	v1 =	vadd.s32 v1, v3;
	[tilespmem:$0x13900] =	vst v2;
	v2 =	vld [tilespmem:$0x138C0]  }
0x5b: {  	v3 =	vshll.u32 v6, $0x3;
	v6 =	vld [tilespmem:$0x13940];
	[tilespmem:$0x13A00] =	vst v1;
	v1 =	vadd.s32 v5, v10;
	v5 =	vmul.u32 $0x2710, v7  }
0x5c: {  	[tilespmem:$0x13910] =	vst v1;
	v1 =	vadd.s32 v4, v3;
	v3 =	vld [tilespmem:$0x139C0]  }
0x5d: {  	v4 =	vshll.u32 v9, $0x3;
	[tilespmem:$0x13A10] =	vst v1;
	v1 =	vadd.s32 v8, v5;
	v5 =	vmul.u32 $0x2710, v11  }
0x5e: {  	[tilespmem:$0x13920] =	vst v1;
	v1 =	vadd.s32 v7, v4  }
0x5f: {  	v4 =	vshll.u32 v13, $0x3;
	[tilespmem:$0x13A20] =	vst v1;
	v1 =	vadd.s32 v12, v5;
	v5 =	vmul.u32 $0x2710, v2  }
0x60: {  	[tilespmem:$0x13930] =	vst v1;
	v1 =	vadd.s32 v11, v4  }
0x61: {  	[tilespmem:$0x13A30] =	vst v1;
	v1 =	vadd.s32 v6, v5;
	v3 =	vshll.u32 v3, $0x3  }
0x62: {  	[tilespmem:$0x13940] =	vst v1;
	v1 =	vadd.s32 v2, v3  }
0x63: {  	[tilespmem:$0x13A40] =	vst v1  }
0x64: {  	[tilespmem:s26], [sflag:$0x2] =	stream.indirect.gather [hbm4b:s6+s25], $0x80, s19, s25, $0xb8;
	[tilespmem:$0x1F080] =	vst v63  }
0x65: {  	_ = 	snop  }
0x66: {  	[tilespmem:s29], [sflag:$0x2] =	stream.indirect.gather [hbm4b:s7+s25], $0x80, s28, s25, $0xb8;
	[tilespmem:$0x1F080] =	vst v63  }
0x67: {  	_ =	swait.ge [sflag:s24], $0x50  }
0x68: {  	[sflag:s24] =	ssyncset.done $0x0  }
0x69: {  	[sflag:s24] =	ssyncadd.s32 $0xFFFFFFB0  }
0x6a: {  	_ =	swait.ge [sflag:s24], $0x50  }
0x6b: {  	[sflag:s24] =	ssyncset.done $0x0  }
0x6c: {  	[sflag:s24] =	ssyncadd.s32 $0xFFFFFFB0  }
0x6d: {  	_ =	swait.ge [sflag:s24], $0x50  }
0x6e: {  	[sflag:s24] =	ssyncset.done $0x0  }
0x6f: {  	[sflag:s24] =	ssyncadd.s32 $0xFFFFFFB0  }
0x70: {  	v1 =	vld [tilespmem:$0x13A80]  }
0x71: {  	v2 =	vld [tilespmem:$0x13B00]  }
0x72: {  	v3 =	vld [tilespmem:$0x13B80]  }
0x73: {  	v4 =	vld [tilespmem:$0x13A90]  }
0x74: {  	v5 =	vld [tilespmem:$0x13B10]  }
0x75: {  	v6 =	vld [tilespmem:$0x13B90]  }
0x76: {  	v7 =	vld [tilespmem:$0x13AA0]  }
0x77: {  	v8 =	vld [tilespmem:$0x13B20]  }
0x78: {  	v9 =	vld [tilespmem:$0x13BA0]  }
0x79: {  	v11 =	vld [tilespmem:$0x13AB0];
	v10 =	vmul.u32 $0x2710, v1  }
0x7a: {  	v12 =	vld [tilespmem:$0x13B30]  }
0x7b: {  	v13 =	vld [tilespmem:$0x13BB0];
	v3 =	vshll.u32 v3, $0x3;
	v2 =	vadd.s32 v2, v10;
	v10 =	vmul.u32 $0x2710, v4  }
0x7c: {  	v1 =	vadd.s32 v1, v3;
	[tilespmem:$0x13B00] =	vst v2;
	v2 =	vld [tilespmem:$0x13AC0]  }
0x7d: {  	v3 =	vshll.u32 v6, $0x3;
	v6 =	vld [tilespmem:$0x13B40];
	[tilespmem:$0x13C00] =	vst v1;
	v1 =	vadd.s32 v5, v10;
	v5 =	vmul.u32 $0x2710, v7  }
0x7e: {  	[tilespmem:$0x13B10] =	vst v1;
	v1 =	vadd.s32 v4, v3;
	v3 =	vld [tilespmem:$0x13BC0]  }
0x7f: {  	v4 =	vshll.u32 v9, $0x3;
	[tilespmem:$0x13C10] =	vst v1;
	v1 =	vadd.s32 v8, v5;
	v5 =	vmul.u32 $0x2710, v11  }
0x80: {  	[tilespmem:$0x13B20] =	vst v1;
	v1 =	vadd.s32 v7, v4  }
0x81: {  	v4 =	vshll.u32 v13, $0x3;
	[tilespmem:$0x13C20] =	vst v1;
	v1 =	vadd.s32 v12, v5;
	v5 =	vmul.u32 $0x2710, v2  }
0x82: {  	[tilespmem:$0x13B30] =	vst v1;
	v1 =	vadd.s32 v11, v4  }
0x83: {  	[tilespmem:$0x13C30] =	vst v1;
	v1 =	vadd.s32 v6, v5;
	v3 =	vshll.u32 v3, $0x3  }
0x84: {  	[tilespmem:$0x13B40] =	vst v1;
	v1 =	vadd.s32 v2, v3  }
0x85: {  	[tilespmem:$0x13C40] =	vst v1  }
0x86: {  	[tilespmem:s30], [sflag:$0x3] =	stream.indirect.gather [hbm4b:s6+s25], $0x80, s22, s25, $0xb8;
	[tilespmem:$0x1F080] =	vst v63  }
0x87: {  	s18 =	simm.s32 $0x1B480;
	s1 =	simm.s32 $0x13C00  }
0x88: {  	[tilespmem:s18], [sflag:$0x3] =	stream.indirect.gather [hbm4b:s7+s25], $0x80, s1, s25, $0xb8;
	[tilespmem:$0x1F080] =	vst v63  }
0x89: {  	_ =	swait.ge [sflag:s2], $0x2800  }
0x8a: {  	[sflag:s2] =	ssyncset.done $0x0  }
0x8b: {  	[sflag:s2] =	ssyncadd.s32 $0xFFFFD800  }
0x8c: {  	_ =	swait.ge [sflag:s2], $0x2800  }
0x8d: {  	[sflag:s2] =	ssyncset.done $0x0  }
0x8e: {  	s31 =	simm.s32 $0x0;
	[sflag:s2] =	ssyncadd.s32 $0xFFFFD800  }
0x8f: {  	v8 =	vld [tilespmem:s31+$0x18C80]  }
0x90: {  	v12 =	vld [tilespmem:s31+$0x18C90]  }
0x91: {  	v6 =	vld [tilespmem:s31+$0x18CA0]  }
0x92: {  	v5 =	vld [tilespmem:s31+$0x18CB0]  }
0x93: {  	v4 =	vld [tilespmem:s31+$0x18CC0]  }
0x94: {  	v3 =	vld [tilespmem:s31+$0x18CD0]  }
0x95: {  	v2 =	vld [tilespmem:s31+$0x18CE0]  }
0x96: {  	v1 =	vld [tilespmem:s31+$0x18CF0]  }
0x97: {  	v13 =	vld [tilespmem:s31+$0x13C80]  }
0x98: {  	v14 =	vld [tilespmem:s31+$0x13C90]  }
0x99: {  	v11 =	vld [tilespmem:s31+$0x13CA0]  }
0x9a: {  	v10 =	vld [tilespmem:s31+$0x13CB0]  }
0x9b: {  	v9 =	vld [tilespmem:s31+$0x13CC0]  }
0x9c: {  	v7 =	vld [tilespmem:s31+$0x13CD0];
	v13 =	vmul.f32 v8, v13  }
0x9d: {  	s1 =	simm.s32 $0x200;
	v12 =	vmul.f32 v12, v14;
	v8 =	vld [tilespmem:s31+$0x13CE0]  }
.LBB2_9:
0x9e: {  	s18 =	sshra.s32 s1, $0x2;
	p1 =	sne.s32 s1, $0x9E00;
	[tilespmem:s31+$0x13C80] =	vst v13;
	v6 =	vmul.f32 v6, v11;
	v11 =	vld [tilespmem:s31+$0x13CF0]  }
0x9f: {  	v13 =	vld [tilespmem:s18+$0x18C80];
	[tilespmem:s31+$0x13C90] =	vst v12;
	v5 =	vmul.f32 v5, v10  }
0xa0: {  	v12 =	vld [tilespmem:s18+$0x18C90];
	[tilespmem:s31+$0x13CA0] =	vst v6;
	v4 =	vmul.f32 v4, v9  }
0xa1: {  	v6 =	vld [tilespmem:s18+$0x18CA0];
	[tilespmem:s31+$0x13CB0] =	vst v5;
	v3 =	vmul.f32 v3, v7  }
0xa2: {  	v5 =	vld [tilespmem:s18+$0x18CB0];
	[tilespmem:s31+$0x13CC0] =	vst v4;
	v2 =	vmul.f32 v2, v8  }
0xa3: {  	v4 =	vld [tilespmem:s18+$0x18CC0];
	[tilespmem:s31+$0x13CD0] =	vst v3;
	v1 =	vmul.f32 v1, v11  }
0xa4: {  	v3 =	vld [tilespmem:s18+$0x18CD0];
	[tilespmem:s31+$0x13CE0] =	vst v2  }
0xa5: {  	v2 =	vld [tilespmem:s18+$0x18CE0];
	[tilespmem:s31+$0x13CF0] =	vst v1;
	s31 =	smov.u32 s18  }
0xa6: {  	v1 =	vld [tilespmem:s31+$0x18CF0]  }
0xa7: {  	v7 =	vld [tilespmem:s31+$0x13C80]  }
0xa8: {  	v8 =	vld [tilespmem:s31+$0x13C90]  }
.Ltmp5:
0xa9: {  	v11 =	vld [tilespmem:s31+$0x13CA0];
	(pc) =	sbr.rel @p1 .LBB2_9-.Ltmp5, $4  }
0xaa: {  	v10 =	vld [tilespmem:s31+$0x13CB0]  }
0xab: {  	v9 =	vld [tilespmem:s31+$0x13CC0]  }
0xac: {  	v13 =	vmul.f32 v13, v7;
	v7 =	vld [tilespmem:s31+$0x13CD0]  }
0xad: {  	s1 =	sadd.s32 $0x200, s1;
	v12 =	vmul.f32 v12, v8;
	v8 =	vld [tilespmem:s31+$0x13CE0]  }
0xae: {  	[tilespmem:s31+$0x13C80] =	vst v13;
	v6 =	vmul.f32 v6, v11;
	v11 =	vld [tilespmem:s31+$0x13CF0]  }
0xaf: {  	[tilespmem:s31+$0x13C90] =	vst v12;
	v5 =	vmul.f32 v5, v10  }
0xb0: {  	[tilespmem:s31+$0x13CA0] =	vst v6;
	v4 =	vmul.f32 v4, v9  }
0xb1: {  	[tilespmem:s31+$0x13CB0] =	vst v5;
	v3 =	vmul.f32 v3, v7  }
0xb2: {  	[tilespmem:s31+$0x13CC0] =	vst v4;
	v2 =	vmul.f32 v2, v8  }
0xb3: {  	[tilespmem:s31+$0x13CD0] =	vst v3;
	v1 =	vmul.f32 v1, v11  }
0xb4: {  	[tilespmem:s31+$0x13CE0] =	vst v2  }
0xb5: {  	[tilespmem:s31+$0x13CF0] =	vst v1  }
0xb6: {  	[spmem:s4] =	stream.indirect.scatter.add.f32 [tilespmem:s26], [sflag:$0x4], $0x80, s20, s25, $0xb8;
	[tilespmem:$0x1F080] =	vst v63  }
0xb7: {  	_ =	swait.ge [sflag:s10], $0x2800  }
0xb8: {  	[sflag:s10] =	ssyncset.done $0x0  }
0xb9: {  	[sflag:s10] =	ssyncadd.s32 $0xFFFFD800  }
0xba: {  	_ =	swait.ge [sflag:s10], $0x2800  }
0xbb: {  	[sflag:s10] =	ssyncset.done $0x0  }
0xbc: {  	s31 =	simm.s32 $0x0;
	[sflag:s10] =	ssyncadd.s32 $0xFFFFD800  }
0xbd: {  	v8 =	vld [tilespmem:s31+$0x1B480]  }
0xbe: {  	v12 =	vld [tilespmem:s31+$0x1B490]  }
0xbf: {  	v6 =	vld [tilespmem:s31+$0x1B4A0]  }
0xc0: {  	v5 =	vld [tilespmem:s31+$0x1B4B0]  }
0xc1: {  	v4 =	vld [tilespmem:s31+$0x1B4C0]  }
0xc2: {  	v3 =	vld [tilespmem:s31+$0x1B4D0]  }
0xc3: {  	v2 =	vld [tilespmem:s31+$0x1B4E0]  }
0xc4: {  	v1 =	vld [tilespmem:s31+$0x1B4F0]  }
0xc5: {  	v13 =	vld [tilespmem:s31+$0x16480]  }
0xc6: {  	v14 =	vld [tilespmem:s31+$0x16490]  }
0xc7: {  	v11 =	vld [tilespmem:s31+$0x164A0]  }
0xc8: {  	v10 =	vld [tilespmem:s31+$0x164B0]  }
0xc9: {  	v9 =	vld [tilespmem:s31+$0x164C0]  }
0xca: {  	v7 =	vld [tilespmem:s31+$0x164D0];
	v13 =	vmul.f32 v8, v13  }
0xcb: {  	s1 =	simm.s32 $0x200;
	v12 =	vmul.f32 v12, v14;
	v8 =	vld [tilespmem:s31+$0x164E0]  }
.LBB2_11:
0xcc: {  	s18 =	sshra.s32 s1, $0x2;
	p1 =	sne.s32 s1, $0x9E00;
	[tilespmem:s31+$0x16480] =	vst v13;
	v6 =	vmul.f32 v6, v11;
	v11 =	vld [tilespmem:s31+$0x164F0]  }
0xcd: {  	v13 =	vld [tilespmem:s18+$0x1B480];
	[tilespmem:s31+$0x16490] =	vst v12;
	v5 =	vmul.f32 v5, v10  }
0xce: {  	v12 =	vld [tilespmem:s18+$0x1B490];
	[tilespmem:s31+$0x164A0] =	vst v6;
	v4 =	vmul.f32 v4, v9  }
0xcf: {  	v6 =	vld [tilespmem:s18+$0x1B4A0];
	[tilespmem:s31+$0x164B0] =	vst v5;
	v3 =	vmul.f32 v3, v7  }
0xd0: {  	v5 =	vld [tilespmem:s18+$0x1B4B0];
	[tilespmem:s31+$0x164C0] =	vst v4;
	v2 =	vmul.f32 v2, v8  }
0xd1: {  	v4 =	vld [tilespmem:s18+$0x1B4C0];
	[tilespmem:s31+$0x164D0] =	vst v3;
	v1 =	vmul.f32 v1, v11  }
0xd2: {  	v3 =	vld [tilespmem:s18+$0x1B4D0];
	[tilespmem:s31+$0x164E0] =	vst v2  }
0xd3: {  	v2 =	vld [tilespmem:s18+$0x1B4E0];
	[tilespmem:s31+$0x164F0] =	vst v1;
	s31 =	smov.u32 s18  }
0xd4: {  	v1 =	vld [tilespmem:s31+$0x1B4F0]  }
0xd5: {  	v7 =	vld [tilespmem:s31+$0x16480]  }
0xd6: {  	v8 =	vld [tilespmem:s31+$0x16490]  }
.Ltmp6:
0xd7: {  	v11 =	vld [tilespmem:s31+$0x164A0];
	(pc) =	sbr.rel @p1 .LBB2_11-.Ltmp6, $4  }
0xd8: {  	v10 =	vld [tilespmem:s31+$0x164B0]  }
0xd9: {  	v9 =	vld [tilespmem:s31+$0x164C0]  }
0xda: {  	v13 =	vmul.f32 v13, v7;
	v7 =	vld [tilespmem:s31+$0x164D0]  }
0xdb: {  	s1 =	sadd.s32 $0x200, s1;
	v12 =	vmul.f32 v12, v8;
	v8 =	vld [tilespmem:s31+$0x164E0]  }
0xdc: {  	[tilespmem:s31+$0x16480] =	vst v13;
	v6 =	vmul.f32 v6, v11;
	v63 =	vld [tilespmem:s31+$0x164F0]  }
0xdd: {  	[tilespmem:s31+$0x16490] =	vst v12;
	v5 =	vmul.f32 v5, v10  }
0xde: {  	[tilespmem:s31+$0x164A0] =	vst v6;
	v4 =	vmul.f32 v4, v9  }
0xdf: {  	[tilespmem:s31+$0x164B0] =	vst v5;
	v3 =	vmul.f32 v3, v7  }
0xe0: {  	[tilespmem:s31+$0x164C0] =	vst v4;
	v2 =	vmul.f32 v2, v8  }
0xe1: {  	[tilespmem:s31+$0x164D0] =	vst v3;
	v1 =	vmul.f32 v1, v63  }
0xe2: {  	[tilespmem:s31+$0x164E0] =	vst v2  }
0xe3: {  	s21 =	sadd.s32 $0x1, s21;
	[tilespmem:s31+$0x164F0] =	vst v1  }
0xe4: {  	[spmem:s4] =	stream.indirect.scatter.add.f32 [tilespmem:s30], [sflag:$0x5], $0x80, s23, s25, $0xb8;
	[tilespmem:$0x1F080] =	vst v63  }
0xe5: {  	p1 =	sne.s32 s21, $0x3E;
	_ =	swait.ge [sflag:s11], $0x2800  }
.Ltmp7:
0xe6: {  	[sflag:s11] =	ssyncset.done $0x0;
	(pc) =	sbr.rel @p1 .LBB2_8-.Ltmp7, $4  }
0xe7: {  	[sflag:s11] =	ssyncadd.s32 $0xFFFFD800  }
0xe8: {  	_ =	swait.ge [sflag:s12], $0x2800  }
0xe9: {  	[sflag:s12] =	ssyncset.done $0x0  }
0xea: {  	[sflag:s12] =	ssyncadd.s32 $0xFFFFD800  }
0xeb: {  	s1 =	simm.s32 $0x0;
	s13 =	rddreg [dreg:$0x5];
	s18 =	simm.s32 $0x13880  }
0xec: {  	[tilespmem:s18], [sflag:$0x1] =	stream.linear.gather [hbm4b:s13+s1], $0x50, $0x38;
	[tilespmem:$0x1F080] =	vst v63  }
0xed: {  	s21 =	rddreg [dreg:$0x6]  }
0xee: {  	[tilespmem:s19], [sflag:$0x1] =	stream.linear.gather [hbm4b:s21+s1], $0x50, $0x38;
	[tilespmem:$0x1F080] =	vst v63  }
0xef: {  	s31 =	rddreg [dreg:$0x7]  }
0xf0: {  	[tilespmem:s20], [sflag:$0x1] =	stream.linear.gather [hbm4b:s31+s1], $0x50, $0x38;
	[tilespmem:$0x1F080] =	vst v63  }
0xf1: {  	_ =	swait.ge [sflag:s24], $0x50  }
0xf2: {  	[sflag:s24] =	ssyncset.done $0x0  }
0xf3: {  	[sflag:s24] =	ssyncadd.s32 $0xFFFFFFB0  }
0xf4: {  	_ =	swait.ge [sflag:s24], $0x50  }
0xf5: {  	[sflag:s24] =	ssyncset.done $0x0  }
0xf6: {  	[sflag:s24] =	ssyncadd.s32 $0xFFFFFFB0  }
0xf7: {  	_ =	swait.ge [sflag:s24], $0x50  }
0xf8: {  	[sflag:s24] =	ssyncset.done $0x0  }
0xf9: {  	[sflag:s24] =	ssyncadd.s32 $0xFFFFFFB0  }
0xfa: {  	v1 =	vld [tilespmem:$0x13880]  }
0xfb: {  	v2 =	vld [tilespmem:$0x13900]  }
0xfc: {  	v3 =	vld [tilespmem:$0x13980]  }
0xfd: {  	v4 =	vld [tilespmem:$0x13890]  }
0xfe: {  	v5 =	vld [tilespmem:$0x13910]  }
0xff: {  	v6 =	vld [tilespmem:$0x13990]  }
0x100: {  	v7 =	vld [tilespmem:$0x138A0]  }
0x101: {  	v8 =	vld [tilespmem:$0x13920]  }
0x102: {  	v9 =	vld [tilespmem:$0x139A0]  }
0x103: {  	v11 =	vld [tilespmem:$0x138B0];
	v10 =	vmul.u32 $0x2710, v1  }
0x104: {  	v12 =	vld [tilespmem:$0x13930]  }
0x105: {  	v13 =	vld [tilespmem:$0x139B0];
	v3 =	vshll.u32 v3, $0x3;
	v2 =	vadd.s32 v2, v10;
	v10 =	vmul.u32 $0x2710, v4  }
0x106: {  	v1 =	vadd.s32 v1, v3;
	[tilespmem:$0x13900] =	vst v2;
	v2 =	vld [tilespmem:$0x138C0]  }
0x107: {  	v3 =	vshll.u32 v6, $0x3;
	v6 =	vld [tilespmem:$0x13940];
	[tilespmem:$0x13A00] =	vst v1;
	v1 =	vadd.s32 v5, v10;
	v5 =	vmul.u32 $0x2710, v7  }
0x108: {  	[tilespmem:$0x13910] =	vst v1;
	v1 =	vadd.s32 v4, v3;
	v3 =	vld [tilespmem:$0x139C0]  }
0x109: {  	v4 =	vshll.u32 v9, $0x3;
	[tilespmem:$0x13A10] =	vst v1;
	v1 =	vadd.s32 v8, v5;
	v5 =	vmul.u32 $0x2710, v11  }
0x10a: {  	[tilespmem:$0x13920] =	vst v1;
	v1 =	vadd.s32 v7, v4  }
0x10b: {  	v4 =	vshll.u32 v13, $0x3;
	[tilespmem:$0x13A20] =	vst v1;
	v1 =	vadd.s32 v12, v5;
	v5 =	vmul.u32 $0x2710, v2  }
0x10c: {  	[tilespmem:$0x13930] =	vst v1;
	v1 =	vadd.s32 v11, v4  }
0x10d: {  	[tilespmem:$0x13A30] =	vst v1;
	v1 =	vadd.s32 v6, v5;
	v3 =	vshll.u32 v3, $0x3  }
0x10e: {  	[tilespmem:$0x13940] =	vst v1;
	v1 =	vadd.s32 v2, v3  }
0x10f: {  	[tilespmem:$0x13A40] =	vst v1  }
0x110: {  	[tilespmem:s26], [sflag:$0x2] =	stream.indirect.gather [hbm4b:s6+s25], $0x80, s19, s25, $0xb8;
	[tilespmem:$0x1F080] =	vst v63  }
0x111: {  	_ = 	snop  }
0x112: {  	[tilespmem:s29], [sflag:$0x2] =	stream.indirect.gather [hbm4b:s7+s25], $0x80, s28, s25, $0xb8;
	[tilespmem:$0x1F080] =	vst v63  }
0x113: {  	_ =	swait.ge [sflag:s2], $0x2800  }
0x114: {  	[sflag:s2] =	ssyncset.done $0x0  }
0x115: {  	[sflag:s2] =	ssyncadd.s32 $0xFFFFD800  }
0x116: {  	_ =	swait.ge [sflag:s2], $0x2800  }
0x117: {  	[sflag:s2] =	ssyncset.done $0x0  }
0x118: {  	s13 =	simm.s32 $0x0;
	[sflag:s2] =	ssyncadd.s32 $0xFFFFD800  }
0x119: {  	v8 =	vld [tilespmem:s13+$0x18C80]  }
0x11a: {  	v12 =	vld [tilespmem:s13+$0x18C90]  }
0x11b: {  	v6 =	vld [tilespmem:s13+$0x18CA0]  }
0x11c: {  	v5 =	vld [tilespmem:s13+$0x18CB0]  }
0x11d: {  	v4 =	vld [tilespmem:s13+$0x18CC0]  }
0x11e: {  	v3 =	vld [tilespmem:s13+$0x18CD0]  }
0x11f: {  	v2 =	vld [tilespmem:s13+$0x18CE0]  }
0x120: {  	v1 =	vld [tilespmem:s13+$0x18CF0]  }
0x121: {  	v13 =	vld [tilespmem:s13+$0x13C80]  }
0x122: {  	v14 =	vld [tilespmem:s13+$0x13C90]  }
0x123: {  	v11 =	vld [tilespmem:s13+$0x13CA0]  }
0x124: {  	v10 =	vld [tilespmem:s13+$0x13CB0]  }
0x125: {  	v9 =	vld [tilespmem:s13+$0x13CC0]  }
0x126: {  	v7 =	vld [tilespmem:s13+$0x13CD0];
	v13 =	vmul.f32 v8, v13  }
0x127: {  	s1 =	simm.s32 $0x200;
	v12 =	vmul.f32 v12, v14;
	v8 =	vld [tilespmem:s13+$0x13CE0]  }
.LBB2_14:
0x128: {  	s18 =	sshra.s32 s1, $0x2;
	p1 =	sne.s32 s1, $0x9E00;
	[tilespmem:s13+$0x13C80] =	vst v13;
	v6 =	vmul.f32 v6, v11;
	v11 =	vld [tilespmem:s13+$0x13CF0]  }
0x129: {  	v13 =	vld [tilespmem:s18+$0x18C80];
	[tilespmem:s13+$0x13C90] =	vst v12;
	v5 =	vmul.f32 v5, v10  }
0x12a: {  	v12 =	vld [tilespmem:s18+$0x18C90];
	[tilespmem:s13+$0x13CA0] =	vst v6;
	v4 =	vmul.f32 v4, v9  }
0x12b: {  	v6 =	vld [tilespmem:s18+$0x18CA0];
	[tilespmem:s13+$0x13CB0] =	vst v5;
	v3 =	vmul.f32 v3, v7  }
0x12c: {  	v5 =	vld [tilespmem:s18+$0x18CB0];
	[tilespmem:s13+$0x13CC0] =	vst v4;
	v2 =	vmul.f32 v2, v8  }
0x12d: {  	v4 =	vld [tilespmem:s18+$0x18CC0];
	[tilespmem:s13+$0x13CD0] =	vst v3;
	v1 =	vmul.f32 v1, v11  }
0x12e: {  	v3 =	vld [tilespmem:s18+$0x18CD0];
	[tilespmem:s13+$0x13CE0] =	vst v2  }
0x12f: {  	v2 =	vld [tilespmem:s18+$0x18CE0];
	[tilespmem:s13+$0x13CF0] =	vst v1;
	s13 =	smov.u32 s18  }
0x130: {  	v1 =	vld [tilespmem:s13+$0x18CF0]  }
0x131: {  	v7 =	vld [tilespmem:s13+$0x13C80]  }
0x132: {  	v8 =	vld [tilespmem:s13+$0x13C90]  }
.Ltmp8:
0x133: {  	v11 =	vld [tilespmem:s13+$0x13CA0];
	(pc) =	sbr.rel @p1 .LBB2_14-.Ltmp8, $4  }
0x134: {  	v10 =	vld [tilespmem:s13+$0x13CB0]  }
0x135: {  	v9 =	vld [tilespmem:s13+$0x13CC0]  }
0x136: {  	v13 =	vmul.f32 v13, v7;
	v7 =	vld [tilespmem:s13+$0x13CD0]  }
0x137: {  	s1 =	sadd.s32 $0x200, s1;
	v12 =	vmul.f32 v12, v8;
	v8 =	vld [tilespmem:s13+$0x13CE0]  }
0x138: {  	[tilespmem:s13+$0x13C80] =	vst v13;
	v6 =	vmul.f32 v6, v11;
	v63 =	vld [tilespmem:s13+$0x13CF0]  }
0x139: {  	[tilespmem:s13+$0x13C90] =	vst v12;
	v5 =	vmul.f32 v5, v10  }
0x13a: {  	[tilespmem:s13+$0x13CA0] =	vst v6;
	v4 =	vmul.f32 v4, v9  }
0x13b: {  	[tilespmem:s13+$0x13CB0] =	vst v5;
	v3 =	vmul.f32 v3, v7  }
0x13c: {  	[tilespmem:s13+$0x13CC0] =	vst v4;
	v2 =	vmul.f32 v2, v8  }
0x13d: {  	[tilespmem:s13+$0x13CD0] =	vst v3;
	v1 =	vmul.f32 v1, v63  }
0x13e: {  	[tilespmem:s13+$0x13CE0] =	vst v2  }
0x13f: {  	[tilespmem:s13+$0x13CF0] =	vst v1  }
0x140: {  	[spmem:s4] =	stream.indirect.scatter.add.f32 [tilespmem:s26], [sflag:$0x4], $0x80, s20, s25, $0xb8;
	[tilespmem:$0x1F080] =	vst v63  }
.Ltmp9:
0x141: {  	_ =	swait.ge [sflag:s11], $0x2800;
	(pc) =	sbr.rel @p0 .LBB2_19-.Ltmp9, $4  }
0x142: {  	[sflag:s11] =	ssyncset.done $0x0  }
0x143: {  	[sflag:s11] =	ssyncadd.s32 $0xFFFFD800  }
0x144: {  	[bflag:$0x0] =	sbarrier.arrive $0xFFFF  }
0x145: {  	s13 =	rddreg [dreg:$0x9]  }
0x146: {  	[tilespmem:s16], [sflag:$0x6] =	stream.linear.gather [spmem:s14], $0x1400, $0x38;
	[tilespmem:$0x1F080] =	vst v63  }
0x147: {  	_ =	swait.ge [sflag:s17], $0x1400  }
0x148: {  	[sflag:s17] =	ssyncset.done $0x0  }
0x149: {  	s1 =	sadd.s32 $0x0, s15;
	[sflag:s17] =	ssyncadd.s32 $0xFFFFEC00  }
0x14a: {  	[hbm4b:s1+s5] =	stream.linear.scatter [tilespmem:s16], [sflag:$0x6], $0x1400, $0x38;
	[tilespmem:$0x1F080] =	vst v63  }
0x14b: {  	_ =	swait.ge [sflag:s17], $0x1400  }
0x14c: {  	s13 =	smov.u32 s14;
	s1 =	simm.s32 $0x280;
	[sflag:s17] =	ssyncset.done $0x0  }
.LBB2_17:
0x14d: {  	p1 =	sne.s32 s1, $0x3C00;
	[sflag:s17] =	ssyncadd.s32 $0xFFFFEC00;
	s13 =	sadd.s32 $0x1400, s13  }
0x14e: {  	[tilespmem:s16], [sflag:$0x6] =	stream.linear.gather [spmem:s13], $0x1400, $0x38;
	[tilespmem:$0x1F080] =	vst v63  }
0x14f: {  	s18 =	smov.u32 s1;
	s1 =	sadd.s32 $0x280, s1;
	_ =	swait.ge [sflag:s17], $0x1400  }
.Ltmp10:
0x150: {  	[sflag:s17] =	ssyncset.done $0x0;
	(pc) =	sbr.rel @p1 .LBB2_17-.Ltmp10, $4  }
0x151: {  	s18 =	sadd.s32 s18, s15;
	[sflag:s17] =	ssyncadd.s32 $0xFFFFEC00  }
0x152: {  	[hbm4b:s18+s5] =	stream.linear.scatter [tilespmem:s16], [sflag:$0x6], $0x1400, $0x38;
	[tilespmem:$0x1F080] =	vst v63  }
0x153: {  	_ =	swait.ge [sflag:s17], $0x1400  }
0x154: {  	[sflag:s17] =	ssyncset.done $0x0  }
.Ltmp11:
0x155: {  	(pc) =	sbr.rel .LBB2_19-.Ltmp11, $2  }
0x156: {  	_ =	sdelay $0x2  }
0x157: {  	[sflag:s17] =	ssyncadd.s32 $0xFFFFEC00;
	s13 =	rddreg [dreg:$0x9]  }
.LBB2_20:
0x158: {  	_ =	sfence.sel $0x180000  }
0x159: {  	[bflag:$0x0] =	sbarrier.arrive $0xFFFF  }
0x15a: {  	_ =	strace $0x9000004A  }
0x15b: {  	s0 =	stileid.u32;
	[bflag:$0x2] =	sbarrier.arrive $0xFFFF  }
0x15c: {  	p0 =	sne.s32 s0, $0x0;
	s0 =	rddreg [dreg:$0x4]  }
0x15d: {  	s0 =	sadd.s32 @!p0 $0x100000, s0  }
0x15e: {  	[sflag:s0] =	ssyncadd.tile.s32 @!p0 $0x1;
	_ =	shalt  }
.Lfunc_end2:
_tile_overlayer_lowered:
.L_overlay_start_2:
0x15f: {  	(tag) =	ssettag $0x2  }
0x160: {  	s0 =	rddreg [dreg:$0x0];
	s2 =	stileid.u32  }
0x161: {  	s1 =	rddreg [dreg:$0x1];
	p0 =	sne.s32 s2, $0x0  }
0x162: {  	s3 =	rddreg [dreg:$0x2];
	[bflag:$0x3] =	sbarrier.arrive $0xFFFF;
	s2 =	simm.s32 @!p0 $0x1C06  }
0x163: {  	[timem:s3], [sflag:s2] =	dma.local @!p0 [hbm:s0], s1  }
0x164: {  	s0 =	simm.s32 @!p0 $0x6  }
0x165: {  	_ =	swait.ge @!p0 [sflag:s0], s1  }
0x166: {  	s1 =	ssub.s32 @!p0 $0x0, s1;
	[sflag:s0] =	ssyncset.done @!p0 $0x0  }
0x167: {  	[sflag:s0] =	ssyncadd.s32 @!p0 s1  }
0x168: {  	[bflag:$0x3] =	sbarrier.arrive $0xFFFF  }
0x169: {  	_ =	shalt  }

// kernel: kernel.19.cloned.1.call-start
scs
__scs_entry_jumppad:
0x0: {  	(pc) =	sbr.rel $0x88, $3  }
0x1: {  	(tag) =	ssettag $0x0;
	lr =	simm.s32 $0x1  }
0x2: {  	[smem:$0x3F98] =	sst lr;
	_ =	strace $0xD0000000  }
0x3: {  	_ = 	snop  }
0x4: {  	_ = 	snop  }
0x5: {  	_ = 	snop  }
0x6: {  	_ = 	snop  }
0x7: {  	_ = 	snop  }
__scs_overlays_trampoline_lowered:
0x8: {  	[smem:$0x3FA7] =	sst s0  }
0x9: {  	[smem:$0x3FA8] =	sst s1  }
0xa: {  	[smem:$0x3FA9] =	sst s2  }
0xb: {  	[smem:$0x3FAA] =	sst s3  }
0xc: {  	[smem:$0x3FAB] =	sst s4  }
0xd: {  	[smem:$0x3FAC] =	sst s5  }
0xe: {  	[smem:$0x3FAD] =	sst s6  }
0xf: {  	[smem:$0x3FAE] =	sst s7  }
0x10: {  	[smem:$0x3FAF] =	sst s8  }
0x11: {  	[smem:$0x3FB0] =	sst s9;
	s0 =	simm.s32 @!p0 $0x0  }
0x12: {  	s1 =	sld [smem:$0x3F96];
	s0 =	simm.s32 @p0 $0x1  }
0x13: {  	[smem:$0x3FB1] =	sst s0;
	s0 =	simm.s32 @!p1 $0x0  }
0x14: {  	s2 =	sld [smem:$0x3F95];
	s0 =	simm.s32 @p1 $0x1  }
0x15: {  	[smem:$0x3FB2] =	sst s0;
	s0 =	simm.s32 @!p2 $0x0  }
0x16: {  	s3 =	sld [smem:$0x3FDB];
	s0 =	simm.s32 @p2 $0x1  }
0x17: {  	s4 =	simm.s32 $0x1BF5;
	[smem:$0x3FB4] =	sst s0  }
0x18: {  	s0 =	sld [smem:$0x3F97];
	_ =	swait.ge [sflag:s4], $0x0  }
0x19: {  	s7 =	sld [smem:$0x3F98]  }
0x1a: {  	s8 =	sadd.s32 $0xFFFFE003, lr  }
0x1b: {  	s9 =	sadd.s32 $0xFFFFFEF7, lr;
	s5 =	simm.s32 $0xFFFFFFFF;
	p2 =	slt.u32 s8, $0xFFFFF086  }
0x1c: {  	p1 =	slt.u32 s9, $0xF7A;
	s5 =	simm.s32 @!p2 $0x0  }
0x1d: {  	s5 =	simm.s32 @p1 $0x1;
	p0 =	seq.s32 s7, s2  }
0x1e: {  	s7 =	smul.u32 @!p0 $0xF7A, s2;
	p2 =	seq.s32 @!p0 s5, $0x0  }
0x1f: {  	s9 =	smul.u32 $0xF7A, s1;
	s8 =	simm.s32 @!p0 $0x1BF5;
	p2 =	por !p2, p0  }
0x20: {  	[sflag:s8] =	ssyncset.s32 @!p0 $0xFFFFF086;
	s6 =	sadd.s32 @!p0 s3, s7;
	s7 =	simm.s32 @!p0 $0x108  }
0x21: {  	s3 =	sadd.s32 s3, s9;
	s6 =	sadd.s32 @!p0 $0x88, s6;
	s7 =	simm.s32 @p2 $0x1082  }
0x22: {  	[simem:s7], [sflag:s8] =	dma.local @!p0 [hbm:s6], $0xF7A  }
0x23: {  	s9 =	sor.u32 $0xD0000000, s2;
	s6 =	simm.s32 $0x108;
	_ =	swait.ge @!p0 [sflag:s8], $0x0  }
0x24: {  	s3 =	sadd.s32 $0x88, s3;
	s6 =	simm.s32 @!p1 $0x1082;
	[sflag:s4] =	ssyncset.s32 $0xFFFFF086  }
0x25: {  	[simem:s6], [sflag:s4] =	dma.local [hbm:s3], $0xF7A  }
0x26: {  	[smem:$0x3F98] =	sst s1;
	(tag) =	ssettag s2;
	_ =	strace s9  }
0x27: {  	s1 =	sld [smem:$0x3FA8]  }
0x28: {  	s2 =	sld [smem:$0x3FA9]  }
0x29: {  	s4 =	sld [smem:$0x3FAB]  }
0x2a: {  	p0 =	seq.s32 s5, $0x0;
	s5 =	sld [smem:$0x3FAC]  }
0x2b: {  	s6 =	sld [smem:$0x3FAD]  }
0x2c: {  	s7 =	sld [smem:$0x3FAE]  }
0x2d: {  	s3 =	simm.s32 $0x108;
	s8 =	sld [smem:$0x3FAF]  }
0x2e: {  	s3 =	simm.s32 @!p0 $0x1082;
	s9 =	sld [smem:$0x3FB0]  }
0x2f: {  	lr =	sadd.s32 s0, s3;
	s0 =	sld [smem:$0x3FA7]  }
0x30: {  	s3 =	sld [smem:$0x3FAA]  }
0x31: {  	[smem:$0x3FB3] =	sst s10  }
0x32: {  	s10 =	sld [smem:$0x3FB1];
	_ =	sdelay $0x3  }
0x33: {  	p0 =	seq.s32 s10, $0x1;
	s10 =	sld [smem:$0x3FB3];
	_ =	sdelay $0x3  }
0x34: {  	[smem:$0x3FB3] =	sst s10  }
0x35: {  	s10 =	sld [smem:$0x3FB2];
	_ =	sdelay $0x3  }
0x36: {  	p1 =	seq.s32 s10, $0x1;
	s10 =	sld [smem:$0x3FB3];
	_ =	sdelay $0x3  }
0x37: {  	[smem:$0x3FB3] =	sst s10  }
0x38: {  	s10 =	sld [smem:$0x3FB4]  }
0x39: {  	_ = 	snop;
	(pc) =	sbr.ind lr, $3  }
0x3a: {  	_ = 	snop  }
0x3b: {  	_ = 	snop  }
0x3c: {  	p2 =	seq.s32 s10, $0x1;
	s10 =	sld [smem:$0x3FB3]  }
0x3d: {  	_ =	shalt  }
0x3e: {  	_ =	shalt  }
0x3f: {  	_ =	shalt  }
0x40: {  	_ =	shalt  }
0x41: {  	_ =	shalt  }
0x42: {  	_ =	shalt  }
0x43: {  	_ =	shalt  }
0x44: {  	_ =	shalt  }
0x45: {  	_ =	shalt  }
0x46: {  	_ =	shalt  }
0x47: {  	_ =	shalt  }
0x48: {  	_ =	shalt  }
0x49: {  	_ =	shalt  }
0x4a: {  	_ =	shalt  }
0x4b: {  	_ =	shalt  }
0x4c: {  	_ =	shalt  }
0x4d: {  	_ =	shalt  }
0x4e: {  	_ =	shalt  }
0x4f: {  	_ =	shalt  }
0x50: {  	_ =	shalt  }
0x51: {  	_ =	shalt  }
0x52: {  	_ =	shalt  }
0x53: {  	_ =	shalt  }
0x54: {  	_ =	shalt  }
0x55: {  	_ =	shalt  }
0x56: {  	_ =	shalt  }
0x57: {  	_ =	shalt  }
0x58: {  	_ =	shalt  }
0x59: {  	_ =	shalt  }
0x5a: {  	_ =	shalt  }
0x5b: {  	_ =	shalt  }
0x5c: {  	_ =	shalt  }
0x5d: {  	_ =	shalt  }
0x5e: {  	_ =	shalt  }
0x5f: {  	_ =	shalt  }
0x60: {  	_ =	shalt  }
0x61: {  	_ =	shalt  }
0x62: {  	_ =	shalt  }
0x63: {  	_ =	shalt  }
0x64: {  	_ =	shalt  }
0x65: {  	_ =	shalt  }
0x66: {  	_ =	shalt  }
0x67: {  	_ =	shalt  }
0x68: {  	_ =	shalt  }
0x69: {  	_ =	shalt  }
0x6a: {  	_ =	shalt  }
0x6b: {  	_ =	shalt  }
0x6c: {  	_ =	shalt  }
0x6d: {  	_ =	shalt  }
0x6e: {  	_ =	shalt  }
0x6f: {  	_ =	shalt  }
0x70: {  	_ =	shalt  }
0x71: {  	_ =	shalt  }
0x72: {  	_ =	shalt  }
0x73: {  	_ =	shalt  }
0x74: {  	_ =	shalt  }
0x75: {  	_ =	shalt  }
0x76: {  	_ =	shalt  }
0x77: {  	_ =	shalt  }
0x78: {  	_ =	shalt  }
0x79: {  	_ =	shalt  }
0x7a: {  	_ =	shalt  }
0x7b: {  	_ =	shalt  }
0x7c: {  	_ =	shalt  }
0x7d: {  	_ =	shalt  }
0x7e: {  	_ =	shalt  }
0x7f: {  	_ =	shalt  }
0x80: {  	_ =	shalt  }
0x81: {  	_ =	shalt  }
0x82: {  	_ =	shalt  }
0x83: {  	_ =	shalt  }
0x84: {  	_ =	shalt  }
0x85: {  	_ =	shalt  }
0x86: {  	_ =	shalt  }
0x87: {  	_ =	shalt  }
.Lfunc_end0:
.L_simem_size_0:
called_computation.2_lowered:
.L_overlay_start_0:
0x88: {  	s2 =	sld [smem:$0x3FD9]  }
0x89: {  	s3 =	sld [smem:$0x3FFE];
	_ =	sdelay $0x1  }
0x8a: {  	s1 =	srdreg.scid  }
0x8b: {  	s0 =	sand.u32 $0x1, s1  }
0x8c: {  	s17 =	sshll.u32 s0, $0xA;
	s2 =	sadd.s32 s3, s2  }
0x8d: {  	s2 =	sadd.s32 s2, s17  }
0x8e: {  	[smem:$0x3FBF] =	sst s2  }
0x8f: {  	_ = 	snop  }
0x90: {  	s2 =	sld [smem:$0x3FC7]  }
0x91: {  	s18 =	sld [smem:$0x3FD0];
	(tm) =	ssettm $0x1  }
0x92: {  	s4 =	sld [smem:$0x3FFB];
	_ =	sdelay $0x3  }
0x93: {  	_ =	strace s4  }
0x94: {  	s4 =	sld [smem:$0x3FFC];
	_ =	sdelay $0x3  }
0x95: {  	_ =	strace s4  }
0x96: {  	s4 =	sld [smem:$0x3FFD];
	_ =	sdelay $0x3  }
0x97: {  	_ =	strace s4  }
0x98: {  	_ =	strace $0x8FFFFFFF  }
0x99: {  	s19 =	sld [smem:$0x3FDB];
	_ =	sdelay $0x1  }
0x9a: {  	s5 =	simm.s32 $_scs_section_size  }
0x9b: {  	s6 =	simm.s32 $_size__tile_overlayer_lowered;
	s7 =	simm.s32 $_tile_overlayer_lowered  }
0x9c: {  	s22 =	simm.s32 $0x1BFF;
	s21 =	sshll.u32 s7, $0x1;
	s4 =	sadd.s32 s5, s19  }
0x9d: {  	s8 =	simm.s32 $0x0;
	s20 =	sshll.u32 s6, $0x1;
	s6 =	sadd.s32 s21, s4  }
0x9e: {  	[timem:s8], [sflag:s22] =	dma.local [hbm:s6], s20  }
0x9f: {  	_ =	swait.ge [sflag:s22], s20  }
0xa0: {  	s5 =	ssub.s32 $0x0, s20;
	[sflag:s22] =	ssyncset.done $0x0  }
0xa1: {  	[sflag:s22] =	ssyncadd.s32 s5;
	_ =	sdelay $0x1  }
0xa2: {  	s23 =	simm.s32 $0x1B8B  }
0xa3: {  	_ =	swait.ge [sflag:s23], $0x1  }
0xa4: {  	[sflag:s23] =	ssyncset.done $0x0  }
0xa5: {  	s25 =	simm.s32 $0x1B8E;
	s24 =	sld [smem:$0x3FFE];
	[sflag:s23] =	ssyncadd.s32 $0xFFFFFFFF  }
0xa6: {  	s26 =	simm.s32 $execute0_lowered;
	[smem:$0x3FD2] =	sst s25  }
0xa7: {  	s6 =	sshll.u32 s26, $0x1;
	_ =	strace $0x8000004C;
	[dreg:$0x1] =	wrdreg $0xFFFFFFFF  }
0xa8: {  	s28 =	simm.s32 $_size_execute0_lowered;
	s4 =	sadd.s32 s4, s6;
	[dreg:$0x0] =	wrdreg $0x0  }
0xa9: {  	s6 =	sshll.u32 s28, $0x1;
	[dreg:$0x2] =	wrdreg s4  }
0xaa: {  	[dreg:$0x3] =	wrdreg s6  }
0xab: {  	[dreg:$0x4] =	wrdreg $0xC0  }
0xac: {  	_ =	task [dreg:s8], $0x5FFFF  }
0xad: {  	[dreg:$0x1] =	wrdreg $0xFFFFFFFF  }
0xae: {  	[dreg:$0x0] =	wrdreg $0x60  }
0xaf: {  	[dreg:$0x2] =	wrdreg s24  }
0xb0: {  	[dreg:$0x3] =	wrdreg s2  }
0xb1: {  	[dreg:$0x4] =	wrdreg s18  }
0xb2: {  	[dreg:$0x5] =	wrdreg $0x0  }
0xb3: {  	[dreg:$0x6] =	wrdreg $0x9  }
0xb4: {  	_ =	task.clear_ibuf [dreg:s8], $0x7FFFF;
	_ =	strace $0x9000004C  }
0xb5: {  	s29 =	simm.s32 $0x9;
	_ =	strace $0x8000004E  }
0xb6: {  	_ =	swait.ge [sflag:s29], $0x1  }
0xb7: {  	[sflag:s29] =	ssyncadd.s32 $0xFFFFFFFF  }
0xb8: {  	_ =	strace $0x9000004E  }
0xb9: {  	_ =	sfence  }
0xba: {  	s30 =	sld [smem:$0x0];
	_ =	sdelay $0x2  }
0xbb: {  	s31 =	sshll.u32 s1, $0xD;
	s1 =	sshrl.u32 s1, $0x2  }
0xbc: {  	s3 =	sand.u32 $0x4000, s31;
	s1 =	sadd.s32 s1, s30  }
0xbd: {  	s0 =	sor.u32 s3, s0;
	s1 =	sshll.u32 s1, $0x11  }
0xbe: {  	s0 =	sor.u32 s1, s0  }
0xbf: {  	s0 =	sadd.s32 $0x8F2B, s0  }
0xc0: {  	[sflag:s0] =	ssyncadd.remote.s32 $0x1  }
0xc1: {  	_ =	sfence.sel $0xFFFF  }
0xc2: {  	[dreg:$0x0] =	wrdreg $0xFFFFFFFF;
	(pc) =	sbr.abs _section_cstart, $3  }
0xc3: {  	[dreg:$0x1] =	wrdreg $0xFFFFFFFF  }
0xc4: {  	_ =	task.clear_ibuf [dreg:s8], $0x2FFFF;
	_ =	strace $0x9FFFFFFF  }
0xc5: {  	(tm) =	ssettm $0x7FFFFFFF  }
tec
execute0_lowered:
.L_overlay_start_1:
0x0: {  	(tag) =	ssettag $0x1  }
0x1: {  	s1 =	rddreg [dreg:$0x0]  }
0x2: {  	s0 =	rddreg [dreg:$0x1]  }
0x3: {  	s3 =	rddreg [dreg:$0x2];
	s2 =	srdreg.scid  }
0x4: {  	s4 =	rddreg [dreg:$0x3];
	s13 =	stileid.u32  }
0x5: {  	s5 =	simm.s32 $0x0;
	s16 =	simm.s32 $0x1DC80;
	s17 =	simm.s32 $0x6  }
0x6: {  	s19 =	simm.s32 $0x13900;
	s20 =	simm.s32 $0x13980;
	s22 =	simm.s32 $0x13B00  }
0x7: {  	s28 =	simm.s32 $0x13A00;
	s29 =	simm.s32 $0x18C80;
	s9 =	smul.u32 $0x1F400, s13  }
0x8: {  	s30 =	simm.s32 $0x16480;
	s2 =	sand.u32 $0x1, s2;
	s11 =	smul.u32 $0x2710, s13  }
0x9: {  	[smem:$0x7FF] =	sst s5;
	s7 =	sadd.s32 $0x193800, s1;
	s24 =	smul.u32 $0x7D000, s13  }
0xa: {  	s6 =	sadd.s32 $0xCE00, s1;
	p0 =	sgt.u32 s13, $0x9;
	s8 =	smul.u32 $0x138800, s2  }
0xb: {  	s13 =	simm.s32 $0x0;
	s10 =	smul.u32 $0x27100, s2;
	s2 =	ssub.s32 $0x2, s2  }
0xc: {  	_ =	strace $0x8000004D;
	s23 =	sshrl.u32 s2, $0x1;
	s31 =	sshrl.u32 s24, $0x2  }
0xd: {  	s24 =	simm.s32 $0x1;
	s9 =	sadd.s32 s9, s8;
	s8 =	sadd.s32 $0x3000, s1  }
0xe: {  	s2 =	ssub.s32 s2, s23;
	s12 =	sshrl.u32 s9, $0x3;
	s9 =	sadd.s32 s11, s10  }
0xf: {  	s14 =	sadd.s32 s31, s4;
	s23 =	simm.s32 $0x13B80;
	s10 =	sshrl.u32 s9, $0x3  }
0x10: {  	s2 =	smax.u32 s2, $0x1;
	s11 =	simm.s32 $0x4;
	s10 =	sadd.s32 $0x4D8, s10  }
.Ltmp0:
0x11: {  	[dreg:$0x8] =	wrdreg s2;
	s25 =	sadd.s32 s0, s10;
	(pc) =	sbr.rel .LBB2_1-.Ltmp0, $4  }
0x12: {  	s1 =	sadd.s32 s12, s1;
	s26 =	sadd.s32 s3, s10;
	[dreg:$0x5] =	wrdreg s25  }
0x13: {  	s2 =	simm.s32 $0x2;
	s10 =	sadd.s32 s8, s10;
	[dreg:$0x6] =	wrdreg s26  }
0x14: {  	s12 =	simm.s32 $0x5;
	s15 =	sadd.s32 $0x145600, s1;
	[dreg:$0x7] =	wrdreg s10  }
0x15: {  	v0 =	vimm.f32 $0.0e+00;
	s25 =	simm.s32 $0x50;
	s26 =	simm.s32 $0x13C80;
	s10 =	simm.s32 $0x3  }
.LBB2_19:
0x16: {  	s13 =	sadd.s32 $0x1, s13;
	s1 =	rddreg [dreg:$0x8]  }
0x17: {  	p1 =	sne.s32 s13, s1  }
.Ltmp1:
0x18: {  	_ = 	snop;
	(pc) =	sbr.rel @!p1 .LBB2_20-.Ltmp1, $1  }
0x19: {  	_ =	sdelay $0x3  }
.LBB2_1:
0x1a: {  	[dreg:$0x9] =	wrdreg s13;
	s1 =	simm.s32 $0x0;
	s13 =	simm.s32 $0x200  }
.LBB2_2:
0x1b: {  	p1 =	sne.s32 s13, $0x4E00;
	[tilespmem:s1+$0x1DCF0] =	vst v0  }
0x1c: {  	[tilespmem:s1+$0x1DC80] =	vst v0  }
0x1d: {  	[tilespmem:s1+$0x1DC90] =	vst v0  }
.Ltmp2:
0x1e: {  	[tilespmem:s1+$0x1DCA0] =	vst v0;
	(pc) =	sbr.rel @p1 .LBB2_2-.Ltmp2, $4  }
0x1f: {  	[tilespmem:s1+$0x1DCB0] =	vst v0  }
0x20: {  	[tilespmem:s1+$0x1DCC0] =	vst v0  }
0x21: {  	[tilespmem:s1+$0x1DCD0] =	vst v0  }
0x22: {  	[tilespmem:s1+$0x1DCE0] =	vst v0;
	s1 =	sshra.s32 s13, $0x2;
	s13 =	sadd.s32 $0x200, s13  }
0x23: {  	[tilespmem:s1+$0x1DCF0] =	vst v0  }
0x24: {  	[tilespmem:s1+$0x1DC80] =	vst v0  }
0x25: {  	[tilespmem:s1+$0x1DC90] =	vst v0  }
.Ltmp3:
0x26: {  	[tilespmem:s1+$0x1DCA0] =	vst v0;
	(pc) =	sbr.rel @p0 .LBB2_7-.Ltmp3, $4  }
0x27: {  	[tilespmem:s1+$0x1DCB0] =	vst v0  }
0x28: {  	[tilespmem:s1+$0x1DCC0] =	vst v0  }
0x29: {  	[tilespmem:s1+$0x1DCD0] =	vst v0  }
0x2a: {  	[tilespmem:s1+$0x1DCE0] =	vst v0  }
0x2b: {  	s1 =	sadd.s32 $0x0, s14  }
0x2c: {  	[spmem:s1] =	stream.linear.scatter [tilespmem:s16], [sflag:$0x6], $0x1400, $0x38;
	[tilespmem:$0x1F080] =	vst v63  }
0x2d: {  	s1 =	simm.s32 $0x5000;
	_ =	swait.ge [sflag:s17], $0x1400  }
.LBB2_5:
0x2e: {  	s13 =	sshra.s32 s1, $0x2;
	[sflag:s17] =	ssyncset.done $0x0;
	p1 =	sne.s32 s1, $0x78000  }
.Ltmp4:
0x2f: {  	s13 =	sadd.s32 s13, s14;
	[sflag:s17] =	ssyncadd.s32 $0xFFFFEC00;
	(pc) =	sbr.rel @p1 .LBB2_5-.Ltmp4, $3  }
0x30: {  	[spmem:s13] =	stream.linear.scatter [tilespmem:s16], [sflag:$0x6], $0x1400, $0x38;
	[tilespmem:$0x1F080] =	vst v63  }
0x31: {  	s1 =	sadd.s32 $0x5000, s1;
	_ =	sdelay $0x1  }
0x32: {  	_ =	swait.ge [sflag:s17], $0x1400  }
0x33: {  	[sflag:s17] =	ssyncset.done $0x0  }
0x34: {  	[sflag:s17] =	ssyncadd.s32 $0xFFFFEC00  }
.LBB2_7:
0x35: {  	[bflag:$0x0] =	sbarrier.arrive $0xFFFF;
	s13 =	simm.s32 $0x0;
	s21 =	simm.s32 $0x0  }
.LBB2_8:
0x36: {  	s1 =	smul.u32 $0xA0, s21;
	_ =	sdelay $0x1  }
0x37: {  	s1 =	sadd.s32 s9, s1  }
0x38: {  	s1 =	sshrl.u32 s1, $0x3  }
0x39: {  	s18 =	simm.s32 $0x13880;
	s31 =	sadd.s32 s0, s1  }
0x3a: {  	[tilespmem:s18], [sflag:$0x1] =	stream.linear.gather [hbm4b:s31+s13], $0x50, $0x38;
	[tilespmem:$0x1F080] =	vst v63  }
0x3b: {  	s31 =	sadd.s32 s3, s1  }
0x3c: {  	[tilespmem:s19], [sflag:$0x1] =	stream.linear.gather [hbm4b:s31+s13], $0x50, $0x38;
	[tilespmem:$0x1F080] =	vst v63  }
0x3d: {  	s31 =	sadd.s32 s8, s1;
	s1 =	sadd.s32 $0xA, s1  }
0x3e: {  	[tilespmem:s20], [sflag:$0x1] =	stream.linear.gather [hbm4b:s31+s13], $0x50, $0x38;
	[tilespmem:$0x1F080] =	vst v63  }
0x3f: {  	s18 =	simm.s32 $0x13A80;
	s31 =	sadd.s32 s0, s1  }
0x40: {  	[tilespmem:s18], [sflag:$0x1] =	stream.linear.gather [hbm4b:s31+s13], $0x50, $0x38;
	[tilespmem:$0x1F080] =	vst v63  }
0x41: {  	s31 =	sadd.s32 s3, s1  }
0x42: {  	[tilespmem:s22], [sflag:$0x1] =	stream.linear.gather [hbm4b:s31+s13], $0x50, $0x38;
	[tilespmem:$0x1F080] =	vst v63  }
0x43: {  	s1 =	sadd.s32 s8, s1  }
0x44: {  	[tilespmem:s23], [sflag:$0x1] =	stream.linear.gather [hbm4b:s1+s13], $0x50, $0x38;
	[tilespmem:$0x1F080] =	vst v63  }
0x45: {  	_ =	swait.ge [sflag:s24], $0x50  }
0x46: {  	[sflag:s24] =	ssyncset.done $0x0  }
0x47: {  	[sflag:s24] =	ssyncadd.s32 $0xFFFFFFB0  }
0x48: {  	_ =	swait.ge [sflag:s24], $0x50  }
0x49: {  	[sflag:s24] =	ssyncset.done $0x0  }
0x4a: {  	[sflag:s24] =	ssyncadd.s32 $0xFFFFFFB0  }
0x4b: {  	_ =	swait.ge [sflag:s24], $0x50  }
0x4c: {  	[sflag:s24] =	ssyncset.done $0x0  }
0x4d: {  	[sflag:s24] =	ssyncadd.s32 $0xFFFFFFB0  }
0x4e: {  	v1 =	vld [tilespmem:$0x13880]  }
0x4f: {  	v2 =	vld [tilespmem:$0x13900]  }
0x50: {  	v3 =	vld [tilespmem:$0x13980]  }
0x51: {  	v4 =	vld [tilespmem:$0x13890]  }
0x52: {  	v5 =	vld [tilespmem:$0x13910]  }
0x53: {  	v6 =	vld [tilespmem:$0x13990]  }
0x54: {  	v7 =	vld [tilespmem:$0x138A0]  }
0x55: {  	v8 =	vld [tilespmem:$0x13920]  }
0x56: {  	v9 =	vld [tilespmem:$0x139A0]  }
0x57: {  	v11 =	vld [tilespmem:$0x138B0];
	v10 =	vmul.u32 $0x2710, v1  }
0x58: {  	v12 =	vld [tilespmem:$0x13930]  }
0x59: {  	v13 =	vld [tilespmem:$0x139B0];
	v3 =	vshll.u32 v3, $0x3;
	v2 =	vadd.s32 v2, v10;
	v10 =	vmul.u32 $0x2710, v4  }
0x5a: {  	v1 =	vadd.s32 v1, v3;
	[tilespmem:$0x13900] =	vst v2;
	v2 =	vld [tilespmem:$0x138C0]  }
0x5b: {  	v3 =	vshll.u32 v6, $0x3;
	v6 =	vld [tilespmem:$0x13940];
	[tilespmem:$0x13A00] =	vst v1;
	v1 =	vadd.s32 v5, v10;
	v5 =	vmul.u32 $0x2710, v7  }
0x5c: {  	[tilespmem:$0x13910] =	vst v1;
	v1 =	vadd.s32 v4, v3;
	v3 =	vld [tilespmem:$0x139C0]  }
0x5d: {  	v4 =	vshll.u32 v9, $0x3;
	[tilespmem:$0x13A10] =	vst v1;
	v1 =	vadd.s32 v8, v5;
	v5 =	vmul.u32 $0x2710, v11  }
0x5e: {  	[tilespmem:$0x13920] =	vst v1;
	v1 =	vadd.s32 v7, v4  }
0x5f: {  	v4 =	vshll.u32 v13, $0x3;
	[tilespmem:$0x13A20] =	vst v1;
	v1 =	vadd.s32 v12, v5;
	v5 =	vmul.u32 $0x2710, v2  }
0x60: {  	[tilespmem:$0x13930] =	vst v1;
	v1 =	vadd.s32 v11, v4  }
0x61: {  	[tilespmem:$0x13A30] =	vst v1;
	v1 =	vadd.s32 v6, v5;
	v3 =	vshll.u32 v3, $0x3  }
0x62: {  	[tilespmem:$0x13940] =	vst v1;
	v1 =	vadd.s32 v2, v3  }
0x63: {  	[tilespmem:$0x13A40] =	vst v1  }
0x64: {  	[tilespmem:s26], [sflag:$0x2] =	stream.indirect.gather [hbm4b:s6+s25], $0x80, s19, s25, $0xb8;
	[tilespmem:$0x1F080] =	vst v63  }
0x65: {  	_ = 	snop  }
0x66: {  	[tilespmem:s29], [sflag:$0x2] =	stream.indirect.gather [hbm4b:s7+s25], $0x80, s28, s25, $0xb8;
	[tilespmem:$0x1F080] =	vst v63  }
0x67: {  	_ =	swait.ge [sflag:s24], $0x50  }
0x68: {  	[sflag:s24] =	ssyncset.done $0x0  }
0x69: {  	[sflag:s24] =	ssyncadd.s32 $0xFFFFFFB0  }
0x6a: {  	_ =	swait.ge [sflag:s24], $0x50  }
0x6b: {  	[sflag:s24] =	ssyncset.done $0x0  }
0x6c: {  	[sflag:s24] =	ssyncadd.s32 $0xFFFFFFB0  }
0x6d: {  	_ =	swait.ge [sflag:s24], $0x50  }
0x6e: {  	[sflag:s24] =	ssyncset.done $0x0  }
0x6f: {  	[sflag:s24] =	ssyncadd.s32 $0xFFFFFFB0  }
0x70: {  	v1 =	vld [tilespmem:$0x13A80]  }
0x71: {  	v2 =	vld [tilespmem:$0x13B00]  }
0x72: {  	v3 =	vld [tilespmem:$0x13B80]  }
0x73: {  	v4 =	vld [tilespmem:$0x13A90]  }
0x74: {  	v5 =	vld [tilespmem:$0x13B10]  }
0x75: {  	v6 =	vld [tilespmem:$0x13B90]  }
0x76: {  	v7 =	vld [tilespmem:$0x13AA0]  }
0x77: {  	v8 =	vld [tilespmem:$0x13B20]  }
0x78: {  	v9 =	vld [tilespmem:$0x13BA0]  }
0x79: {  	v11 =	vld [tilespmem:$0x13AB0];
	v10 =	vmul.u32 $0x2710, v1  }
0x7a: {  	v12 =	vld [tilespmem:$0x13B30]  }
0x7b: {  	v13 =	vld [tilespmem:$0x13BB0];
	v3 =	vshll.u32 v3, $0x3;
	v2 =	vadd.s32 v2, v10;
	v10 =	vmul.u32 $0x2710, v4  }
0x7c: {  	v1 =	vadd.s32 v1, v3;
	[tilespmem:$0x13B00] =	vst v2;
	v2 =	vld [tilespmem:$0x13AC0]  }
0x7d: {  	v3 =	vshll.u32 v6, $0x3;
	v6 =	vld [tilespmem:$0x13B40];
	[tilespmem:$0x13C00] =	vst v1;
	v1 =	vadd.s32 v5, v10;
	v5 =	vmul.u32 $0x2710, v7  }
0x7e: {  	[tilespmem:$0x13B10] =	vst v1;
	v1 =	vadd.s32 v4, v3;
	v3 =	vld [tilespmem:$0x13BC0]  }
0x7f: {  	v4 =	vshll.u32 v9, $0x3;
	[tilespmem:$0x13C10] =	vst v1;
	v1 =	vadd.s32 v8, v5;
	v5 =	vmul.u32 $0x2710, v11  }
0x80: {  	[tilespmem:$0x13B20] =	vst v1;
	v1 =	vadd.s32 v7, v4  }
0x81: {  	v4 =	vshll.u32 v13, $0x3;
	[tilespmem:$0x13C20] =	vst v1;
	v1 =	vadd.s32 v12, v5;
	v5 =	vmul.u32 $0x2710, v2  }
0x82: {  	[tilespmem:$0x13B30] =	vst v1;
	v1 =	vadd.s32 v11, v4  }
0x83: {  	[tilespmem:$0x13C30] =	vst v1;
	v1 =	vadd.s32 v6, v5;
	v3 =	vshll.u32 v3, $0x3  }
0x84: {  	[tilespmem:$0x13B40] =	vst v1;
	v1 =	vadd.s32 v2, v3  }
0x85: {  	[tilespmem:$0x13C40] =	vst v1  }
0x86: {  	[tilespmem:s30], [sflag:$0x3] =	stream.indirect.gather [hbm4b:s6+s25], $0x80, s22, s25, $0xb8;
	[tilespmem:$0x1F080] =	vst v63  }
0x87: {  	s18 =	simm.s32 $0x1B480;
	s1 =	simm.s32 $0x13C00  }
0x88: {  	[tilespmem:s18], [sflag:$0x3] =	stream.indirect.gather [hbm4b:s7+s25], $0x80, s1, s25, $0xb8;
	[tilespmem:$0x1F080] =	vst v63  }
0x89: {  	_ =	swait.ge [sflag:s2], $0x2800  }
0x8a: {  	[sflag:s2] =	ssyncset.done $0x0  }
0x8b: {  	[sflag:s2] =	ssyncadd.s32 $0xFFFFD800  }
0x8c: {  	_ =	swait.ge [sflag:s2], $0x2800  }
0x8d: {  	[sflag:s2] =	ssyncset.done $0x0  }
0x8e: {  	s31 =	simm.s32 $0x0;
	[sflag:s2] =	ssyncadd.s32 $0xFFFFD800  }
0x8f: {  	v8 =	vld [tilespmem:s31+$0x18C80]  }
0x90: {  	v12 =	vld [tilespmem:s31+$0x18C90]  }
0x91: {  	v6 =	vld [tilespmem:s31+$0x18CA0]  }
0x92: {  	v5 =	vld [tilespmem:s31+$0x18CB0]  }
0x93: {  	v4 =	vld [tilespmem:s31+$0x18CC0]  }
0x94: {  	v3 =	vld [tilespmem:s31+$0x18CD0]  }
0x95: {  	v2 =	vld [tilespmem:s31+$0x18CE0]  }
0x96: {  	v1 =	vld [tilespmem:s31+$0x18CF0]  }
0x97: {  	v13 =	vld [tilespmem:s31+$0x13C80]  }
0x98: {  	v14 =	vld [tilespmem:s31+$0x13C90]  }
0x99: {  	v11 =	vld [tilespmem:s31+$0x13CA0]  }
0x9a: {  	v10 =	vld [tilespmem:s31+$0x13CB0]  }
0x9b: {  	v9 =	vld [tilespmem:s31+$0x13CC0]  }
0x9c: {  	v7 =	vld [tilespmem:s31+$0x13CD0];
	v13 =	vmul.f32 v8, v13  }
0x9d: {  	s1 =	simm.s32 $0x200;
	v12 =	vmul.f32 v12, v14;
	v8 =	vld [tilespmem:s31+$0x13CE0]  }
.LBB2_9:
0x9e: {  	s18 =	sshra.s32 s1, $0x2;
	p1 =	sne.s32 s1, $0x9E00;
	[tilespmem:s31+$0x13C80] =	vst v13;
	v6 =	vmul.f32 v6, v11;
	v11 =	vld [tilespmem:s31+$0x13CF0]  }
0x9f: {  	v13 =	vld [tilespmem:s18+$0x18C80];
	[tilespmem:s31+$0x13C90] =	vst v12;
	v5 =	vmul.f32 v5, v10  }
0xa0: {  	v12 =	vld [tilespmem:s18+$0x18C90];
	[tilespmem:s31+$0x13CA0] =	vst v6;
	v4 =	vmul.f32 v4, v9  }
0xa1: {  	v6 =	vld [tilespmem:s18+$0x18CA0];
	[tilespmem:s31+$0x13CB0] =	vst v5;
	v3 =	vmul.f32 v3, v7  }
0xa2: {  	v5 =	vld [tilespmem:s18+$0x18CB0];
	[tilespmem:s31+$0x13CC0] =	vst v4;
	v2 =	vmul.f32 v2, v8  }
0xa3: {  	v4 =	vld [tilespmem:s18+$0x18CC0];
	[tilespmem:s31+$0x13CD0] =	vst v3;
	v1 =	vmul.f32 v1, v11  }
0xa4: {  	v3 =	vld [tilespmem:s18+$0x18CD0];
	[tilespmem:s31+$0x13CE0] =	vst v2  }
0xa5: {  	v2 =	vld [tilespmem:s18+$0x18CE0];
	[tilespmem:s31+$0x13CF0] =	vst v1;
	s31 =	smov.u32 s18  }
0xa6: {  	v1 =	vld [tilespmem:s31+$0x18CF0]  }
0xa7: {  	v7 =	vld [tilespmem:s31+$0x13C80]  }
0xa8: {  	v8 =	vld [tilespmem:s31+$0x13C90]  }
.Ltmp5:
0xa9: {  	v11 =	vld [tilespmem:s31+$0x13CA0];
	(pc) =	sbr.rel @p1 .LBB2_9-.Ltmp5, $4  }
0xaa: {  	v10 =	vld [tilespmem:s31+$0x13CB0]  }
0xab: {  	v9 =	vld [tilespmem:s31+$0x13CC0]  }
0xac: {  	v13 =	vmul.f32 v13, v7;
	v7 =	vld [tilespmem:s31+$0x13CD0]  }
0xad: {  	s1 =	sadd.s32 $0x200, s1;
	v12 =	vmul.f32 v12, v8;
	v8 =	vld [tilespmem:s31+$0x13CE0]  }
0xae: {  	[tilespmem:s31+$0x13C80] =	vst v13;
	v6 =	vmul.f32 v6, v11;
	v11 =	vld [tilespmem:s31+$0x13CF0]  }
0xaf: {  	[tilespmem:s31+$0x13C90] =	vst v12;
	v5 =	vmul.f32 v5, v10  }
0xb0: {  	[tilespmem:s31+$0x13CA0] =	vst v6;
	v4 =	vmul.f32 v4, v9  }
0xb1: {  	[tilespmem:s31+$0x13CB0] =	vst v5;
	v3 =	vmul.f32 v3, v7  }
0xb2: {  	[tilespmem:s31+$0x13CC0] =	vst v4;
	v2 =	vmul.f32 v2, v8  }
0xb3: {  	[tilespmem:s31+$0x13CD0] =	vst v3;
	v1 =	vmul.f32 v1, v11  }
0xb4: {  	[tilespmem:s31+$0x13CE0] =	vst v2  }
0xb5: {  	[tilespmem:s31+$0x13CF0] =	vst v1  }
0xb6: {  	[spmem:s4] =	stream.indirect.scatter.add.f32 [tilespmem:s26], [sflag:$0x4], $0x80, s20, s25, $0xb8;
	[tilespmem:$0x1F080] =	vst v63  }
0xb7: {  	_ =	swait.ge [sflag:s10], $0x2800  }
0xb8: {  	[sflag:s10] =	ssyncset.done $0x0  }
0xb9: {  	[sflag:s10] =	ssyncadd.s32 $0xFFFFD800  }
0xba: {  	_ =	swait.ge [sflag:s10], $0x2800  }
0xbb: {  	[sflag:s10] =	ssyncset.done $0x0  }
0xbc: {  	s31 =	simm.s32 $0x0;
	[sflag:s10] =	ssyncadd.s32 $0xFFFFD800  }
0xbd: {  	v8 =	vld [tilespmem:s31+$0x1B480]  }
0xbe: {  	v12 =	vld [tilespmem:s31+$0x1B490]  }
0xbf: {  	v6 =	vld [tilespmem:s31+$0x1B4A0]  }
0xc0: {  	v5 =	vld [tilespmem:s31+$0x1B4B0]  }
0xc1: {  	v4 =	vld [tilespmem:s31+$0x1B4C0]  }
0xc2: {  	v3 =	vld [tilespmem:s31+$0x1B4D0]  }
0xc3: {  	v2 =	vld [tilespmem:s31+$0x1B4E0]  }
0xc4: {  	v1 =	vld [tilespmem:s31+$0x1B4F0]  }
0xc5: {  	v13 =	vld [tilespmem:s31+$0x16480]  }
0xc6: {  	v14 =	vld [tilespmem:s31+$0x16490]  }
0xc7: {  	v11 =	vld [tilespmem:s31+$0x164A0]  }
0xc8: {  	v10 =	vld [tilespmem:s31+$0x164B0]  }
0xc9: {  	v9 =	vld [tilespmem:s31+$0x164C0]  }
0xca: {  	v7 =	vld [tilespmem:s31+$0x164D0];
	v13 =	vmul.f32 v8, v13  }
0xcb: {  	s1 =	simm.s32 $0x200;
	v12 =	vmul.f32 v12, v14;
	v8 =	vld [tilespmem:s31+$0x164E0]  }
.LBB2_11:
0xcc: {  	s18 =	sshra.s32 s1, $0x2;
	p1 =	sne.s32 s1, $0x9E00;
	[tilespmem:s31+$0x16480] =	vst v13;
	v6 =	vmul.f32 v6, v11;
	v11 =	vld [tilespmem:s31+$0x164F0]  }
0xcd: {  	v13 =	vld [tilespmem:s18+$0x1B480];
	[tilespmem:s31+$0x16490] =	vst v12;
	v5 =	vmul.f32 v5, v10  }
0xce: {  	v12 =	vld [tilespmem:s18+$0x1B490];
	[tilespmem:s31+$0x164A0] =	vst v6;
	v4 =	vmul.f32 v4, v9  }
0xcf: {  	v6 =	vld [tilespmem:s18+$0x1B4A0];
	[tilespmem:s31+$0x164B0] =	vst v5;
	v3 =	vmul.f32 v3, v7  }
0xd0: {  	v5 =	vld [tilespmem:s18+$0x1B4B0];
	[tilespmem:s31+$0x164C0] =	vst v4;
	v2 =	vmul.f32 v2, v8  }
0xd1: {  	v4 =	vld [tilespmem:s18+$0x1B4C0];
	[tilespmem:s31+$0x164D0] =	vst v3;
	v1 =	vmul.f32 v1, v11  }
0xd2: {  	v3 =	vld [tilespmem:s18+$0x1B4D0];
	[tilespmem:s31+$0x164E0] =	vst v2  }
0xd3: {  	v2 =	vld [tilespmem:s18+$0x1B4E0];
	[tilespmem:s31+$0x164F0] =	vst v1;
	s31 =	smov.u32 s18  }
0xd4: {  	v1 =	vld [tilespmem:s31+$0x1B4F0]  }
0xd5: {  	v7 =	vld [tilespmem:s31+$0x16480]  }
0xd6: {  	v8 =	vld [tilespmem:s31+$0x16490]  }
.Ltmp6:
0xd7: {  	v11 =	vld [tilespmem:s31+$0x164A0];
	(pc) =	sbr.rel @p1 .LBB2_11-.Ltmp6, $4  }
0xd8: {  	v10 =	vld [tilespmem:s31+$0x164B0]  }
0xd9: {  	v9 =	vld [tilespmem:s31+$0x164C0]  }
0xda: {  	v13 =	vmul.f32 v13, v7;
	v7 =	vld [tilespmem:s31+$0x164D0]  }
0xdb: {  	s1 =	sadd.s32 $0x200, s1;
	v12 =	vmul.f32 v12, v8;
	v8 =	vld [tilespmem:s31+$0x164E0]  }
0xdc: {  	[tilespmem:s31+$0x16480] =	vst v13;
	v6 =	vmul.f32 v6, v11;
	v63 =	vld [tilespmem:s31+$0x164F0]  }
0xdd: {  	[tilespmem:s31+$0x16490] =	vst v12;
	v5 =	vmul.f32 v5, v10  }
0xde: {  	[tilespmem:s31+$0x164A0] =	vst v6;
	v4 =	vmul.f32 v4, v9  }
0xdf: {  	[tilespmem:s31+$0x164B0] =	vst v5;
	v3 =	vmul.f32 v3, v7  }
0xe0: {  	[tilespmem:s31+$0x164C0] =	vst v4;
	v2 =	vmul.f32 v2, v8  }
0xe1: {  	[tilespmem:s31+$0x164D0] =	vst v3;
	v1 =	vmul.f32 v1, v63  }
0xe2: {  	[tilespmem:s31+$0x164E0] =	vst v2  }
0xe3: {  	s21 =	sadd.s32 $0x1, s21;
	[tilespmem:s31+$0x164F0] =	vst v1  }
0xe4: {  	[spmem:s4] =	stream.indirect.scatter.add.f32 [tilespmem:s30], [sflag:$0x5], $0x80, s23, s25, $0xb8;
	[tilespmem:$0x1F080] =	vst v63  }
0xe5: {  	p1 =	sne.s32 s21, $0x3E;
	_ =	swait.ge [sflag:s11], $0x2800  }
.Ltmp7:
0xe6: {  	[sflag:s11] =	ssyncset.done $0x0;
	(pc) =	sbr.rel @p1 .LBB2_8-.Ltmp7, $4  }
0xe7: {  	[sflag:s11] =	ssyncadd.s32 $0xFFFFD800  }
0xe8: {  	_ =	swait.ge [sflag:s12], $0x2800  }
0xe9: {  	[sflag:s12] =	ssyncset.done $0x0  }
0xea: {  	[sflag:s12] =	ssyncadd.s32 $0xFFFFD800  }
0xeb: {  	s1 =	simm.s32 $0x0;
	s13 =	rddreg [dreg:$0x5];
	s18 =	simm.s32 $0x13880  }
0xec: {  	[tilespmem:s18], [sflag:$0x1] =	stream.linear.gather [hbm4b:s13+s1], $0x50, $0x38;
	[tilespmem:$0x1F080] =	vst v63  }
0xed: {  	s21 =	rddreg [dreg:$0x6]  }
0xee: {  	[tilespmem:s19], [sflag:$0x1] =	stream.linear.gather [hbm4b:s21+s1], $0x50, $0x38;
	[tilespmem:$0x1F080] =	vst v63  }
0xef: {  	s31 =	rddreg [dreg:$0x7]  }
0xf0: {  	[tilespmem:s20], [sflag:$0x1] =	stream.linear.gather [hbm4b:s31+s1], $0x50, $0x38;
	[tilespmem:$0x1F080] =	vst v63  }
0xf1: {  	_ =	swait.ge [sflag:s24], $0x50  }
0xf2: {  	[sflag:s24] =	ssyncset.done $0x0  }
0xf3: {  	[sflag:s24] =	ssyncadd.s32 $0xFFFFFFB0  }
0xf4: {  	_ =	swait.ge [sflag:s24], $0x50  }
0xf5: {  	[sflag:s24] =	ssyncset.done $0x0  }
0xf6: {  	[sflag:s24] =	ssyncadd.s32 $0xFFFFFFB0  }
0xf7: {  	_ =	swait.ge [sflag:s24], $0x50  }
0xf8: {  	[sflag:s24] =	ssyncset.done $0x0  }
0xf9: {  	[sflag:s24] =	ssyncadd.s32 $0xFFFFFFB0  }
0xfa: {  	v1 =	vld [tilespmem:$0x13880]  }
0xfb: {  	v2 =	vld [tilespmem:$0x13900]  }
0xfc: {  	v3 =	vld [tilespmem:$0x13980]  }
0xfd: {  	v4 =	vld [tilespmem:$0x13890]  }
0xfe: {  	v5 =	vld [tilespmem:$0x13910]  }
0xff: {  	v6 =	vld [tilespmem:$0x13990]  }
0x100: {  	v7 =	vld [tilespmem:$0x138A0]  }
0x101: {  	v8 =	vld [tilespmem:$0x13920]  }
0x102: {  	v9 =	vld [tilespmem:$0x139A0]  }
0x103: {  	v11 =	vld [tilespmem:$0x138B0];
	v10 =	vmul.u32 $0x2710, v1  }
0x104: {  	v12 =	vld [tilespmem:$0x13930]  }
0x105: {  	v13 =	vld [tilespmem:$0x139B0];
	v3 =	vshll.u32 v3, $0x3;
	v2 =	vadd.s32 v2, v10;
	v10 =	vmul.u32 $0x2710, v4  }
0x106: {  	v1 =	vadd.s32 v1, v3;
	[tilespmem:$0x13900] =	vst v2;
	v2 =	vld [tilespmem:$0x138C0]  }
0x107: {  	v3 =	vshll.u32 v6, $0x3;
	v6 =	vld [tilespmem:$0x13940];
	[tilespmem:$0x13A00] =	vst v1;
	v1 =	vadd.s32 v5, v10;
	v5 =	vmul.u32 $0x2710, v7  }
0x108: {  	[tilespmem:$0x13910] =	vst v1;
	v1 =	vadd.s32 v4, v3;
	v3 =	vld [tilespmem:$0x139C0]  }
0x109: {  	v4 =	vshll.u32 v9, $0x3;
	[tilespmem:$0x13A10] =	vst v1;
	v1 =	vadd.s32 v8, v5;
	v5 =	vmul.u32 $0x2710, v11  }
0x10a: {  	[tilespmem:$0x13920] =	vst v1;
	v1 =	vadd.s32 v7, v4  }
0x10b: {  	v4 =	vshll.u32 v13, $0x3;
	[tilespmem:$0x13A20] =	vst v1;
	v1 =	vadd.s32 v12, v5;
	v5 =	vmul.u32 $0x2710, v2  }
0x10c: {  	[tilespmem:$0x13930] =	vst v1;
	v1 =	vadd.s32 v11, v4  }
0x10d: {  	[tilespmem:$0x13A30] =	vst v1;
	v1 =	vadd.s32 v6, v5;
	v3 =	vshll.u32 v3, $0x3  }
0x10e: {  	[tilespmem:$0x13940] =	vst v1;
	v1 =	vadd.s32 v2, v3  }
0x10f: {  	[tilespmem:$0x13A40] =	vst v1  }
0x110: {  	[tilespmem:s26], [sflag:$0x2] =	stream.indirect.gather [hbm4b:s6+s25], $0x80, s19, s25, $0xb8;
	[tilespmem:$0x1F080] =	vst v63  }
0x111: {  	_ = 	snop  }
0x112: {  	[tilespmem:s29], [sflag:$0x2] =	stream.indirect.gather [hbm4b:s7+s25], $0x80, s28, s25, $0xb8;
	[tilespmem:$0x1F080] =	vst v63  }
0x113: {  	_ =	swait.ge [sflag:s2], $0x2800  }
0x114: {  	[sflag:s2] =	ssyncset.done $0x0  }
0x115: {  	[sflag:s2] =	ssyncadd.s32 $0xFFFFD800  }
0x116: {  	_ =	swait.ge [sflag:s2], $0x2800  }
0x117: {  	[sflag:s2] =	ssyncset.done $0x0  }
0x118: {  	s13 =	simm.s32 $0x0;
	[sflag:s2] =	ssyncadd.s32 $0xFFFFD800  }
0x119: {  	v8 =	vld [tilespmem:s13+$0x18C80]  }
0x11a: {  	v12 =	vld [tilespmem:s13+$0x18C90]  }
0x11b: {  	v6 =	vld [tilespmem:s13+$0x18CA0]  }
0x11c: {  	v5 =	vld [tilespmem:s13+$0x18CB0]  }
0x11d: {  	v4 =	vld [tilespmem:s13+$0x18CC0]  }
0x11e: {  	v3 =	vld [tilespmem:s13+$0x18CD0]  }
0x11f: {  	v2 =	vld [tilespmem:s13+$0x18CE0]  }
0x120: {  	v1 =	vld [tilespmem:s13+$0x18CF0]  }
0x121: {  	v13 =	vld [tilespmem:s13+$0x13C80]  }
0x122: {  	v14 =	vld [tilespmem:s13+$0x13C90]  }
0x123: {  	v11 =	vld [tilespmem:s13+$0x13CA0]  }
0x124: {  	v10 =	vld [tilespmem:s13+$0x13CB0]  }
0x125: {  	v9 =	vld [tilespmem:s13+$0x13CC0]  }
0x126: {  	v7 =	vld [tilespmem:s13+$0x13CD0];
	v13 =	vmul.f32 v8, v13  }
0x127: {  	s1 =	simm.s32 $0x200;
	v12 =	vmul.f32 v12, v14;
	v8 =	vld [tilespmem:s13+$0x13CE0]  }
.LBB2_14:
0x128: {  	s18 =	sshra.s32 s1, $0x2;
	p1 =	sne.s32 s1, $0x9E00;
	[tilespmem:s13+$0x13C80] =	vst v13;
	v6 =	vmul.f32 v6, v11;
	v11 =	vld [tilespmem:s13+$0x13CF0]  }
0x129: {  	v13 =	vld [tilespmem:s18+$0x18C80];
	[tilespmem:s13+$0x13C90] =	vst v12;
	v5 =	vmul.f32 v5, v10  }
0x12a: {  	v12 =	vld [tilespmem:s18+$0x18C90];
	[tilespmem:s13+$0x13CA0] =	vst v6;
	v4 =	vmul.f32 v4, v9  }
0x12b: {  	v6 =	vld [tilespmem:s18+$0x18CA0];
	[tilespmem:s13+$0x13CB0] =	vst v5;
	v3 =	vmul.f32 v3, v7  }
0x12c: {  	v5 =	vld [tilespmem:s18+$0x18CB0];
	[tilespmem:s13+$0x13CC0] =	vst v4;
	v2 =	vmul.f32 v2, v8  }
0x12d: {  	v4 =	vld [tilespmem:s18+$0x18CC0];
	[tilespmem:s13+$0x13CD0] =	vst v3;
	v1 =	vmul.f32 v1, v11  }
0x12e: {  	v3 =	vld [tilespmem:s18+$0x18CD0];
	[tilespmem:s13+$0x13CE0] =	vst v2  }
0x12f: {  	v2 =	vld [tilespmem:s18+$0x18CE0];
	[tilespmem:s13+$0x13CF0] =	vst v1;
	s13 =	smov.u32 s18  }
0x130: {  	v1 =	vld [tilespmem:s13+$0x18CF0]  }
0x131: {  	v7 =	vld [tilespmem:s13+$0x13C80]  }
0x132: {  	v8 =	vld [tilespmem:s13+$0x13C90]  }
.Ltmp8:
0x133: {  	v11 =	vld [tilespmem:s13+$0x13CA0];
	(pc) =	sbr.rel @p1 .LBB2_14-.Ltmp8, $4  }
0x134: {  	v10 =	vld [tilespmem:s13+$0x13CB0]  }
0x135: {  	v9 =	vld [tilespmem:s13+$0x13CC0]  }
0x136: {  	v13 =	vmul.f32 v13, v7;
	v7 =	vld [tilespmem:s13+$0x13CD0]  }
0x137: {  	s1 =	sadd.s32 $0x200, s1;
	v12 =	vmul.f32 v12, v8;
	v8 =	vld [tilespmem:s13+$0x13CE0]  }
0x138: {  	[tilespmem:s13+$0x13C80] =	vst v13;
	v6 =	vmul.f32 v6, v11;
	v63 =	vld [tilespmem:s13+$0x13CF0]  }
0x139: {  	[tilespmem:s13+$0x13C90] =	vst v12;
	v5 =	vmul.f32 v5, v10  }
0x13a: {  	[tilespmem:s13+$0x13CA0] =	vst v6;
	v4 =	vmul.f32 v4, v9  }
0x13b: {  	[tilespmem:s13+$0x13CB0] =	vst v5;
	v3 =	vmul.f32 v3, v7  }
0x13c: {  	[tilespmem:s13+$0x13CC0] =	vst v4;
	v2 =	vmul.f32 v2, v8  }
0x13d: {  	[tilespmem:s13+$0x13CD0] =	vst v3;
	v1 =	vmul.f32 v1, v63  }
0x13e: {  	[tilespmem:s13+$0x13CE0] =	vst v2  }
0x13f: {  	[tilespmem:s13+$0x13CF0] =	vst v1  }
0x140: {  	[spmem:s4] =	stream.indirect.scatter.add.f32 [tilespmem:s26], [sflag:$0x4], $0x80, s20, s25, $0xb8;
	[tilespmem:$0x1F080] =	vst v63  }
.Ltmp9:
0x141: {  	_ =	swait.ge [sflag:s11], $0x2800;
	(pc) =	sbr.rel @p0 .LBB2_19-.Ltmp9, $4  }
0x142: {  	[sflag:s11] =	ssyncset.done $0x0  }
0x143: {  	[sflag:s11] =	ssyncadd.s32 $0xFFFFD800  }
0x144: {  	[bflag:$0x0] =	sbarrier.arrive $0xFFFF  }
0x145: {  	s13 =	rddreg [dreg:$0x9]  }
0x146: {  	[tilespmem:s16], [sflag:$0x6] =	stream.linear.gather [spmem:s14], $0x1400, $0x38;
	[tilespmem:$0x1F080] =	vst v63  }
0x147: {  	_ =	swait.ge [sflag:s17], $0x1400  }
0x148: {  	[sflag:s17] =	ssyncset.done $0x0  }
0x149: {  	s1 =	sadd.s32 $0x0, s15;
	[sflag:s17] =	ssyncadd.s32 $0xFFFFEC00  }
0x14a: {  	[hbm4b:s1+s5] =	stream.linear.scatter [tilespmem:s16], [sflag:$0x6], $0x1400, $0x38;
	[tilespmem:$0x1F080] =	vst v63  }
0x14b: {  	_ =	swait.ge [sflag:s17], $0x1400  }
0x14c: {  	s13 =	smov.u32 s14;
	s1 =	simm.s32 $0x280;
	[sflag:s17] =	ssyncset.done $0x0  }
.LBB2_17:
0x14d: {  	p1 =	sne.s32 s1, $0x3C00;
	[sflag:s17] =	ssyncadd.s32 $0xFFFFEC00;
	s13 =	sadd.s32 $0x1400, s13  }
0x14e: {  	[tilespmem:s16], [sflag:$0x6] =	stream.linear.gather [spmem:s13], $0x1400, $0x38;
	[tilespmem:$0x1F080] =	vst v63  }
0x14f: {  	s18 =	smov.u32 s1;
	s1 =	sadd.s32 $0x280, s1;
	_ =	swait.ge [sflag:s17], $0x1400  }
.Ltmp10:
0x150: {  	[sflag:s17] =	ssyncset.done $0x0;
	(pc) =	sbr.rel @p1 .LBB2_17-.Ltmp10, $4  }
0x151: {  	s18 =	sadd.s32 s18, s15;
	[sflag:s17] =	ssyncadd.s32 $0xFFFFEC00  }
0x152: {  	[hbm4b:s18+s5] =	stream.linear.scatter [tilespmem:s16], [sflag:$0x6], $0x1400, $0x38;
	[tilespmem:$0x1F080] =	vst v63  }
0x153: {  	_ =	swait.ge [sflag:s17], $0x1400  }
0x154: {  	[sflag:s17] =	ssyncset.done $0x0  }
.Ltmp11:
0x155: {  	(pc) =	sbr.rel .LBB2_19-.Ltmp11, $2  }
0x156: {  	_ =	sdelay $0x2  }
0x157: {  	[sflag:s17] =	ssyncadd.s32 $0xFFFFEC00;
	s13 =	rddreg [dreg:$0x9]  }
.LBB2_20:
0x158: {  	_ =	sfence.sel $0x180000  }
0x159: {  	[bflag:$0x0] =	sbarrier.arrive $0xFFFF  }
0x15a: {  	_ =	strace $0x9000004D  }
0x15b: {  	s0 =	stileid.u32;
	[bflag:$0x2] =	sbarrier.arrive $0xFFFF  }
0x15c: {  	p0 =	sne.s32 s0, $0x0;
	s0 =	rddreg [dreg:$0x4]  }
0x15d: {  	s0 =	sadd.s32 @!p0 $0x100000, s0  }
0x15e: {  	[sflag:s0] =	ssyncadd.tile.s32 @!p0 $0x1;
	_ =	shalt  }
.Lfunc_end2:
_tile_overlayer_lowered:
.L_overlay_start_2:
0x15f: {  	(tag) =	ssettag $0x2  }
0x160: {  	s0 =	rddreg [dreg:$0x0];
	s2 =	stileid.u32  }
0x161: {  	s1 =	rddreg [dreg:$0x1];
	p0 =	sne.s32 s2, $0x0  }
0x162: {  	s3 =	rddreg [dreg:$0x2];
	[bflag:$0x3] =	sbarrier.arrive $0xFFFF;
	s2 =	simm.s32 @!p0 $0x1C06  }
0x163: {  	[timem:s3], [sflag:s2] =	dma.local @!p0 [hbm:s0], s1  }
0x164: {  	s0 =	simm.s32 @!p0 $0x6  }
0x165: {  	_ =	swait.ge @!p0 [sflag:s0], s1  }
0x166: {  	s1 =	ssub.s32 @!p0 $0x0, s1;
	[sflag:s0] =	ssyncset.done @!p0 $0x0  }
0x167: {  	[sflag:s0] =	ssyncadd.s32 @!p0 s1  }
0x168: {  	[bflag:$0x3] =	sbarrier.arrive $0xFFFF  }
0x169: {  	_ =	shalt  }

</sc_bundles>
